<compile_context>
chip_gen: v7x
topology: tpu7x:2x2x1
jax: 0.10.2.dev20260603
libtpu: 0.0.44.dev20260713+nightly
codegen_flags: <defaults>
</compile_context>

<pallas_src>
import jax
import jax.numpy as jnp
from jax import lax
from jax.experimental import pallas as pl
from jax.experimental.pallas import tpu as pltpu
from jax.experimental.pallas import tpu_sc as plsc

_MODES = 2
_N = 4096
_KNN = 32
_NNZ = _N * 2 * (_KNN + 1)
_BLK = 2048

_NC = 2
_NS = 16
_NW = _NC * _NS
_CHUNK = _NNZ // _NS
_SCAN_ITERS = _CHUNK // 16
_SEG_ITERS = 48
_NSEG = _SCAN_ITERS // _SEG_ITERS
_GR = 96
_ACC_W = _GR * 4 * _N
_G = 43
_R0 = 22
_CAPB = 32
_FLUSH = _ACC_W // _NS
_ZROWS = _FLUSH // 48
_LAST_W = (_N - (_G - 1) * _GR) * 4 * _N
_LAST_FLUSH = _LAST_W // _NS
_ZID = 4 * _NNZ
_OUT_W = 4 * _N * _N


def _mlp_body(x_ref, w0_ref, b0_ref, w1_ref, b1_ref, wout_ref, bout_ref, o_ref):
    h = jnp.tanh(
        jnp.dot(x_ref[...], w0_ref[...], preferred_element_type=jnp.float32)
        + b0_ref[...]
    )
    h = jnp.tanh(
        jnp.dot(h.astype(jnp.bfloat16), w1_ref[...],
                preferred_element_type=jnp.float32) + b1_ref[...]
    )
    o_ref[...] = (
        jnp.dot(h, wout_ref[...], preferred_element_type=jnp.float32) + bout_ref[...]
    )


def _mlp(x, W0, b0, W1, b1, Wout, bout):
    n = x.shape[0]
    grid = (n // _BLK,)
    rep = lambda shape: pl.BlockSpec(shape, lambda i: (0,) * len(shape))
    return pl.pallas_call(
        _mlp_body,
        grid=grid,
        in_specs=[
            pl.BlockSpec((_BLK, 3), lambda i: (i, 0)),
            rep(W0.shape),
            rep((1, b0.shape[0])),
            rep(W1.shape),
            rep((1, b1.shape[0])),
            rep(Wout.shape),
            rep((1, bout.shape[0])),
        ],
        out_specs=pl.BlockSpec((_BLK, 4), lambda i: (i, 0)),
        out_shape=jax.ShapeDtypeStruct((n, 4), jnp.float32),
    )(x, W0, b0[None, :], W1.astype(jnp.bfloat16), b1[None, :], Wout,
      bout[None, :])


def _keys_body(r_ref, c_ref, o_ref):
    o_ref[...] = r_ref[...] * 16384 + c_ref[...] * 2


def _keys(coo):
    r2 = coo[0].reshape(_NNZ // 1024, 1024)
    c2 = coo[1].reshape(_NNZ // 1024, 1024)
    k2 = pl.pallas_call(
        _keys_body,
        out_shape=jax.ShapeDtypeStruct(r2.shape, jnp.int32),
    )(r2, c2)
    return k2.reshape(-1)


def _sc_body(keys, vals2, zhbm, out, kx, kbuf, ibuf, valbuf, zbuf,
             acc, gsem, ssem, zsem):
    c = lax.axis_index("c")
    s = lax.axis_index("s")
    chunk_base = s * _CHUNK
    iota = lax.iota(jnp.int32, 16)

    pltpu.sync_copy(keys.at[pl.ds(chunk_base, _CHUNK)], kx)
    pltpu.sync_copy(zhbm, zbuf)

    def zero_slice():
        for z in range(48):
            pltpu.async_copy(
                zbuf, acc.at[pl.ds(s * _FLUSH + z * _ZROWS, _ZROWS)], zsem)
        for z in range(48):
            pltpu.make_async_copy(
                zbuf, acc.at[pl.ds(s * _FLUSH + z * _ZROWS, _ZROWS)], zsem).wait()

    zero_slice()
    plsc.subcore_barrier()

    nrounds = _R0 - c

    def fire_body(j, _):
        jm = jnp.bitwise_and(j, _CAPB - 1)
        pltpu.async_copy(vals2.at[kbuf.at[jm]], valbuf.at[jm], gsem)
        return 0

    def gwait_body(j, _):
        jm = jnp.bitwise_and(j, _CAPB - 1)
        pltpu.make_async_copy(vals2.at[kbuf.at[jm]], valbuf.at[jm], gsem).wait()
        return 0

    def sfire_body(j, _):
        jm = jnp.bitwise_and(j, _CAPB - 1)
        pltpu.async_copy(valbuf.at[jm], acc.at[ibuf.at[jm]], ssem, add=True)
        return 0

    def sdrain_body(j, _):
        jm = jnp.bitwise_and(j, _CAPB - 1)
        pltpu.make_async_copy(valbuf.at[jm], acc.at[ibuf.at[jm]], ssem).wait()
        return 0

    def drain(d, nfull):
        @pl.when(nfull > d)
        def _():
            lax.fori_loop(d, nfull, fire_body, 0)
            lax.fori_loop(d, nfull, gwait_body, 0)
            lax.fori_loop(d, nfull, sfire_body, 0)
            lax.fori_loop(d, nfull, sdrain_body, 0)

    def round_body(t, _):
        g = t + c * _R0
        gbase = g * _ACC_W

        ones = jnp.ones((16,), jnp.int32)
        iota4 = lax.shift_left(iota, 2)

        def scan_body(i, n4v):
            kv = kx[pl.ds(i * 16, 16)]
            rel = kv - gbase
            relu = plsc.bitcast(rel, jnp.uint32)
            mask = relu < jnp.uint32(_ACC_W)
            incl = plsc.cumsum(ones, mask=mask)
            pvec = n4v + lax.shift_left(incl - 1, 2)
            prow = jnp.bitwise_and(lax.shift_right_logical(pvec, 7), _CAPB - 1)
            pcol = jnp.bitwise_and(pvec, 127)
            kg4 = lax.shift_left(chunk_base + i * 16, 2) + iota4
            plsc.store_scatter(kbuf, [prow, pcol], kg4, mask=mask)
            plsc.store_scatter(kbuf, [prow, pcol + 1], kg4 + 1, mask=mask)
            plsc.store_scatter(kbuf, [prow, pcol + 2], kg4 + 2, mask=mask)
            plsc.store_scatter(kbuf, [prow, pcol + 3], kg4 + 3, mask=mask)
            plsc.store_scatter(ibuf, [prow, pcol], rel, mask=mask)
            plsc.store_scatter(ibuf, [prow, pcol + 1], rel + 1, mask=mask)
            plsc.store_scatter(ibuf, [prow, pcol + 2], rel + 8192, mask=mask)
            plsc.store_scatter(ibuf, [prow, pcol + 3], rel + 8193, mask=mask)
            popc = plsc.all_reduce_population_count(mask)
            return n4v + lax.shift_left(popc, 2)

        def seg_body(sg, carry):
            n4v, d = carry
            n4v = plsc.parallel_loop(
                sg * _SEG_ITERS, (sg + 1) * _SEG_ITERS, 1,
                unroll=16, carry=n4v)(scan_body)
            nfull = lax.shift_right_logical(jnp.max(n4v), 7)
            drain(d, nfull)
            return (n4v, nfull)

        n4v, d = lax.fori_loop(0, _NSEG, seg_body,
                               (jnp.zeros((16,), jnp.int32),
                                jnp.zeros((), jnp.int32)))

        pv = jnp.bitwise_and(n4v + 127, -128)
        for tpad in range(8):
            base_v = n4v + tpad * 16 + iota
            pmask = base_v < pv
            prow = jnp.bitwise_and(lax.shift_right_logical(base_v, 7), _CAPB - 1)
            pcol = jnp.bitwise_and(base_v, 127)
            plsc.store_scatter(kbuf, [prow, pcol],
                               jnp.full((16,), _ZID, jnp.int32), mask=pmask)
            plsc.store_scatter(ibuf, [prow, pcol],
                               jnp.zeros((16,), jnp.int32), mask=pmask)

        nblocks = lax.shift_right_logical(jnp.max(pv), 7)
        drain(d, nblocks)
        plsc.subcore_barrier()

        @pl.when(g == _G - 1)
        def _():
            pltpu.sync_copy(
                acc.at[pl.ds(s * _LAST_FLUSH, _LAST_FLUSH)],
                out.at[pl.ds(gbase + s * _LAST_FLUSH, _LAST_FLUSH)])

        @pl.when(g != _G - 1)
        def _():
            pltpu.sync_copy(
                acc.at[pl.ds(s * _FLUSH, _FLUSH)],
                out.at[pl.ds(gbase + s * _FLUSH, _FLUSH)])

        plsc.subcore_barrier()
        zero_slice()
        plsc.subcore_barrier()
        return 0

    lax.fori_loop(0, nrounds, round_body, 0)


@jax.jit
def _impl(CK_inputs, coo, W0, b0, W1, b1, Wout, bout):
    x = CK_inputs.reshape(-1, 3)
    vals = _mlp(x, W0, b0, W1, b1, Wout, bout)
    keys = _keys(coo)
    vals2 = jnp.concatenate(
        [vals.reshape(4 * _NNZ), jnp.zeros((16,), jnp.float32)])
    zer = jnp.zeros((_ZROWS,), jnp.float32)

    mesh = plsc.VectorSubcoreMesh(core_axis_name="c", subcore_axis_name="s")
    out = pl.kernel(
        _sc_body,
        out_type=jax.ShapeDtypeStruct((_OUT_W,), jnp.float32),
        mesh=mesh,
        compiler_params=pltpu.CompilerParams(needs_layout_passes=False),
        scratch_types=[
            pltpu.VMEM((_CHUNK,), jnp.int32),
            pltpu.VMEM((_CAPB, 128), jnp.int32),
            pltpu.VMEM((_CAPB, 128), jnp.int32),
            pltpu.VMEM((_CAPB, 128), jnp.float32),
            pltpu.VMEM((_ZROWS,), jnp.float32),
            pltpu.VMEM_SHARED((_ACC_W,), jnp.float32),
            pltpu.SemaphoreType.DMA,
            pltpu.SemaphoreType.DMA,
            pltpu.SemaphoreType.DMA,
        ],
    )(keys, vals2, zer)
    return out.reshape(_MODES * _N, _MODES * _N)


def kernel(CK_inputs, coo, W0, b0, W1, b1, Wout, bout):
    return _impl(CK_inputs, coo, W0, b0, W1, b1, Wout, bout)

# --- scband reference (transcript-rebuilt; emitter-appended) ---
"""Pipeline reference for scband-gen-c-20272245637610 (READ-ONLY COPY).

The authoritative reference and input builder live on the scoring server;
editing this copy changes nothing except your own understanding.
"""

import jax, jax.numpy as jnp
import numpy as np

MODES = 2
N = 4096
KNN = 32
NODE_C = 256
CHANNELS = MODES ** 2
NNZ = N * 2 * (KNN + 1)


def setup_inputs(seed: int = 0) -> dict:
    key = jax.random.key(seed)
    ks = jax.random.split(key, 8)
    CK_inputs = jax.random.normal(ks[0], (N, 2 * (KNN + 1), 3), dtype=jnp.float32)
    # coo buffer from gen_coo_sparse(N, Knn): one (row, col) index pair per candidate
    # coupling; values are waveguide indices in [0, N).
    coo = jax.random.randint(ks[1], (2, NNZ), 0, N, dtype=jnp.int32)
    # MLP (Model(3, channels, layers=lc, nodes=node_c)) parameters: 3 -> 256 -> 256 -> 4
    W0 = jax.random.normal(ks[2], (3, NODE_C), dtype=jnp.float32) * (1.0 / np.sqrt(3.0))
    b0 = jnp.zeros((NODE_C,), dtype=jnp.float32)
    W1 = jax.random.normal(ks[3], (NODE_C, NODE_C), dtype=jnp.float32) * (1.0 / np.sqrt(NODE_C))
    b1 = jnp.zeros((NODE_C,), dtype=jnp.float32)
    Wout = jax.random.normal(ks[4], (NODE_C, CHANNELS), dtype=jnp.float32) * (1.0 / np.sqrt(NODE_C))
    bout = jnp.zeros((CHANNELS,), dtype=jnp.float32)
    return {"CK_inputs": CK_inputs, "coo": coo, "W0": W0, "b0": b0, "W1": W1, "b1": b1, "Wout": Wout, "bout": bout}


def reference(CK_inputs, coo, W0, b0, W1, b1, Wout, bout):
    # cnn(CK_inputs.view(-1, 3)) -> per-channel coupling strengths
    x = CK_inputs.reshape(-1, 3)
    h = jnp.tanh(x @ W0 + b0)
    h = jnp.tanh(h @ W1 + b1)
    C_stripped = h @ Wout + bout  # [NNZ, CHANNELS]
    # build sum of per-channel sparse COO matrices, then densify.
    # coalesce() + to_dense() in torch sums duplicate indices -> scatter-add.
    C_dense = jnp.zeros((MODES * N, MODES * N), dtype=C_stripped.dtype)
    for mi in range(MODES):
        for mj in range(MODES):
            ch = mi * MODES + mj
            rows = coo[0] * MODES + mi
            cols = coo[1] * MODES + mj
            C_dense = C_dense.at[rows, cols].add(C_stripped[:, ch])
    return C_dense

if __name__ == "__main__":
    import jax
    _d = setup_inputs()
    print(jax.jit(kernel)(*tuple(_d.values())))

</pallas_src>

<mosaic_0001>
#map = affine_map<(d0, d1) -> (0)>
module attributes {stable_mosaic.version = 14 : i64} {
  func.func @_sc_body(%arg0: i32, %arg1: i32, %arg2: memref<270336xi32, #tpu.memory_space<hbm>>, %arg3: memref<1081360xf32, #tpu.memory_space<hbm>>, %arg4: memref<2048xf32, #tpu.memory_space<hbm>>, %arg5: memref<67108864xf32, #tpu.memory_space<hbm>>, %arg6: memref<16896xi32, #tpu.memory_space<vmem>>, %arg7: memref<32x128xi32, #tpu.memory_space<vmem>>, %arg8: memref<32x128xi32, #tpu.memory_space<vmem>>, %arg9: memref<32x128xf32, #tpu.memory_space<vmem>>, %arg10: memref<2048xf32, #tpu.memory_space<vmem>>, %arg11: memref<1572864xf32, #tpu.memory_space<vmem_shared>>, %arg12: memref<!tpu.dma_semaphore, #tpu.memory_space<semaphore_mem>>, %arg13: memref<!tpu.dma_semaphore, #tpu.memory_space<semaphore_mem>>, %arg14: memref<!tpu.dma_semaphore, #tpu.memory_space<semaphore_mem>>) attributes {dimension_semantics = [#tpu.dimension_semantics<core_parallel>, #tpu.dimension_semantics<subcore_parallel>], iteration_bounds = array<i64: 2, 16>, scalar_prefetch = 0 : i64, scratch_operands = 9 : i64, tpu.core_type = #tpu.core_type<sc_vector_subcore>, window_params = [{transform_indices = #map}, {transform_indices = #map}, {transform_indices = #map}, {transform_indices = #map}]} {
    %mul3A = arith.constant 16896 : i32
    %mul3A_0 = arith.muli %arg1, %mul3A : i32
    %iota3A = tpu.iota {dimensions = array<i32: 0>} : vector<16xi32>
    "tpu.region"() ({
      %run_scoped3A = tpu.sem_alloc : memref<!tpu.dma_semaphore, #tpu.memory_space<semaphore_mem>>
      %dma_start3A_586 = tpu.memref_slice %arg2[%mul3A_0] : memref<270336xi32, #tpu.memory_space<hbm>> -> memref<16896xi32, #tpu.memory_space<hbm>>
      %dma_start3A_587 = tpu.memref_slice %arg2[%mul3A_0] : memref<270336xi32, #tpu.memory_space<hbm>> -> memref<16896xi32, #tpu.memory_space<hbm>>
      tpu.enqueue_dma source(%dma_start3A_587 : memref<16896xi32, #tpu.memory_space<hbm>>) target(%arg6 : memref<16896xi32, #tpu.memory_space<vmem>>) target_semaphore(%run_scoped3A : memref<!tpu.dma_semaphore, #tpu.memory_space<semaphore_mem>>)
      %dma_wait3A_588 = tpu.memref_slice %arg2[%mul3A_0] : memref<270336xi32, #tpu.memory_space<hbm>> -> memref<16896xi32, #tpu.memory_space<hbm>>
      %dma_wait3A_589 = tpu.memref_slice %arg2[%mul3A_0] : memref<270336xi32, #tpu.memory_space<hbm>> -> memref<16896xi32, #tpu.memory_space<hbm>>
      tpu.wait_dma2 semaphore(%run_scoped3A : memref<!tpu.dma_semaphore, #tpu.memory_space<semaphore_mem>>) src(%dma_wait3A_589 : memref<16896xi32, #tpu.memory_space<hbm>>) dst(%arg6 : memref<16896xi32, #tpu.memory_space<vmem>>)
      tpu.yield
    }) : () -> ()
    "tpu.region"() ({
      %run_scoped3A = tpu.sem_alloc : memref<!tpu.dma_semaphore, #tpu.memory_space<semaphore_mem>>
      tpu.enqueue_dma source(%arg4 : memref<2048xf32, #tpu.memory_space<hbm>>) target(%arg10 : memref<2048xf32, #tpu.memory_space<vmem>>) target_semaphore(%run_scoped3A : memref<!tpu.dma_semaphore, #tpu.memory_space<semaphore_mem>>)
      tpu.wait_dma2 semaphore(%run_scoped3A : memref<!tpu.dma_semaphore, #tpu.memory_space<semaphore_mem>>) src(%arg4 : memref<2048xf32, #tpu.memory_space<hbm>>) dst(%arg10 : memref<2048xf32, #tpu.memory_space<vmem>>)
      tpu.yield
    }) : () -> ()
    %mul3A_1 = arith.constant 98304 : i32
    %mul3A_2 = arith.muli %arg1, %mul3A_1 : i32
    %add3A = arith.constant 0 : i32
    %add3A_3 = arith.addi %mul3A_2, %add3A : i32
    %dma_start3A = tpu.memref_slice %arg11[%add3A_3] : memref<1572864xf32, #tpu.memory_space<vmem_shared>> -> memref<2048xf32, #tpu.memory_space<vmem_shared>>
    %dma_start3A_4 = tpu.memref_slice %arg11[%add3A_3] : memref<1572864xf32, #tpu.memory_space<vmem_shared>> -> memref<2048xf32, #tpu.memory_space<vmem_shared>>
    tpu.enqueue_dma source(%arg10 : memref<2048xf32, #tpu.memory_space<vmem>>) target(%dma_start3A_4 : memref<2048xf32, #tpu.memory_space<vmem_shared>>) target_semaphore(%arg14 : memref<!tpu.dma_semaphore, #tpu.memory_space<semaphore_mem>>)
    %mul3A_5 = arith.constant 98304 : i32
    %mul3A_6 = arith.muli %arg1, %mul3A_5 : i32
    %add3A_7 = arith.constant 2048 : i32
    %add3A_8 = arith.addi %mul3A_6, %add3A_7 : i32
    %dma_start3A_9 = tpu.memref_slice %arg11[%add3A_8] : memref<1572864xf32, #tpu.memory_space<vmem_shared>> -> memref<2048xf32, #tpu.memory_space<vmem_shared>>
    %dma_start3A_10 = tpu.memref_slice %arg11[%add3A_8] : memref<1572864xf32, #tpu.memory_space<vmem_shared>> -> memref<2048xf32, #tpu.memory_space<vmem_shared>>
    tpu.enqueue_dma source(%arg10 : memref<2048xf32, #tpu.memory_space<vmem>>) target(%dma_start3A_10 : memref<2048xf32, #tpu.memory_space<vmem_shared>>) target_semaphore(%arg14 : memref<!tpu.dma_semaphore, #tpu.memory_space<semaphore_mem>>)
    %mul3A_11 = arith.constant 98304 : i32
    %mul3A_12 = arith.muli %arg1, %mul3A_11 : i32
    %add3A_13 = arith.constant 4096 : i32
    %add3A_14 = arith.addi %mul3A_12, %add3A_13 : i32
    %dma_start3A_15 = tpu.memref_slice %arg11[%add3A_14] : memref<1572864xf32, #tpu.memory_space<vmem_shared>> -> memref<2048xf32, #tpu.memory_space<vmem_shared>>
    %dma_start3A_16 = tpu.memref_slice %arg11[%add3A_14] : memref<1572864xf32, #tpu.memory_space<vmem_shared>> -> memref<2048xf32, #tpu.memory_space<vmem_shared>>
    tpu.enqueue_dma source(%arg10 : memref<2048xf32, #tpu.memory_space<vmem>>) target(%dma_start3A_16 : memref<2048xf32, #tpu.memory_space<vmem_shared>>) target_semaphore(%arg14 : memref<!tpu.dma_semaphore, #tpu.memory_space<semaphore_mem>>)
    %mul3A_17 = arith.constant 98304 : i32
    %mul3A_18 = arith.muli %arg1, %mul3A_17 : i32
    %add3A_19 = arith.constant 6144 : i32
    %add3A_20 = arith.addi %mul3A_18, %add3A_19 : i32
    %dma_start3A_21 = tpu.memref_slice %arg11[%add3A_20] : memref<1572864xf32, #tpu.memory_space<vmem_shared>> -> memref<2048xf32, #tpu.memory_space<vmem_shared>>
    %dma_start3A_22 = tpu.memref_slice %arg11[%add3A_20] : memref<1572864xf32, #tpu.memory_space<vmem_shared>> -> memref<2048xf32, #tpu.memory_space<vmem_shared>>
    tpu.enqueue_dma source(%arg10 : memref<2048xf32, #tpu.memory_space<vmem>>) target(%dma_start3A_22 : memref<2048xf32, #tpu.memory_space<vmem_shared>>) target_semaphore(%arg14 : memref<!tpu.dma_semaphore, #tpu.memory_space<semaphore_mem>>)
    %mul3A_23 = arith.constant 98304 : i32
    %mul3A_24 = arith.muli %arg1, %mul3A_23 : i32
    %add3A_25 = arith.constant 8192 : i32
    %add3A_26 = arith.addi %mul3A_24, %add3A_25 : i32
    %dma_start3A_27 = tpu.memref_slice %arg11[%add3A_26] : memref<1572864xf32, #tpu.memory_space<vmem_shared>> -> memref<2048xf32, #tpu.memory_space<vmem_shared>>
    %dma_start3A_28 = tpu.memref_slice %arg11[%add3A_26] : memref<1572864xf32, #tpu.memory_space<vmem_shared>> -> memref<2048xf32, #tpu.memory_space<vmem_shared>>
    tpu.enqueue_dma source(%arg10 : memref<2048xf32, #tpu.memory_space<vmem>>) target(%dma_start3A_28 : memref<2048xf32, #tpu.memory_space<vmem_shared>>) target_semaphore(%arg14 : memref<!tpu.dma_semaphore, #tpu.memory_space<semaphore_mem>>)
    %mul3A_29 = arith.constant 98304 : i32
    %mul3A_30 = arith.muli %arg1, %mul3A_29 : i32
    %add3A_31 = arith.constant 10240 : i32
    %add3A_32 = arith.addi %mul3A_30, %add3A_31 : i32
    %dma_start3A_33 = tpu.memref_slice %arg11[%add3A_32] : memref<1572864xf32, #tpu.memory_space<vmem_shared>> -> memref<2048xf32, #tpu.memory_space<vmem_shared>>
    %dma_start3A_34 = tpu.memref_slice %arg11[%add3A_32] : memref<1572864xf32, #tpu.memory_space<vmem_shared>> -> memref<2048xf32, #tpu.memory_space<vmem_shared>>
    tpu.enqueue_dma source(%arg10 : memref<2048xf32, #tpu.memory_space<vmem>>) target(%dma_start3A_34 : memref<2048xf32, #tpu.memory_space<vmem_shared>>) target_semaphore(%arg14 : memref<!tpu.dma_semaphore, #tpu.memory_space<semaphore_mem>>)
    %mul3A_35 = arith.constant 98304 : i32
    %mul3A_36 = arith.muli %arg1, %mul3A_35 : i32
    %add3A_37 = arith.constant 12288 : i32
    %add3A_38 = arith.addi %mul3A_36, %add3A_37 : i32
    %dma_start3A_39 = tpu.memref_slice %arg11[%add3A_38] : memref<1572864xf32, #tpu.memory_space<vmem_shared>> -> memref<2048xf32, #tpu.memory_space<vmem_shared>>
    %dma_start3A_40 = tpu.memref_slice %arg11[%add3A_38] : memref<1572864xf32, #tpu.memory_space<vmem_shared>> -> memref<2048xf32, #tpu.memory_space<vmem_shared>>
    tpu.enqueue_dma source(%arg10 : memref<2048xf32, #tpu.memory_space<vmem>>) target(%dma_start3A_40 : memref<2048xf32, #tpu.memory_space<vmem_shared>>) target_semaphore(%arg14 : memref<!tpu.dma_semaphore, #tpu.memory_space<semaphore_mem>>)
    %mul3A_41 = arith.constant 98304 : i32
    %mul3A_42 = arith.muli %arg1, %mul3A_41 : i32
    %add3A_43 = arith.constant 14336 : i32
    %add3A_44 = arith.addi %mul3A_42, %add3A_43 : i32
    %dma_start3A_45 = tpu.memref_slice %arg11[%add3A_44] : memref<1572864xf32, #tpu.memory_space<vmem_shared>> -> memref<2048xf32, #tpu.memory_space<vmem_shared>>
    %dma_start3A_46 = tpu.memref_slice %arg11[%add3A_44] : memref<1572864xf32, #tpu.memory_space<vmem_shared>> -> memref<2048xf32, #tpu.memory_space<vmem_shared>>
    tpu.enqueue_dma source(%arg10 : memref<2048xf32, #tpu.memory_space<vmem>>) target(%dma_start3A_46 : memref<2048xf32, #tpu.memory_space<vmem_shared>>) target_semaphore(%arg14 : memref<!tpu.dma_semaphore, #tpu.memory_space<semaphore_mem>>)
    %mul3A_47 = arith.constant 98304 : i32
    %mul3A_48 = arith.muli %arg1, %mul3A_47 : i32
    %add3A_49 = arith.constant 16384 : i32
    %add3A_50 = arith.addi %mul3A_48, %add3A_49 : i32
    %dma_start3A_51 = tpu.memref_slice %arg11[%add3A_50] : memref<1572864xf32, #tpu.memory_space<vmem_shared>> -> memref<2048xf32, #tpu.memory_space<vmem_shared>>
    %dma_start3A_52 = tpu.memref_slice %arg11[%add3A_50] : memref<1572864xf32, #tpu.memory_space<vmem_shared>> -> memref<2048xf32, #tpu.memory_space<vmem_shared>>
    tpu.enqueue_dma source(%arg10 : memref<2048xf32, #tpu.memory_space<vmem>>) target(%dma_start3A_52 : memref<2048xf32, #tpu.memory_space<vmem_shared>>) target_semaphore(%arg14 : memref<!tpu.dma_semaphore, #tpu.memory_space<semaphore_mem>>)
    %mul3A_53 = arith.constant 98304 : i32
    %mul3A_54 = arith.muli %arg1, %mul3A_53 : i32
    %add3A_55 = arith.constant 18432 : i32
    %add3A_56 = arith.addi %mul3A_54, %add3A_55 : i32
    %dma_start3A_57 = tpu.memref_slice %arg11[%add3A_56] : memref<1572864xf32, #tpu.memory_space<vmem_shared>> -> memref<2048xf32, #tpu.memory_space<vmem_shared>>
    %dma_start3A_58 = tpu.memref_slice %arg11[%add3A_56] : memref<1572864xf32, #tpu.memory_space<vmem_shared>> -> memref<2048xf32, #tpu.memory_space<vmem_shared>>
    tpu.enqueue_dma source(%arg10 : memref<2048xf32, #tpu.memory_space<vmem>>) target(%dma_start3A_58 : memref<2048xf32, #tpu.memory_space<vmem_shared>>) target_semaphore(%arg14 : memref<!tpu.dma_semaphore, #tpu.memory_space<semaphore_mem>>)
    %mul3A_59 = arith.constant 98304 : i32
    %mul3A_60 = arith.muli %arg1, %mul3A_59 : i32
    %add3A_61 = arith.constant 20480 : i32
    %add3A_62 = arith.addi %mul3A_60, %add3A_61 : i32
    %dma_start3A_63 = tpu.memref_slice %arg11[%add3A_62] : memref<1572864xf32, #tpu.memory_space<vmem_shared>> -> memref<2048xf32, #tpu.memory_space<vmem_shared>>
    %dma_start3A_64 = tpu.memref_slice %arg11[%add3A_62] : memref<1572864xf32, #tpu.memory_space<vmem_shared>> -> memref<2048xf32, #tpu.memory_space<vmem_shared>>
    tpu.enqueue_dma source(%arg10 : memref<2048xf32, #tpu.memory_space<vmem>>) target(%dma_start3A_64 : memref<2048xf32, #tpu.memory_space<vmem_shared>>) target_semaphore(%arg14 : memref<!tpu.dma_semaphore, #tpu.memory_space<semaphore_mem>>)
    %mul3A_65 = arith.constant 98304 : i32
    %mul3A_66 = arith.muli %arg1, %mul3A_65 : i32
    %add3A_67 = arith.constant 22528 : i32
    %add3A_68 = arith.addi %mul3A_66, %add3A_67 : i32
    %dma_start3A_69 = tpu.memref_slice %arg11[%add3A_68] : memref<1572864xf32, #tpu.memory_space<vmem_shared>> -> memref<2048xf32, #tpu.memory_space<vmem_shared>>
    %dma_start3A_70 = tpu.memref_slice %arg11[%add3A_68] : memref<1572864xf32, #tpu.memory_space<vmem_shared>> -> memref<2048xf32, #tpu.memory_space<vmem_shared>>
    tpu.enqueue_dma source(%arg10 : memref<2048xf32, #tpu.memory_space<vmem>>) target(%dma_start3A_70 : memref<2048xf32, #tpu.memory_space<vmem_shared>>) target_semaphore(%arg14 : memref<!tpu.dma_semaphore, #tpu.memory_space<semaphore_mem>>)
    %mul3A_71 = arith.constant 98304 : i32
    %mul3A_72 = arith.muli %arg1, %mul3A_71 : i32
    %add3A_73 = arith.constant 24576 : i32
    %add3A_74 = arith.addi %mul3A_72, %add3A_73 : i32
    %dma_start3A_75 = tpu.memref_slice %arg11[%add3A_74] : memref<1572864xf32, #tpu.memory_space<vmem_shared>> -> memref<2048xf32, #tpu.memory_space<vmem_shared>>
    %dma_start3A_76 = tpu.memref_slice %arg11[%add3A_74] : memref<1572864xf32, #tpu.memory_space<vmem_shared>> -> memref<2048xf32, #tpu.memory_space<vmem_shared>>
    tpu.enqueue_dma source(%arg10 : memref<2048xf32, #tpu.memory_space<vmem>>) target(%dma_start3A_76 : memref<2048xf32, #tpu.memory_space<vmem_shared>>) target_semaphore(%arg14 : memref<!tpu.dma_semaphore, #tpu.memory_space<semaphore_mem>>)
    %mul3A_77 = arith.constant 98304 : i32
    %mul3A_78 = arith.muli %arg1, %mul3A_77 : i32
    %add3A_79 = arith.constant 26624 : i32
    %add3A_80 = arith.addi %mul3A_78, %add3A_79 : i32
    %dma_start3A_81 = tpu.memref_slice %arg11[%add3A_80] : memref<1572864xf32, #tpu.memory_space<vmem_shared>> -> memref<2048xf32, #tpu.memory_space<vmem_shared>>
    %dma_start3A_82 = tpu.memref_slice %arg11[%add3A_80] : memref<1572864xf32, #tpu.memory_space<vmem_shared>> -> memref<2048xf32, #tpu.memory_space<vmem_shared>>
    tpu.enqueue_dma source(%arg10 : memref<2048xf32, #tpu.memory_space<vmem>>) target(%dma_start3A_82 : memref<2048xf32, #tpu.memory_space<vmem_shared>>) target_semaphore(%arg14 : memref<!tpu.dma_semaphore, #tpu.memory_space<semaphore_mem>>)
    %mul3A_83 = arith.constant 98304 : i32
    %mul3A_84 = arith.muli %arg1, %mul3A_83 : i32
    %add3A_85 = arith.constant 28672 : i32
    %add3A_86 = arith.addi %mul3A_84, %add3A_85 : i32
    %dma_start3A_87 = tpu.memref_slice %arg11[%add3A_86] : memref<1572864xf32, #tpu.memory_space<vmem_shared>> -> memref<2048xf32, #tpu.memory_space<vmem_shared>>
    %dma_start3A_88 = tpu.memref_slice %arg11[%add3A_86] : memref<1572864xf32, #tpu.memory_space<vmem_shared>> -> memref<2048xf32, #tpu.memory_space<vmem_shared>>
    tpu.enqueue_dma source(%arg10 : memref<2048xf32, #tpu.memory_space<vmem>>) target(%dma_start3A_88 : memref<2048xf32, #tpu.memory_space<vmem_shared>>) target_semaphore(%arg14 : memref<!tpu.dma_semaphore, #tpu.memory_space<semaphore_mem>>)
    %mul3A_89 = arith.constant 98304 : i32
    %mul3A_90 = arith.muli %arg1, %mul3A_89 : i32
    %add3A_91 = arith.constant 30720 : i32
    %add3A_92 = arith.addi %mul3A_90, %add3A_91 : i32
    %dma_start3A_93 = tpu.memref_slice %arg11[%add3A_92] : memref<1572864xf32, #tpu.memory_space<vmem_shared>> -> memref<2048xf32, #tpu.memory_space<vmem_shared>>
    %dma_start3A_94 = tpu.memref_slice %arg11[%add3A_92] : memref<1572864xf32, #tpu.memory_space<vmem_shared>> -> memref<2048xf32, #tpu.memory_space<vmem_shared>>
    tpu.enqueue_dma source(%arg10 : memref<2048xf32, #tpu.memory_space<vmem>>) target(%dma_start3A_94 : memref<2048xf32, #tpu.memory_space<vmem_shared>>) target_semaphore(%arg14 : memref<!tpu.dma_semaphore, #tpu.memory_space<semaphore_mem>>)
    %mul3A_95 = arith.constant 98304 : i32
    %mul3A_96 = arith.muli %arg1, %mul3A_95 : i32
    %add3A_97 = arith.constant 32768 : i32
    %add3A_98 = arith.addi %mul3A_96, %add3A_97 : i32
    %dma_start3A_99 = tpu.memref_slice %arg11[%add3A_98] : memref<1572864xf32, #tpu.memory_space<vmem_shared>> -> memref<2048xf32, #tpu.memory_space<vmem_shared>>
    %dma_start3A_100 = tpu.memref_slice %arg11[%add3A_98] : memref<1572864xf32, #tpu.memory_space<vmem_shared>> -> memref<2048xf32, #tpu.memory_space<vmem_shared>>
    tpu.enqueue_dma source(%arg10 : memref<2048xf32, #tpu.memory_space<vmem>>) target(%dma_start3A_100 : memref<2048xf32, #tpu.memory_space<vmem_shared>>) target_semaphore(%arg14 : memref<!tpu.dma_semaphore, #tpu.memory_space<semaphore_mem>>)
    %mul3A_101 = arith.constant 98304 : i32
    %mul3A_102 = arith.muli %arg1, %mul3A_101 : i32
    %add3A_103 = arith.constant 34816 : i32
    %add3A_104 = arith.addi %mul3A_102, %add3A_103 : i32
    %dma_start3A_105 = tpu.memref_slice %arg11[%add3A_104] : memref<1572864xf32, #tpu.memory_space<vmem_shared>> -> memref<2048xf32, #tpu.memory_space<vmem_shared>>
    %dma_start3A_106 = tpu.memref_slice %arg11[%add3A_104] : memref<1572864xf32, #tpu.memory_space<vmem_shared>> -> memref<2048xf32, #tpu.memory_space<vmem_shared>>
    tpu.enqueue_dma source(%arg10 : memref<2048xf32, #tpu.memory_space<vmem>>) target(%dma_start3A_106 : memref<2048xf32, #tpu.memory_space<vmem_shared>>) target_semaphore(%arg14 : memref<!tpu.dma_semaphore, #tpu.memory_space<semaphore_mem>>)
    %mul3A_107 = arith.constant 98304 : i32
    %mul3A_108 = arith.muli %arg1, %mul3A_107 : i32
    %add3A_109 = arith.constant 36864 : i32
    %add3A_110 = arith.addi %mul3A_108, %add3A_109 : i32
    %dma_start3A_111 = tpu.memref_slice %arg11[%add3A_110] : memref<1572864xf32, #tpu.memory_space<vmem_shared>> -> memref<2048xf32, #tpu.memory_space<vmem_shared>>
    %dma_start3A_112 = tpu.memref_slice %arg11[%add3A_110] : memref<1572864xf32, #tpu.memory_space<vmem_shared>> -> memref<2048xf32, #tpu.memory_space<vmem_shared>>
    tpu.enqueue_dma source(%arg10 : memref<2048xf32, #tpu.memory_space<vmem>>) target(%dma_start3A_112 : memref<2048xf32, #tpu.memory_space<vmem_shared>>) target_semaphore(%arg14 : memref<!tpu.dma_semaphore, #tpu.memory_space<semaphore_mem>>)
    %mul3A_113 = arith.constant 98304 : i32
    %mul3A_114 = arith.muli %arg1, %mul3A_113 : i32
    %add3A_115 = arith.constant 38912 : i32
    %add3A_116 = arith.addi %mul3A_114, %add3A_115 : i32
    %dma_start3A_117 = tpu.memref_slice %arg11[%add3A_116] : memref<1572864xf32, #tpu.memory_space<vmem_shared>> -> memref<2048xf32, #tpu.memory_space<vmem_shared>>
    %dma_start3A_118 = tpu.memref_slice %arg11[%add3A_116] : memref<1572864xf32, #tpu.memory_space<vmem_shared>> -> memref<2048xf32, #tpu.memory_space<vmem_shared>>
    tpu.enqueue_dma source(%arg10 : memref<2048xf32, #tpu.memory_space<vmem>>) target(%dma_start3A_118 : memref<2048xf32, #tpu.memory_space<vmem_shared>>) target_semaphore(%arg14 : memref<!tpu.dma_semaphore, #tpu.memory_space<semaphore_mem>>)
    %mul3A_119 = arith.constant 98304 : i32
    %mul3A_120 = arith.muli %arg1, %mul3A_119 : i32
    %add3A_121 = arith.constant 40960 : i32
    %add3A_122 = arith.addi %mul3A_120, %add3A_121 : i32
    %dma_start3A_123 = tpu.memref_slice %arg11[%add3A_122] : memref<1572864xf32, #tpu.memory_space<vmem_shared>> -> memref<2048xf32, #tpu.memory_space<vmem_shared>>
    %dma_start3A_124 = tpu.memref_slice %arg11[%add3A_122] : memref<1572864xf32, #tpu.memory_space<vmem_shared>> -> memref<2048xf32, #tpu.memory_space<vmem_shared>>
    tpu.enqueue_dma source(%arg10 : memref<2048xf32, #tpu.memory_space<vmem>>) target(%dma_start3A_124 : memref<2048xf32, #tpu.memory_space<vmem_shared>>) target_semaphore(%arg14 : memref<!tpu.dma_semaphore, #tpu.memory_space<semaphore_mem>>)
    %mul3A_125 = arith.constant 98304 : i32
    %mul3A_126 = arith.muli %arg1, %mul3A_125 : i32
    %add3A_127 = arith.constant 43008 : i32
    %add3A_128 = arith.addi %mul3A_126, %add3A_127 : i32
    %dma_start3A_129 = tpu.memref_slice %arg11[%add3A_128] : memref<1572864xf32, #tpu.memory_space<vmem_shared>> -> memref<2048xf32, #tpu.memory_space<vmem_shared>>
    %dma_start3A_130 = tpu.memref_slice %arg11[%add3A_128] : memref<1572864xf32, #tpu.memory_space<vmem_shared>> -> memref<2048xf32, #tpu.memory_space<vmem_shared>>
    tpu.enqueue_dma source(%arg10 : memref<2048xf32, #tpu.memory_space<vmem>>) target(%dma_start3A_130 : memref<2048xf32, #tpu.memory_space<vmem_shared>>) target_semaphore(%arg14 : memref<!tpu.dma_semaphore, #tpu.memory_space<semaphore_mem>>)
    %mul3A_131 = arith.constant 98304 : i32
    %mul3A_132 = arith.muli %arg1, %mul3A_131 : i32
    %add3A_133 = arith.constant 45056 : i32
    %add3A_134 = arith.addi %mul3A_132, %add3A_133 : i32
    %dma_start3A_135 = tpu.memref_slice %arg11[%add3A_134] : memref<1572864xf32, #tpu.memory_space<vmem_shared>> -> memref<2048xf32, #tpu.memory_space<vmem_shared>>
    %dma_start3A_136 = tpu.memref_slice %arg11[%add3A_134] : memref<1572864xf32, #tpu.memory_space<vmem_shared>> -> memref<2048xf32, #tpu.memory_space<vmem_shared>>
    tpu.enqueue_dma source(%arg10 : memref<2048xf32, #tpu.memory_space<vmem>>) target(%dma_start3A_136 : memref<2048xf32, #tpu.memory_space<vmem_shared>>) target_semaphore(%arg14 : memref<!tpu.dma_semaphore, #tpu.memory_space<semaphore_mem>>)
    %mul3A_137 = arith.constant 98304 : i32
    %mul3A_138 = arith.muli %arg1, %mul3A_137 : i32
    %add3A_139 = arith.constant 47104 : i32
    %add3A_140 = arith.addi %mul3A_138, %add3A_139 : i32
    %dma_start3A_141 = tpu.memref_slice %arg11[%add3A_140] : memref<1572864xf32, #tpu.memory_space<vmem_shared>> -> memref<2048xf32, #tpu.memory_space<vmem_shared>>
    %dma_start3A_142 = tpu.memref_slice %arg11[%add3A_140] : memref<1572864xf32, #tpu.memory_space<vmem_shared>> -> memref<2048xf32, #tpu.memory_space<vmem_shared>>
    tpu.enqueue_dma source(%arg10 : memref<2048xf32, #tpu.memory_space<vmem>>) target(%dma_start3A_142 : memref<2048xf32, #tpu.memory_space<vmem_shared>>) target_semaphore(%arg14 : memref<!tpu.dma_semaphore, #tpu.memory_space<semaphore_mem>>)
    %mul3A_143 = arith.constant 98304 : i32
    %mul3A_144 = arith.muli %arg1, %mul3A_143 : i32
    %add3A_145 = arith.constant 49152 : i32
    %add3A_146 = arith.addi %mul3A_144, %add3A_145 : i32
    %dma_start3A_147 = tpu.memref_slice %arg11[%add3A_146] : memref<1572864xf32, #tpu.memory_space<vmem_shared>> -> memref<2048xf32, #tpu.memory_space<vmem_shared>>
    %dma_start3A_148 = tpu.memref_slice %arg11[%add3A_146] : memref<1572864xf32, #tpu.memory_space<vmem_shared>> -> memref<2048xf32, #tpu.memory_space<vmem_shared>>
    tpu.enqueue_dma source(%arg10 : memref<2048xf32, #tpu.memory_space<vmem>>) target(%dma_start3A_148 : memref<2048xf32, #tpu.memory_space<vmem_shared>>) target_semaphore(%arg14 : memref<!tpu.dma_semaphore, #tpu.memory_space<semaphore_mem>>)
    %mul3A_149 = arith.constant 98304 : i32
    %mul3A_150 = arith.muli %arg1, %mul3A_149 : i32
    %add3A_151 = arith.constant 51200 : i32
    %add3A_152 = arith.addi %mul3A_150, %add3A_151 : i32
    %dma_start3A_153 = tpu.memref_slice %arg11[%add3A_152] : memref<1572864xf32, #tpu.memory_space<vmem_shared>> -> memref<2048xf32, #tpu.memory_space<vmem_shared>>
    %dma_start3A_154 = tpu.memref_slice %arg11[%add3A_152] : memref<1572864xf32, #tpu.memory_space<vmem_shared>> -> memref<2048xf32, #tpu.memory_space<vmem_shared>>
    tpu.enqueue_dma source(%arg10 : memref<2048xf32, #tpu.memory_space<vmem>>) target(%dma_start3A_154 : memref<2048xf32, #tpu.memory_space<vmem_shared>>) target_semaphore(%arg14 : memref<!tpu.dma_semaphore, #tpu.memory_space<semaphore_mem>>)
    %mul3A_155 = arith.constant 98304 : i32
    %mul3A_156 = arith.muli %arg1, %mul3A_155 : i32
    %add3A_157 = arith.constant 53248 : i32
    %add3A_158 = arith.addi %mul3A_156, %add3A_157 : i32
    %dma_start3A_159 = tpu.memref_slice %arg11[%add3A_158] : memref<1572864xf32, #tpu.memory_space<vmem_shared>> -> memref<2048xf32, #tpu.memory_space<vmem_shared>>
    %dma_start3A_160 = tpu.memref_slice %arg11[%add3A_158] : memref<1572864xf32, #tpu.memory_space<vmem_shared>> -> memref<2048xf32, #tpu.memory_space<vmem_shared>>
    tpu.enqueue_dma source(%arg10 : memref<2048xf32, #tpu.memory_space<vmem>>) target(%dma_start3A_160 : memref<2048xf32, #tpu.memory_space<vmem_shared>>) target_semaphore(%arg14 : memref<!tpu.dma_semaphore, #tpu.memory_space<semaphore_mem>>)
    %mul3A_161 = arith.constant 98304 : i32
    %mul3A_162 = arith.muli %arg1, %mul3A_161 : i32
    %add3A_163 = arith.constant 55296 : i32
    %add3A_164 = arith.addi %mul3A_162, %add3A_163 : i32
    %dma_start3A_165 = tpu.memref_slice %arg11[%add3A_164] : memref<1572864xf32, #tpu.memory_space<vmem_shared>> -> memref<2048xf32, #tpu.memory_space<vmem_shared>>
    %dma_start3A_166 = tpu.memref_slice %arg11[%add3A_164] : memref<1572864xf32, #tpu.memory_space<vmem_shared>> -> memref<2048xf32, #tpu.memory_space<vmem_shared>>
    tpu.enqueue_dma source(%arg10 : memref<2048xf32, #tpu.memory_space<vmem>>) target(%dma_start3A_166 : memref<2048xf32, #tpu.memory_space<vmem_shared>>) target_semaphore(%arg14 : memref<!tpu.dma_semaphore, #tpu.memory_space<semaphore_mem>>)
    %mul3A_167 = arith.constant 98304 : i32
    %mul3A_168 = arith.muli %arg1, %mul3A_167 : i32
    %add3A_169 = arith.constant 57344 : i32
    %add3A_170 = arith.addi %mul3A_168, %add3A_169 : i32
    %dma_start3A_171 = tpu.memref_slice %arg11[%add3A_170] : memref<1572864xf32, #tpu.memory_space<vmem_shared>> -> memref<2048xf32, #tpu.memory_space<vmem_shared>>
    %dma_start3A_172 = tpu.memref_slice %arg11[%add3A_170] : memref<1572864xf32, #tpu.memory_space<vmem_shared>> -> memref<2048xf32, #tpu.memory_space<vmem_shared>>
    tpu.enqueue_dma source(%arg10 : memref<2048xf32, #tpu.memory_space<vmem>>) target(%dma_start3A_172 : memref<2048xf32, #tpu.memory_space<vmem_shared>>) target_semaphore(%arg14 : memref<!tpu.dma_semaphore, #tpu.memory_space<semaphore_mem>>)
    %mul3A_173 = arith.constant 98304 : i32
    %mul3A_174 = arith.muli %arg1, %mul3A_173 : i32
    %add3A_175 = arith.constant 59392 : i32
    %add3A_176 = arith.addi %mul3A_174, %add3A_175 : i32
    %dma_start3A_177 = tpu.memref_slice %arg11[%add3A_176] : memref<1572864xf32, #tpu.memory_space<vmem_shared>> -> memref<2048xf32, #tpu.memory_space<vmem_shared>>
    %dma_start3A_178 = tpu.memref_slice %arg11[%add3A_176] : memref<1572864xf32, #tpu.memory_space<vmem_shared>> -> memref<2048xf32, #tpu.memory_space<vmem_shared>>
    tpu.enqueue_dma source(%arg10 : memref<2048xf32, #tpu.memory_space<vmem>>) target(%dma_start3A_178 : memref<2048xf32, #tpu.memory_space<vmem_shared>>) target_semaphore(%arg14 : memref<!tpu.dma_semaphore, #tpu.memory_space<semaphore_mem>>)
    %mul3A_179 = arith.constant 98304 : i32
    %mul3A_180 = arith.muli %arg1, %mul3A_179 : i32
    %add3A_181 = arith.constant 61440 : i32
    %add3A_182 = arith.addi %mul3A_180, %add3A_181 : i32
    %dma_start3A_183 = tpu.memref_slice %arg11[%add3A_182] : memref<1572864xf32, #tpu.memory_space<vmem_shared>> -> memref<2048xf32, #tpu.memory_space<vmem_shared>>
    %dma_start3A_184 = tpu.memref_slice %arg11[%add3A_182] : memref<1572864xf32, #tpu.memory_space<vmem_shared>> -> memref<2048xf32, #tpu.memory_space<vmem_shared>>
    tpu.enqueue_dma source(%arg10 : memref<2048xf32, #tpu.memory_space<vmem>>) target(%dma_start3A_184 : memref<2048xf32, #tpu.memory_space<vmem_shared>>) target_semaphore(%arg14 : memref<!tpu.dma_semaphore, #tpu.memory_space<semaphore_mem>>)
    %mul3A_185 = arith.constant 98304 : i32
    %mul3A_186 = arith.muli %arg1, %mul3A_185 : i32
    %add3A_187 = arith.constant 63488 : i32
    %add3A_188 = arith.addi %mul3A_186, %add3A_187 : i32
    %dma_start3A_189 = tpu.memref_slice %arg11[%add3A_188] : memref<1572864xf32, #tpu.memory_space<vmem_shared>> -> memref<2048xf32, #tpu.memory_space<vmem_shared>>
    %dma_start3A_190 = tpu.memref_slice %arg11[%add3A_188] : memref<1572864xf32, #tpu.memory_space<vmem_shared>> -> memref<2048xf32, #tpu.memory_space<vmem_shared>>
    tpu.enqueue_dma source(%arg10 : memref<2048xf32, #tpu.memory_space<vmem>>) target(%dma_start3A_190 : memref<2048xf32, #tpu.memory_space<vmem_shared>>) target_semaphore(%arg14 : memref<!tpu.dma_semaphore, #tpu.memory_space<semaphore_mem>>)
    %mul3A_191 = arith.constant 98304 : i32
    %mul3A_192 = arith.muli %arg1, %mul3A_191 : i32
    %add3A_193 = arith.constant 65536 : i32
    %add3A_194 = arith.addi %mul3A_192, %add3A_193 : i32
    %dma_start3A_195 = tpu.memref_slice %arg11[%add3A_194] : memref<1572864xf32, #tpu.memory_space<vmem_shared>> -> memref<2048xf32, #tpu.memory_space<vmem_shared>>
    %dma_start3A_196 = tpu.memref_slice %arg11[%add3A_194] : memref<1572864xf32, #tpu.memory_space<vmem_shared>> -> memref<2048xf32, #tpu.memory_space<vmem_shared>>
    tpu.enqueue_dma source(%arg10 : memref<2048xf32, #tpu.memory_space<vmem>>) target(%dma_start3A_196 : memref<2048xf32, #tpu.memory_space<vmem_shared>>) target_semaphore(%arg14 : memref<!tpu.dma_semaphore, #tpu.memory_space<semaphore_mem>>)
    %mul3A_197 = arith.constant 98304 : i32
    %mul3A_198 = arith.muli %arg1, %mul3A_197 : i32
    %add3A_199 = arith.constant 67584 : i32
    %add3A_200 = arith.addi %mul3A_198, %add3A_199 : i32
    %dma_start3A_201 = tpu.memref_slice %arg11[%add3A_200] : memref<1572864xf32, #tpu.memory_space<vmem_shared>> -> memref<2048xf32, #tpu.memory_space<vmem_shared>>
    %dma_start3A_202 = tpu.memref_slice %arg11[%add3A_200] : memref<1572864xf32, #tpu.memory_space<vmem_shared>> -> memref<2048xf32, #tpu.memory_space<vmem_shared>>
    tpu.enqueue_dma source(%arg10 : memref<2048xf32, #tpu.memory_space<vmem>>) target(%dma_start3A_202 : memref<2048xf32, #tpu.memory_space<vmem_shared>>) target_semaphore(%arg14 : memref<!tpu.dma_semaphore, #tpu.memory_space<semaphore_mem>>)
    %mul3A_203 = arith.constant 98304 : i32
    %mul3A_204 = arith.muli %arg1, %mul3A_203 : i32
    %add3A_205 = arith.constant 69632 : i32
    %add3A_206 = arith.addi %mul3A_204, %add3A_205 : i32
    %dma_start3A_207 = tpu.memref_slice %arg11[%add3A_206] : memref<1572864xf32, #tpu.memory_space<vmem_shared>> -> memref<2048xf32, #tpu.memory_space<vmem_shared>>
    %dma_start3A_208 = tpu.memref_slice %arg11[%add3A_206] : memref<1572864xf32, #tpu.memory_space<vmem_shared>> -> memref<2048xf32, #tpu.memory_space<vmem_shared>>
    tpu.enqueue_dma source(%arg10 : memref<2048xf32, #tpu.memory_space<vmem>>) target(%dma_start3A_208 : memref<2048xf32, #tpu.memory_space<vmem_shared>>) target_semaphore(%arg14 : memref<!tpu.dma_semaphore, #tpu.memory_space<semaphore_mem>>)
    %mul3A_209 = arith.constant 98304 : i32
    %mul3A_210 = arith.muli %arg1, %mul3A_209 : i32
    %add3A_211 = arith.constant 71680 : i32
    %add3A_212 = arith.addi %mul3A_210, %add3A_211 : i32
    %dma_start3A_213 = tpu.memref_slice %arg11[%add3A_212] : memref<1572864xf32, #tpu.memory_space<vmem_shared>> -> memref<2048xf32, #tpu.memory_space<vmem_shared>>
    %dma_start3A_214 = tpu.memref_slice %arg11[%add3A_212] : memref<1572864xf32, #tpu.memory_space<vmem_shared>> -> memref<2048xf32, #tpu.memory_space<vmem_shared>>
    tpu.enqueue_dma source(%arg10 : memref<2048xf32, #tpu.memory_space<vmem>>) target(%dma_start3A_214 : memref<2048xf32, #tpu.memory_space<vmem_shared>>) target_semaphore(%arg14 : memref<!tpu.dma_semaphore, #tpu.memory_space<semaphore_mem>>)
    %mul3A_215 = arith.constant 98304 : i32
    %mul3A_216 = arith.muli %arg1, %mul3A_215 : i32
    %add3A_217 = arith.constant 73728 : i32
    %add3A_218 = arith.addi %mul3A_216, %add3A_217 : i32
    %dma_start3A_219 = tpu.memref_slice %arg11[%add3A_218] : memref<1572864xf32, #tpu.memory_space<vmem_shared>> -> memref<2048xf32, #tpu.memory_space<vmem_shared>>
    %dma_start3A_220 = tpu.memref_slice %arg11[%add3A_218] : memref<1572864xf32, #tpu.memory_space<vmem_shared>> -> memref<2048xf32, #tpu.memory_space<vmem_shared>>
    tpu.enqueue_dma source(%arg10 : memref<2048xf32, #tpu.memory_space<vmem>>) target(%dma_start3A_220 : memref<2048xf32, #tpu.memory_space<vmem_shared>>) target_semaphore(%arg14 : memref<!tpu.dma_semaphore, #tpu.memory_space<semaphore_mem>>)
    %mul3A_221 = arith.constant 98304 : i32
    %mul3A_222 = arith.muli %arg1, %mul3A_221 : i32
    %add3A_223 = arith.constant 75776 : i32
    %add3A_224 = arith.addi %mul3A_222, %add3A_223 : i32
    %dma_start3A_225 = tpu.memref_slice %arg11[%add3A_224] : memref<1572864xf32, #tpu.memory_space<vmem_shared>> -> memref<2048xf32, #tpu.memory_space<vmem_shared>>
    %dma_start3A_226 = tpu.memref_slice %arg11[%add3A_224] : memref<1572864xf32, #tpu.memory_space<vmem_shared>> -> memref<2048xf32, #tpu.memory_space<vmem_shared>>
    tpu.enqueue_dma source(%arg10 : memref<2048xf32, #tpu.memory_space<vmem>>) target(%dma_start3A_226 : memref<2048xf32, #tpu.memory_space<vmem_shared>>) target_semaphore(%arg14 : memref<!tpu.dma_semaphore, #tpu.memory_space<semaphore_mem>>)
    %mul3A_227 = arith.constant 98304 : i32
    %mul3A_228 = arith.muli %arg1, %mul3A_227 : i32
    %add3A_229 = arith.constant 77824 : i32
    %add3A_230 = arith.addi %mul3A_228, %add3A_229 : i32
    %dma_start3A_231 = tpu.memref_slice %arg11[%add3A_230] : memref<1572864xf32, #tpu.memory_space<vmem_shared>> -> memref<2048xf32, #tpu.memory_space<vmem_shared>>
    %dma_start3A_232 = tpu.memref_slice %arg11[%add3A_230] : memref<1572864xf32, #tpu.memory_space<vmem_shared>> -> memref<2048xf32, #tpu.memory_space<vmem_shared>>
    tpu.enqueue_dma source(%arg10 : memref<2048xf32, #tpu.memory_space<vmem>>) target(%dma_start3A_232 : memref<2048xf32, #tpu.memory_space<vmem_shared>>) target_semaphore(%arg14 : memref<!tpu.dma_semaphore, #tpu.memory_space<semaphore_mem>>)
    %mul3A_233 = arith.constant 98304 : i32
    %mul3A_234 = arith.muli %arg1, %mul3A_233 : i32
    %add3A_235 = arith.constant 79872 : i32
    %add3A_236 = arith.addi %mul3A_234, %add3A_235 : i32
    %dma_start3A_237 = tpu.memref_slice %arg11[%add3A_236] : memref<1572864xf32, #tpu.memory_space<vmem_shared>> -> memref<2048xf32, #tpu.memory_space<vmem_shared>>
    %dma_start3A_238 = tpu.memref_slice %arg11[%add3A_236] : memref<1572864xf32, #tpu.memory_space<vmem_shared>> -> memref<2048xf32, #tpu.memory_space<vmem_shared>>
    tpu.enqueue_dma source(%arg10 : memref<2048xf32, #tpu.memory_space<vmem>>) target(%dma_start3A_238 : memref<2048xf32, #tpu.memory_space<vmem_shared>>) target_semaphore(%arg14 : memref<!tpu.dma_semaphore, #tpu.memory_space<semaphore_mem>>)
    %mul3A_239 = arith.constant 98304 : i32
    %mul3A_240 = arith.muli %arg1, %mul3A_239 : i32
    %add3A_241 = arith.constant 81920 : i32
    %add3A_242 = arith.addi %mul3A_240, %add3A_241 : i32
    %dma_start3A_243 = tpu.memref_slice %arg11[%add3A_242] : memref<1572864xf32, #tpu.memory_space<vmem_shared>> -> memref<2048xf32, #tpu.memory_space<vmem_shared>>
    %dma_start3A_244 = tpu.memref_slice %arg11[%add3A_242] : memref<1572864xf32, #tpu.memory_space<vmem_shared>> -> memref<2048xf32, #tpu.memory_space<vmem_shared>>
    tpu.enqueue_dma source(%arg10 : memref<2048xf32, #tpu.memory_space<vmem>>) target(%dma_start3A_244 : memref<2048xf32, #tpu.memory_space<vmem_shared>>) target_semaphore(%arg14 : memref<!tpu.dma_semaphore, #tpu.memory_space<semaphore_mem>>)
    %mul3A_245 = arith.constant 98304 : i32
    %mul3A_246 = arith.muli %arg1, %mul3A_245 : i32
    %add3A_247 = arith.constant 83968 : i32
    %add3A_248 = arith.addi %mul3A_246, %add3A_247 : i32
    %dma_start3A_249 = tpu.memref_slice %arg11[%add3A_248] : memref<1572864xf32, #tpu.memory_space<vmem_shared>> -> memref<2048xf32, #tpu.memory_space<vmem_shared>>
    %dma_start3A_250 = tpu.memref_slice %arg11[%add3A_248] : memref<1572864xf32, #tpu.memory_space<vmem_shared>> -> memref<2048xf32, #tpu.memory_space<vmem_shared>>
    tpu.enqueue_dma source(%arg10 : memref<2048xf32, #tpu.memory_space<vmem>>) target(%dma_start3A_250 : memref<2048xf32, #tpu.memory_space<vmem_shared>>) target_semaphore(%arg14 : memref<!tpu.dma_semaphore, #tpu.memory_space<semaphore_mem>>)
    %mul3A_251 = arith.constant 98304 : i32
    %mul3A_252 = arith.muli %arg1, %mul3A_251 : i32
    %add3A_253 = arith.constant 86016 : i32
    %add3A_254 = arith.addi %mul3A_252, %add3A_253 : i32
    %dma_start3A_255 = tpu.memref_slice %arg11[%add3A_254] : memref<1572864xf32, #tpu.memory_space<vmem_shared>> -> memref<2048xf32, #tpu.memory_space<vmem_shared>>
    %dma_start3A_256 = tpu.memref_slice %arg11[%add3A_254] : memref<1572864xf32, #tpu.memory_space<vmem_shared>> -> memref<2048xf32, #tpu.memory_space<vmem_shared>>
    tpu.enqueue_dma source(%arg10 : memref<2048xf32, #tpu.memory_space<vmem>>) target(%dma_start3A_256 : memref<2048xf32, #tpu.memory_space<vmem_shared>>) target_semaphore(%arg14 : memref<!tpu.dma_semaphore, #tpu.memory_space<semaphore_mem>>)
    %mul3A_257 = arith.constant 98304 : i32
    %mul3A_258 = arith.muli %arg1, %mul3A_257 : i32
    %add3A_259 = arith.constant 88064 : i32
    %add3A_260 = arith.addi %mul3A_258, %add3A_259 : i32
    %dma_start3A_261 = tpu.memref_slice %arg11[%add3A_260] : memref<1572864xf32, #tpu.memory_space<vmem_shared>> -> memref<2048xf32, #tpu.memory_space<vmem_shared>>
    %dma_start3A_262 = tpu.memref_slice %arg11[%add3A_260] : memref<1572864xf32, #tpu.memory_space<vmem_shared>> -> memref<2048xf32, #tpu.memory_space<vmem_shared>>
    tpu.enqueue_dma source(%arg10 : memref<2048xf32, #tpu.memory_space<vmem>>) target(%dma_start3A_262 : memref<2048xf32, #tpu.memory_space<vmem_shared>>) target_semaphore(%arg14 : memref<!tpu.dma_semaphore, #tpu.memory_space<semaphore_mem>>)
    %mul3A_263 = arith.constant 98304 : i32
    %mul3A_264 = arith.muli %arg1, %mul3A_263 : i32
    %add3A_265 = arith.constant 90112 : i32
    %add3A_266 = arith.addi %mul3A_264, %add3A_265 : i32
    %dma_start3A_267 = tpu.memref_slice %arg11[%add3A_266] : memref<1572864xf32, #tpu.memory_space<vmem_shared>> -> memref<2048xf32, #tpu.memory_space<vmem_shared>>
    %dma_start3A_268 = tpu.memref_slice %arg11[%add3A_266] : memref<1572864xf32, #tpu.memory_space<vmem_shared>> -> memref<2048xf32, #tpu.memory_space<vmem_shared>>
    tpu.enqueue_dma source(%arg10 : memref<2048xf32, #tpu.memory_space<vmem>>) target(%dma_start3A_268 : memref<2048xf32, #tpu.memory_space<vmem_shared>>) target_semaphore(%arg14 : memref<!tpu.dma_semaphore, #tpu.memory_space<semaphore_mem>>)
    %mul3A_269 = arith.constant 98304 : i32
    %mul3A_270 = arith.muli %arg1, %mul3A_269 : i32
    %add3A_271 = arith.constant 92160 : i32
    %add3A_272 = arith.addi %mul3A_270, %add3A_271 : i32
    %dma_start3A_273 = tpu.memref_slice %arg11[%add3A_272] : memref<1572864xf32, #tpu.memory_space<vmem_shared>> -> memref<2048xf32, #tpu.memory_space<vmem_shared>>
    %dma_start3A_274 = tpu.memref_slice %arg11[%add3A_272] : memref<1572864xf32, #tpu.memory_space<vmem_shared>> -> memref<2048xf32, #tpu.memory_space<vmem_shared>>
    tpu.enqueue_dma source(%arg10 : memref<2048xf32, #tpu.memory_space<vmem>>) target(%dma_start3A_274 : memref<2048xf32, #tpu.memory_space<vmem_shared>>) target_semaphore(%arg14 : memref<!tpu.dma_semaphore, #tpu.memory_space<semaphore_mem>>)
    %mul3A_275 = arith.constant 98304 : i32
    %mul3A_276 = arith.muli %arg1, %mul3A_275 : i32
    %add3A_277 = arith.constant 94208 : i32
    %add3A_278 = arith.addi %mul3A_276, %add3A_277 : i32
    %dma_start3A_279 = tpu.memref_slice %arg11[%add3A_278] : memref<1572864xf32, #tpu.memory_space<vmem_shared>> -> memref<2048xf32, #tpu.memory_space<vmem_shared>>
    %dma_start3A_280 = tpu.memref_slice %arg11[%add3A_278] : memref<1572864xf32, #tpu.memory_space<vmem_shared>> -> memref<2048xf32, #tpu.memory_space<vmem_shared>>
    tpu.enqueue_dma source(%arg10 : memref<2048xf32, #tpu.memory_space<vmem>>) target(%dma_start3A_280 : memref<2048xf32, #tpu.memory_space<vmem_shared>>) target_semaphore(%arg14 : memref<!tpu.dma_semaphore, #tpu.memory_space<semaphore_mem>>)
    %mul3A_281 = arith.constant 98304 : i32
    %mul3A_282 = arith.muli %arg1, %mul3A_281 : i32
    %add3A_283 = arith.constant 96256 : i32
    %add3A_284 = arith.addi %mul3A_282, %add3A_283 : i32
    %dma_start3A_285 = tpu.memref_slice %arg11[%add3A_284] : memref<1572864xf32, #tpu.memory_space<vmem_shared>> -> memref<2048xf32, #tpu.memory_space<vmem_shared>>
    %dma_start3A_286 = tpu.memref_slice %arg11[%add3A_284] : memref<1572864xf32, #tpu.memory_space<vmem_shared>> -> memref<2048xf32, #tpu.memory_space<vmem_shared>>
    tpu.enqueue_dma source(%arg10 : memref<2048xf32, #tpu.memory_space<vmem>>) target(%dma_start3A_286 : memref<2048xf32, #tpu.memory_space<vmem_shared>>) target_semaphore(%arg14 : memref<!tpu.dma_semaphore, #tpu.memory_space<semaphore_mem>>)
    %mul3A_287 = arith.constant 98304 : i32
    %mul3A_288 = arith.muli %arg1, %mul3A_287 : i32
    %add3A_289 = arith.constant 0 : i32
    %add3A_290 = arith.addi %mul3A_288, %add3A_289 : i32
    %dma_wait3A = tpu.memref_slice %arg11[%add3A_290] : memref<1572864xf32, #tpu.memory_space<vmem_shared>> -> memref<2048xf32, #tpu.memory_space<vmem_shared>>
    %dma_wait3A_291 = tpu.memref_slice %arg11[%add3A_290] : memref<1572864xf32, #tpu.memory_space<vmem_shared>> -> memref<2048xf32, #tpu.memory_space<vmem_shared>>
    tpu.wait_dma2 semaphore(%arg14 : memref<!tpu.dma_semaphore, #tpu.memory_space<semaphore_mem>>) src(%arg10 : memref<2048xf32, #tpu.memory_space<vmem>>) dst(%dma_wait3A_291 : memref<2048xf32, #tpu.memory_space<vmem_shared>>)
    %mul3A_292 = arith.constant 98304 : i32
    %mul3A_293 = arith.muli %arg1, %mul3A_292 : i32
    %add3A_294 = arith.constant 2048 : i32
    %add3A_295 = arith.addi %mul3A_293, %add3A_294 : i32
    %dma_wait3A_296 = tpu.memref_slice %arg11[%add3A_295] : memref<1572864xf32, #tpu.memory_space<vmem_shared>> -> memref<2048xf32, #tpu.memory_space<vmem_shared>>
    %dma_wait3A_297 = tpu.memref_slice %arg11[%add3A_295] : memref<1572864xf32, #tpu.memory_space<vmem_shared>> -> memref<2048xf32, #tpu.memory_space<vmem_shared>>
    tpu.wait_dma2 semaphore(%arg14 : memref<!tpu.dma_semaphore, #tpu.memory_space<semaphore_mem>>) src(%arg10 : memref<2048xf32, #tpu.memory_space<vmem>>) dst(%dma_wait3A_297 : memref<2048xf32, #tpu.memory_space<vmem_shared>>)
    %mul3A_298 = arith.constant 98304 : i32
    %mul3A_299 = arith.muli %arg1, %mul3A_298 : i32
    %add3A_300 = arith.constant 4096 : i32
    %add3A_301 = arith.addi %mul3A_299, %add3A_300 : i32
    %dma_wait3A_302 = tpu.memref_slice %arg11[%add3A_301] : memref<1572864xf32, #tpu.memory_space<vmem_shared>> -> memref<2048xf32, #tpu.memory_space<vmem_shared>>
    %dma_wait3A_303 = tpu.memref_slice %arg11[%add3A_301] : memref<1572864xf32, #tpu.memory_space<vmem_shared>> -> memref<2048xf32, #tpu.memory_space<vmem_shared>>
    tpu.wait_dma2 semaphore(%arg14 : memref<!tpu.dma_semaphore, #tpu.memory_space<semaphore_mem>>) src(%arg10 : memref<2048xf32, #tpu.memory_space<vmem>>) dst(%dma_wait3A_303 : memref<2048xf32, #tpu.memory_space<vmem_shared>>)
    %mul3A_304 = arith.constant 98304 : i32
    %mul3A_305 = arith.muli %arg1, %mul3A_304 : i32
    %add3A_306 = arith.constant 6144 : i32
    %add3A_307 = arith.addi %mul3A_305, %add3A_306 : i32
    %dma_wait3A_308 = tpu.memref_slice %arg11[%add3A_307] : memref<1572864xf32, #tpu.memory_space<vmem_shared>> -> memref<2048xf32, #tpu.memory_space<vmem_shared>>
    %dma_wait3A_309 = tpu.memref_slice %arg11[%add3A_307] : memref<1572864xf32, #tpu.memory_space<vmem_shared>> -> memref<2048xf32, #tpu.memory_space<vmem_shared>>
    tpu.wait_dma2 semaphore(%arg14 : memref<!tpu.dma_semaphore, #tpu.memory_space<semaphore_mem>>) src(%arg10 : memref<2048xf32, #tpu.memory_space<vmem>>) dst(%dma_wait3A_309 : memref<2048xf32, #tpu.memory_space<vmem_shared>>)
    %mul3A_310 = arith.constant 98304 : i32
    %mul3A_311 = arith.muli %arg1, %mul3A_310 : i32
    %add3A_312 = arith.constant 8192 : i32
    %add3A_313 = arith.addi %mul3A_311, %add3A_312 : i32
    %dma_wait3A_314 = tpu.memref_slice %arg11[%add3A_313] : memref<1572864xf32, #tpu.memory_space<vmem_shared>> -> memref<2048xf32, #tpu.memory_space<vmem_shared>>
    %dma_wait3A_315 = tpu.memref_slice %arg11[%add3A_313] : memref<1572864xf32, #tpu.memory_space<vmem_shared>> -> memref<2048xf32, #tpu.memory_space<vmem_shared>>
    tpu.wait_dma2 semaphore(%arg14 : memref<!tpu.dma_semaphore, #tpu.memory_space<semaphore_mem>>) src(%arg10 : memref<2048xf32, #tpu.memory_space<vmem>>) dst(%dma_wait3A_315 : memref<2048xf32, #tpu.memory_space<vmem_shared>>)
    %mul3A_316 = arith.constant 98304 : i32
    %mul3A_317 = arith.muli %arg1, %mul3A_316 : i32
    %add3A_318 = arith.constant 10240 : i32
    %add3A_319 = arith.addi %mul3A_317, %add3A_318 : i32
    %dma_wait3A_320 = tpu.memref_slice %arg11[%add3A_319] : memref<1572864xf32, #tpu.memory_space<vmem_shared>> -> memref<2048xf32, #tpu.memory_space<vmem_shared>>
    %dma_wait3A_321 = tpu.memref_slice %arg11[%add3A_319] : memref<1572864xf32, #tpu.memory_space<vmem_shared>> -> memref<2048xf32, #tpu.memory_space<vmem_shared>>
    tpu.wait_dma2 semaphore(%arg14 : memref<!tpu.dma_semaphore, #tpu.memory_space<semaphore_mem>>) src(%arg10 : memref<2048xf32, #tpu.memory_space<vmem>>) dst(%dma_wait3A_321 : memref<2048xf32, #tpu.memory_space<vmem_shared>>)
    %mul3A_322 = arith.constant 98304 : i32
    %mul3A_323 = arith.muli %arg1, %mul3A_322 : i32
    %add3A_324 = arith.constant 12288 : i32
    %add3A_325 = arith.addi %mul3A_323, %add3A_324 : i32
    %dma_wait3A_326 = tpu.memref_slice %arg11[%add3A_325] : memref<1572864xf32, #tpu.memory_space<vmem_shared>> -> memref<2048xf32, #tpu.memory_space<vmem_shared>>
    %dma_wait3A_327 = tpu.memref_slice %arg11[%add3A_325] : memref<1572864xf32, #tpu.memory_space<vmem_shared>> -> memref<2048xf32, #tpu.memory_space<vmem_shared>>
    tpu.wait_dma2 semaphore(%arg14 : memref<!tpu.dma_semaphore, #tpu.memory_space<semaphore_mem>>) src(%arg10 : memref<2048xf32, #tpu.memory_space<vmem>>) dst(%dma_wait3A_327 : memref<2048xf32, #tpu.memory_space<vmem_shared>>)
    %mul3A_328 = arith.constant 98304 : i32
    %mul3A_329 = arith.muli %arg1, %mul3A_328 : i32
    %add3A_330 = arith.constant 14336 : i32
    %add3A_331 = arith.addi %mul3A_329, %add3A_330 : i32
    %dma_wait3A_332 = tpu.memref_slice %arg11[%add3A_331] : memref<1572864xf32, #tpu.memory_space<vmem_shared>> -> memref<2048xf32, #tpu.memory_space<vmem_shared>>
    %dma_wait3A_333 = tpu.memref_slice %arg11[%add3A_331] : memref<1572864xf32, #tpu.memory_space<vmem_shared>> -> memref<2048xf32, #tpu.memory_space<vmem_shared>>
    tpu.wait_dma2 semaphore(%arg14 : memref<!tpu.dma_semaphore, #tpu.memory_space<semaphore_mem>>) src(%arg10 : memref<2048xf32, #tpu.memory_space<vmem>>) dst(%dma_wait3A_333 : memref<2048xf32, #tpu.memory_space<vmem_shared>>)
    %mul3A_334 = arith.constant 98304 : i32
    %mul3A_335 = arith.muli %arg1, %mul3A_334 : i32
    %add3A_336 = arith.constant 16384 : i32
    %add3A_337 = arith.addi %mul3A_335, %add3A_336 : i32
    %dma_wait3A_338 = tpu.memref_slice %arg11[%add3A_337] : memref<1572864xf32, #tpu.memory_space<vmem_shared>> -> memref<2048xf32, #tpu.memory_space<vmem_shared>>
    %dma_wait3A_339 = tpu.memref_slice %arg11[%add3A_337] : memref<1572864xf32, #tpu.memory_space<vmem_shared>> -> memref<2048xf32, #tpu.memory_space<vmem_shared>>
    tpu.wait_dma2 semaphore(%arg14 : memref<!tpu.dma_semaphore, #tpu.memory_space<semaphore_mem>>) src(%arg10 : memref<2048xf32, #tpu.memory_space<vmem>>) dst(%dma_wait3A_339 : memref<2048xf32, #tpu.memory_space<vmem_shared>>)
    %mul3A_340 = arith.constant 98304 : i32
    %mul3A_341 = arith.muli %arg1, %mul3A_340 : i32
    %add3A_342 = arith.constant 18432 : i32
    %add3A_343 = arith.addi %mul3A_341, %add3A_342 : i32
    %dma_wait3A_344 = tpu.memref_slice %arg11[%add3A_343] : memref<1572864xf32, #tpu.memory_space<vmem_shared>> -> memref<2048xf32, #tpu.memory_space<vmem_shared>>
    %dma_wait3A_345 = tpu.memref_slice %arg11[%add3A_343] : memref<1572864xf32, #tpu.memory_space<vmem_shared>> -> memref<2048xf32, #tpu.memory_space<vmem_shared>>
    tpu.wait_dma2 semaphore(%arg14 : memref<!tpu.dma_semaphore, #tpu.memory_space<semaphore_mem>>) src(%arg10 : memref<2048xf32, #tpu.memory_space<vmem>>) dst(%dma_wait3A_345 : memref<2048xf32, #tpu.memory_space<vmem_shared>>)
    %mul3A_346 = arith.constant 98304 : i32
    %mul3A_347 = arith.muli %arg1, %mul3A_346 : i32
    %add3A_348 = arith.constant 20480 : i32
    %add3A_349 = arith.addi %mul3A_347, %add3A_348 : i32
    %dma_wait3A_350 = tpu.memref_slice %arg11[%add3A_349] : memref<1572864xf32, #tpu.memory_space<vmem_shared>> -> memref<2048xf32, #tpu.memory_space<vmem_shared>>
    %dma_wait3A_351 = tpu.memref_slice %arg11[%add3A_349] : memref<1572864xf32, #tpu.memory_space<vmem_shared>> -> memref<2048xf32, #tpu.memory_space<vmem_shared>>
    tpu.wait_dma2 semaphore(%arg14 : memref<!tpu.dma_semaphore, #tpu.memory_space<semaphore_mem>>) src(%arg10 : memref<2048xf32, #tpu.memory_space<vmem>>) dst(%dma_wait3A_351 : memref<2048xf32, #tpu.memory_space<vmem_shared>>)
    %mul3A_352 = arith.constant 98304 : i32
    %mul3A_353 = arith.muli %arg1, %mul3A_352 : i32
    %add3A_354 = arith.constant 22528 : i32
    %add3A_355 = arith.addi %mul3A_353, %add3A_354 : i32
    %dma_wait3A_356 = tpu.memref_slice %arg11[%add3A_355] : memref<1572864xf32, #tpu.memory_space<vmem_shared>> -> memref<2048xf32, #tpu.memory_space<vmem_shared>>
    %dma_wait3A_357 = tpu.memref_slice %arg11[%add3A_355] : memref<1572864xf32, #tpu.memory_space<vmem_shared>> -> memref<2048xf32, #tpu.memory_space<vmem_shared>>
    tpu.wait_dma2 semaphore(%arg14 : memref<!tpu.dma_semaphore, #tpu.memory_space<semaphore_mem>>) src(%arg10 : memref<2048xf32, #tpu.memory_space<vmem>>) dst(%dma_wait3A_357 : memref<2048xf32, #tpu.memory_space<vmem_shared>>)
    %mul3A_358 = arith.constant 98304 : i32
    %mul3A_359 = arith.muli %arg1, %mul3A_358 : i32
    %add3A_360 = arith.constant 24576 : i32
    %add3A_361 = arith.addi %mul3A_359, %add3A_360 : i32
    %dma_wait3A_362 = tpu.memref_slice %arg11[%add3A_361] : memref<1572864xf32, #tpu.memory_space<vmem_shared>> -> memref<2048xf32, #tpu.memory_space<vmem_shared>>
    %dma_wait3A_363 = tpu.memref_slice %arg11[%add3A_361] : memref<1572864xf32, #tpu.memory_space<vmem_shared>> -> memref<2048xf32, #tpu.memory_space<vmem_shared>>
    tpu.wait_dma2 semaphore(%arg14 : memref<!tpu.dma_semaphore, #tpu.memory_space<semaphore_mem>>) src(%arg10 : memref<2048xf32, #tpu.memory_space<vmem>>) dst(%dma_wait3A_363 : memref<2048xf32, #tpu.memory_space<vmem_shared>>)
    %mul3A_364 = arith.constant 98304 : i32
    %mul3A_365 = arith.muli %arg1, %mul3A_364 : i32
    %add3A_366 = arith.constant 26624 : i32
    %add3A_367 = arith.addi %mul3A_365, %add3A_366 : i32
    %dma_wait3A_368 = tpu.memref_slice %arg11[%add3A_367] : memref<1572864xf32, #tpu.memory_space<vmem_shared>> -> memref<2048xf32, #tpu.memory_space<vmem_shared>>
    %dma_wait3A_369 = tpu.memref_slice %arg11[%add3A_367] : memref<1572864xf32, #tpu.memory_space<vmem_shared>> -> memref<2048xf32, #tpu.memory_space<vmem_shared>>
    tpu.wait_dma2 semaphore(%arg14 : memref<!tpu.dma_semaphore, #tpu.memory_space<semaphore_mem>>) src(%arg10 : memref<2048xf32, #tpu.memory_space<vmem>>) dst(%dma_wait3A_369 : memref<2048xf32, #tpu.memory_space<vmem_shared>>)
    %mul3A_370 = arith.constant 98304 : i32
    %mul3A_371 = arith.muli %arg1, %mul3A_370 : i32
    %add3A_372 = arith.constant 28672 : i32
    %add3A_373 = arith.addi %mul3A_371, %add3A_372 : i32
    %dma_wait3A_374 = tpu.memref_slice %arg11[%add3A_373] : memref<1572864xf32, #tpu.memory_space<vmem_shared>> -> memref<2048xf32, #tpu.memory_space<vmem_shared>>
    %dma_wait3A_375 = tpu.memref_slice %arg11[%add3A_373] : memref<1572864xf32, #tpu.memory_space<vmem_shared>> -> memref<2048xf32, #tpu.memory_space<vmem_shared>>
    tpu.wait_dma2 semaphore(%arg14 : memref<!tpu.dma_semaphore, #tpu.memory_space<semaphore_mem>>) src(%arg10 : memref<2048xf32, #tpu.memory_space<vmem>>) dst(%dma_wait3A_375 : memref<2048xf32, #tpu.memory_space<vmem_shared>>)
    %mul3A_376 = arith.constant 98304 : i32
    %mul3A_377 = arith.muli %arg1, %mul3A_376 : i32
    %add3A_378 = arith.constant 30720 : i32
    %add3A_379 = arith.addi %mul3A_377, %add3A_378 : i32
    %dma_wait3A_380 = tpu.memref_slice %arg11[%add3A_379] : memref<1572864xf32, #tpu.memory_space<vmem_shared>> -> memref<2048xf32, #tpu.memory_space<vmem_shared>>
    %dma_wait3A_381 = tpu.memref_slice %arg11[%add3A_379] : memref<1572864xf32, #tpu.memory_space<vmem_shared>> -> memref<2048xf32, #tpu.memory_space<vmem_shared>>
    tpu.wait_dma2 semaphore(%arg14 : memref<!tpu.dma_semaphore, #tpu.memory_space<semaphore_mem>>) src(%arg10 : memref<2048xf32, #tpu.memory_space<vmem>>) dst(%dma_wait3A_381 : memref<2048xf32, #tpu.memory_space<vmem_shared>>)
    %mul3A_382 = arith.constant 98304 : i32
    %mul3A_383 = arith.muli %arg1, %mul3A_382 : i32
    %add3A_384 = arith.constant 32768 : i32
    %add3A_385 = arith.addi %mul3A_383, %add3A_384 : i32
    %dma_wait3A_386 = tpu.memref_slice %arg11[%add3A_385] : memref<1572864xf32, #tpu.memory_space<vmem_shared>> -> memref<2048xf32, #tpu.memory_space<vmem_shared>>
    %dma_wait3A_387 = tpu.memref_slice %arg11[%add3A_385] : memref<1572864xf32, #tpu.memory_space<vmem_shared>> -> memref<2048xf32, #tpu.memory_space<vmem_shared>>
    tpu.wait_dma2 semaphore(%arg14 : memref<!tpu.dma_semaphore, #tpu.memory_space<semaphore_mem>>) src(%arg10 : memref<2048xf32, #tpu.memory_space<vmem>>) dst(%dma_wait3A_387 : memref<2048xf32, #tpu.memory_space<vmem_shared>>)
    %mul3A_388 = arith.constant 98304 : i32
    %mul3A_389 = arith.muli %arg1, %mul3A_388 : i32
    %add3A_390 = arith.constant 34816 : i32
    %add3A_391 = arith.addi %mul3A_389, %add3A_390 : i32
    %dma_wait3A_392 = tpu.memref_slice %arg11[%add3A_391] : memref<1572864xf32, #tpu.memory_space<vmem_shared>> -> memref<2048xf32, #tpu.memory_space<vmem_shared>>
    %dma_wait3A_393 = tpu.memref_slice %arg11[%add3A_391] : memref<1572864xf32, #tpu.memory_space<vmem_shared>> -> memref<2048xf32, #tpu.memory_space<vmem_shared>>
    tpu.wait_dma2 semaphore(%arg14 : memref<!tpu.dma_semaphore, #tpu.memory_space<semaphore_mem>>) src(%arg10 : memref<2048xf32, #tpu.memory_space<vmem>>) dst(%dma_wait3A_393 : memref<2048xf32, #tpu.memory_space<vmem_shared>>)
    %mul3A_394 = arith.constant 98304 : i32
    %mul3A_395 = arith.muli %arg1, %mul3A_394 : i32
    %add3A_396 = arith.constant 36864 : i32
    %add3A_397 = arith.addi %mul3A_395, %add3A_396 : i32
    %dma_wait3A_398 = tpu.memref_slice %arg11[%add3A_397] : memref<1572864xf32, #tpu.memory_space<vmem_shared>> -> memref<2048xf32, #tpu.memory_space<vmem_shared>>
    %dma_wait3A_399 = tpu.memref_slice %arg11[%add3A_397] : memref<1572864xf32, #tpu.memory_space<vmem_shared>> -> memref<2048xf32, #tpu.memory_space<vmem_shared>>
    tpu.wait_dma2 semaphore(%arg14 : memref<!tpu.dma_semaphore, #tpu.memory_space<semaphore_mem>>) src(%arg10 : memref<2048xf32, #tpu.memory_space<vmem>>) dst(%dma_wait3A_399 : memref<2048xf32, #tpu.memory_space<vmem_shared>>)
    %mul3A_400 = arith.constant 98304 : i32
    %mul3A_401 = arith.muli %arg1, %mul3A_400 : i32
    %add3A_402 = arith.constant 38912 : i32
    %add3A_403 = arith.addi %mul3A_401, %add3A_402 : i32
    %dma_wait3A_404 = tpu.memref_slice %arg11[%add3A_403] : memref<1572864xf32, #tpu.memory_space<vmem_shared>> -> memref<2048xf32, #tpu.memory_space<vmem_shared>>
    %dma_wait3A_405 = tpu.memref_slice %arg11[%add3A_403] : memref<1572864xf32, #tpu.memory_space<vmem_shared>> -> memref<2048xf32, #tpu.memory_space<vmem_shared>>
    tpu.wait_dma2 semaphore(%arg14 : memref<!tpu.dma_semaphore, #tpu.memory_space<semaphore_mem>>) src(%arg10 : memref<2048xf32, #tpu.memory_space<vmem>>) dst(%dma_wait3A_405 : memref<2048xf32, #tpu.memory_space<vmem_shared>>)
    %mul3A_406 = arith.constant 98304 : i32
    %mul3A_407 = arith.muli %arg1, %mul3A_406 : i32
    %add3A_408 = arith.constant 40960 : i32
    %add3A_409 = arith.addi %mul3A_407, %add3A_408 : i32
    %dma_wait3A_410 = tpu.memref_slice %arg11[%add3A_409] : memref<1572864xf32, #tpu.memory_space<vmem_shared>> -> memref<2048xf32, #tpu.memory_space<vmem_shared>>
    %dma_wait3A_411 = tpu.memref_slice %arg11[%add3A_409] : memref<1572864xf32, #tpu.memory_space<vmem_shared>> -> memref<2048xf32, #tpu.memory_space<vmem_shared>>
    tpu.wait_dma2 semaphore(%arg14 : memref<!tpu.dma_semaphore, #tpu.memory_space<semaphore_mem>>) src(%arg10 : memref<2048xf32, #tpu.memory_space<vmem>>) dst(%dma_wait3A_411 : memref<2048xf32, #tpu.memory_space<vmem_shared>>)
    %mul3A_412 = arith.constant 98304 : i32
    %mul3A_413 = arith.muli %arg1, %mul3A_412 : i32
    %add3A_414 = arith.constant 43008 : i32
    %add3A_415 = arith.addi %mul3A_413, %add3A_414 : i32
    %dma_wait3A_416 = tpu.memref_slice %arg11[%add3A_415] : memref<1572864xf32, #tpu.memory_space<vmem_shared>> -> memref<2048xf32, #tpu.memory_space<vmem_shared>>
    %dma_wait3A_417 = tpu.memref_slice %arg11[%add3A_415] : memref<1572864xf32, #tpu.memory_space<vmem_shared>> -> memref<2048xf32, #tpu.memory_space<vmem_shared>>
    tpu.wait_dma2 semaphore(%arg14 : memref<!tpu.dma_semaphore, #tpu.memory_space<semaphore_mem>>) src(%arg10 : memref<2048xf32, #tpu.memory_space<vmem>>) dst(%dma_wait3A_417 : memref<2048xf32, #tpu.memory_space<vmem_shared>>)
    %mul3A_418 = arith.constant 98304 : i32
    %mul3A_419 = arith.muli %arg1, %mul3A_418 : i32
    %add3A_420 = arith.constant 45056 : i32
    %add3A_421 = arith.addi %mul3A_419, %add3A_420 : i32
    %dma_wait3A_422 = tpu.memref_slice %arg11[%add3A_421] : memref<1572864xf32, #tpu.memory_space<vmem_shared>> -> memref<2048xf32, #tpu.memory_space<vmem_shared>>
    %dma_wait3A_423 = tpu.memref_slice %arg11[%add3A_421] : memref<1572864xf32, #tpu.memory_space<vmem_shared>> -> memref<2048xf32, #tpu.memory_space<vmem_shared>>
    tpu.wait_dma2 semaphore(%arg14 : memref<!tpu.dma_semaphore, #tpu.memory_space<semaphore_mem>>) src(%arg10 : memref<2048xf32, #tpu.memory_space<vmem>>) dst(%dma_wait3A_423 : memref<2048xf32, #tpu.memory_space<vmem_shared>>)
    %mul3A_424 = arith.constant 98304 : i32
    %mul3A_425 = arith.muli %arg1, %mul3A_424 : i32
    %add3A_426 = arith.constant 47104 : i32
    %add3A_427 = arith.addi %mul3A_425, %add3A_426 : i32
    %dma_wait3A_428 = tpu.memref_slice %arg11[%add3A_427] : memref<1572864xf32, #tpu.memory_space<vmem_shared>> -> memref<2048xf32, #tpu.memory_space<vmem_shared>>
    %dma_wait3A_429 = tpu.memref_slice %arg11[%add3A_427] : memref<1572864xf32, #tpu.memory_space<vmem_shared>> -> memref<2048xf32, #tpu.memory_space<vmem_shared>>
    tpu.wait_dma2 semaphore(%arg14 : memref<!tpu.dma_semaphore, #tpu.memory_space<semaphore_mem>>) src(%arg10 : memref<2048xf32, #tpu.memory_space<vmem>>) dst(%dma_wait3A_429 : memref<2048xf32, #tpu.memory_space<vmem_shared>>)
    %mul3A_430 = arith.constant 98304 : i32
    %mul3A_431 = arith.muli %arg1, %mul3A_430 : i32
    %add3A_432 = arith.constant 49152 : i32
    %add3A_433 = arith.addi %mul3A_431, %add3A_432 : i32
    %dma_wait3A_434 = tpu.memref_slice %arg11[%add3A_433] : memref<1572864xf32, #tpu.memory_space<vmem_shared>> -> memref<2048xf32, #tpu.memory_space<vmem_shared>>
    %dma_wait3A_435 = tpu.memref_slice %arg11[%add3A_433] : memref<1572864xf32, #tpu.memory_space<vmem_shared>> -> memref<2048xf32, #tpu.memory_space<vmem_shared>>
    tpu.wait_dma2 semaphore(%arg14 : memref<!tpu.dma_semaphore, #tpu.memory_space<semaphore_mem>>) src(%arg10 : memref<2048xf32, #tpu.memory_space<vmem>>) dst(%dma_wait3A_435 : memref<2048xf32, #tpu.memory_space<vmem_shared>>)
    %mul3A_436 = arith.constant 98304 : i32
    %mul3A_437 = arith.muli %arg1, %mul3A_436 : i32
    %add3A_438 = arith.constant 51200 : i32
    %add3A_439 = arith.addi %mul3A_437, %add3A_438 : i32
    %dma_wait3A_440 = tpu.memref_slice %arg11[%add3A_439] : memref<1572864xf32, #tpu.memory_space<vmem_shared>> -> memref<2048xf32, #tpu.memory_space<vmem_shared>>
    %dma_wait3A_441 = tpu.memref_slice %arg11[%add3A_439] : memref<1572864xf32, #tpu.memory_space<vmem_shared>> -> memref<2048xf32, #tpu.memory_space<vmem_shared>>
    tpu.wait_dma2 semaphore(%arg14 : memref<!tpu.dma_semaphore, #tpu.memory_space<semaphore_mem>>) src(%arg10 : memref<2048xf32, #tpu.memory_space<vmem>>) dst(%dma_wait3A_441 : memref<2048xf32, #tpu.memory_space<vmem_shared>>)
    %mul3A_442 = arith.constant 98304 : i32
    %mul3A_443 = arith.muli %arg1, %mul3A_442 : i32
    %add3A_444 = arith.constant 53248 : i32
    %add3A_445 = arith.addi %mul3A_443, %add3A_444 : i32
    %dma_wait3A_446 = tpu.memref_slice %arg11[%add3A_445] : memref<1572864xf32, #tpu.memory_space<vmem_shared>> -> memref<2048xf32, #tpu.memory_space<vmem_shared>>
    %dma_wait3A_447 = tpu.memref_slice %arg11[%add3A_445] : memref<1572864xf32, #tpu.memory_space<vmem_shared>> -> memref<2048xf32, #tpu.memory_space<vmem_shared>>
    tpu.wait_dma2 semaphore(%arg14 : memref<!tpu.dma_semaphore, #tpu.memory_space<semaphore_mem>>) src(%arg10 : memref<2048xf32, #tpu.memory_space<vmem>>) dst(%dma_wait3A_447 : memref<2048xf32, #tpu.memory_space<vmem_shared>>)
    %mul3A_448 = arith.constant 98304 : i32
    %mul3A_449 = arith.muli %arg1, %mul3A_448 : i32
    %add3A_450 = arith.constant 55296 : i32
    %add3A_451 = arith.addi %mul3A_449, %add3A_450 : i32
    %dma_wait3A_452 = tpu.memref_slice %arg11[%add3A_451] : memref<1572864xf32, #tpu.memory_space<vmem_shared>> -> memref<2048xf32, #tpu.memory_space<vmem_shared>>
    %dma_wait3A_453 = tpu.memref_slice %arg11[%add3A_451] : memref<1572864xf32, #tpu.memory_space<vmem_shared>> -> memref<2048xf32, #tpu.memory_space<vmem_shared>>
    tpu.wait_dma2 semaphore(%arg14 : memref<!tpu.dma_semaphore, #tpu.memory_space<semaphore_mem>>) src(%arg10 : memref<2048xf32, #tpu.memory_space<vmem>>) dst(%dma_wait3A_453 : memref<2048xf32, #tpu.memory_space<vmem_shared>>)
    %mul3A_454 = arith.constant 98304 : i32
    %mul3A_455 = arith.muli %arg1, %mul3A_454 : i32
    %add3A_456 = arith.constant 57344 : i32
    %add3A_457 = arith.addi %mul3A_455, %add3A_456 : i32
    %dma_wait3A_458 = tpu.memref_slice %arg11[%add3A_457] : memref<1572864xf32, #tpu.memory_space<vmem_shared>> -> memref<2048xf32, #tpu.memory_space<vmem_shared>>
    %dma_wait3A_459 = tpu.memref_slice %arg11[%add3A_457] : memref<1572864xf32, #tpu.memory_space<vmem_shared>> -> memref<2048xf32, #tpu.memory_space<vmem_shared>>
    tpu.wait_dma2 semaphore(%arg14 : memref<!tpu.dma_semaphore, #tpu.memory_space<semaphore_mem>>) src(%arg10 : memref<2048xf32, #tpu.memory_space<vmem>>) dst(%dma_wait3A_459 : memref<2048xf32, #tpu.memory_space<vmem_shared>>)
    %mul3A_460 = arith.constant 98304 : i32
    %mul3A_461 = arith.muli %arg1, %mul3A_460 : i32
    %add3A_462 = arith.constant 59392 : i32
    %add3A_463 = arith.addi %mul3A_461, %add3A_462 : i32
    %dma_wait3A_464 = tpu.memref_slice %arg11[%add3A_463] : memref<1572864xf32, #tpu.memory_space<vmem_shared>> -> memref<2048xf32, #tpu.memory_space<vmem_shared>>
    %dma_wait3A_465 = tpu.memref_slice %arg11[%add3A_463] : memref<1572864xf32, #tpu.memory_space<vmem_shared>> -> memref<2048xf32, #tpu.memory_space<vmem_shared>>
    tpu.wait_dma2 semaphore(%arg14 : memref<!tpu.dma_semaphore, #tpu.memory_space<semaphore_mem>>) src(%arg10 : memref<2048xf32, #tpu.memory_space<vmem>>) dst(%dma_wait3A_465 : memref<2048xf32, #tpu.memory_space<vmem_shared>>)
    %mul3A_466 = arith.constant 98304 : i32
    %mul3A_467 = arith.muli %arg1, %mul3A_466 : i32
    %add3A_468 = arith.constant 61440 : i32
    %add3A_469 = arith.addi %mul3A_467, %add3A_468 : i32
    %dma_wait3A_470 = tpu.memref_slice %arg11[%add3A_469] : memref<1572864xf32, #tpu.memory_space<vmem_shared>> -> memref<2048xf32, #tpu.memory_space<vmem_shared>>
    %dma_wait3A_471 = tpu.memref_slice %arg11[%add3A_469] : memref<1572864xf32, #tpu.memory_space<vmem_shared>> -> memref<2048xf32, #tpu.memory_space<vmem_shared>>
    tpu.wait_dma2 semaphore(%arg14 : memref<!tpu.dma_semaphore, #tpu.memory_space<semaphore_mem>>) src(%arg10 : memref<2048xf32, #tpu.memory_space<vmem>>) dst(%dma_wait3A_471 : memref<2048xf32, #tpu.memory_space<vmem_shared>>)
    %mul3A_472 = arith.constant 98304 : i32
    %mul3A_473 = arith.muli %arg1, %mul3A_472 : i32
    %add3A_474 = arith.constant 63488 : i32
    %add3A_475 = arith.addi %mul3A_473, %add3A_474 : i32
    %dma_wait3A_476 = tpu.memref_slice %arg11[%add3A_475] : memref<1572864xf32, #tpu.memory_space<vmem_shared>> -> memref<2048xf32, #tpu.memory_space<vmem_shared>>
    %dma_wait3A_477 = tpu.memref_slice %arg11[%add3A_475] : memref<1572864xf32, #tpu.memory_space<vmem_shared>> -> memref<2048xf32, #tpu.memory_space<vmem_shared>>
    tpu.wait_dma2 semaphore(%arg14 : memref<!tpu.dma_semaphore, #tpu.memory_space<semaphore_mem>>) src(%arg10 : memref<2048xf32, #tpu.memory_space<vmem>>) dst(%dma_wait3A_477 : memref<2048xf32, #tpu.memory_space<vmem_shared>>)
    %mul3A_478 = arith.constant 98304 : i32
    %mul3A_479 = arith.muli %arg1, %mul3A_478 : i32
    %add3A_480 = arith.constant 65536 : i32
    %add3A_481 = arith.addi %mul3A_479, %add3A_480 : i32
    %dma_wait3A_482 = tpu.memref_slice %arg11[%add3A_481] : memref<1572864xf32, #tpu.memory_space<vmem_shared>> -> memref<2048xf32, #tpu.memory_space<vmem_shared>>
    %dma_wait3A_483 = tpu.memref_slice %arg11[%add3A_481] : memref<1572864xf32, #tpu.memory_space<vmem_shared>> -> memref<2048xf32, #tpu.memory_space<vmem_shared>>
    tpu.wait_dma2 semaphore(%arg14 : memref<!tpu.dma_semaphore, #tpu.memory_space<semaphore_mem>>) src(%arg10 : memref<2048xf32, #tpu.memory_space<vmem>>) dst(%dma_wait3A_483 : memref<2048xf32, #tpu.memory_space<vmem_shared>>)
    %mul3A_484 = arith.constant 98304 : i32
    %mul3A_485 = arith.muli %arg1, %mul3A_484 : i32
    %add3A_486 = arith.constant 67584 : i32
    %add3A_487 = arith.addi %mul3A_485, %add3A_486 : i32
    %dma_wait3A_488 = tpu.memref_slice %arg11[%add3A_487] : memref<1572864xf32, #tpu.memory_space<vmem_shared>> -> memref<2048xf32, #tpu.memory_space<vmem_shared>>
    %dma_wait3A_489 = tpu.memref_slice %arg11[%add3A_487] : memref<1572864xf32, #tpu.memory_space<vmem_shared>> -> memref<2048xf32, #tpu.memory_space<vmem_shared>>
    tpu.wait_dma2 semaphore(%arg14 : memref<!tpu.dma_semaphore, #tpu.memory_space<semaphore_mem>>) src(%arg10 : memref<2048xf32, #tpu.memory_space<vmem>>) dst(%dma_wait3A_489 : memref<2048xf32, #tpu.memory_space<vmem_shared>>)
    %mul3A_490 = arith.constant 98304 : i32
    %mul3A_491 = arith.muli %arg1, %mul3A_490 : i32
    %add3A_492 = arith.constant 69632 : i32
    %add3A_493 = arith.addi %mul3A_491, %add3A_492 : i32
    %dma_wait3A_494 = tpu.memref_slice %arg11[%add3A_493] : memref<1572864xf32, #tpu.memory_space<vmem_shared>> -> memref<2048xf32, #tpu.memory_space<vmem_shared>>
    %dma_wait3A_495 = tpu.memref_slice %arg11[%add3A_493] : memref<1572864xf32, #tpu.memory_space<vmem_shared>> -> memref<2048xf32, #tpu.memory_space<vmem_shared>>
    tpu.wait_dma2 semaphore(%arg14 : memref<!tpu.dma_semaphore, #tpu.memory_space<semaphore_mem>>) src(%arg10 : memref<2048xf32, #tpu.memory_space<vmem>>) dst(%dma_wait3A_495 : memref<2048xf32, #tpu.memory_space<vmem_shared>>)
    %mul3A_496 = arith.constant 98304 : i32
    %mul3A_497 = arith.muli %arg1, %mul3A_496 : i32
    %add3A_498 = arith.constant 71680 : i32
    %add3A_499 = arith.addi %mul3A_497, %add3A_498 : i32
    %dma_wait3A_500 = tpu.memref_slice %arg11[%add3A_499] : memref<1572864xf32, #tpu.memory_space<vmem_shared>> -> memref<2048xf32, #tpu.memory_space<vmem_shared>>
    %dma_wait3A_501 = tpu.memref_slice %arg11[%add3A_499] : memref<1572864xf32, #tpu.memory_space<vmem_shared>> -> memref<2048xf32, #tpu.memory_space<vmem_shared>>
    tpu.wait_dma2 semaphore(%arg14 : memref<!tpu.dma_semaphore, #tpu.memory_space<semaphore_mem>>) src(%arg10 : memref<2048xf32, #tpu.memory_space<vmem>>) dst(%dma_wait3A_501 : memref<2048xf32, #tpu.memory_space<vmem_shared>>)
    %mul3A_502 = arith.constant 98304 : i32
    %mul3A_503 = arith.muli %arg1, %mul3A_502 : i32
    %add3A_504 = arith.constant 73728 : i32
    %add3A_505 = arith.addi %mul3A_503, %add3A_504 : i32
    %dma_wait3A_506 = tpu.memref_slice %arg11[%add3A_505] : memref<1572864xf32, #tpu.memory_space<vmem_shared>> -> memref<2048xf32, #tpu.memory_space<vmem_shared>>
    %dma_wait3A_507 = tpu.memref_slice %arg11[%add3A_505] : memref<1572864xf32, #tpu.memory_space<vmem_shared>> -> memref<2048xf32, #tpu.memory_space<vmem_shared>>
    tpu.wait_dma2 semaphore(%arg14 : memref<!tpu.dma_semaphore, #tpu.memory_space<semaphore_mem>>) src(%arg10 : memref<2048xf32, #tpu.memory_space<vmem>>) dst(%dma_wait3A_507 : memref<2048xf32, #tpu.memory_space<vmem_shared>>)
    %mul3A_508 = arith.constant 98304 : i32
    %mul3A_509 = arith.muli %arg1, %mul3A_508 : i32
    %add3A_510 = arith.constant 75776 : i32
    %add3A_511 = arith.addi %mul3A_509, %add3A_510 : i32
    %dma_wait3A_512 = tpu.memref_slice %arg11[%add3A_511] : memref<1572864xf32, #tpu.memory_space<vmem_shared>> -> memref<2048xf32, #tpu.memory_space<vmem_shared>>
    %dma_wait3A_513 = tpu.memref_slice %arg11[%add3A_511] : memref<1572864xf32, #tpu.memory_space<vmem_shared>> -> memref<2048xf32, #tpu.memory_space<vmem_shared>>
    tpu.wait_dma2 semaphore(%arg14 : memref<!tpu.dma_semaphore, #tpu.memory_space<semaphore_mem>>) src(%arg10 : memref<2048xf32, #tpu.memory_space<vmem>>) dst(%dma_wait3A_513 : memref<2048xf32, #tpu.memory_space<vmem_shared>>)
    %mul3A_514 = arith.constant 98304 : i32
    %mul3A_515 = arith.muli %arg1, %mul3A_514 : i32
    %add3A_516 = arith.constant 77824 : i32
    %add3A_517 = arith.addi %mul3A_515, %add3A_516 : i32
    %dma_wait3A_518 = tpu.memref_slice %arg11[%add3A_517] : memref<1572864xf32, #tpu.memory_space<vmem_shared>> -> memref<2048xf32, #tpu.memory_space<vmem_shared>>
    %dma_wait3A_519 = tpu.memref_slice %arg11[%add3A_517] : memref<1572864xf32, #tpu.memory_space<vmem_shared>> -> memref<2048xf32, #tpu.memory_space<vmem_shared>>
    tpu.wait_dma2 semaphore(%arg14 : memref<!tpu.dma_semaphore, #tpu.memory_space<semaphore_mem>>) src(%arg10 : memref<2048xf32, #tpu.memory_space<vmem>>) dst(%dma_wait3A_519 : memref<2048xf32, #tpu.memory_space<vmem_shared>>)
    %mul3A_520 = arith.constant 98304 : i32
    %mul3A_521 = arith.muli %arg1, %mul3A_520 : i32
    %add3A_522 = arith.constant 79872 : i32
    %add3A_523 = arith.addi %mul3A_521, %add3A_522 : i32
    %dma_wait3A_524 = tpu.memref_slice %arg11[%add3A_523] : memref<1572864xf32, #tpu.memory_space<vmem_shared>> -> memref<2048xf32, #tpu.memory_space<vmem_shared>>
    %dma_wait3A_525 = tpu.memref_slice %arg11[%add3A_523] : memref<1572864xf32, #tpu.memory_space<vmem_shared>> -> memref<2048xf32, #tpu.memory_space<vmem_shared>>
    tpu.wait_dma2 semaphore(%arg14 : memref<!tpu.dma_semaphore, #tpu.memory_space<semaphore_mem>>) src(%arg10 : memref<2048xf32, #tpu.memory_space<vmem>>) dst(%dma_wait3A_525 : memref<2048xf32, #tpu.memory_space<vmem_shared>>)
    %mul3A_526 = arith.constant 98304 : i32
    %mul3A_527 = arith.muli %arg1, %mul3A_526 : i32
    %add3A_528 = arith.constant 81920 : i32
    %add3A_529 = arith.addi %mul3A_527, %add3A_528 : i32
    %dma_wait3A_530 = tpu.memref_slice %arg11[%add3A_529] : memref<1572864xf32, #tpu.memory_space<vmem_shared>> -> memref<2048xf32, #tpu.memory_space<vmem_shared>>
    %dma_wait3A_531 = tpu.memref_slice %arg11[%add3A_529] : memref<1572864xf32, #tpu.memory_space<vmem_shared>> -> memref<2048xf32, #tpu.memory_space<vmem_shared>>
    tpu.wait_dma2 semaphore(%arg14 : memref<!tpu.dma_semaphore, #tpu.memory_space<semaphore_mem>>) src(%arg10 : memref<2048xf32, #tpu.memory_space<vmem>>) dst(%dma_wait3A_531 : memref<2048xf32, #tpu.memory_space<vmem_shared>>)
    %mul3A_532 = arith.constant 98304 : i32
    %mul3A_533 = arith.muli %arg1, %mul3A_532 : i32
    %add3A_534 = arith.constant 83968 : i32
    %add3A_535 = arith.addi %mul3A_533, %add3A_534 : i32
    %dma_wait3A_536 = tpu.memref_slice %arg11[%add3A_535] : memref<1572864xf32, #tpu.memory_space<vmem_shared>> -> memref<2048xf32, #tpu.memory_space<vmem_shared>>
    %dma_wait3A_537 = tpu.memref_slice %arg11[%add3A_535] : memref<1572864xf32, #tpu.memory_space<vmem_shared>> -> memref<2048xf32, #tpu.memory_space<vmem_shared>>
    tpu.wait_dma2 semaphore(%arg14 : memref<!tpu.dma_semaphore, #tpu.memory_space<semaphore_mem>>) src(%arg10 : memref<2048xf32, #tpu.memory_space<vmem>>) dst(%dma_wait3A_537 : memref<2048xf32, #tpu.memory_space<vmem_shared>>)
    %mul3A_538 = arith.constant 98304 : i32
    %mul3A_539 = arith.muli %arg1, %mul3A_538 : i32
    %add3A_540 = arith.constant 86016 : i32
    %add3A_541 = arith.addi %mul3A_539, %add3A_540 : i32
    %dma_wait3A_542 = tpu.memref_slice %arg11[%add3A_541] : memref<1572864xf32, #tpu.memory_space<vmem_shared>> -> memref<2048xf32, #tpu.memory_space<vmem_shared>>
    %dma_wait3A_543 = tpu.memref_slice %arg11[%add3A_541] : memref<1572864xf32, #tpu.memory_space<vmem_shared>> -> memref<2048xf32, #tpu.memory_space<vmem_shared>>
    tpu.wait_dma2 semaphore(%arg14 : memref<!tpu.dma_semaphore, #tpu.memory_space<semaphore_mem>>) src(%arg10 : memref<2048xf32, #tpu.memory_space<vmem>>) dst(%dma_wait3A_543 : memref<2048xf32, #tpu.memory_space<vmem_shared>>)
    %mul3A_544 = arith.constant 98304 : i32
    %mul3A_545 = arith.muli %arg1, %mul3A_544 : i32
    %add3A_546 = arith.constant 88064 : i32
    %add3A_547 = arith.addi %mul3A_545, %add3A_546 : i32
    %dma_wait3A_548 = tpu.memref_slice %arg11[%add3A_547] : memref<1572864xf32, #tpu.memory_space<vmem_shared>> -> memref<2048xf32, #tpu.memory_space<vmem_shared>>
    %dma_wait3A_549 = tpu.memref_slice %arg11[%add3A_547] : memref<1572864xf32, #tpu.memory_space<vmem_shared>> -> memref<2048xf32, #tpu.memory_space<vmem_shared>>
    tpu.wait_dma2 semaphore(%arg14 : memref<!tpu.dma_semaphore, #tpu.memory_space<semaphore_mem>>) src(%arg10 : memref<2048xf32, #tpu.memory_space<vmem>>) dst(%dma_wait3A_549 : memref<2048xf32, #tpu.memory_space<vmem_shared>>)
    %mul3A_550 = arith.constant 98304 : i32
    %mul3A_551 = arith.muli %arg1, %mul3A_550 : i32
    %add3A_552 = arith.constant 90112 : i32
    %add3A_553 = arith.addi %mul3A_551, %add3A_552 : i32
    %dma_wait3A_554 = tpu.memref_slice %arg11[%add3A_553] : memref<1572864xf32, #tpu.memory_space<vmem_shared>> -> memref<2048xf32, #tpu.memory_space<vmem_shared>>
    %dma_wait3A_555 = tpu.memref_slice %arg11[%add3A_553] : memref<1572864xf32, #tpu.memory_space<vmem_shared>> -> memref<2048xf32, #tpu.memory_space<vmem_shared>>
    tpu.wait_dma2 semaphore(%arg14 : memref<!tpu.dma_semaphore, #tpu.memory_space<semaphore_mem>>) src(%arg10 : memref<2048xf32, #tpu.memory_space<vmem>>) dst(%dma_wait3A_555 : memref<2048xf32, #tpu.memory_space<vmem_shared>>)
    %mul3A_556 = arith.constant 98304 : i32
    %mul3A_557 = arith.muli %arg1, %mul3A_556 : i32
    %add3A_558 = arith.constant 92160 : i32
    %add3A_559 = arith.addi %mul3A_557, %add3A_558 : i32
    %dma_wait3A_560 = tpu.memref_slice %arg11[%add3A_559] : memref<1572864xf32, #tpu.memory_space<vmem_shared>> -> memref<2048xf32, #tpu.memory_space<vmem_shared>>
    %dma_wait3A_561 = tpu.memref_slice %arg11[%add3A_559] : memref<1572864xf32, #tpu.memory_space<vmem_shared>> -> memref<2048xf32, #tpu.memory_space<vmem_shared>>
    tpu.wait_dma2 semaphore(%arg14 : memref<!tpu.dma_semaphore, #tpu.memory_space<semaphore_mem>>) src(%arg10 : memref<2048xf32, #tpu.memory_space<vmem>>) dst(%dma_wait3A_561 : memref<2048xf32, #tpu.memory_space<vmem_shared>>)
    %mul3A_562 = arith.constant 98304 : i32
    %mul3A_563 = arith.muli %arg1, %mul3A_562 : i32
    %add3A_564 = arith.constant 94208 : i32
    %add3A_565 = arith.addi %mul3A_563, %add3A_564 : i32
    %dma_wait3A_566 = tpu.memref_slice %arg11[%add3A_565] : memref<1572864xf32, #tpu.memory_space<vmem_shared>> -> memref<2048xf32, #tpu.memory_space<vmem_shared>>
    %dma_wait3A_567 = tpu.memref_slice %arg11[%add3A_565] : memref<1572864xf32, #tpu.memory_space<vmem_shared>> -> memref<2048xf32, #tpu.memory_space<vmem_shared>>
    tpu.wait_dma2 semaphore(%arg14 : memref<!tpu.dma_semaphore, #tpu.memory_space<semaphore_mem>>) src(%arg10 : memref<2048xf32, #tpu.memory_space<vmem>>) dst(%dma_wait3A_567 : memref<2048xf32, #tpu.memory_space<vmem_shared>>)
    %mul3A_568 = arith.constant 98304 : i32
    %mul3A_569 = arith.muli %arg1, %mul3A_568 : i32
    %add3A_570 = arith.constant 96256 : i32
    %add3A_571 = arith.addi %mul3A_569, %add3A_570 : i32
    %dma_wait3A_572 = tpu.memref_slice %arg11[%add3A_571] : memref<1572864xf32, #tpu.memory_space<vmem_shared>> -> memref<2048xf32, #tpu.memory_space<vmem_shared>>
    %dma_wait3A_573 = tpu.memref_slice %arg11[%add3A_571] : memref<1572864xf32, #tpu.memory_space<vmem_shared>> -> memref<2048xf32, #tpu.memory_space<vmem_shared>>
    tpu.wait_dma2 semaphore(%arg14 : memref<!tpu.dma_semaphore, #tpu.memory_space<semaphore_mem>>) src(%arg10 : memref<2048xf32, #tpu.memory_space<vmem>>) dst(%dma_wait3A_573 : memref<2048xf32, #tpu.memory_space<vmem_shared>>)
    %barrier3A = arith.constant 0 : index
    tpu.barrier barrier_id(%barrier3A)
    %sub3A = arith.constant 22 : i32
    %sub3A_574 = arith.subi %sub3A, %arg0 : i32
    %while3A = arith.constant 0 : i32
    %while3A_575 = arith.constant 0 : i32
    %while3A_576 = arith.subi %sub3A_574, %while3A : i32
    %while3A_577 = arith.addi %while3A, %while3A_576 : i32
    %while3A_578 = arith.constant 1 : i32
    %while3A_579 = arith.divsi %while3A_576, %while3A_578 : i32
    %while3A_580 = arith.muli %while3A_579, %while3A_578 : i32
    %while3A_581 = arith.addi %while3A, %while3A_580 : i32
    %while3A_582 = arith.constant 1 : i32
    %while3A_583 = scf.for %while3A_586 = %while3A to %while3A_581 step %while3A_582 iter_args(%while3A_587 = %while3A_575) -> (i32)  : i32 {
      %mul3A_588 = arith.constant 22 : i32
      %mul3A_589 = arith.muli %arg0, %mul3A_588 : i32
      %add3A_590 = arith.addi %while3A_586, %mul3A_589 : i32
      %mul3A_591 = arith.constant 1572864 : i32
      %mul3A_592 = arith.muli %add3A_590, %mul3A_591 : i32
      %broadcast_in_dim3A = arith.constant 1 : i32
      %broadcast_in_dim3A_593 = vector.broadcast %broadcast_in_dim3A : i32 to vector<16xi32>
      %shift_left3A = arith.constant 2 : i32
      %shift_left3A_594 = vector.broadcast %shift_left3A : i32 to vector<16xi32>
      %shift_left3A_595 = arith.shli %iota3A, %shift_left3A_594 : vector<16xi32>
      %broadcast_in_dim3A_596 = arith.constant 0 : i32
      %broadcast_in_dim3A_597 = vector.broadcast %broadcast_in_dim3A_596 : i32 to vector<16xi32>
      %scan3A = arith.constant 0 : i32
      %scan3A_598 = arith.constant 0 : i32
      %scan3A_599 = arith.constant 22 : i32
      %scan3A_600 = arith.addi %scan3A_598, %scan3A_599 : i32
      %scan3A_601 = arith.constant 1 : i32
      %scan3A_602:2 = scf.for %scan3A_1349 = %scan3A_598 to %scan3A_600 step %scan3A_601 iter_args(%scan3A_1350 = %broadcast_in_dim3A_597, %scan3A_1351 = %scan3A) -> (vector<16xi32>, i32)  : i32 {
        %mul3A_1352 = arith.constant 48 : i32
        %mul3A_1353 = arith.muli %scan3A_1349, %mul3A_1352 : i32
        %add3A_1354 = arith.constant 1 : i32
        %add3A_1355 = arith.addi %scan3A_1349, %add3A_1354 : i32
        %mul3A_1356 = arith.constant 48 : i32
        %mul3A_1357 = arith.muli %add3A_1355, %mul3A_1356 : i32
        %parallel_loop3A = arith.constant 1 : i32
        %parallel_loop3A_1358 = scf.for %parallel_loop3A_1373 = %mul3A_1353 to %mul3A_1357 step %parallel_loop3A iter_args(%parallel_loop3A_1374 = %scan3A_1350) -> (vector<16xi32>)  : i32 {
          %parallel_loop3A_1375 = arith.constant 16 : i32
          %parallel_loop3A_1376 = arith.muli %parallel_loop3A_1373, %parallel_loop3A_1375 : i32
          %parallel_loop3A_1377 = arith.index_cast %parallel_loop3A_1376 : i32 to index
          %parallel_loop3A_1378 = tpu.vector_load %arg6[%parallel_loop3A_1377] {strides = array<i32>} : memref<16896xi32, #tpu.memory_space<vmem>>, vector<16xi32>,
          %parallel_loop3A_1379 = vector.broadcast %mul3A_592 : i32 to vector<16xi32>
          %parallel_loop3A_1380 = arith.subi %parallel_loop3A_1378, %parallel_loop3A_1379 : vector<16xi32>
          %parallel_loop3A_1381 = vector.bitcast %parallel_loop3A_1380 : vector<16xi32> to vector<16xi32>
          %parallel_loop3A_1382 = arith.constant 1572864 : i32
          %parallel_loop3A_1383 = vector.broadcast %parallel_loop3A_1382 : i32 to vector<16xi32>
          %parallel_loop3A_1384 = arith.cmpi ult, %parallel_loop3A_1381, %parallel_loop3A_1383 : vector<16xi32>
          %parallel_loop3A_1385 = tpu.scan <sum>, %broadcast_in_dim3A_593 masked %parallel_loop3A_1384 : vector<16xi32>, vector<16xi1> -> vector<16xi32>
          %parallel_loop3A_1386 = arith.constant 1 : i32
          %parallel_loop3A_1387 = vector.broadcast %parallel_loop3A_1386 : i32 to vector<16xi32>
          %parallel_loop3A_1388 = arith.subi %parallel_loop3A_1385, %parallel_loop3A_1387 : vector<16xi32>
          %parallel_loop3A_1389 = arith.constant 2 : i32
          %parallel_loop3A_1390 = vector.broadcast %parallel_loop3A_1389 : i32 to vector<16xi32>
          %parallel_loop3A_1391 = arith.shli %parallel_loop3A_1388, %parallel_loop3A_1390 : vector<16xi32>
          %parallel_loop3A_1392 = arith.addi %parallel_loop3A_1374, %parallel_loop3A_1391 : vector<16xi32>
          %parallel_loop3A_1393 = arith.constant 7 : i32
          %parallel_loop3A_1394 = vector.broadcast %parallel_loop3A_1393 : i32 to vector<16xi32>
          %parallel_loop3A_1395 = arith.shrui %parallel_loop3A_1392, %parallel_loop3A_1394 : vector<16xi32>
          %parallel_loop3A_1396 = arith.constant 31 : i32
          %parallel_loop3A_1397 = vector.broadcast %parallel_loop3A_1396 : i32 to vector<16xi32>
          %parallel_loop3A_1398 = arith.andi %parallel_loop3A_1395, %parallel_loop3A_1397 : vector<16xi32>
          %parallel_loop3A_1399 = arith.constant 127 : i32
          %parallel_loop3A_1400 = vector.broadcast %parallel_loop3A_1399 : i32 to vector<16xi32>
          %parallel_loop3A_1401 = arith.andi %parallel_loop3A_1392, %parallel_loop3A_1400 : vector<16xi32>
          %parallel_loop3A_1402 = arith.constant 16 : i32
          %parallel_loop3A_1403 = arith.muli %parallel_loop3A_1373, %parallel_loop3A_1402 : i32
          %parallel_loop3A_1404 = arith.addi %mul3A_0, %parallel_loop3A_1403 : i32
          %parallel_loop3A_1405 = arith.constant 2 : i32
          %parallel_loop3A_1406 = arith.shli %parallel_loop3A_1404, %parallel_loop3A_1405 : i32
          %parallel_loop3A_1407 = vector.broadcast %parallel_loop3A_1406 : i32 to vector<16xi32>
          %parallel_loop3A_1408 = arith.addi %parallel_loop3A_1407, %shift_left3A_595 : vector<16xi32>
          tpu.vector_store_idx %arg7[%parallel_loop3A_1398, %parallel_loop3A_1401], %parallel_loop3A_1408 masked %parallel_loop3A_1384 : memref<32x128xi32, #tpu.memory_space<vmem>>[vector<16xi32>, vector<16xi32>], vector<16xi32>, vector<16xi1>
          %parallel_loop3A_1409 = arith.constant 1 : i32
          %parallel_loop3A_1410 = vector.broadcast %parallel_loop3A_1409 : i32 to vector<16xi32>
          %parallel_loop3A_1411 = arith.addi %parallel_loop3A_1401, %parallel_loop3A_1410 : vector<16xi32>
          %parallel_loop3A_1412 = arith.constant 1 : i32
          %parallel_loop3A_1413 = vector.broadcast %parallel_loop3A_1412 : i32 to vector<16xi32>
          %parallel_loop3A_1414 = arith.addi %parallel_loop3A_1408, %parallel_loop3A_1413 : vector<16xi32>
          tpu.vector_store_idx %arg7[%parallel_loop3A_1398, %parallel_loop3A_1411], %parallel_loop3A_1414 masked %parallel_loop3A_1384 : memref<32x128xi32, #tpu.memory_space<vmem>>[vector<16xi32>, vector<16xi32>], vector<16xi32>, vector<16xi1>
          %parallel_loop3A_1415 = arith.constant 2 : i32
          %parallel_loop3A_1416 = vector.broadcast %parallel_loop3A_1415 : i32 to vector<16xi32>
          %parallel_loop3A_1417 = arith.addi %parallel_loop3A_1401, %parallel_loop3A_1416 : vector<16xi32>
          %parallel_loop3A_1418 = arith.constant 2 : i32
          %parallel_loop3A_1419 = vector.broadcast %parallel_loop3A_1418 : i32 to vector<16xi32>
          %parallel_loop3A_1420 = arith.addi %parallel_loop3A_1408, %parallel_loop3A_1419 : vector<16xi32>
          tpu.vector_store_idx %arg7[%parallel_loop3A_1398, %parallel_loop3A_1417], %parallel_loop3A_1420 masked %parallel_loop3A_1384 : memref<32x128xi32, #tpu.memory_space<vmem>>[vector<16xi32>, vector<16xi32>], vector<16xi32>, vector<16xi1>
          %parallel_loop3A_1421 = arith.constant 3 : i32
          %parallel_loop3A_1422 = vector.broadcast %parallel_loop3A_1421 : i32 to vector<16xi32>
          %parallel_loop3A_1423 = arith.addi %parallel_loop3A_1401, %parallel_loop3A_1422 : vector<16xi32>
          %parallel_loop3A_1424 = arith.constant 3 : i32
          %parallel_loop3A_1425 = vector.broadcast %parallel_loop3A_1424 : i32 to vector<16xi32>
          %parallel_loop3A_1426 = arith.addi %parallel_loop3A_1408, %parallel_loop3A_1425 : vector<16xi32>
          tpu.vector_store_idx %arg7[%parallel_loop3A_1398, %parallel_loop3A_1423], %parallel_loop3A_1426 masked %parallel_loop3A_1384 : memref<32x128xi32, #tpu.memory_space<vmem>>[vector<16xi32>, vector<16xi32>], vector<16xi32>, vector<16xi1>
          tpu.vector_store_idx %arg8[%parallel_loop3A_1398, %parallel_loop3A_1401], %parallel_loop3A_1380 masked %parallel_loop3A_1384 : memref<32x128xi32, #tpu.memory_space<vmem>>[vector<16xi32>, vector<16xi32>], vector<16xi32>, vector<16xi1>
          %parallel_loop3A_1427 = arith.constant 1 : i32
          %parallel_loop3A_1428 = vector.broadcast %parallel_loop3A_1427 : i32 to vector<16xi32>
          %parallel_loop3A_1429 = arith.addi %parallel_loop3A_1401, %parallel_loop3A_1428 : vector<16xi32>
          %parallel_loop3A_1430 = arith.constant 1 : i32
          %parallel_loop3A_1431 = vector.broadcast %parallel_loop3A_1430 : i32 to vector<16xi32>
          %parallel_loop3A_1432 = arith.addi %parallel_loop3A_1380, %parallel_loop3A_1431 : vector<16xi32>
          tpu.vector_store_idx %arg8[%parallel_loop3A_1398, %parallel_loop3A_1429], %parallel_loop3A_1432 masked %parallel_loop3A_1384 : memref<32x128xi32, #tpu.memory_space<vmem>>[vector<16xi32>, vector<16xi32>], vector<16xi32>, vector<16xi1>
          %parallel_loop3A_1433 = arith.constant 2 : i32
          %parallel_loop3A_1434 = vector.broadcast %parallel_loop3A_1433 : i32 to vector<16xi32>
          %parallel_loop3A_1435 = arith.addi %parallel_loop3A_1401, %parallel_loop3A_1434 : vector<16xi32>
          %parallel_loop3A_1436 = arith.constant 8192 : i32
          %parallel_loop3A_1437 = vector.broadcast %parallel_loop3A_1436 : i32 to vector<16xi32>
          %parallel_loop3A_1438 = arith.addi %parallel_loop3A_1380, %parallel_loop3A_1437 : vector<16xi32>
          tpu.vector_store_idx %arg8[%parallel_loop3A_1398, %parallel_loop3A_1435], %parallel_loop3A_1438 masked %parallel_loop3A_1384 : memref<32x128xi32, #tpu.memory_space<vmem>>[vector<16xi32>, vector<16xi32>], vector<16xi32>, vector<16xi1>
          %parallel_loop3A_1439 = arith.constant 3 : i32
          %parallel_loop3A_1440 = vector.broadcast %parallel_loop3A_1439 : i32 to vector<16xi32>
          %parallel_loop3A_1441 = arith.addi %parallel_loop3A_1401, %parallel_loop3A_1440 : vector<16xi32>
          %parallel_loop3A_1442 = arith.constant 8193 : i32
          %parallel_loop3A_1443 = vector.broadcast %parallel_loop3A_1442 : i32 to vector<16xi32>
          %parallel_loop3A_1444 = arith.addi %parallel_loop3A_1380, %parallel_loop3A_1443 : vector<16xi32>
          tpu.vector_store_idx %arg8[%parallel_loop3A_1398, %parallel_loop3A_1441], %parallel_loop3A_1444 masked %parallel_loop3A_1384 : memref<32x128xi32, #tpu.memory_space<vmem>>[vector<16xi32>, vector<16xi32>], vector<16xi32>, vector<16xi1>
          %parallel_loop3A_1445 = tpu.all_reduce %parallel_loop3A_1384 {dim = 0 : i64, kind = #tpu.reduction_kind<sum>} : vector<16xi1> -> vector<16xi32>
          %parallel_loop3A_1446 = arith.constant 2 : i32
          %parallel_loop3A_1447 = vector.broadcast %parallel_loop3A_1446 : i32 to vector<16xi32>
          %parallel_loop3A_1448 = arith.shli %parallel_loop3A_1445, %parallel_loop3A_1447 : vector<16xi32>
          %parallel_loop3A_1449 = arith.addi %parallel_loop3A_1374, %parallel_loop3A_1448 : vector<16xi32>
          scf.yield %parallel_loop3A_1449 : vector<16xi32>
        } {sc.loop_unroll_factor = 16 : i64, sc.parallel_access}
        %reduce_max3A_1359 = arith.constant true
        %reduce_max3A_1360 = vector.broadcast %reduce_max3A_1359 : i1 to vector<16xi1>
        %reduce_max3A_1361 = arith.constant -2147483648 : i32
        %reduce_max3A_1362 = vector.broadcast %reduce_max3A_1361 : i32 to vector<16xi32>
        %reduce_max3A_1363 = arith.xori %parallel_loop3A_1358, %reduce_max3A_1362 : vector<16xi32>
        %reduce_max3A_1364 = tpu.scan <max>, %reduce_max3A_1363 masked %reduce_max3A_1360 : vector<16xi32>, vector<16xi1> -> vector<16xi32>
        %reduce_max3A_1365 = arith.xori %reduce_max3A_1364, %reduce_max3A_1362 : vector<16xi32>
        %reduce_max3A_1366 = vector.extract %reduce_max3A_1365[15] : i32 from vector<16xi32>
        %shift_right_logical3A_1367 = arith.constant 7 : i32
        %shift_right_logical3A_1368 = arith.shrui %reduce_max3A_1366, %shift_right_logical3A_1367 : i32
        %gt3A_1369 = arith.cmpi sgt, %shift_right_logical3A_1368, %scan3A_1351 : i32
        %convert_element_type3A_1370 = arith.extui %gt3A_1369 : i1 to i32
        %cond3A_1371 = arith.constant 0 : i32
        %cond3A_1372 = arith.cmpi ne, %convert_element_type3A_1370, %cond3A_1371 : i32
        scf.if %cond3A_1372 {
          %while3A_1373 = arith.constant 0 : i32
          %while3A_1374 = arith.subi %shift_right_logical3A_1368, %scan3A_1351 : i32
          %while3A_1375 = arith.addi %scan3A_1351, %while3A_1374 : i32
          %while3A_1376 = arith.constant 1 : i32
          %while3A_1377 = arith.divsi %while3A_1374, %while3A_1376 : i32
          %while3A_1378 = arith.muli %while3A_1377, %while3A_1376 : i32
          %while3A_1379 = arith.addi %scan3A_1351, %while3A_1378 : i32
          %while3A_1380 = arith.constant 1 : i32
          %while3A_1381 = scf.for %while3A_1417 = %scan3A_1351 to %while3A_1379 step %while3A_1380 iter_args(%while3A_1418 = %while3A_1373) -> (i32)  : i32 {
            %and3A_1419 = arith.constant 31 : i32
            %and3A_1420 = arith.andi %while3A_1417, %and3A_1419 : i32
            %dma_start3A_1421 = arith.constant 0 : i32
            %dma_start3A_1422 = tpu.memref_slice %arg9[%and3A_1420, %dma_start3A_1421] : memref<32x128xf32, #tpu.memory_space<vmem>> -> memref<1x128xf32, #tpu.memory_space<vmem>>
            %dma_start3A_1423 = tpu.memref_squeeze %dma_start3A_1422 : memref<1x128xf32, #tpu.memory_space<vmem>> -> memref<128xf32, #tpu.memory_space<vmem>>
            %dma_start3A_1424 = arith.constant 0 : i32
            %dma_start3A_1425 = tpu.memref_slice %arg7[%and3A_1420, %dma_start3A_1424] : memref<32x128xi32, #tpu.memory_space<vmem>> -> memref<1x128xi32, #tpu.memory_space<vmem>>
            %dma_start3A_1426 = tpu.memref_squeeze %dma_start3A_1425 : memref<1x128xi32, #tpu.memory_space<vmem>> -> memref<128xi32, #tpu.memory_space<vmem>>
            %dma_start3A_1427 = arith.constant 0 : i32
            %dma_start3A_1428 = tpu.memref_slice %arg3[%dma_start3A_1427] : memref<1081360xf32, #tpu.memory_space<hbm>> -> memref<1081360xf32, #tpu.memory_space<hbm>>
            tpu.enqueue_indirect_dma source(%dma_start3A_1428 : memref<1081360xf32, #tpu.memory_space<hbm>>) target(%dma_start3A_1423 : memref<128xf32, #tpu.memory_space<vmem>>) offsets(%dma_start3A_1426 : memref<128xi32, #tpu.memory_space<vmem>>) semaphore(%arg12 : memref<!tpu.dma_semaphore, #tpu.memory_space<semaphore_mem>>)
            %while3A_1429 = arith.constant 0 : i32
            scf.yield %while3A_1429 : i32
          }
          %while3A_1382 = arith.constant 1 : i32
          %while3A_1383 = scf.for %while3A_1417 = %while3A_1379 to %while3A_1375 step %while3A_1382 iter_args(%while3A_1418 = %while3A_1381) -> (i32)  : i32 {
            %and3A_1419 = arith.constant 31 : i32
            %and3A_1420 = arith.andi %while3A_1417, %and3A_1419 : i32
            %dma_start3A_1421 = arith.constant 0 : i32
            %dma_start3A_1422 = tpu.memref_slice %arg9[%and3A_1420, %dma_start3A_1421] : memref<32x128xf32, #tpu.memory_space<vmem>> -> memref<1x128xf32, #tpu.memory_space<vmem>>
            %dma_start3A_1423 = tpu.memref_squeeze %dma_start3A_1422 : memref<1x128xf32, #tpu.memory_space<vmem>> -> memref<128xf32, #tpu.memory_space<vmem>>
            %dma_start3A_1424 = arith.constant 0 : i32
            %dma_start3A_1425 = tpu.memref_slice %arg7[%and3A_1420, %dma_start3A_1424] : memref<32x128xi32, #tpu.memory_space<vmem>> -> memref<1x128xi32, #tpu.memory_space<vmem>>
            %dma_start3A_1426 = tpu.memref_squeeze %dma_start3A_1425 : memref<1x128xi32, #tpu.memory_space<vmem>> -> memref<128xi32, #tpu.memory_space<vmem>>
            %dma_start3A_1427 = arith.constant 0 : i32
            %dma_start3A_1428 = tpu.memref_slice %arg3[%dma_start3A_1427] : memref<1081360xf32, #tpu.memory_space<hbm>> -> memref<1081360xf32, #tpu.memory_space<hbm>>
            tpu.enqueue_indirect_dma source(%dma_start3A_1428 : memref<1081360xf32, #tpu.memory_space<hbm>>) target(%dma_start3A_1423 : memref<128xf32, #tpu.memory_space<vmem>>) offsets(%dma_start3A_1426 : memref<128xi32, #tpu.memory_space<vmem>>) semaphore(%arg12 : memref<!tpu.dma_semaphore, #tpu.memory_space<semaphore_mem>>)
            %while3A_1429 = arith.constant 0 : i32
            scf.yield %while3A_1429 : i32
          }
          %while3A_1384 = arith.constant 0 : i32
          %while3A_1385 = arith.subi %shift_right_logical3A_1368, %scan3A_1351 : i32
          %while3A_1386 = arith.addi %scan3A_1351, %while3A_1385 : i32
          %while3A_1387 = arith.constant 1 : i32
          %while3A_1388 = arith.divsi %while3A_1385, %while3A_1387 : i32
          %while3A_1389 = arith.muli %while3A_1388, %while3A_1387 : i32
          %while3A_1390 = arith.addi %scan3A_1351, %while3A_1389 : i32
          %while3A_1391 = arith.constant 1 : i32
          %while3A_1392 = scf.for %while3A_1417 = %scan3A_1351 to %while3A_1390 step %while3A_1391 iter_args(%while3A_1418 = %while3A_1384) -> (i32)  : i32 {
            %and3A_1419 = arith.constant 31 : i32
            %and3A_1420 = arith.andi %while3A_1417, %and3A_1419 : i32
            %dma_wait3A_1421 = arith.constant 0 : i32
            %dma_wait3A_1422 = tpu.memref_slice %arg9[%and3A_1420, %dma_wait3A_1421] : memref<32x128xf32, #tpu.memory_space<vmem>> -> memref<1x128xf32, #tpu.memory_space<vmem>>
            %dma_wait3A_1423 = tpu.memref_squeeze %dma_wait3A_1422 : memref<1x128xf32, #tpu.memory_space<vmem>> -> memref<128xf32, #tpu.memory_space<vmem>>
            %dma_wait3A_1424 = arith.constant 0 : i32
            %dma_wait3A_1425 = tpu.memref_slice %arg7[%and3A_1420, %dma_wait3A_1424] : memref<32x128xi32, #tpu.memory_space<vmem>> -> memref<1x128xi32, #tpu.memory_space<vmem>>
            %dma_wait3A_1426 = tpu.memref_squeeze %dma_wait3A_1425 : memref<1x128xi32, #tpu.memory_space<vmem>> -> memref<128xi32, #tpu.memory_space<vmem>>
            %dma_wait3A_1427 = arith.constant 0 : i32
            %dma_wait3A_1428 = tpu.memref_slice %arg3[%dma_wait3A_1427] : memref<1081360xf32, #tpu.memory_space<hbm>> -> memref<1081360xf32, #tpu.memory_space<hbm>>
            tpu.wait_indirect_dma semaphore(%arg12 : memref<!tpu.dma_semaphore, #tpu.memory_space<semaphore_mem>>) src(%dma_wait3A_1428 : memref<1081360xf32, #tpu.memory_space<hbm>>) dst(%dma_wait3A_1423 : memref<128xf32, #tpu.memory_space<vmem>>)
            %while3A_1429 = arith.constant 0 : i32
            scf.yield %while3A_1429 : i32
          }
          %while3A_1393 = arith.constant 1 : i32
          %while3A_1394 = scf.for %while3A_1417 = %while3A_1390 to %while3A_1386 step %while3A_1393 iter_args(%while3A_1418 = %while3A_1392) -> (i32)  : i32 {
            %and3A_1419 = arith.constant 31 : i32
            %and3A_1420 = arith.andi %while3A_1417, %and3A_1419 : i32
            %dma_wait3A_1421 = arith.constant 0 : i32
            %dma_wait3A_1422 = tpu.memref_slice %arg9[%and3A_1420, %dma_wait3A_1421] : memref<32x128xf32, #tpu.memory_space<vmem>> -> memref<1x128xf32, #tpu.memory_space<vmem>>
            %dma_wait3A_1423 = tpu.memref_squeeze %dma_wait3A_1422 : memref<1x128xf32, #tpu.memory_space<vmem>> -> memref<128xf32, #tpu.memory_space<vmem>>
            %dma_wait3A_1424 = arith.constant 0 : i32
            %dma_wait3A_1425 = tpu.memref_slice %arg7[%and3A_1420, %dma_wait3A_1424] : memref<32x128xi32, #tpu.memory_space<vmem>> -> memref<1x128xi32, #tpu.memory_space<vmem>>
            %dma_wait3A_1426 = tpu.memref_squeeze %dma_wait3A_1425 : memref<1x128xi32, #tpu.memory_space<vmem>> -> memref<128xi32, #tpu.memory_space<vmem>>
            %dma_wait3A_1427 = arith.constant 0 : i32
            %dma_wait3A_1428 = tpu.memref_slice %arg3[%dma_wait3A_1427] : memref<1081360xf32, #tpu.memory_space<hbm>> -> memref<1081360xf32, #tpu.memory_space<hbm>>
            tpu.wait_indirect_dma semaphore(%arg12 : memref<!tpu.dma_semaphore, #tpu.memory_space<semaphore_mem>>) src(%dma_wait3A_1428 : memref<1081360xf32, #tpu.memory_space<hbm>>) dst(%dma_wait3A_1423 : memref<128xf32, #tpu.memory_space<vmem>>)
            %while3A_1429 = arith.constant 0 : i32
            scf.yield %while3A_1429 : i32
          }
          %while3A_1395 = arith.constant 0 : i32
          %while3A_1396 = arith.subi %shift_right_logical3A_1368, %scan3A_1351 : i32
          %while3A_1397 = arith.addi %scan3A_1351, %while3A_1396 : i32
          %while3A_1398 = arith.constant 1 : i32
          %while3A_1399 = arith.divsi %while3A_1396, %while3A_1398 : i32
          %while3A_1400 = arith.muli %while3A_1399, %while3A_1398 : i32
          %while3A_1401 = arith.addi %scan3A_1351, %while3A_1400 : i32
          %while3A_1402 = arith.constant 1 : i32
          %while3A_1403 = scf.for %while3A_1417 = %scan3A_1351 to %while3A_1401 step %while3A_1402 iter_args(%while3A_1418 = %while3A_1395) -> (i32)  : i32 {
            %and3A_1419 = arith.constant 31 : i32
            %and3A_1420 = arith.andi %while3A_1417, %and3A_1419 : i32
            %dma_start3A_1421 = arith.constant 0 : i32
            %dma_start3A_1422 = tpu.memref_slice %arg9[%and3A_1420, %dma_start3A_1421] : memref<32x128xf32, #tpu.memory_space<vmem>> -> memref<1x128xf32, #tpu.memory_space<vmem>>
            %dma_start3A_1423 = tpu.memref_squeeze %dma_start3A_1422 : memref<1x128xf32, #tpu.memory_space<vmem>> -> memref<128xf32, #tpu.memory_space<vmem>>
            %dma_start3A_1424 = arith.constant 0 : i32
            %dma_start3A_1425 = tpu.memref_slice %arg8[%and3A_1420, %dma_start3A_1424] : memref<32x128xi32, #tpu.memory_space<vmem>> -> memref<1x128xi32, #tpu.memory_space<vmem>>
            %dma_start3A_1426 = tpu.memref_squeeze %dma_start3A_1425 : memref<1x128xi32, #tpu.memory_space<vmem>> -> memref<128xi32, #tpu.memory_space<vmem>>
            %dma_start3A_1427 = arith.constant 0 : i32
            %dma_start3A_1428 = tpu.memref_slice %arg11[%dma_start3A_1427] : memref<1572864xf32, #tpu.memory_space<vmem_shared>> -> memref<1572864xf32, #tpu.memory_space<vmem_shared>>
            tpu.enqueue_indirect_dma source(%dma_start3A_1423 : memref<128xf32, #tpu.memory_space<vmem>>) target(%dma_start3A_1428 : memref<1572864xf32, #tpu.memory_space<vmem_shared>>) offsets(%dma_start3A_1426 : memref<128xi32, #tpu.memory_space<vmem>>) semaphore(%arg13 : memref<!tpu.dma_semaphore, #tpu.memory_space<semaphore_mem>>) {add = true}
            %while3A_1429 = arith.constant 0 : i32
            scf.yield %while3A_1429 : i32
          }
          %while3A_1404 = arith.constant 1 : i32
          %while3A_1405 = scf.for %while3A_1417 = %while3A_1401 to %while3A_1397 step %while3A_1404 iter_args(%while3A_1418 = %while3A_1403) -> (i32)  : i32 {
            %and3A_1419 = arith.constant 31 : i32
            %and3A_1420 = arith.andi %while3A_1417, %and3A_1419 : i32
            %dma_start3A_1421 = arith.constant 0 : i32
            %dma_start3A_1422 = tpu.memref_slice %arg9[%and3A_1420, %dma_start3A_1421] : memref<32x128xf32, #tpu.memory_space<vmem>> -> memref<1x128xf32, #tpu.memory_space<vmem>>
            %dma_start3A_1423 = tpu.memref_squeeze %dma_start3A_1422 : memref<1x128xf32, #tpu.memory_space<vmem>> -> memref<128xf32, #tpu.memory_space<vmem>>
            %dma_start3A_1424 = arith.constant 0 : i32
            %dma_start3A_1425 = tpu.memref_slice %arg8[%and3A_1420, %dma_start3A_1424] : memref<32x128xi32, #tpu.memory_space<vmem>> -> memref<1x128xi32, #tpu.memory_space<vmem>>
            %dma_start3A_1426 = tpu.memref_squeeze %dma_start3A_1425 : memref<1x128xi32, #tpu.memory_space<vmem>> -> memref<128xi32, #tpu.memory_space<vmem>>
            %dma_start3A_1427 = arith.constant 0 : i32
            %dma_start3A_1428 = tpu.memref_slice %arg11[%dma_start3A_1427] : memref<1572864xf32, #tpu.memory_space<vmem_shared>> -> memref<1572864xf32, #tpu.memory_space<vmem_shared>>
            tpu.enqueue_indirect_dma source(%dma_start3A_1423 : memref<128xf32, #tpu.memory_space<vmem>>) target(%dma_start3A_1428 : memref<1572864xf32, #tpu.memory_space<vmem_shared>>) offsets(%dma_start3A_1426 : memref<128xi32, #tpu.memory_space<vmem>>) semaphore(%arg13 : memref<!tpu.dma_semaphore, #tpu.memory_space<semaphore_mem>>) {add = true}
            %while3A_1429 = arith.constant 0 : i32
            scf.yield %while3A_1429 : i32
          }
          %while3A_1406 = arith.constant 0 : i32
          %while3A_1407 = arith.subi %shift_right_logical3A_1368, %scan3A_1351 : i32
          %while3A_1408 = arith.addi %scan3A_1351, %while3A_1407 : i32
          %while3A_1409 = arith.constant 1 : i32
          %while3A_1410 = arith.divsi %while3A_1407, %while3A_1409 : i32
          %while3A_1411 = arith.muli %while3A_1410, %while3A_1409 : i32
          %while3A_1412 = arith.addi %scan3A_1351, %while3A_1411 : i32
          %while3A_1413 = arith.constant 1 : i32
          %while3A_1414 = scf.for %while3A_1417 = %scan3A_1351 to %while3A_1412 step %while3A_1413 iter_args(%while3A_1418 = %while3A_1406) -> (i32)  : i32 {
            %and3A_1419 = arith.constant 31 : i32
            %and3A_1420 = arith.andi %while3A_1417, %and3A_1419 : i32
            %dma_wait3A_1421 = arith.constant 0 : i32
            %dma_wait3A_1422 = tpu.memref_slice %arg9[%and3A_1420, %dma_wait3A_1421] : memref<32x128xf32, #tpu.memory_space<vmem>> -> memref<1x128xf32, #tpu.memory_space<vmem>>
            %dma_wait3A_1423 = tpu.memref_squeeze %dma_wait3A_1422 : memref<1x128xf32, #tpu.memory_space<vmem>> -> memref<128xf32, #tpu.memory_space<vmem>>
            %dma_wait3A_1424 = arith.constant 0 : i32
            %dma_wait3A_1425 = tpu.memref_slice %arg8[%and3A_1420, %dma_wait3A_1424] : memref<32x128xi32, #tpu.memory_space<vmem>> -> memref<1x128xi32, #tpu.memory_space<vmem>>
            %dma_wait3A_1426 = tpu.memref_squeeze %dma_wait3A_1425 : memref<1x128xi32, #tpu.memory_space<vmem>> -> memref<128xi32, #tpu.memory_space<vmem>>
            %dma_wait3A_1427 = arith.constant 0 : i32
            %dma_wait3A_1428 = tpu.memref_slice %arg11[%dma_wait3A_1427] : memref<1572864xf32, #tpu.memory_space<vmem_shared>> -> memref<1572864xf32, #tpu.memory_space<vmem_shared>>
            tpu.wait_indirect_dma semaphore(%arg13 : memref<!tpu.dma_semaphore, #tpu.memory_space<semaphore_mem>>) src(%dma_wait3A_1423 : memref<128xf32, #tpu.memory_space<vmem>>) dst(%dma_wait3A_1428 : memref<1572864xf32, #tpu.memory_space<vmem_shared>>)
            %while3A_1429 = arith.constant 0 : i32
            scf.yield %while3A_1429 : i32
          }
          %while3A_1415 = arith.constant 1 : i32
          %while3A_1416 = scf.for %while3A_1417 = %while3A_1412 to %while3A_1408 step %while3A_1415 iter_args(%while3A_1418 = %while3A_1414) -> (i32)  : i32 {
            %and3A_1419 = arith.constant 31 : i32
            %and3A_1420 = arith.andi %while3A_1417, %and3A_1419 : i32
            %dma_wait3A_1421 = arith.constant 0 : i32
            %dma_wait3A_1422 = tpu.memref_slice %arg9[%and3A_1420, %dma_wait3A_1421] : memref<32x128xf32, #tpu.memory_space<vmem>> -> memref<1x128xf32, #tpu.memory_space<vmem>>
            %dma_wait3A_1423 = tpu.memref_squeeze %dma_wait3A_1422 : memref<1x128xf32, #tpu.memory_space<vmem>> -> memref<128xf32, #tpu.memory_space<vmem>>
            %dma_wait3A_1424 = arith.constant 0 : i32
            %dma_wait3A_1425 = tpu.memref_slice %arg8[%and3A_1420, %dma_wait3A_1424] : memref<32x128xi32, #tpu.memory_space<vmem>> -> memref<1x128xi32, #tpu.memory_space<vmem>>
            %dma_wait3A_1426 = tpu.memref_squeeze %dma_wait3A_1425 : memref<1x128xi32, #tpu.memory_space<vmem>> -> memref<128xi32, #tpu.memory_space<vmem>>
            %dma_wait3A_1427 = arith.constant 0 : i32
            %dma_wait3A_1428 = tpu.memref_slice %arg11[%dma_wait3A_1427] : memref<1572864xf32, #tpu.memory_space<vmem_shared>> -> memref<1572864xf32, #tpu.memory_space<vmem_shared>>
            tpu.wait_indirect_dma semaphore(%arg13 : memref<!tpu.dma_semaphore, #tpu.memory_space<semaphore_mem>>) src(%dma_wait3A_1423 : memref<128xf32, #tpu.memory_space<vmem>>) dst(%dma_wait3A_1428 : memref<1572864xf32, #tpu.memory_space<vmem_shared>>)
            %while3A_1429 = arith.constant 0 : i32
            scf.yield %while3A_1429 : i32
          }
        } else {
        }
        scf.yield %parallel_loop3A_1358, %shift_right_logical3A_1368 : vector<16xi32>, i32
      }
      %scan3A_603 = arith.constant 22 : i32
      %add3A_604 = arith.constant 127 : i32
      %add3A_605 = vector.broadcast %add3A_604 : i32 to vector<16xi32>
      %add3A_606 = arith.addi %scan3A_602#0, %add3A_605 : vector<16xi32>
      %and3A = arith.constant -128 : i32
      %and3A_607 = vector.broadcast %and3A : i32 to vector<16xi32>
      %and3A_608 = arith.andi %add3A_606, %and3A_607 : vector<16xi32>
      %add3A_609 = arith.constant 0 : i32
      %add3A_610 = vector.broadcast %add3A_609 : i32 to vector<16xi32>
      %add3A_611 = arith.addi %scan3A_602#0, %add3A_610 : vector<16xi32>
      %add3A_612 = arith.addi %add3A_611, %iota3A : vector<16xi32>
      %lt3A = arith.cmpi slt, %add3A_612, %and3A_608 : vector<16xi32>
      %shift_right_logical3A = arith.constant 7 : i32
      %shift_right_logical3A_613 = vector.broadcast %shift_right_logical3A : i32 to vector<16xi32>
      %shift_right_logical3A_614 = arith.shrui %add3A_612, %shift_right_logical3A_613 : vector<16xi32>
      %and3A_615 = arith.constant 31 : i32
      %and3A_616 = vector.broadcast %and3A_615 : i32 to vector<16xi32>
      %and3A_617 = arith.andi %shift_right_logical3A_614, %and3A_616 : vector<16xi32>
      %and3A_618 = arith.constant 127 : i32
      %and3A_619 = vector.broadcast %and3A_618 : i32 to vector<16xi32>
      %and3A_620 = arith.andi %add3A_612, %and3A_619 : vector<16xi32>
      %broadcast_in_dim3A_621 = arith.constant 1081344 : i32
      %broadcast_in_dim3A_622 = vector.broadcast %broadcast_in_dim3A_621 : i32 to vector<16xi32>
      tpu.vector_store_idx %arg7[%and3A_617, %and3A_620], %broadcast_in_dim3A_622 masked %lt3A : memref<32x128xi32, #tpu.memory_space<vmem>>[vector<16xi32>, vector<16xi32>], vector<16xi32>, vector<16xi1>
      %broadcast_in_dim3A_623 = arith.constant 0 : i32
      %broadcast_in_dim3A_624 = vector.broadcast %broadcast_in_dim3A_623 : i32 to vector<16xi32>
      tpu.vector_store_idx %arg8[%and3A_617, %and3A_620], %broadcast_in_dim3A_624 masked %lt3A : memref<32x128xi32, #tpu.memory_space<vmem>>[vector<16xi32>, vector<16xi32>], vector<16xi32>, vector<16xi1>
      %add3A_625 = arith.constant 16 : i32
      %add3A_626 = vector.broadcast %add3A_625 : i32 to vector<16xi32>
      %add3A_627 = arith.addi %scan3A_602#0, %add3A_626 : vector<16xi32>
      %add3A_628 = arith.addi %add3A_627, %iota3A : vector<16xi32>
      %lt3A_629 = arith.cmpi slt, %add3A_628, %and3A_608 : vector<16xi32>
      %shift_right_logical3A_630 = arith.constant 7 : i32
      %shift_right_logical3A_631 = vector.broadcast %shift_right_logical3A_630 : i32 to vector<16xi32>
      %shift_right_logical3A_632 = arith.shrui %add3A_628, %shift_right_logical3A_631 : vector<16xi32>
      %and3A_633 = arith.constant 31 : i32
      %and3A_634 = vector.broadcast %and3A_633 : i32 to vector<16xi32>
      %and3A_635 = arith.andi %shift_right_logical3A_632, %and3A_634 : vector<16xi32>
      %and3A_636 = arith.constant 127 : i32
      %and3A_637 = vector.broadcast %and3A_636 : i32 to vector<16xi32>
      %and3A_638 = arith.andi %add3A_628, %and3A_637 : vector<16xi32>
      %broadcast_in_dim3A_639 = arith.constant 1081344 : i32
      %broadcast_in_dim3A_640 = vector.broadcast %broadcast_in_dim3A_639 : i32 to vector<16xi32>
      tpu.vector_store_idx %arg7[%and3A_635, %and3A_638], %broadcast_in_dim3A_640 masked %lt3A_629 : memref<32x128xi32, #tpu.memory_space<vmem>>[vector<16xi32>, vector<16xi32>], vector<16xi32>, vector<16xi1>
      %broadcast_in_dim3A_641 = arith.constant 0 : i32
      %broadcast_in_dim3A_642 = vector.broadcast %broadcast_in_dim3A_641 : i32 to vector<16xi32>
      tpu.vector_store_idx %arg8[%and3A_635, %and3A_638], %broadcast_in_dim3A_642 masked %lt3A_629 : memref<32x128xi32, #tpu.memory_space<vmem>>[vector<16xi32>, vector<16xi32>], vector<16xi32>, vector<16xi1>
      %add3A_643 = arith.constant 32 : i32
      %add3A_644 = vector.broadcast %add3A_643 : i32 to vector<16xi32>
      %add3A_645 = arith.addi %scan3A_602#0, %add3A_644 : vector<16xi32>
      %add3A_646 = arith.addi %add3A_645, %iota3A : vector<16xi32>
      %lt3A_647 = arith.cmpi slt, %add3A_646, %and3A_608 : vector<16xi32>
      %shift_right_logical3A_648 = arith.constant 7 : i32
      %shift_right_logical3A_649 = vector.broadcast %shift_right_logical3A_648 : i32 to vector<16xi32>
      %shift_right_logical3A_650 = arith.shrui %add3A_646, %shift_right_logical3A_649 : vector<16xi32>
      %and3A_651 = arith.constant 31 : i32
      %and3A_652 = vector.broadcast %and3A_651 : i32 to vector<16xi32>
      %and3A_653 = arith.andi %shift_right_logical3A_650, %and3A_652 : vector<16xi32>
      %and3A_654 = arith.constant 127 : i32
      %and3A_655 = vector.broadcast %and3A_654 : i32 to vector<16xi32>
      %and3A_656 = arith.andi %add3A_646, %and3A_655 : vector<16xi32>
      %broadcast_in_dim3A_657 = arith.constant 1081344 : i32
      %broadcast_in_dim3A_658 = vector.broadcast %broadcast_in_dim3A_657 : i32 to vector<16xi32>
      tpu.vector_store_idx %arg7[%and3A_653, %and3A_656], %broadcast_in_dim3A_658 masked %lt3A_647 : memref<32x128xi32, #tpu.memory_space<vmem>>[vector<16xi32>, vector<16xi32>], vector<16xi32>, vector<16xi1>
      %broadcast_in_dim3A_659 = arith.constant 0 : i32
      %broadcast_in_dim3A_660 = vector.broadcast %broadcast_in_dim3A_659 : i32 to vector<16xi32>
      tpu.vector_store_idx %arg8[%and3A_653, %and3A_656], %broadcast_in_dim3A_660 masked %lt3A_647 : memref<32x128xi32, #tpu.memory_space<vmem>>[vector<16xi32>, vector<16xi32>], vector<16xi32>, vector<16xi1>
      %add3A_661 = arith.constant 48 : i32
      %add3A_662 = vector.broadcast %add3A_661 : i32 to vector<16xi32>
      %add3A_663 = arith.addi %scan3A_602#0, %add3A_662 : vector<16xi32>
      %add3A_664 = arith.addi %add3A_663, %iota3A : vector<16xi32>
      %lt3A_665 = arith.cmpi slt, %add3A_664, %and3A_608 : vector<16xi32>
      %shift_right_logical3A_666 = arith.constant 7 : i32
      %shift_right_logical3A_667 = vector.broadcast %shift_right_logical3A_666 : i32 to vector<16xi32>
      %shift_right_logical3A_668 = arith.shrui %add3A_664, %shift_right_logical3A_667 : vector<16xi32>
      %and3A_669 = arith.constant 31 : i32
      %and3A_670 = vector.broadcast %and3A_669 : i32 to vector<16xi32>
      %and3A_671 = arith.andi %shift_right_logical3A_668, %and3A_670 : vector<16xi32>
      %and3A_672 = arith.constant 127 : i32
      %and3A_673 = vector.broadcast %and3A_672 : i32 to vector<16xi32>
      %and3A_674 = arith.andi %add3A_664, %and3A_673 : vector<16xi32>
      %broadcast_in_dim3A_675 = arith.constant 1081344 : i32
      %broadcast_in_dim3A_676 = vector.broadcast %broadcast_in_dim3A_675 : i32 to vector<16xi32>
      tpu.vector_store_idx %arg7[%and3A_671, %and3A_674], %broadcast_in_dim3A_676 masked %lt3A_665 : memref<32x128xi32, #tpu.memory_space<vmem>>[vector<16xi32>, vector<16xi32>], vector<16xi32>, vector<16xi1>
      %broadcast_in_dim3A_677 = arith.constant 0 : i32
      %broadcast_in_dim3A_678 = vector.broadcast %broadcast_in_dim3A_677 : i32 to vector<16xi32>
      tpu.vector_store_idx %arg8[%and3A_671, %and3A_674], %broadcast_in_dim3A_678 masked %lt3A_665 : memref<32x128xi32, #tpu.memory_space<vmem>>[vector<16xi32>, vector<16xi32>], vector<16xi32>, vector<16xi1>
      %add3A_679 = arith.constant 64 : i32
      %add3A_680 = vector.broadcast %add3A_679 : i32 to vector<16xi32>
      %add3A_681 = arith.addi %scan3A_602#0, %add3A_680 : vector<16xi32>
      %add3A_682 = arith.addi %add3A_681, %iota3A : vector<16xi32>
      %lt3A_683 = arith.cmpi slt, %add3A_682, %and3A_608 : vector<16xi32>
      %shift_right_logical3A_684 = arith.constant 7 : i32
      %shift_right_logical3A_685 = vector.broadcast %shift_right_logical3A_684 : i32 to vector<16xi32>
      %shift_right_logical3A_686 = arith.shrui %add3A_682, %shift_right_logical3A_685 : vector<16xi32>
      %and3A_687 = arith.constant 31 : i32
      %and3A_688 = vector.broadcast %and3A_687 : i32 to vector<16xi32>
      %and3A_689 = arith.andi %shift_right_logical3A_686, %and3A_688 : vector<16xi32>
      %and3A_690 = arith.constant 127 : i32
      %and3A_691 = vector.broadcast %and3A_690 : i32 to vector<16xi32>
      %and3A_692 = arith.andi %add3A_682, %and3A_691 : vector<16xi32>
      %broadcast_in_dim3A_693 = arith.constant 1081344 : i32
      %broadcast_in_dim3A_694 = vector.broadcast %broadcast_in_dim3A_693 : i32 to vector<16xi32>
      tpu.vector_store_idx %arg7[%and3A_689, %and3A_692], %broadcast_in_dim3A_694 masked %lt3A_683 : memref<32x128xi32, #tpu.memory_space<vmem>>[vector<16xi32>, vector<16xi32>], vector<16xi32>, vector<16xi1>
      %broadcast_in_dim3A_695 = arith.constant 0 : i32
      %broadcast_in_dim3A_696 = vector.broadcast %broadcast_in_dim3A_695 : i32 to vector<16xi32>
      tpu.vector_store_idx %arg8[%and3A_689, %and3A_692], %broadcast_in_dim3A_696 masked %lt3A_683 : memref<32x128xi32, #tpu.memory_space<vmem>>[vector<16xi32>, vector<16xi32>], vector<16xi32>, vector<16xi1>
      %add3A_697 = arith.constant 80 : i32
      %add3A_698 = vector.broadcast %add3A_697 : i32 to vector<16xi32>
      %add3A_699 = arith.addi %scan3A_602#0, %add3A_698 : vector<16xi32>
      %add3A_700 = arith.addi %add3A_699, %iota3A : vector<16xi32>
      %lt3A_701 = arith.cmpi slt, %add3A_700, %and3A_608 : vector<16xi32>
      %shift_right_logical3A_702 = arith.constant 7 : i32
      %shift_right_logical3A_703 = vector.broadcast %shift_right_logical3A_702 : i32 to vector<16xi32>
      %shift_right_logical3A_704 = arith.shrui %add3A_700, %shift_right_logical3A_703 : vector<16xi32>
      %and3A_705 = arith.constant 31 : i32
      %and3A_706 = vector.broadcast %and3A_705 : i32 to vector<16xi32>
      %and3A_707 = arith.andi %shift_right_logical3A_704, %and3A_706 : vector<16xi32>
      %and3A_708 = arith.constant 127 : i32
      %and3A_709 = vector.broadcast %and3A_708 : i32 to vector<16xi32>
      %and3A_710 = arith.andi %add3A_700, %and3A_709 : vector<16xi32>
      %broadcast_in_dim3A_711 = arith.constant 1081344 : i32
      %broadcast_in_dim3A_712 = vector.broadcast %broadcast_in_dim3A_711 : i32 to vector<16xi32>
      tpu.vector_store_idx %arg7[%and3A_707, %and3A_710], %broadcast_in_dim3A_712 masked %lt3A_701 : memref<32x128xi32, #tpu.memory_space<vmem>>[vector<16xi32>, vector<16xi32>], vector<16xi32>, vector<16xi1>
      %broadcast_in_dim3A_713 = arith.constant 0 : i32
      %broadcast_in_dim3A_714 = vector.broadcast %broadcast_in_dim3A_713 : i32 to vector<16xi32>
      tpu.vector_store_idx %arg8[%and3A_707, %and3A_710], %broadcast_in_dim3A_714 masked %lt3A_701 : memref<32x128xi32, #tpu.memory_space<vmem>>[vector<16xi32>, vector<16xi32>], vector<16xi32>, vector<16xi1>
      %add3A_715 = arith.constant 96 : i32
      %add3A_716 = vector.broadcast %add3A_715 : i32 to vector<16xi32>
      %add3A_717 = arith.addi %scan3A_602#0, %add3A_716 : vector<16xi32>
      %add3A_718 = arith.addi %add3A_717, %iota3A : vector<16xi32>
      %lt3A_719 = arith.cmpi slt, %add3A_718, %and3A_608 : vector<16xi32>
      %shift_right_logical3A_720 = arith.constant 7 : i32
      %shift_right_logical3A_721 = vector.broadcast %shift_right_logical3A_720 : i32 to vector<16xi32>
      %shift_right_logical3A_722 = arith.shrui %add3A_718, %shift_right_logical3A_721 : vector<16xi32>
      %and3A_723 = arith.constant 31 : i32
      %and3A_724 = vector.broadcast %and3A_723 : i32 to vector<16xi32>
      %and3A_725 = arith.andi %shift_right_logical3A_722, %and3A_724 : vector<16xi32>
      %and3A_726 = arith.constant 127 : i32
      %and3A_727 = vector.broadcast %and3A_726 : i32 to vector<16xi32>
      %and3A_728 = arith.andi %add3A_718, %and3A_727 : vector<16xi32>
      %broadcast_in_dim3A_729 = arith.constant 1081344 : i32
      %broadcast_in_dim3A_730 = vector.broadcast %broadcast_in_dim3A_729 : i32 to vector<16xi32>
      tpu.vector_store_idx %arg7[%and3A_725, %and3A_728], %broadcast_in_dim3A_730 masked %lt3A_719 : memref<32x128xi32, #tpu.memory_space<vmem>>[vector<16xi32>, vector<16xi32>], vector<16xi32>, vector<16xi1>
      %broadcast_in_dim3A_731 = arith.constant 0 : i32
      %broadcast_in_dim3A_732 = vector.broadcast %broadcast_in_dim3A_731 : i32 to vector<16xi32>
      tpu.vector_store_idx %arg8[%and3A_725, %and3A_728], %broadcast_in_dim3A_732 masked %lt3A_719 : memref<32x128xi32, #tpu.memory_space<vmem>>[vector<16xi32>, vector<16xi32>], vector<16xi32>, vector<16xi1>
      %add3A_733 = arith.constant 112 : i32
      %add3A_734 = vector.broadcast %add3A_733 : i32 to vector<16xi32>
      %add3A_735 = arith.addi %scan3A_602#0, %add3A_734 : vector<16xi32>
      %add3A_736 = arith.addi %add3A_735, %iota3A : vector<16xi32>
      %lt3A_737 = arith.cmpi slt, %add3A_736, %and3A_608 : vector<16xi32>
      %shift_right_logical3A_738 = arith.constant 7 : i32
      %shift_right_logical3A_739 = vector.broadcast %shift_right_logical3A_738 : i32 to vector<16xi32>
      %shift_right_logical3A_740 = arith.shrui %add3A_736, %shift_right_logical3A_739 : vector<16xi32>
      %and3A_741 = arith.constant 31 : i32
      %and3A_742 = vector.broadcast %and3A_741 : i32 to vector<16xi32>
      %and3A_743 = arith.andi %shift_right_logical3A_740, %and3A_742 : vector<16xi32>
      %and3A_744 = arith.constant 127 : i32
      %and3A_745 = vector.broadcast %and3A_744 : i32 to vector<16xi32>
      %and3A_746 = arith.andi %add3A_736, %and3A_745 : vector<16xi32>
      %broadcast_in_dim3A_747 = arith.constant 1081344 : i32
      %broadcast_in_dim3A_748 = vector.broadcast %broadcast_in_dim3A_747 : i32 to vector<16xi32>
      tpu.vector_store_idx %arg7[%and3A_743, %and3A_746], %broadcast_in_dim3A_748 masked %lt3A_737 : memref<32x128xi32, #tpu.memory_space<vmem>>[vector<16xi32>, vector<16xi32>], vector<16xi32>, vector<16xi1>
      %broadcast_in_dim3A_749 = arith.constant 0 : i32
      %broadcast_in_dim3A_750 = vector.broadcast %broadcast_in_dim3A_749 : i32 to vector<16xi32>
      tpu.vector_store_idx %arg8[%and3A_743, %and3A_746], %broadcast_in_dim3A_750 masked %lt3A_737 : memref<32x128xi32, #tpu.memory_space<vmem>>[vector<16xi32>, vector<16xi32>], vector<16xi32>, vector<16xi1>
      %reduce_max3A = arith.constant true
      %reduce_max3A_751 = vector.broadcast %reduce_max3A : i1 to vector<16xi1>
      %reduce_max3A_752 = arith.constant -2147483648 : i32
      %reduce_max3A_753 = vector.broadcast %reduce_max3A_752 : i32 to vector<16xi32>
      %reduce_max3A_754 = arith.xori %and3A_608, %reduce_max3A_753 : vector<16xi32>
      %reduce_max3A_755 = tpu.scan <max>, %reduce_max3A_754 masked %reduce_max3A_751 : vector<16xi32>, vector<16xi1> -> vector<16xi32>
      %reduce_max3A_756 = arith.xori %reduce_max3A_755, %reduce_max3A_753 : vector<16xi32>
      %reduce_max3A_757 = vector.extract %reduce_max3A_756[15] : i32 from vector<16xi32>
      %shift_right_logical3A_758 = arith.constant 7 : i32
      %shift_right_logical3A_759 = arith.shrui %reduce_max3A_757, %shift_right_logical3A_758 : i32
      %gt3A = arith.cmpi sgt, %shift_right_logical3A_759, %scan3A_602#1 : i32
      %convert_element_type3A = arith.extui %gt3A : i1 to i32
      %cond3A = arith.constant 0 : i32
      %cond3A_760 = arith.cmpi ne, %convert_element_type3A, %cond3A : i32
      scf.if %cond3A_760 {
        %while3A_1349 = arith.constant 0 : i32
        %while3A_1350 = arith.subi %shift_right_logical3A_759, %scan3A_602#1 : i32
        %while3A_1351 = arith.addi %scan3A_602#1, %while3A_1350 : i32
        %while3A_1352 = arith.constant 1 : i32
        %while3A_1353 = arith.divsi %while3A_1350, %while3A_1352 : i32
        %while3A_1354 = arith.muli %while3A_1353, %while3A_1352 : i32
        %while3A_1355 = arith.addi %scan3A_602#1, %while3A_1354 : i32
        %while3A_1356 = arith.constant 1 : i32
        %while3A_1357 = scf.for %while3A_1393 = %scan3A_602#1 to %while3A_1355 step %while3A_1356 iter_args(%while3A_1394 = %while3A_1349) -> (i32)  : i32 {
          %and3A_1395 = arith.constant 31 : i32
          %and3A_1396 = arith.andi %while3A_1393, %and3A_1395 : i32
          %dma_start3A_1397 = arith.constant 0 : i32
          %dma_start3A_1398 = tpu.memref_slice %arg9[%and3A_1396, %dma_start3A_1397] : memref<32x128xf32, #tpu.memory_space<vmem>> -> memref<1x128xf32, #tpu.memory_space<vmem>>
          %dma_start3A_1399 = tpu.memref_squeeze %dma_start3A_1398 : memref<1x128xf32, #tpu.memory_space<vmem>> -> memref<128xf32, #tpu.memory_space<vmem>>
          %dma_start3A_1400 = arith.constant 0 : i32
          %dma_start3A_1401 = tpu.memref_slice %arg7[%and3A_1396, %dma_start3A_1400] : memref<32x128xi32, #tpu.memory_space<vmem>> -> memref<1x128xi32, #tpu.memory_space<vmem>>
          %dma_start3A_1402 = tpu.memref_squeeze %dma_start3A_1401 : memref<1x128xi32, #tpu.memory_space<vmem>> -> memref<128xi32, #tpu.memory_space<vmem>>
          %dma_start3A_1403 = arith.constant 0 : i32
          %dma_start3A_1404 = tpu.memref_slice %arg3[%dma_start3A_1403] : memref<1081360xf32, #tpu.memory_space<hbm>> -> memref<1081360xf32, #tpu.memory_space<hbm>>
          tpu.enqueue_indirect_dma source(%dma_start3A_1404 : memref<1081360xf32, #tpu.memory_space<hbm>>) target(%dma_start3A_1399 : memref<128xf32, #tpu.memory_space<vmem>>) offsets(%dma_start3A_1402 : memref<128xi32, #tpu.memory_space<vmem>>) semaphore(%arg12 : memref<!tpu.dma_semaphore, #tpu.memory_space<semaphore_mem>>)
          %while3A_1405 = arith.constant 0 : i32
          scf.yield %while3A_1405 : i32
        }
        %while3A_1358 = arith.constant 1 : i32
        %while3A_1359 = scf.for %while3A_1393 = %while3A_1355 to %while3A_1351 step %while3A_1358 iter_args(%while3A_1394 = %while3A_1357) -> (i32)  : i32 {
          %and3A_1395 = arith.constant 31 : i32
          %and3A_1396 = arith.andi %while3A_1393, %and3A_1395 : i32
          %dma_start3A_1397 = arith.constant 0 : i32
          %dma_start3A_1398 = tpu.memref_slice %arg9[%and3A_1396, %dma_start3A_1397] : memref<32x128xf32, #tpu.memory_space<vmem>> -> memref<1x128xf32, #tpu.memory_space<vmem>>
          %dma_start3A_1399 = tpu.memref_squeeze %dma_start3A_1398 : memref<1x128xf32, #tpu.memory_space<vmem>> -> memref<128xf32, #tpu.memory_space<vmem>>
          %dma_start3A_1400 = arith.constant 0 : i32
          %dma_start3A_1401 = tpu.memref_slice %arg7[%and3A_1396, %dma_start3A_1400] : memref<32x128xi32, #tpu.memory_space<vmem>> -> memref<1x128xi32, #tpu.memory_space<vmem>>
          %dma_start3A_1402 = tpu.memref_squeeze %dma_start3A_1401 : memref<1x128xi32, #tpu.memory_space<vmem>> -> memref<128xi32, #tpu.memory_space<vmem>>
          %dma_start3A_1403 = arith.constant 0 : i32
          %dma_start3A_1404 = tpu.memref_slice %arg3[%dma_start3A_1403] : memref<1081360xf32, #tpu.memory_space<hbm>> -> memref<1081360xf32, #tpu.memory_space<hbm>>
          tpu.enqueue_indirect_dma source(%dma_start3A_1404 : memref<1081360xf32, #tpu.memory_space<hbm>>) target(%dma_start3A_1399 : memref<128xf32, #tpu.memory_space<vmem>>) offsets(%dma_start3A_1402 : memref<128xi32, #tpu.memory_space<vmem>>) semaphore(%arg12 : memref<!tpu.dma_semaphore, #tpu.memory_space<semaphore_mem>>)
          %while3A_1405 = arith.constant 0 : i32
          scf.yield %while3A_1405 : i32
        }
        %while3A_1360 = arith.constant 0 : i32
        %while3A_1361 = arith.subi %shift_right_logical3A_759, %scan3A_602#1 : i32
        %while3A_1362 = arith.addi %scan3A_602#1, %while3A_1361 : i32
        %while3A_1363 = arith.constant 1 : i32
        %while3A_1364 = arith.divsi %while3A_1361, %while3A_1363 : i32
        %while3A_1365 = arith.muli %while3A_1364, %while3A_1363 : i32
        %while3A_1366 = arith.addi %scan3A_602#1, %while3A_1365 : i32
        %while3A_1367 = arith.constant 1 : i32
        %while3A_1368 = scf.for %while3A_1393 = %scan3A_602#1 to %while3A_1366 step %while3A_1367 iter_args(%while3A_1394 = %while3A_1360) -> (i32)  : i32 {
          %and3A_1395 = arith.constant 31 : i32
          %and3A_1396 = arith.andi %while3A_1393, %and3A_1395 : i32
          %dma_wait3A_1397 = arith.constant 0 : i32
          %dma_wait3A_1398 = tpu.memref_slice %arg9[%and3A_1396, %dma_wait3A_1397] : memref<32x128xf32, #tpu.memory_space<vmem>> -> memref<1x128xf32, #tpu.memory_space<vmem>>
          %dma_wait3A_1399 = tpu.memref_squeeze %dma_wait3A_1398 : memref<1x128xf32, #tpu.memory_space<vmem>> -> memref<128xf32, #tpu.memory_space<vmem>>
          %dma_wait3A_1400 = arith.constant 0 : i32
          %dma_wait3A_1401 = tpu.memref_slice %arg7[%and3A_1396, %dma_wait3A_1400] : memref<32x128xi32, #tpu.memory_space<vmem>> -> memref<1x128xi32, #tpu.memory_space<vmem>>
          %dma_wait3A_1402 = tpu.memref_squeeze %dma_wait3A_1401 : memref<1x128xi32, #tpu.memory_space<vmem>> -> memref<128xi32, #tpu.memory_space<vmem>>
          %dma_wait3A_1403 = arith.constant 0 : i32
          %dma_wait3A_1404 = tpu.memref_slice %arg3[%dma_wait3A_1403] : memref<1081360xf32, #tpu.memory_space<hbm>> -> memref<1081360xf32, #tpu.memory_space<hbm>>
          tpu.wait_indirect_dma semaphore(%arg12 : memref<!tpu.dma_semaphore, #tpu.memory_space<semaphore_mem>>) src(%dma_wait3A_1404 : memref<1081360xf32, #tpu.memory_space<hbm>>) dst(%dma_wait3A_1399 : memref<128xf32, #tpu.memory_space<vmem>>)
          %while3A_1405 = arith.constant 0 : i32
          scf.yield %while3A_1405 : i32
        }
        %while3A_1369 = arith.constant 1 : i32
        %while3A_1370 = scf.for %while3A_1393 = %while3A_1366 to %while3A_1362 step %while3A_1369 iter_args(%while3A_1394 = %while3A_1368) -> (i32)  : i32 {
          %and3A_1395 = arith.constant 31 : i32
          %and3A_1396 = arith.andi %while3A_1393, %and3A_1395 : i32
          %dma_wait3A_1397 = arith.constant 0 : i32
          %dma_wait3A_1398 = tpu.memref_slice %arg9[%and3A_1396, %dma_wait3A_1397] : memref<32x128xf32, #tpu.memory_space<vmem>> -> memref<1x128xf32, #tpu.memory_space<vmem>>
          %dma_wait3A_1399 = tpu.memref_squeeze %dma_wait3A_1398 : memref<1x128xf32, #tpu.memory_space<vmem>> -> memref<128xf32, #tpu.memory_space<vmem>>
          %dma_wait3A_1400 = arith.constant 0 : i32
          %dma_wait3A_1401 = tpu.memref_slice %arg7[%and3A_1396, %dma_wait3A_1400] : memref<32x128xi32, #tpu.memory_space<vmem>> -> memref<1x128xi32, #tpu.memory_space<vmem>>
          %dma_wait3A_1402 = tpu.memref_squeeze %dma_wait3A_1401 : memref<1x128xi32, #tpu.memory_space<vmem>> -> memref<128xi32, #tpu.memory_space<vmem>>
          %dma_wait3A_1403 = arith.constant 0 : i32
          %dma_wait3A_1404 = tpu.memref_slice %arg3[%dma_wait3A_1403] : memref<1081360xf32, #tpu.memory_space<hbm>> -> memref<1081360xf32, #tpu.memory_space<hbm>>
          tpu.wait_indirect_dma semaphore(%arg12 : memref<!tpu.dma_semaphore, #tpu.memory_space<semaphore_mem>>) src(%dma_wait3A_1404 : memref<1081360xf32, #tpu.memory_space<hbm>>) dst(%dma_wait3A_1399 : memref<128xf32, #tpu.memory_space<vmem>>)
          %while3A_1405 = arith.constant 0 : i32
          scf.yield %while3A_1405 : i32
        }
        %while3A_1371 = arith.constant 0 : i32
        %while3A_1372 = arith.subi %shift_right_logical3A_759, %scan3A_602#1 : i32
        %while3A_1373 = arith.addi %scan3A_602#1, %while3A_1372 : i32
        %while3A_1374 = arith.constant 1 : i32
        %while3A_1375 = arith.divsi %while3A_1372, %while3A_1374 : i32
        %while3A_1376 = arith.muli %while3A_1375, %while3A_1374 : i32
        %while3A_1377 = arith.addi %scan3A_602#1, %while3A_1376 : i32
        %while3A_1378 = arith.constant 1 : i32
        %while3A_1379 = scf.for %while3A_1393 = %scan3A_602#1 to %while3A_1377 step %while3A_1378 iter_args(%while3A_1394 = %while3A_1371) -> (i32)  : i32 {
          %and3A_1395 = arith.constant 31 : i32
          %and3A_1396 = arith.andi %while3A_1393, %and3A_1395 : i32
          %dma_start3A_1397 = arith.constant 0 : i32
          %dma_start3A_1398 = tpu.memref_slice %arg9[%and3A_1396, %dma_start3A_1397] : memref<32x128xf32, #tpu.memory_space<vmem>> -> memref<1x128xf32, #tpu.memory_space<vmem>>
          %dma_start3A_1399 = tpu.memref_squeeze %dma_start3A_1398 : memref<1x128xf32, #tpu.memory_space<vmem>> -> memref<128xf32, #tpu.memory_space<vmem>>
          %dma_start3A_1400 = arith.constant 0 : i32
          %dma_start3A_1401 = tpu.memref_slice %arg8[%and3A_1396, %dma_start3A_1400] : memref<32x128xi32, #tpu.memory_space<vmem>> -> memref<1x128xi32, #tpu.memory_space<vmem>>
          %dma_start3A_1402 = tpu.memref_squeeze %dma_start3A_1401 : memref<1x128xi32, #tpu.memory_space<vmem>> -> memref<128xi32, #tpu.memory_space<vmem>>
          %dma_start3A_1403 = arith.constant 0 : i32
          %dma_start3A_1404 = tpu.memref_slice %arg11[%dma_start3A_1403] : memref<1572864xf32, #tpu.memory_space<vmem_shared>> -> memref<1572864xf32, #tpu.memory_space<vmem_shared>>
          tpu.enqueue_indirect_dma source(%dma_start3A_1399 : memref<128xf32, #tpu.memory_space<vmem>>) target(%dma_start3A_1404 : memref<1572864xf32, #tpu.memory_space<vmem_shared>>) offsets(%dma_start3A_1402 : memref<128xi32, #tpu.memory_space<vmem>>) semaphore(%arg13 : memref<!tpu.dma_semaphore, #tpu.memory_space<semaphore_mem>>) {add = true}
          %while3A_1405 = arith.constant 0 : i32
          scf.yield %while3A_1405 : i32
        }
        %while3A_1380 = arith.constant 1 : i32
        %while3A_1381 = scf.for %while3A_1393 = %while3A_1377 to %while3A_1373 step %while3A_1380 iter_args(%while3A_1394 = %while3A_1379) -> (i32)  : i32 {
          %and3A_1395 = arith.constant 31 : i32
          %and3A_1396 = arith.andi %while3A_1393, %and3A_1395 : i32
          %dma_start3A_1397 = arith.constant 0 : i32
          %dma_start3A_1398 = tpu.memref_slice %arg9[%and3A_1396, %dma_start3A_1397] : memref<32x128xf32, #tpu.memory_space<vmem>> -> memref<1x128xf32, #tpu.memory_space<vmem>>
          %dma_start3A_1399 = tpu.memref_squeeze %dma_start3A_1398 : memref<1x128xf32, #tpu.memory_space<vmem>> -> memref<128xf32, #tpu.memory_space<vmem>>
          %dma_start3A_1400 = arith.constant 0 : i32
          %dma_start3A_1401 = tpu.memref_slice %arg8[%and3A_1396, %dma_start3A_1400] : memref<32x128xi32, #tpu.memory_space<vmem>> -> memref<1x128xi32, #tpu.memory_space<vmem>>
          %dma_start3A_1402 = tpu.memref_squeeze %dma_start3A_1401 : memref<1x128xi32, #tpu.memory_space<vmem>> -> memref<128xi32, #tpu.memory_space<vmem>>
          %dma_start3A_1403 = arith.constant 0 : i32
          %dma_start3A_1404 = tpu.memref_slice %arg11[%dma_start3A_1403] : memref<1572864xf32, #tpu.memory_space<vmem_shared>> -> memref<1572864xf32, #tpu.memory_space<vmem_shared>>
          tpu.enqueue_indirect_dma source(%dma_start3A_1399 : memref<128xf32, #tpu.memory_space<vmem>>) target(%dma_start3A_1404 : memref<1572864xf32, #tpu.memory_space<vmem_shared>>) offsets(%dma_start3A_1402 : memref<128xi32, #tpu.memory_space<vmem>>) semaphore(%arg13 : memref<!tpu.dma_semaphore, #tpu.memory_space<semaphore_mem>>) {add = true}
          %while3A_1405 = arith.constant 0 : i32
          scf.yield %while3A_1405 : i32
        }
        %while3A_1382 = arith.constant 0 : i32
        %while3A_1383 = arith.subi %shift_right_logical3A_759, %scan3A_602#1 : i32
        %while3A_1384 = arith.addi %scan3A_602#1, %while3A_1383 : i32
        %while3A_1385 = arith.constant 1 : i32
        %while3A_1386 = arith.divsi %while3A_1383, %while3A_1385 : i32
        %while3A_1387 = arith.muli %while3A_1386, %while3A_1385 : i32
        %while3A_1388 = arith.addi %scan3A_602#1, %while3A_1387 : i32
        %while3A_1389 = arith.constant 1 : i32
        %while3A_1390 = scf.for %while3A_1393 = %scan3A_602#1 to %while3A_1388 step %while3A_1389 iter_args(%while3A_1394 = %while3A_1382) -> (i32)  : i32 {
          %and3A_1395 = arith.constant 31 : i32
          %and3A_1396 = arith.andi %while3A_1393, %and3A_1395 : i32
          %dma_wait3A_1397 = arith.constant 0 : i32
          %dma_wait3A_1398 = tpu.memref_slice %arg9[%and3A_1396, %dma_wait3A_1397] : memref<32x128xf32, #tpu.memory_space<vmem>> -> memref<1x128xf32, #tpu.memory_space<vmem>>
          %dma_wait3A_1399 = tpu.memref_squeeze %dma_wait3A_1398 : memref<1x128xf32, #tpu.memory_space<vmem>> -> memref<128xf32, #tpu.memory_space<vmem>>
          %dma_wait3A_1400 = arith.constant 0 : i32
          %dma_wait3A_1401 = tpu.memref_slice %arg8[%and3A_1396, %dma_wait3A_1400] : memref<32x128xi32, #tpu.memory_space<vmem>> -> memref<1x128xi32, #tpu.memory_space<vmem>>
          %dma_wait3A_1402 = tpu.memref_squeeze %dma_wait3A_1401 : memref<1x128xi32, #tpu.memory_space<vmem>> -> memref<128xi32, #tpu.memory_space<vmem>>
          %dma_wait3A_1403 = arith.constant 0 : i32
          %dma_wait3A_1404 = tpu.memref_slice %arg11[%dma_wait3A_1403] : memref<1572864xf32, #tpu.memory_space<vmem_shared>> -> memref<1572864xf32, #tpu.memory_space<vmem_shared>>
          tpu.wait_indirect_dma semaphore(%arg13 : memref<!tpu.dma_semaphore, #tpu.memory_space<semaphore_mem>>) src(%dma_wait3A_1399 : memref<128xf32, #tpu.memory_space<vmem>>) dst(%dma_wait3A_1404 : memref<1572864xf32, #tpu.memory_space<vmem_shared>>)
          %while3A_1405 = arith.constant 0 : i32
          scf.yield %while3A_1405 : i32
        }
        %while3A_1391 = arith.constant 1 : i32
        %while3A_1392 = scf.for %while3A_1393 = %while3A_1388 to %while3A_1384 step %while3A_1391 iter_args(%while3A_1394 = %while3A_1390) -> (i32)  : i32 {
          %and3A_1395 = arith.constant 31 : i32
          %and3A_1396 = arith.andi %while3A_1393, %and3A_1395 : i32
          %dma_wait3A_1397 = arith.constant 0 : i32
          %dma_wait3A_1398 = tpu.memref_slice %arg9[%and3A_1396, %dma_wait3A_1397] : memref<32x128xf32, #tpu.memory_space<vmem>> -> memref<1x128xf32, #tpu.memory_space<vmem>>
          %dma_wait3A_1399 = tpu.memref_squeeze %dma_wait3A_1398 : memref<1x128xf32, #tpu.memory_space<vmem>> -> memref<128xf32, #tpu.memory_space<vmem>>
          %dma_wait3A_1400 = arith.constant 0 : i32
          %dma_wait3A_1401 = tpu.memref_slice %arg8[%and3A_1396, %dma_wait3A_1400] : memref<32x128xi32, #tpu.memory_space<vmem>> -> memref<1x128xi32, #tpu.memory_space<vmem>>
          %dma_wait3A_1402 = tpu.memref_squeeze %dma_wait3A_1401 : memref<1x128xi32, #tpu.memory_space<vmem>> -> memref<128xi32, #tpu.memory_space<vmem>>
          %dma_wait3A_1403 = arith.constant 0 : i32
          %dma_wait3A_1404 = tpu.memref_slice %arg11[%dma_wait3A_1403] : memref<1572864xf32, #tpu.memory_space<vmem_shared>> -> memref<1572864xf32, #tpu.memory_space<vmem_shared>>
          tpu.wait_indirect_dma semaphore(%arg13 : memref<!tpu.dma_semaphore, #tpu.memory_space<semaphore_mem>>) src(%dma_wait3A_1399 : memref<128xf32, #tpu.memory_space<vmem>>) dst(%dma_wait3A_1404 : memref<1572864xf32, #tpu.memory_space<vmem_shared>>)
          %while3A_1405 = arith.constant 0 : i32
          scf.yield %while3A_1405 : i32
        }
      } else {
      }
      %barrier3A_761 = arith.constant 0 : index
      tpu.barrier barrier_id(%barrier3A_761)
      %eq3A = arith.constant 42 : i32
      %eq3A_762 = arith.cmpi eq, %add3A_590, %eq3A : i32
      %convert_element_type3A_763 = arith.extui %eq3A_762 : i1 to i32
      %cond3A_764 = arith.constant 0 : i32
      %cond3A_765 = arith.cmpi ne, %convert_element_type3A_763, %cond3A_764 : i32
      scf.if %cond3A_765 {
        %mul3A_1349 = arith.constant 65536 : i32
        %mul3A_1350 = arith.muli %arg1, %mul3A_1349 : i32
        %mul3A_1351 = arith.constant 65536 : i32
        %mul3A_1352 = arith.muli %arg1, %mul3A_1351 : i32
        %add3A_1353 = arith.addi %mul3A_592, %mul3A_1352 : i32
        "tpu.region"() ({
          %run_scoped3A = tpu.sem_alloc : memref<!tpu.dma_semaphore, #tpu.memory_space<semaphore_mem>>
          %dma_start3A_1354 = tpu.memref_slice %arg5[%add3A_1353] : memref<67108864xf32, #tpu.memory_space<hbm>> -> memref<65536xf32, #tpu.memory_space<hbm>>
          %dma_start3A_1355 = tpu.memref_slice %arg11[%mul3A_1350] : memref<1572864xf32, #tpu.memory_space<vmem_shared>> -> memref<65536xf32, #tpu.memory_space<vmem_shared>>
          tpu.enqueue_dma source(%dma_start3A_1355 : memref<65536xf32, #tpu.memory_space<vmem_shared>>) target(%dma_start3A_1354 : memref<65536xf32, #tpu.memory_space<hbm>>) target_semaphore(%run_scoped3A : memref<!tpu.dma_semaphore, #tpu.memory_space<semaphore_mem>>)
          %dma_wait3A_1356 = tpu.memref_slice %arg5[%add3A_1353] : memref<67108864xf32, #tpu.memory_space<hbm>> -> memref<65536xf32, #tpu.memory_space<hbm>>
          %dma_wait3A_1357 = tpu.memref_slice %arg11[%mul3A_1350] : memref<1572864xf32, #tpu.memory_space<vmem_shared>> -> memref<65536xf32, #tpu.memory_space<vmem_shared>>
          tpu.wait_dma2 semaphore(%run_scoped3A : memref<!tpu.dma_semaphore, #tpu.memory_space<semaphore_mem>>) src(%dma_wait3A_1357 : memref<65536xf32, #tpu.memory_space<vmem_shared>>) dst(%dma_wait3A_1356 : memref<65536xf32, #tpu.memory_space<hbm>>)
          tpu.yield
        }) : () -> ()
      } else {
      }
      %ne3A = arith.constant 42 : i32
      %ne3A_766 = arith.cmpi ne, %add3A_590, %ne3A : i32
      %convert_element_type3A_767 = arith.extui %ne3A_766 : i1 to i32
      %cond3A_768 = arith.constant 0 : i32
      %cond3A_769 = arith.cmpi ne, %convert_element_type3A_767, %cond3A_768 : i32
      scf.if %cond3A_769 {
        %mul3A_1349 = arith.constant 98304 : i32
        %mul3A_1350 = arith.muli %arg1, %mul3A_1349 : i32
        %mul3A_1351 = arith.constant 98304 : i32
        %mul3A_1352 = arith.muli %arg1, %mul3A_1351 : i32
        %add3A_1353 = arith.addi %mul3A_592, %mul3A_1352 : i32
        "tpu.region"() ({
          %run_scoped3A = tpu.sem_alloc : memref<!tpu.dma_semaphore, #tpu.memory_space<semaphore_mem>>
          %dma_start3A_1354 = tpu.memref_slice %arg5[%add3A_1353] : memref<67108864xf32, #tpu.memory_space<hbm>> -> memref<98304xf32, #tpu.memory_space<hbm>>
          %dma_start3A_1355 = tpu.memref_slice %arg11[%mul3A_1350] : memref<1572864xf32, #tpu.memory_space<vmem_shared>> -> memref<98304xf32, #tpu.memory_space<vmem_shared>>
          tpu.enqueue_dma source(%dma_start3A_1355 : memref<98304xf32, #tpu.memory_space<vmem_shared>>) target(%dma_start3A_1354 : memref<98304xf32, #tpu.memory_space<hbm>>) target_semaphore(%run_scoped3A : memref<!tpu.dma_semaphore, #tpu.memory_space<semaphore_mem>>)
          %dma_wait3A_1356 = tpu.memref_slice %arg5[%add3A_1353] : memref<67108864xf32, #tpu.memory_space<hbm>> -> memref<98304xf32, #tpu.memory_space<hbm>>
          %dma_wait3A_1357 = tpu.memref_slice %arg11[%mul3A_1350] : memref<1572864xf32, #tpu.memory_space<vmem_shared>> -> memref<98304xf32, #tpu.memory_space<vmem_shared>>
          tpu.wait_dma2 semaphore(%run_scoped3A : memref<!tpu.dma_semaphore, #tpu.memory_space<semaphore_mem>>) src(%dma_wait3A_1357 : memref<98304xf32, #tpu.memory_space<vmem_shared>>) dst(%dma_wait3A_1356 : memref<98304xf32, #tpu.memory_space<hbm>>)
          tpu.yield
        }) : () -> ()
      } else {
      }
      %barrier3A_770 = arith.constant 0 : index
      tpu.barrier barrier_id(%barrier3A_770)
      %mul3A_771 = arith.constant 98304 : i32
      %mul3A_772 = arith.muli %arg1, %mul3A_771 : i32
      %add3A_773 = arith.constant 0 : i32
      %add3A_774 = arith.addi %mul3A_772, %add3A_773 : i32
      %dma_start3A_775 = tpu.memref_slice %arg11[%add3A_774] : memref<1572864xf32, #tpu.memory_space<vmem_shared>> -> memref<2048xf32, #tpu.memory_space<vmem_shared>>
      %dma_start3A_776 = tpu.memref_slice %arg11[%add3A_774] : memref<1572864xf32, #tpu.memory_space<vmem_shared>> -> memref<2048xf32, #tpu.memory_space<vmem_shared>>
      tpu.enqueue_dma source(%arg10 : memref<2048xf32, #tpu.memory_space<vmem>>) target(%dma_start3A_776 : memref<2048xf32, #tpu.memory_space<vmem_shared>>) target_semaphore(%arg14 : memref<!tpu.dma_semaphore, #tpu.memory_space<semaphore_mem>>)
      %mul3A_777 = arith.constant 98304 : i32
      %mul3A_778 = arith.muli %arg1, %mul3A_777 : i32
      %add3A_779 = arith.constant 2048 : i32
      %add3A_780 = arith.addi %mul3A_778, %add3A_779 : i32
      %dma_start3A_781 = tpu.memref_slice %arg11[%add3A_780] : memref<1572864xf32, #tpu.memory_space<vmem_shared>> -> memref<2048xf32, #tpu.memory_space<vmem_shared>>
      %dma_start3A_782 = tpu.memref_slice %arg11[%add3A_780] : memref<1572864xf32, #tpu.memory_space<vmem_shared>> -> memref<2048xf32, #tpu.memory_space<vmem_shared>>
      tpu.enqueue_dma source(%arg10 : memref<2048xf32, #tpu.memory_space<vmem>>) target(%dma_start3A_782 : memref<2048xf32, #tpu.memory_space<vmem_shared>>) target_semaphore(%arg14 : memref<!tpu.dma_semaphore, #tpu.memory_space<semaphore_mem>>)
      %mul3A_783 = arith.constant 98304 : i32
      %mul3A_784 = arith.muli %arg1, %mul3A_783 : i32
      %add3A_785 = arith.constant 4096 : i32
      %add3A_786 = arith.addi %mul3A_784, %add3A_785 : i32
      %dma_start3A_787 = tpu.memref_slice %arg11[%add3A_786] : memref<1572864xf32, #tpu.memory_space<vmem_shared>> -> memref<2048xf32, #tpu.memory_space<vmem_shared>>
      %dma_start3A_788 = tpu.memref_slice %arg11[%add3A_786] : memref<1572864xf32, #tpu.memory_space<vmem_shared>> -> memref<2048xf32, #tpu.memory_space<vmem_shared>>
      tpu.enqueue_dma source(%arg10 : memref<2048xf32, #tpu.memory_space<vmem>>) target(%dma_start3A_788 : memref<2048xf32, #tpu.memory_space<vmem_shared>>) target_semaphore(%arg14 : memref<!tpu.dma_semaphore, #tpu.memory_space<semaphore_mem>>)
      %mul3A_789 = arith.constant 98304 : i32
      %mul3A_790 = arith.muli %arg1, %mul3A_789 : i32
      %add3A_791 = arith.constant 6144 : i32
      %add3A_792 = arith.addi %mul3A_790, %add3A_791 : i32
      %dma_start3A_793 = tpu.memref_slice %arg11[%add3A_792] : memref<1572864xf32, #tpu.memory_space<vmem_shared>> -> memref<2048xf32, #tpu.memory_space<vmem_shared>>
      %dma_start3A_794 = tpu.memref_slice %arg11[%add3A_792] : memref<1572864xf32, #tpu.memory_space<vmem_shared>> -> memref<2048xf32, #tpu.memory_space<vmem_shared>>
      tpu.enqueue_dma source(%arg10 : memref<2048xf32, #tpu.memory_space<vmem>>) target(%dma_start3A_794 : memref<2048xf32, #tpu.memory_space<vmem_shared>>) target_semaphore(%arg14 : memref<!tpu.dma_semaphore, #tpu.memory_space<semaphore_mem>>)
      %mul3A_795 = arith.constant 98304 : i32
      %mul3A_796 = arith.muli %arg1, %mul3A_795 : i32
      %add3A_797 = arith.constant 8192 : i32
      %add3A_798 = arith.addi %mul3A_796, %add3A_797 : i32
      %dma_start3A_799 = tpu.memref_slice %arg11[%add3A_798] : memref<1572864xf32, #tpu.memory_space<vmem_shared>> -> memref<2048xf32, #tpu.memory_space<vmem_shared>>
      %dma_start3A_800 = tpu.memref_slice %arg11[%add3A_798] : memref<1572864xf32, #tpu.memory_space<vmem_shared>> -> memref<2048xf32, #tpu.memory_space<vmem_shared>>
      tpu.enqueue_dma source(%arg10 : memref<2048xf32, #tpu.memory_space<vmem>>) target(%dma_start3A_800 : memref<2048xf32, #tpu.memory_space<vmem_shared>>) target_semaphore(%arg14 : memref<!tpu.dma_semaphore, #tpu.memory_space<semaphore_mem>>)
      %mul3A_801 = arith.constant 98304 : i32
      %mul3A_802 = arith.muli %arg1, %mul3A_801 : i32
      %add3A_803 = arith.constant 10240 : i32
      %add3A_804 = arith.addi %mul3A_802, %add3A_803 : i32
      %dma_start3A_805 = tpu.memref_slice %arg11[%add3A_804] : memref<1572864xf32, #tpu.memory_space<vmem_shared>> -> memref<2048xf32, #tpu.memory_space<vmem_shared>>
      %dma_start3A_806 = tpu.memref_slice %arg11[%add3A_804] : memref<1572864xf32, #tpu.memory_space<vmem_shared>> -> memref<2048xf32, #tpu.memory_space<vmem_shared>>
      tpu.enqueue_dma source(%arg10 : memref<2048xf32, #tpu.memory_space<vmem>>) target(%dma_start3A_806 : memref<2048xf32, #tpu.memory_space<vmem_shared>>) target_semaphore(%arg14 : memref<!tpu.dma_semaphore, #tpu.memory_space<semaphore_mem>>)
      %mul3A_807 = arith.constant 98304 : i32
      %mul3A_808 = arith.muli %arg1, %mul3A_807 : i32
      %add3A_809 = arith.constant 12288 : i32
      %add3A_810 = arith.addi %mul3A_808, %add3A_809 : i32
      %dma_start3A_811 = tpu.memref_slice %arg11[%add3A_810] : memref<1572864xf32, #tpu.memory_space<vmem_shared>> -> memref<2048xf32, #tpu.memory_space<vmem_shared>>
      %dma_start3A_812 = tpu.memref_slice %arg11[%add3A_810] : memref<1572864xf32, #tpu.memory_space<vmem_shared>> -> memref<2048xf32, #tpu.memory_space<vmem_shared>>
      tpu.enqueue_dma source(%arg10 : memref<2048xf32, #tpu.memory_space<vmem>>) target(%dma_start3A_812 : memref<2048xf32, #tpu.memory_space<vmem_shared>>) target_semaphore(%arg14 : memref<!tpu.dma_semaphore, #tpu.memory_space<semaphore_mem>>)
      %mul3A_813 = arith.constant 98304 : i32
      %mul3A_814 = arith.muli %arg1, %mul3A_813 : i32
      %add3A_815 = arith.constant 14336 : i32
      %add3A_816 = arith.addi %mul3A_814, %add3A_815 : i32
      %dma_start3A_817 = tpu.memref_slice %arg11[%add3A_816] : memref<1572864xf32, #tpu.memory_space<vmem_shared>> -> memref<2048xf32, #tpu.memory_space<vmem_shared>>
      %dma_start3A_818 = tpu.memref_slice %arg11[%add3A_816] : memref<1572864xf32, #tpu.memory_space<vmem_shared>> -> memref<2048xf32, #tpu.memory_space<vmem_shared>>
      tpu.enqueue_dma source(%arg10 : memref<2048xf32, #tpu.memory_space<vmem>>) target(%dma_start3A_818 : memref<2048xf32, #tpu.memory_space<vmem_shared>>) target_semaphore(%arg14 : memref<!tpu.dma_semaphore, #tpu.memory_space<semaphore_mem>>)
      %mul3A_819 = arith.constant 98304 : i32
      %mul3A_820 = arith.muli %arg1, %mul3A_819 : i32
      %add3A_821 = arith.constant 16384 : i32
      %add3A_822 = arith.addi %mul3A_820, %add3A_821 : i32
      %dma_start3A_823 = tpu.memref_slice %arg11[%add3A_822] : memref<1572864xf32, #tpu.memory_space<vmem_shared>> -> memref<2048xf32, #tpu.memory_space<vmem_shared>>
      %dma_start3A_824 = tpu.memref_slice %arg11[%add3A_822] : memref<1572864xf32, #tpu.memory_space<vmem_shared>> -> memref<2048xf32, #tpu.memory_space<vmem_shared>>
      tpu.enqueue_dma source(%arg10 : memref<2048xf32, #tpu.memory_space<vmem>>) target(%dma_start3A_824 : memref<2048xf32, #tpu.memory_space<vmem_shared>>) target_semaphore(%arg14 : memref<!tpu.dma_semaphore, #tpu.memory_space<semaphore_mem>>)
      %mul3A_825 = arith.constant 98304 : i32
      %mul3A_826 = arith.muli %arg1, %mul3A_825 : i32
      %add3A_827 = arith.constant 18432 : i32
      %add3A_828 = arith.addi %mul3A_826, %add3A_827 : i32
      %dma_start3A_829 = tpu.memref_slice %arg11[%add3A_828] : memref<1572864xf32, #tpu.memory_space<vmem_shared>> -> memref<2048xf32, #tpu.memory_space<vmem_shared>>
      %dma_start3A_830 = tpu.memref_slice %arg11[%add3A_828] : memref<1572864xf32, #tpu.memory_space<vmem_shared>> -> memref<2048xf32, #tpu.memory_space<vmem_shared>>
      tpu.enqueue_dma source(%arg10 : memref<2048xf32, #tpu.memory_space<vmem>>) target(%dma_start3A_830 : memref<2048xf32, #tpu.memory_space<vmem_shared>>) target_semaphore(%arg14 : memref<!tpu.dma_semaphore, #tpu.memory_space<semaphore_mem>>)
      %mul3A_831 = arith.constant 98304 : i32
      %mul3A_832 = arith.muli %arg1, %mul3A_831 : i32
      %add3A_833 = arith.constant 20480 : i32
      %add3A_834 = arith.addi %mul3A_832, %add3A_833 : i32
      %dma_start3A_835 = tpu.memref_slice %arg11[%add3A_834] : memref<1572864xf32, #tpu.memory_space<vmem_shared>> -> memref<2048xf32, #tpu.memory_space<vmem_shared>>
      %dma_start3A_836 = tpu.memref_slice %arg11[%add3A_834] : memref<1572864xf32, #tpu.memory_space<vmem_shared>> -> memref<2048xf32, #tpu.memory_space<vmem_shared>>
      tpu.enqueue_dma source(%arg10 : memref<2048xf32, #tpu.memory_space<vmem>>) target(%dma_start3A_836 : memref<2048xf32, #tpu.memory_space<vmem_shared>>) target_semaphore(%arg14 : memref<!tpu.dma_semaphore, #tpu.memory_space<semaphore_mem>>)
      %mul3A_837 = arith.constant 98304 : i32
      %mul3A_838 = arith.muli %arg1, %mul3A_837 : i32
      %add3A_839 = arith.constant 22528 : i32
      %add3A_840 = arith.addi %mul3A_838, %add3A_839 : i32
      %dma_start3A_841 = tpu.memref_slice %arg11[%add3A_840] : memref<1572864xf32, #tpu.memory_space<vmem_shared>> -> memref<2048xf32, #tpu.memory_space<vmem_shared>>
      %dma_start3A_842 = tpu.memref_slice %arg11[%add3A_840] : memref<1572864xf32, #tpu.memory_space<vmem_shared>> -> memref<2048xf32, #tpu.memory_space<vmem_shared>>
      tpu.enqueue_dma source(%arg10 : memref<2048xf32, #tpu.memory_space<vmem>>) target(%dma_start3A_842 : memref<2048xf32, #tpu.memory_space<vmem_shared>>) target_semaphore(%arg14 : memref<!tpu.dma_semaphore, #tpu.memory_space<semaphore_mem>>)
      %mul3A_843 = arith.constant 98304 : i32
      %mul3A_844 = arith.muli %arg1, %mul3A_843 : i32
      %add3A_845 = arith.constant 24576 : i32
      %add3A_846 = arith.addi %mul3A_844, %add3A_845 : i32
      %dma_start3A_847 = tpu.memref_slice %arg11[%add3A_846] : memref<1572864xf32, #tpu.memory_space<vmem_shared>> -> memref<2048xf32, #tpu.memory_space<vmem_shared>>
      %dma_start3A_848 = tpu.memref_slice %arg11[%add3A_846] : memref<1572864xf32, #tpu.memory_space<vmem_shared>> -> memref<2048xf32, #tpu.memory_space<vmem_shared>>
      tpu.enqueue_dma source(%arg10 : memref<2048xf32, #tpu.memory_space<vmem>>) target(%dma_start3A_848 : memref<2048xf32, #tpu.memory_space<vmem_shared>>) target_semaphore(%arg14 : memref<!tpu.dma_semaphore, #tpu.memory_space<semaphore_mem>>)
      %mul3A_849 = arith.constant 98304 : i32
      %mul3A_850 = arith.muli %arg1, %mul3A_849 : i32
      %add3A_851 = arith.constant 26624 : i32
      %add3A_852 = arith.addi %mul3A_850, %add3A_851 : i32
      %dma_start3A_853 = tpu.memref_slice %arg11[%add3A_852] : memref<1572864xf32, #tpu.memory_space<vmem_shared>> -> memref<2048xf32, #tpu.memory_space<vmem_shared>>
      %dma_start3A_854 = tpu.memref_slice %arg11[%add3A_852] : memref<1572864xf32, #tpu.memory_space<vmem_shared>> -> memref<2048xf32, #tpu.memory_space<vmem_shared>>
      tpu.enqueue_dma source(%arg10 : memref<2048xf32, #tpu.memory_space<vmem>>) target(%dma_start3A_854 : memref<2048xf32, #tpu.memory_space<vmem_shared>>) target_semaphore(%arg14 : memref<!tpu.dma_semaphore, #tpu.memory_space<semaphore_mem>>)
      %mul3A_855 = arith.constant 98304 : i32
      %mul3A_856 = arith.muli %arg1, %mul3A_855 : i32
      %add3A_857 = arith.constant 28672 : i32
      %add3A_858 = arith.addi %mul3A_856, %add3A_857 : i32
      %dma_start3A_859 = tpu.memref_slice %arg11[%add3A_858] : memref<1572864xf32, #tpu.memory_space<vmem_shared>> -> memref<2048xf32, #tpu.memory_space<vmem_shared>>
      %dma_start3A_860 = tpu.memref_slice %arg11[%add3A_858] : memref<1572864xf32, #tpu.memory_space<vmem_shared>> -> memref<2048xf32, #tpu.memory_space<vmem_shared>>
      tpu.enqueue_dma source(%arg10 : memref<2048xf32, #tpu.memory_space<vmem>>) target(%dma_start3A_860 : memref<2048xf32, #tpu.memory_space<vmem_shared>>) target_semaphore(%arg14 : memref<!tpu.dma_semaphore, #tpu.memory_space<semaphore_mem>>)
      %mul3A_861 = arith.constant 98304 : i32
      %mul3A_862 = arith.muli %arg1, %mul3A_861 : i32
      %add3A_863 = arith.constant 30720 : i32
      %add3A_864 = arith.addi %mul3A_862, %add3A_863 : i32
      %dma_start3A_865 = tpu.memref_slice %arg11[%add3A_864] : memref<1572864xf32, #tpu.memory_space<vmem_shared>> -> memref<2048xf32, #tpu.memory_space<vmem_shared>>
      %dma_start3A_866 = tpu.memref_slice %arg11[%add3A_864] : memref<1572864xf32, #tpu.memory_space<vmem_shared>> -> memref<2048xf32, #tpu.memory_space<vmem_shared>>
      tpu.enqueue_dma source(%arg10 : memref<2048xf32, #tpu.memory_space<vmem>>) target(%dma_start3A_866 : memref<2048xf32, #tpu.memory_space<vmem_shared>>) target_semaphore(%arg14 : memref<!tpu.dma_semaphore, #tpu.memory_space<semaphore_mem>>)
      %mul3A_867 = arith.constant 98304 : i32
      %mul3A_868 = arith.muli %arg1, %mul3A_867 : i32
      %add3A_869 = arith.constant 32768 : i32
      %add3A_870 = arith.addi %mul3A_868, %add3A_869 : i32
      %dma_start3A_871 = tpu.memref_slice %arg11[%add3A_870] : memref<1572864xf32, #tpu.memory_space<vmem_shared>> -> memref<2048xf32, #tpu.memory_space<vmem_shared>>
      %dma_start3A_872 = tpu.memref_slice %arg11[%add3A_870] : memref<1572864xf32, #tpu.memory_space<vmem_shared>> -> memref<2048xf32, #tpu.memory_space<vmem_shared>>
      tpu.enqueue_dma source(%arg10 : memref<2048xf32, #tpu.memory_space<vmem>>) target(%dma_start3A_872 : memref<2048xf32, #tpu.memory_space<vmem_shared>>) target_semaphore(%arg14 : memref<!tpu.dma_semaphore, #tpu.memory_space<semaphore_mem>>)
      %mul3A_873 = arith.constant 98304 : i32
      %mul3A_874 = arith.muli %arg1, %mul3A_873 : i32
      %add3A_875 = arith.constant 34816 : i32
      %add3A_876 = arith.addi %mul3A_874, %add3A_875 : i32
      %dma_start3A_877 = tpu.memref_slice %arg11[%add3A_876] : memref<1572864xf32, #tpu.memory_space<vmem_shared>> -> memref<2048xf32, #tpu.memory_space<vmem_shared>>
      %dma_start3A_878 = tpu.memref_slice %arg11[%add3A_876] : memref<1572864xf32, #tpu.memory_space<vmem_shared>> -> memref<2048xf32, #tpu.memory_space<vmem_shared>>
      tpu.enqueue_dma source(%arg10 : memref<2048xf32, #tpu.memory_space<vmem>>) target(%dma_start3A_878 : memref<2048xf32, #tpu.memory_space<vmem_shared>>) target_semaphore(%arg14 : memref<!tpu.dma_semaphore, #tpu.memory_space<semaphore_mem>>)
      %mul3A_879 = arith.constant 98304 : i32
      %mul3A_880 = arith.muli %arg1, %mul3A_879 : i32
      %add3A_881 = arith.constant 36864 : i32
      %add3A_882 = arith.addi %mul3A_880, %add3A_881 : i32
      %dma_start3A_883 = tpu.memref_slice %arg11[%add3A_882] : memref<1572864xf32, #tpu.memory_space<vmem_shared>> -> memref<2048xf32, #tpu.memory_space<vmem_shared>>
      %dma_start3A_884 = tpu.memref_slice %arg11[%add3A_882] : memref<1572864xf32, #tpu.memory_space<vmem_shared>> -> memref<2048xf32, #tpu.memory_space<vmem_shared>>
      tpu.enqueue_dma source(%arg10 : memref<2048xf32, #tpu.memory_space<vmem>>) target(%dma_start3A_884 : memref<2048xf32, #tpu.memory_space<vmem_shared>>) target_semaphore(%arg14 : memref<!tpu.dma_semaphore, #tpu.memory_space<semaphore_mem>>)
      %mul3A_885 = arith.constant 98304 : i32
      %mul3A_886 = arith.muli %arg1, %mul3A_885 : i32
      %add3A_887 = arith.constant 38912 : i32
      %add3A_888 = arith.addi %mul3A_886, %add3A_887 : i32
      %dma_start3A_889 = tpu.memref_slice %arg11[%add3A_888] : memref<1572864xf32, #tpu.memory_space<vmem_shared>> -> memref<2048xf32, #tpu.memory_space<vmem_shared>>
      %dma_start3A_890 = tpu.memref_slice %arg11[%add3A_888] : memref<1572864xf32, #tpu.memory_space<vmem_shared>> -> memref<2048xf32, #tpu.memory_space<vmem_shared>>
      tpu.enqueue_dma source(%arg10 : memref<2048xf32, #tpu.memory_space<vmem>>) target(%dma_start3A_890 : memref<2048xf32, #tpu.memory_space<vmem_shared>>) target_semaphore(%arg14 : memref<!tpu.dma_semaphore, #tpu.memory_space<semaphore_mem>>)
      %mul3A_891 = arith.constant 98304 : i32
      %mul3A_892 = arith.muli %arg1, %mul3A_891 : i32
      %add3A_893 = arith.constant 40960 : i32
      %add3A_894 = arith.addi %mul3A_892, %add3A_893 : i32
      %dma_start3A_895 = tpu.memref_slice %arg11[%add3A_894] : memref<1572864xf32, #tpu.memory_space<vmem_shared>> -> memref<2048xf32, #tpu.memory_space<vmem_shared>>
      %dma_start3A_896 = tpu.memref_slice %arg11[%add3A_894] : memref<1572864xf32, #tpu.memory_space<vmem_shared>> -> memref<2048xf32, #tpu.memory_space<vmem_shared>>
      tpu.enqueue_dma source(%arg10 : memref<2048xf32, #tpu.memory_space<vmem>>) target(%dma_start3A_896 : memref<2048xf32, #tpu.memory_space<vmem_shared>>) target_semaphore(%arg14 : memref<!tpu.dma_semaphore, #tpu.memory_space<semaphore_mem>>)
      %mul3A_897 = arith.constant 98304 : i32
      %mul3A_898 = arith.muli %arg1, %mul3A_897 : i32
      %add3A_899 = arith.constant 43008 : i32
      %add3A_900 = arith.addi %mul3A_898, %add3A_899 : i32
      %dma_start3A_901 = tpu.memref_slice %arg11[%add3A_900] : memref<1572864xf32, #tpu.memory_space<vmem_shared>> -> memref<2048xf32, #tpu.memory_space<vmem_shared>>
      %dma_start3A_902 = tpu.memref_slice %arg11[%add3A_900] : memref<1572864xf32, #tpu.memory_space<vmem_shared>> -> memref<2048xf32, #tpu.memory_space<vmem_shared>>
      tpu.enqueue_dma source(%arg10 : memref<2048xf32, #tpu.memory_space<vmem>>) target(%dma_start3A_902 : memref<2048xf32, #tpu.memory_space<vmem_shared>>) target_semaphore(%arg14 : memref<!tpu.dma_semaphore, #tpu.memory_space<semaphore_mem>>)
      %mul3A_903 = arith.constant 98304 : i32
      %mul3A_904 = arith.muli %arg1, %mul3A_903 : i32
      %add3A_905 = arith.constant 45056 : i32
      %add3A_906 = arith.addi %mul3A_904, %add3A_905 : i32
      %dma_start3A_907 = tpu.memref_slice %arg11[%add3A_906] : memref<1572864xf32, #tpu.memory_space<vmem_shared>> -> memref<2048xf32, #tpu.memory_space<vmem_shared>>
      %dma_start3A_908 = tpu.memref_slice %arg11[%add3A_906] : memref<1572864xf32, #tpu.memory_space<vmem_shared>> -> memref<2048xf32, #tpu.memory_space<vmem_shared>>
      tpu.enqueue_dma source(%arg10 : memref<2048xf32, #tpu.memory_space<vmem>>) target(%dma_start3A_908 : memref<2048xf32, #tpu.memory_space<vmem_shared>>) target_semaphore(%arg14 : memref<!tpu.dma_semaphore, #tpu.memory_space<semaphore_mem>>)
      %mul3A_909 = arith.constant 98304 : i32
      %mul3A_910 = arith.muli %arg1, %mul3A_909 : i32
      %add3A_911 = arith.constant 47104 : i32
      %add3A_912 = arith.addi %mul3A_910, %add3A_911 : i32
      %dma_start3A_913 = tpu.memref_slice %arg11[%add3A_912] : memref<1572864xf32, #tpu.memory_space<vmem_shared>> -> memref<2048xf32, #tpu.memory_space<vmem_shared>>
      %dma_start3A_914 = tpu.memref_slice %arg11[%add3A_912] : memref<1572864xf32, #tpu.memory_space<vmem_shared>> -> memref<2048xf32, #tpu.memory_space<vmem_shared>>
      tpu.enqueue_dma source(%arg10 : memref<2048xf32, #tpu.memory_space<vmem>>) target(%dma_start3A_914 : memref<2048xf32, #tpu.memory_space<vmem_shared>>) target_semaphore(%arg14 : memref<!tpu.dma_semaphore, #tpu.memory_space<semaphore_mem>>)
      %mul3A_915 = arith.constant 98304 : i32
      %mul3A_916 = arith.muli %arg1, %mul3A_915 : i32
      %add3A_917 = arith.constant 49152 : i32
      %add3A_918 = arith.addi %mul3A_916, %add3A_917 : i32
      %dma_start3A_919 = tpu.memref_slice %arg11[%add3A_918] : memref<1572864xf32, #tpu.memory_space<vmem_shared>> -> memref<2048xf32, #tpu.memory_space<vmem_shared>>
      %dma_start3A_920 = tpu.memref_slice %arg11[%add3A_918] : memref<1572864xf32, #tpu.memory_space<vmem_shared>> -> memref<2048xf32, #tpu.memory_space<vmem_shared>>
      tpu.enqueue_dma source(%arg10 : memref<2048xf32, #tpu.memory_space<vmem>>) target(%dma_start3A_920 : memref<2048xf32, #tpu.memory_space<vmem_shared>>) target_semaphore(%arg14 : memref<!tpu.dma_semaphore, #tpu.memory_space<semaphore_mem>>)
      %mul3A_921 = arith.constant 98304 : i32
      %mul3A_922 = arith.muli %arg1, %mul3A_921 : i32
      %add3A_923 = arith.constant 51200 : i32
      %add3A_924 = arith.addi %mul3A_922, %add3A_923 : i32
      %dma_start3A_925 = tpu.memref_slice %arg11[%add3A_924] : memref<1572864xf32, #tpu.memory_space<vmem_shared>> -> memref<2048xf32, #tpu.memory_space<vmem_shared>>
      %dma_start3A_926 = tpu.memref_slice %arg11[%add3A_924] : memref<1572864xf32, #tpu.memory_space<vmem_shared>> -> memref<2048xf32, #tpu.memory_space<vmem_shared>>
      tpu.enqueue_dma source(%arg10 : memref<2048xf32, #tpu.memory_space<vmem>>) target(%dma_start3A_926 : memref<2048xf32, #tpu.memory_space<vmem_shared>>) target_semaphore(%arg14 : memref<!tpu.dma_semaphore, #tpu.memory_space<semaphore_mem>>)
      %mul3A_927 = arith.constant 98304 : i32
      %mul3A_928 = arith.muli %arg1, %mul3A_927 : i32
      %add3A_929 = arith.constant 53248 : i32
      %add3A_930 = arith.addi %mul3A_928, %add3A_929 : i32
      %dma_start3A_931 = tpu.memref_slice %arg11[%add3A_930] : memref<1572864xf32, #tpu.memory_space<vmem_shared>> -> memref<2048xf32, #tpu.memory_space<vmem_shared>>
      %dma_start3A_932 = tpu.memref_slice %arg11[%add3A_930] : memref<1572864xf32, #tpu.memory_space<vmem_shared>> -> memref<2048xf32, #tpu.memory_space<vmem_shared>>
      tpu.enqueue_dma source(%arg10 : memref<2048xf32, #tpu.memory_space<vmem>>) target(%dma_start3A_932 : memref<2048xf32, #tpu.memory_space<vmem_shared>>) target_semaphore(%arg14 : memref<!tpu.dma_semaphore, #tpu.memory_space<semaphore_mem>>)
      %mul3A_933 = arith.constant 98304 : i32
      %mul3A_934 = arith.muli %arg1, %mul3A_933 : i32
      %add3A_935 = arith.constant 55296 : i32
      %add3A_936 = arith.addi %mul3A_934, %add3A_935 : i32
      %dma_start3A_937 = tpu.memref_slice %arg11[%add3A_936] : memref<1572864xf32, #tpu.memory_space<vmem_shared>> -> memref<2048xf32, #tpu.memory_space<vmem_shared>>
      %dma_start3A_938 = tpu.memref_slice %arg11[%add3A_936] : memref<1572864xf32, #tpu.memory_space<vmem_shared>> -> memref<2048xf32, #tpu.memory_space<vmem_shared>>
      tpu.enqueue_dma source(%arg10 : memref<2048xf32, #tpu.memory_space<vmem>>) target(%dma_start3A_938 : memref<2048xf32, #tpu.memory_space<vmem_shared>>) target_semaphore(%arg14 : memref<!tpu.dma_semaphore, #tpu.memory_space<semaphore_mem>>)
      %mul3A_939 = arith.constant 98304 : i32
      %mul3A_940 = arith.muli %arg1, %mul3A_939 : i32
      %add3A_941 = arith.constant 57344 : i32
      %add3A_942 = arith.addi %mul3A_940, %add3A_941 : i32
      %dma_start3A_943 = tpu.memref_slice %arg11[%add3A_942] : memref<1572864xf32, #tpu.memory_space<vmem_shared>> -> memref<2048xf32, #tpu.memory_space<vmem_shared>>
      %dma_start3A_944 = tpu.memref_slice %arg11[%add3A_942] : memref<1572864xf32, #tpu.memory_space<vmem_shared>> -> memref<2048xf32, #tpu.memory_space<vmem_shared>>
      tpu.enqueue_dma source(%arg10 : memref<2048xf32, #tpu.memory_space<vmem>>) target(%dma_start3A_944 : memref<2048xf32, #tpu.memory_space<vmem_shared>>) target_semaphore(%arg14 : memref<!tpu.dma_semaphore, #tpu.memory_space<semaphore_mem>>)
      %mul3A_945 = arith.constant 98304 : i32
      %mul3A_946 = arith.muli %arg1, %mul3A_945 : i32
      %add3A_947 = arith.constant 59392 : i32
      %add3A_948 = arith.addi %mul3A_946, %add3A_947 : i32
      %dma_start3A_949 = tpu.memref_slice %arg11[%add3A_948] : memref<1572864xf32, #tpu.memory_space<vmem_shared>> -> memref<2048xf32, #tpu.memory_space<vmem_shared>>
      %dma_start3A_950 = tpu.memref_slice %arg11[%add3A_948] : memref<1572864xf32, #tpu.memory_space<vmem_shared>> -> memref<2048xf32, #tpu.memory_space<vmem_shared>>
      tpu.enqueue_dma source(%arg10 : memref<2048xf32, #tpu.memory_space<vmem>>) target(%dma_start3A_950 : memref<2048xf32, #tpu.memory_space<vmem_shared>>) target_semaphore(%arg14 : memref<!tpu.dma_semaphore, #tpu.memory_space<semaphore_mem>>)
      %mul3A_951 = arith.constant 98304 : i32
      %mul3A_952 = arith.muli %arg1, %mul3A_951 : i32
      %add3A_953 = arith.constant 61440 : i32
      %add3A_954 = arith.addi %mul3A_952, %add3A_953 : i32
      %dma_start3A_955 = tpu.memref_slice %arg11[%add3A_954] : memref<1572864xf32, #tpu.memory_space<vmem_shared>> -> memref<2048xf32, #tpu.memory_space<vmem_shared>>
      %dma_start3A_956 = tpu.memref_slice %arg11[%add3A_954] : memref<1572864xf32, #tpu.memory_space<vmem_shared>> -> memref<2048xf32, #tpu.memory_space<vmem_shared>>
      tpu.enqueue_dma source(%arg10 : memref<2048xf32, #tpu.memory_space<vmem>>) target(%dma_start3A_956 : memref<2048xf32, #tpu.memory_space<vmem_shared>>) target_semaphore(%arg14 : memref<!tpu.dma_semaphore, #tpu.memory_space<semaphore_mem>>)
      %mul3A_957 = arith.constant 98304 : i32
      %mul3A_958 = arith.muli %arg1, %mul3A_957 : i32
      %add3A_959 = arith.constant 63488 : i32
      %add3A_960 = arith.addi %mul3A_958, %add3A_959 : i32
      %dma_start3A_961 = tpu.memref_slice %arg11[%add3A_960] : memref<1572864xf32, #tpu.memory_space<vmem_shared>> -> memref<2048xf32, #tpu.memory_space<vmem_shared>>
      %dma_start3A_962 = tpu.memref_slice %arg11[%add3A_960] : memref<1572864xf32, #tpu.memory_space<vmem_shared>> -> memref<2048xf32, #tpu.memory_space<vmem_shared>>
      tpu.enqueue_dma source(%arg10 : memref<2048xf32, #tpu.memory_space<vmem>>) target(%dma_start3A_962 : memref<2048xf32, #tpu.memory_space<vmem_shared>>) target_semaphore(%arg14 : memref<!tpu.dma_semaphore, #tpu.memory_space<semaphore_mem>>)
      %mul3A_963 = arith.constant 98304 : i32
      %mul3A_964 = arith.muli %arg1, %mul3A_963 : i32
      %add3A_965 = arith.constant 65536 : i32
      %add3A_966 = arith.addi %mul3A_964, %add3A_965 : i32
      %dma_start3A_967 = tpu.memref_slice %arg11[%add3A_966] : memref<1572864xf32, #tpu.memory_space<vmem_shared>> -> memref<2048xf32, #tpu.memory_space<vmem_shared>>
      %dma_start3A_968 = tpu.memref_slice %arg11[%add3A_966] : memref<1572864xf32, #tpu.memory_space<vmem_shared>> -> memref<2048xf32, #tpu.memory_space<vmem_shared>>
      tpu.enqueue_dma source(%arg10 : memref<2048xf32, #tpu.memory_space<vmem>>) target(%dma_start3A_968 : memref<2048xf32, #tpu.memory_space<vmem_shared>>) target_semaphore(%arg14 : memref<!tpu.dma_semaphore, #tpu.memory_space<semaphore_mem>>)
      %mul3A_969 = arith.constant 98304 : i32
      %mul3A_970 = arith.muli %arg1, %mul3A_969 : i32
      %add3A_971 = arith.constant 67584 : i32
      %add3A_972 = arith.addi %mul3A_970, %add3A_971 : i32
      %dma_start3A_973 = tpu.memref_slice %arg11[%add3A_972] : memref<1572864xf32, #tpu.memory_space<vmem_shared>> -> memref<2048xf32, #tpu.memory_space<vmem_shared>>
      %dma_start3A_974 = tpu.memref_slice %arg11[%add3A_972] : memref<1572864xf32, #tpu.memory_space<vmem_shared>> -> memref<2048xf32, #tpu.memory_space<vmem_shared>>
      tpu.enqueue_dma source(%arg10 : memref<2048xf32, #tpu.memory_space<vmem>>) target(%dma_start3A_974 : memref<2048xf32, #tpu.memory_space<vmem_shared>>) target_semaphore(%arg14 : memref<!tpu.dma_semaphore, #tpu.memory_space<semaphore_mem>>)
      %mul3A_975 = arith.constant 98304 : i32
      %mul3A_976 = arith.muli %arg1, %mul3A_975 : i32
      %add3A_977 = arith.constant 69632 : i32
      %add3A_978 = arith.addi %mul3A_976, %add3A_977 : i32
      %dma_start3A_979 = tpu.memref_slice %arg11[%add3A_978] : memref<1572864xf32, #tpu.memory_space<vmem_shared>> -> memref<2048xf32, #tpu.memory_space<vmem_shared>>
      %dma_start3A_980 = tpu.memref_slice %arg11[%add3A_978] : memref<1572864xf32, #tpu.memory_space<vmem_shared>> -> memref<2048xf32, #tpu.memory_space<vmem_shared>>
      tpu.enqueue_dma source(%arg10 : memref<2048xf32, #tpu.memory_space<vmem>>) target(%dma_start3A_980 : memref<2048xf32, #tpu.memory_space<vmem_shared>>) target_semaphore(%arg14 : memref<!tpu.dma_semaphore, #tpu.memory_space<semaphore_mem>>)
      %mul3A_981 = arith.constant 98304 : i32
      %mul3A_982 = arith.muli %arg1, %mul3A_981 : i32
      %add3A_983 = arith.constant 71680 : i32
      %add3A_984 = arith.addi %mul3A_982, %add3A_983 : i32
      %dma_start3A_985 = tpu.memref_slice %arg11[%add3A_984] : memref<1572864xf32, #tpu.memory_space<vmem_shared>> -> memref<2048xf32, #tpu.memory_space<vmem_shared>>
      %dma_start3A_986 = tpu.memref_slice %arg11[%add3A_984] : memref<1572864xf32, #tpu.memory_space<vmem_shared>> -> memref<2048xf32, #tpu.memory_space<vmem_shared>>
      tpu.enqueue_dma source(%arg10 : memref<2048xf32, #tpu.memory_space<vmem>>) target(%dma_start3A_986 : memref<2048xf32, #tpu.memory_space<vmem_shared>>) target_semaphore(%arg14 : memref<!tpu.dma_semaphore, #tpu.memory_space<semaphore_mem>>)
      %mul3A_987 = arith.constant 98304 : i32
      %mul3A_988 = arith.muli %arg1, %mul3A_987 : i32
      %add3A_989 = arith.constant 73728 : i32
      %add3A_990 = arith.addi %mul3A_988, %add3A_989 : i32
      %dma_start3A_991 = tpu.memref_slice %arg11[%add3A_990] : memref<1572864xf32, #tpu.memory_space<vmem_shared>> -> memref<2048xf32, #tpu.memory_space<vmem_shared>>
      %dma_start3A_992 = tpu.memref_slice %arg11[%add3A_990] : memref<1572864xf32, #tpu.memory_space<vmem_shared>> -> memref<2048xf32, #tpu.memory_space<vmem_shared>>
      tpu.enqueue_dma source(%arg10 : memref<2048xf32, #tpu.memory_space<vmem>>) target(%dma_start3A_992 : memref<2048xf32, #tpu.memory_space<vmem_shared>>) target_semaphore(%arg14 : memref<!tpu.dma_semaphore, #tpu.memory_space<semaphore_mem>>)
      %mul3A_993 = arith.constant 98304 : i32
      %mul3A_994 = arith.muli %arg1, %mul3A_993 : i32
      %add3A_995 = arith.constant 75776 : i32
      %add3A_996 = arith.addi %mul3A_994, %add3A_995 : i32
      %dma_start3A_997 = tpu.memref_slice %arg11[%add3A_996] : memref<1572864xf32, #tpu.memory_space<vmem_shared>> -> memref<2048xf32, #tpu.memory_space<vmem_shared>>
      %dma_start3A_998 = tpu.memref_slice %arg11[%add3A_996] : memref<1572864xf32, #tpu.memory_space<vmem_shared>> -> memref<2048xf32, #tpu.memory_space<vmem_shared>>
      tpu.enqueue_dma source(%arg10 : memref<2048xf32, #tpu.memory_space<vmem>>) target(%dma_start3A_998 : memref<2048xf32, #tpu.memory_space<vmem_shared>>) target_semaphore(%arg14 : memref<!tpu.dma_semaphore, #tpu.memory_space<semaphore_mem>>)
      %mul3A_999 = arith.constant 98304 : i32
      %mul3A_1000 = arith.muli %arg1, %mul3A_999 : i32
      %add3A_1001 = arith.constant 77824 : i32
      %add3A_1002 = arith.addi %mul3A_1000, %add3A_1001 : i32
      %dma_start3A_1003 = tpu.memref_slice %arg11[%add3A_1002] : memref<1572864xf32, #tpu.memory_space<vmem_shared>> -> memref<2048xf32, #tpu.memory_space<vmem_shared>>
      %dma_start3A_1004 = tpu.memref_slice %arg11[%add3A_1002] : memref<1572864xf32, #tpu.memory_space<vmem_shared>> -> memref<2048xf32, #tpu.memory_space<vmem_shared>>
      tpu.enqueue_dma source(%arg10 : memref<2048xf32, #tpu.memory_space<vmem>>) target(%dma_start3A_1004 : memref<2048xf32, #tpu.memory_space<vmem_shared>>) target_semaphore(%arg14 : memref<!tpu.dma_semaphore, #tpu.memory_space<semaphore_mem>>)
      %mul3A_1005 = arith.constant 98304 : i32
      %mul3A_1006 = arith.muli %arg1, %mul3A_1005 : i32
      %add3A_1007 = arith.constant 79872 : i32
      %add3A_1008 = arith.addi %mul3A_1006, %add3A_1007 : i32
      %dma_start3A_1009 = tpu.memref_slice %arg11[%add3A_1008] : memref<1572864xf32, #tpu.memory_space<vmem_shared>> -> memref<2048xf32, #tpu.memory_space<vmem_shared>>
      %dma_start3A_1010 = tpu.memref_slice %arg11[%add3A_1008] : memref<1572864xf32, #tpu.memory_space<vmem_shared>> -> memref<2048xf32, #tpu.memory_space<vmem_shared>>
      tpu.enqueue_dma source(%arg10 : memref<2048xf32, #tpu.memory_space<vmem>>) target(%dma_start3A_1010 : memref<2048xf32, #tpu.memory_space<vmem_shared>>) target_semaphore(%arg14 : memref<!tpu.dma_semaphore, #tpu.memory_space<semaphore_mem>>)
      %mul3A_1011 = arith.constant 98304 : i32
      %mul3A_1012 = arith.muli %arg1, %mul3A_1011 : i32
      %add3A_1013 = arith.constant 81920 : i32
      %add3A_1014 = arith.addi %mul3A_1012, %add3A_1013 : i32
      %dma_start3A_1015 = tpu.memref_slice %arg11[%add3A_1014] : memref<1572864xf32, #tpu.memory_space<vmem_shared>> -> memref<2048xf32, #tpu.memory_space<vmem_shared>>
      %dma_start3A_1016 = tpu.memref_slice %arg11[%add3A_1014] : memref<1572864xf32, #tpu.memory_space<vmem_shared>> -> memref<2048xf32, #tpu.memory_space<vmem_shared>>
      tpu.enqueue_dma source(%arg10 : memref<2048xf32, #tpu.memory_space<vmem>>) target(%dma_start3A_1016 : memref<2048xf32, #tpu.memory_space<vmem_shared>>) target_semaphore(%arg14 : memref<!tpu.dma_semaphore, #tpu.memory_space<semaphore_mem>>)
      %mul3A_1017 = arith.constant 98304 : i32
      %mul3A_1018 = arith.muli %arg1, %mul3A_1017 : i32
      %add3A_1019 = arith.constant 83968 : i32
      %add3A_1020 = arith.addi %mul3A_1018, %add3A_1019 : i32
      %dma_start3A_1021 = tpu.memref_slice %arg11[%add3A_1020] : memref<1572864xf32, #tpu.memory_space<vmem_shared>> -> memref<2048xf32, #tpu.memory_space<vmem_shared>>
      %dma_start3A_1022 = tpu.memref_slice %arg11[%add3A_1020] : memref<1572864xf32, #tpu.memory_space<vmem_shared>> -> memref<2048xf32, #tpu.memory_space<vmem_shared>>
      tpu.enqueue_dma source(%arg10 : memref<2048xf32, #tpu.memory_space<vmem>>) target(%dma_start3A_1022 : memref<2048xf32, #tpu.memory_space<vmem_shared>>) target_semaphore(%arg14 : memref<!tpu.dma_semaphore, #tpu.memory_space<semaphore_mem>>)
      %mul3A_1023 = arith.constant 98304 : i32
      %mul3A_1024 = arith.muli %arg1, %mul3A_1023 : i32
      %add3A_1025 = arith.constant 86016 : i32
      %add3A_1026 = arith.addi %mul3A_1024, %add3A_1025 : i32
      %dma_start3A_1027 = tpu.memref_slice %arg11[%add3A_1026] : memref<1572864xf32, #tpu.memory_space<vmem_shared>> -> memref<2048xf32, #tpu.memory_space<vmem_shared>>
      %dma_start3A_1028 = tpu.memref_slice %arg11[%add3A_1026] : memref<1572864xf32, #tpu.memory_space<vmem_shared>> -> memref<2048xf32, #tpu.memory_space<vmem_shared>>
      tpu.enqueue_dma source(%arg10 : memref<2048xf32, #tpu.memory_space<vmem>>) target(%dma_start3A_1028 : memref<2048xf32, #tpu.memory_space<vmem_shared>>) target_semaphore(%arg14 : memref<!tpu.dma_semaphore, #tpu.memory_space<semaphore_mem>>)
      %mul3A_1029 = arith.constant 98304 : i32
      %mul3A_1030 = arith.muli %arg1, %mul3A_1029 : i32
      %add3A_1031 = arith.constant 88064 : i32
      %add3A_1032 = arith.addi %mul3A_1030, %add3A_1031 : i32
      %dma_start3A_1033 = tpu.memref_slice %arg11[%add3A_1032] : memref<1572864xf32, #tpu.memory_space<vmem_shared>> -> memref<2048xf32, #tpu.memory_space<vmem_shared>>
      %dma_start3A_1034 = tpu.memref_slice %arg11[%add3A_1032] : memref<1572864xf32, #tpu.memory_space<vmem_shared>> -> memref<2048xf32, #tpu.memory_space<vmem_shared>>
      tpu.enqueue_dma source(%arg10 : memref<2048xf32, #tpu.memory_space<vmem>>) target(%dma_start3A_1034 : memref<2048xf32, #tpu.memory_space<vmem_shared>>) target_semaphore(%arg14 : memref<!tpu.dma_semaphore, #tpu.memory_space<semaphore_mem>>)
      %mul3A_1035 = arith.constant 98304 : i32
      %mul3A_1036 = arith.muli %arg1, %mul3A_1035 : i32
      %add3A_1037 = arith.constant 90112 : i32
      %add3A_1038 = arith.addi %mul3A_1036, %add3A_1037 : i32
      %dma_start3A_1039 = tpu.memref_slice %arg11[%add3A_1038] : memref<1572864xf32, #tpu.memory_space<vmem_shared>> -> memref<2048xf32, #tpu.memory_space<vmem_shared>>
      %dma_start3A_1040 = tpu.memref_slice %arg11[%add3A_1038] : memref<1572864xf32, #tpu.memory_space<vmem_shared>> -> memref<2048xf32, #tpu.memory_space<vmem_shared>>
      tpu.enqueue_dma source(%arg10 : memref<2048xf32, #tpu.memory_space<vmem>>) target(%dma_start3A_1040 : memref<2048xf32, #tpu.memory_space<vmem_shared>>) target_semaphore(%arg14 : memref<!tpu.dma_semaphore, #tpu.memory_space<semaphore_mem>>)
      %mul3A_1041 = arith.constant 98304 : i32
      %mul3A_1042 = arith.muli %arg1, %mul3A_1041 : i32
      %add3A_1043 = arith.constant 92160 : i32
      %add3A_1044 = arith.addi %mul3A_1042, %add3A_1043 : i32
      %dma_start3A_1045 = tpu.memref_slice %arg11[%add3A_1044] : memref<1572864xf32, #tpu.memory_space<vmem_shared>> -> memref<2048xf32, #tpu.memory_space<vmem_shared>>
      %dma_start3A_1046 = tpu.memref_slice %arg11[%add3A_1044] : memref<1572864xf32, #tpu.memory_space<vmem_shared>> -> memref<2048xf32, #tpu.memory_space<vmem_shared>>
      tpu.enqueue_dma source(%arg10 : memref<2048xf32, #tpu.memory_space<vmem>>) target(%dma_start3A_1046 : memref<2048xf32, #tpu.memory_space<vmem_shared>>) target_semaphore(%arg14 : memref<!tpu.dma_semaphore, #tpu.memory_space<semaphore_mem>>)
      %mul3A_1047 = arith.constant 98304 : i32
      %mul3A_1048 = arith.muli %arg1, %mul3A_1047 : i32
      %add3A_1049 = arith.constant 94208 : i32
      %add3A_1050 = arith.addi %mul3A_1048, %add3A_1049 : i32
      %dma_start3A_1051 = tpu.memref_slice %arg11[%add3A_1050] : memref<1572864xf32, #tpu.memory_space<vmem_shared>> -> memref<2048xf32, #tpu.memory_space<vmem_shared>>
      %dma_start3A_1052 = tpu.memref_slice %arg11[%add3A_1050] : memref<1572864xf32, #tpu.memory_space<vmem_shared>> -> memref<2048xf32, #tpu.memory_space<vmem_shared>>
      tpu.enqueue_dma source(%arg10 : memref<2048xf32, #tpu.memory_space<vmem>>) target(%dma_start3A_1052 : memref<2048xf32, #tpu.memory_space<vmem_shared>>) target_semaphore(%arg14 : memref<!tpu.dma_semaphore, #tpu.memory_space<semaphore_mem>>)
      %mul3A_1053 = arith.constant 98304 : i32
      %mul3A_1054 = arith.muli %arg1, %mul3A_1053 : i32
      %add3A_1055 = arith.constant 96256 : i32
      %add3A_1056 = arith.addi %mul3A_1054, %add3A_1055 : i32
      %dma_start3A_1057 = tpu.memref_slice %arg11[%add3A_1056] : memref<1572864xf32, #tpu.memory_space<vmem_shared>> -> memref<2048xf32, #tpu.memory_space<vmem_shared>>
      %dma_start3A_1058 = tpu.memref_slice %arg11[%add3A_1056] : memref<1572864xf32, #tpu.memory_space<vmem_shared>> -> memref<2048xf32, #tpu.memory_space<vmem_shared>>
      tpu.enqueue_dma source(%arg10 : memref<2048xf32, #tpu.memory_space<vmem>>) target(%dma_start3A_1058 : memref<2048xf32, #tpu.memory_space<vmem_shared>>) target_semaphore(%arg14 : memref<!tpu.dma_semaphore, #tpu.memory_space<semaphore_mem>>)
      %mul3A_1059 = arith.constant 98304 : i32
      %mul3A_1060 = arith.muli %arg1, %mul3A_1059 : i32
      %add3A_1061 = arith.constant 0 : i32
      %add3A_1062 = arith.addi %mul3A_1060, %add3A_1061 : i32
      %dma_wait3A_1063 = tpu.memref_slice %arg11[%add3A_1062] : memref<1572864xf32, #tpu.memory_space<vmem_shared>> -> memref<2048xf32, #tpu.memory_space<vmem_shared>>
      %dma_wait3A_1064 = tpu.memref_slice %arg11[%add3A_1062] : memref<1572864xf32, #tpu.memory_space<vmem_shared>> -> memref<2048xf32, #tpu.memory_space<vmem_shared>>
      tpu.wait_dma2 semaphore(%arg14 : memref<!tpu.dma_semaphore, #tpu.memory_space<semaphore_mem>>) src(%arg10 : memref<2048xf32, #tpu.memory_space<vmem>>) dst(%dma_wait3A_1064 : memref<2048xf32, #tpu.memory_space<vmem_shared>>)
      %mul3A_1065 = arith.constant 98304 : i32
      %mul3A_1066 = arith.muli %arg1, %mul3A_1065 : i32
      %add3A_1067 = arith.constant 2048 : i32
      %add3A_1068 = arith.addi %mul3A_1066, %add3A_1067 : i32
      %dma_wait3A_1069 = tpu.memref_slice %arg11[%add3A_1068] : memref<1572864xf32, #tpu.memory_space<vmem_shared>> -> memref<2048xf32, #tpu.memory_space<vmem_shared>>
      %dma_wait3A_1070 = tpu.memref_slice %arg11[%add3A_1068] : memref<1572864xf32, #tpu.memory_space<vmem_shared>> -> memref<2048xf32, #tpu.memory_space<vmem_shared>>
      tpu.wait_dma2 semaphore(%arg14 : memref<!tpu.dma_semaphore, #tpu.memory_space<semaphore_mem>>) src(%arg10 : memref<2048xf32, #tpu.memory_space<vmem>>) dst(%dma_wait3A_1070 : memref<2048xf32, #tpu.memory_space<vmem_shared>>)
      %mul3A_1071 = arith.constant 98304 : i32
      %mul3A_1072 = arith.muli %arg1, %mul3A_1071 : i32
      %add3A_1073 = arith.constant 4096 : i32
      %add3A_1074 = arith.addi %mul3A_1072, %add3A_1073 : i32
      %dma_wait3A_1075 = tpu.memref_slice %arg11[%add3A_1074] : memref<1572864xf32, #tpu.memory_space<vmem_shared>> -> memref<2048xf32, #tpu.memory_space<vmem_shared>>
      %dma_wait3A_1076 = tpu.memref_slice %arg11[%add3A_1074] : memref<1572864xf32, #tpu.memory_space<vmem_shared>> -> memref<2048xf32, #tpu.memory_space<vmem_shared>>
      tpu.wait_dma2 semaphore(%arg14 : memref<!tpu.dma_semaphore, #tpu.memory_space<semaphore_mem>>) src(%arg10 : memref<2048xf32, #tpu.memory_space<vmem>>) dst(%dma_wait3A_1076 : memref<2048xf32, #tpu.memory_space<vmem_shared>>)
      %mul3A_1077 = arith.constant 98304 : i32
      %mul3A_1078 = arith.muli %arg1, %mul3A_1077 : i32
      %add3A_1079 = arith.constant 6144 : i32
      %add3A_1080 = arith.addi %mul3A_1078, %add3A_1079 : i32
      %dma_wait3A_1081 = tpu.memref_slice %arg11[%add3A_1080] : memref<1572864xf32, #tpu.memory_space<vmem_shared>> -> memref<2048xf32, #tpu.memory_space<vmem_shared>>
      %dma_wait3A_1082 = tpu.memref_slice %arg11[%add3A_1080] : memref<1572864xf32, #tpu.memory_space<vmem_shared>> -> memref<2048xf32, #tpu.memory_space<vmem_shared>>
      tpu.wait_dma2 semaphore(%arg14 : memref<!tpu.dma_semaphore, #tpu.memory_space<semaphore_mem>>) src(%arg10 : memref<2048xf32, #tpu.memory_space<vmem>>) dst(%dma_wait3A_1082 : memref<2048xf32, #tpu.memory_space<vmem_shared>>)
      %mul3A_1083 = arith.constant 98304 : i32
      %mul3A_1084 = arith.muli %arg1, %mul3A_1083 : i32
      %add3A_1085 = arith.constant 8192 : i32
      %add3A_1086 = arith.addi %mul3A_1084, %add3A_1085 : i32
      %dma_wait3A_1087 = tpu.memref_slice %arg11[%add3A_1086] : memref<1572864xf32, #tpu.memory_space<vmem_shared>> -> memref<2048xf32, #tpu.memory_space<vmem_shared>>
      %dma_wait3A_1088 = tpu.memref_slice %arg11[%add3A_1086] : memref<1572864xf32, #tpu.memory_space<vmem_shared>> -> memref<2048xf32, #tpu.memory_space<vmem_shared>>
      tpu.wait_dma2 semaphore(%arg14 : memref<!tpu.dma_semaphore, #tpu.memory_space<semaphore_mem>>) src(%arg10 : memref<2048xf32, #tpu.memory_space<vmem>>) dst(%dma_wait3A_1088 : memref<2048xf32, #tpu.memory_space<vmem_shared>>)
      %mul3A_1089 = arith.constant 98304 : i32
      %mul3A_1090 = arith.muli %arg1, %mul3A_1089 : i32
      %add3A_1091 = arith.constant 10240 : i32
      %add3A_1092 = arith.addi %mul3A_1090, %add3A_1091 : i32
      %dma_wait3A_1093 = tpu.memref_slice %arg11[%add3A_1092] : memref<1572864xf32, #tpu.memory_space<vmem_shared>> -> memref<2048xf32, #tpu.memory_space<vmem_shared>>
      %dma_wait3A_1094 = tpu.memref_slice %arg11[%add3A_1092] : memref<1572864xf32, #tpu.memory_space<vmem_shared>> -> memref<2048xf32, #tpu.memory_space<vmem_shared>>
      tpu.wait_dma2 semaphore(%arg14 : memref<!tpu.dma_semaphore, #tpu.memory_space<semaphore_mem>>) src(%arg10 : memref<2048xf32, #tpu.memory_space<vmem>>) dst(%dma_wait3A_1094 : memref<2048xf32, #tpu.memory_space<vmem_shared>>)
      %mul3A_1095 = arith.constant 98304 : i32
      %mul3A_1096 = arith.muli %arg1, %mul3A_1095 : i32
      %add3A_1097 = arith.constant 12288 : i32
      %add3A_1098 = arith.addi %mul3A_1096, %add3A_1097 : i32
      %dma_wait3A_1099 = tpu.memref_slice %arg11[%add3A_1098] : memref<1572864xf32, #tpu.memory_space<vmem_shared>> -> memref<2048xf32, #tpu.memory_space<vmem_shared>>
      %dma_wait3A_1100 = tpu.memref_slice %arg11[%add3A_1098] : memref<1572864xf32, #tpu.memory_space<vmem_shared>> -> memref<2048xf32, #tpu.memory_space<vmem_shared>>
      tpu.wait_dma2 semaphore(%arg14 : memref<!tpu.dma_semaphore, #tpu.memory_space<semaphore_mem>>) src(%arg10 : memref<2048xf32, #tpu.memory_space<vmem>>) dst(%dma_wait3A_1100 : memref<2048xf32, #tpu.memory_space<vmem_shared>>)
      %mul3A_1101 = arith.constant 98304 : i32
      %mul3A_1102 = arith.muli %arg1, %mul3A_1101 : i32
      %add3A_1103 = arith.constant 14336 : i32
      %add3A_1104 = arith.addi %mul3A_1102, %add3A_1103 : i32
      %dma_wait3A_1105 = tpu.memref_slice %arg11[%add3A_1104] : memref<1572864xf32, #tpu.memory_space<vmem_shared>> -> memref<2048xf32, #tpu.memory_space<vmem_shared>>
      %dma_wait3A_1106 = tpu.memref_slice %arg11[%add3A_1104] : memref<1572864xf32, #tpu.memory_space<vmem_shared>> -> memref<2048xf32, #tpu.memory_space<vmem_shared>>
      tpu.wait_dma2 semaphore(%arg14 : memref<!tpu.dma_semaphore, #tpu.memory_space<semaphore_mem>>) src(%arg10 : memref<2048xf32, #tpu.memory_space<vmem>>) dst(%dma_wait3A_1106 : memref<2048xf32, #tpu.memory_space<vmem_shared>>)
      %mul3A_1107 = arith.constant 98304 : i32
      %mul3A_1108 = arith.muli %arg1, %mul3A_1107 : i32
      %add3A_1109 = arith.constant 16384 : i32
      %add3A_1110 = arith.addi %mul3A_1108, %add3A_1109 : i32
      %dma_wait3A_1111 = tpu.memref_slice %arg11[%add3A_1110] : memref<1572864xf32, #tpu.memory_space<vmem_shared>> -> memref<2048xf32, #tpu.memory_space<vmem_shared>>
      %dma_wait3A_1112 = tpu.memref_slice %arg11[%add3A_1110] : memref<1572864xf32, #tpu.memory_space<vmem_shared>> -> memref<2048xf32, #tpu.memory_space<vmem_shared>>
      tpu.wait_dma2 semaphore(%arg14 : memref<!tpu.dma_semaphore, #tpu.memory_space<semaphore_mem>>) src(%arg10 : memref<2048xf32, #tpu.memory_space<vmem>>) dst(%dma_wait3A_1112 : memref<2048xf32, #tpu.memory_space<vmem_shared>>)
      %mul3A_1113 = arith.constant 98304 : i32
      %mul3A_1114 = arith.muli %arg1, %mul3A_1113 : i32
      %add3A_1115 = arith.constant 18432 : i32
      %add3A_1116 = arith.addi %mul3A_1114, %add3A_1115 : i32
      %dma_wait3A_1117 = tpu.memref_slice %arg11[%add3A_1116] : memref<1572864xf32, #tpu.memory_space<vmem_shared>> -> memref<2048xf32, #tpu.memory_space<vmem_shared>>
      %dma_wait3A_1118 = tpu.memref_slice %arg11[%add3A_1116] : memref<1572864xf32, #tpu.memory_space<vmem_shared>> -> memref<2048xf32, #tpu.memory_space<vmem_shared>>
      tpu.wait_dma2 semaphore(%arg14 : memref<!tpu.dma_semaphore, #tpu.memory_space<semaphore_mem>>) src(%arg10 : memref<2048xf32, #tpu.memory_space<vmem>>) dst(%dma_wait3A_1118 : memref<2048xf32, #tpu.memory_space<vmem_shared>>)
      %mul3A_1119 = arith.constant 98304 : i32
      %mul3A_1120 = arith.muli %arg1, %mul3A_1119 : i32
      %add3A_1121 = arith.constant 20480 : i32
      %add3A_1122 = arith.addi %mul3A_1120, %add3A_1121 : i32
      %dma_wait3A_1123 = tpu.memref_slice %arg11[%add3A_1122] : memref<1572864xf32, #tpu.memory_space<vmem_shared>> -> memref<2048xf32, #tpu.memory_space<vmem_shared>>
      %dma_wait3A_1124 = tpu.memref_slice %arg11[%add3A_1122] : memref<1572864xf32, #tpu.memory_space<vmem_shared>> -> memref<2048xf32, #tpu.memory_space<vmem_shared>>
      tpu.wait_dma2 semaphore(%arg14 : memref<!tpu.dma_semaphore, #tpu.memory_space<semaphore_mem>>) src(%arg10 : memref<2048xf32, #tpu.memory_space<vmem>>) dst(%dma_wait3A_1124 : memref<2048xf32, #tpu.memory_space<vmem_shared>>)
      %mul3A_1125 = arith.constant 98304 : i32
      %mul3A_1126 = arith.muli %arg1, %mul3A_1125 : i32
      %add3A_1127 = arith.constant 22528 : i32
      %add3A_1128 = arith.addi %mul3A_1126, %add3A_1127 : i32
      %dma_wait3A_1129 = tpu.memref_slice %arg11[%add3A_1128] : memref<1572864xf32, #tpu.memory_space<vmem_shared>> -> memref<2048xf32, #tpu.memory_space<vmem_shared>>
      %dma_wait3A_1130 = tpu.memref_slice %arg11[%add3A_1128] : memref<1572864xf32, #tpu.memory_space<vmem_shared>> -> memref<2048xf32, #tpu.memory_space<vmem_shared>>
      tpu.wait_dma2 semaphore(%arg14 : memref<!tpu.dma_semaphore, #tpu.memory_space<semaphore_mem>>) src(%arg10 : memref<2048xf32, #tpu.memory_space<vmem>>) dst(%dma_wait3A_1130 : memref<2048xf32, #tpu.memory_space<vmem_shared>>)
      %mul3A_1131 = arith.constant 98304 : i32
      %mul3A_1132 = arith.muli %arg1, %mul3A_1131 : i32
      %add3A_1133 = arith.constant 24576 : i32
      %add3A_1134 = arith.addi %mul3A_1132, %add3A_1133 : i32
      %dma_wait3A_1135 = tpu.memref_slice %arg11[%add3A_1134] : memref<1572864xf32, #tpu.memory_space<vmem_shared>> -> memref<2048xf32, #tpu.memory_space<vmem_shared>>
      %dma_wait3A_1136 = tpu.memref_slice %arg11[%add3A_1134] : memref<1572864xf32, #tpu.memory_space<vmem_shared>> -> memref<2048xf32, #tpu.memory_space<vmem_shared>>
      tpu.wait_dma2 semaphore(%arg14 : memref<!tpu.dma_semaphore, #tpu.memory_space<semaphore_mem>>) src(%arg10 : memref<2048xf32, #tpu.memory_space<vmem>>) dst(%dma_wait3A_1136 : memref<2048xf32, #tpu.memory_space<vmem_shared>>)
      %mul3A_1137 = arith.constant 98304 : i32
      %mul3A_1138 = arith.muli %arg1, %mul3A_1137 : i32
      %add3A_1139 = arith.constant 26624 : i32
      %add3A_1140 = arith.addi %mul3A_1138, %add3A_1139 : i32
      %dma_wait3A_1141 = tpu.memref_slice %arg11[%add3A_1140] : memref<1572864xf32, #tpu.memory_space<vmem_shared>> -> memref<2048xf32, #tpu.memory_space<vmem_shared>>
      %dma_wait3A_1142 = tpu.memref_slice %arg11[%add3A_1140] : memref<1572864xf32, #tpu.memory_space<vmem_shared>> -> memref<2048xf32, #tpu.memory_space<vmem_shared>>
      tpu.wait_dma2 semaphore(%arg14 : memref<!tpu.dma_semaphore, #tpu.memory_space<semaphore_mem>>) src(%arg10 : memref<2048xf32, #tpu.memory_space<vmem>>) dst(%dma_wait3A_1142 : memref<2048xf32, #tpu.memory_space<vmem_shared>>)
      %mul3A_1143 = arith.constant 98304 : i32
      %mul3A_1144 = arith.muli %arg1, %mul3A_1143 : i32
      %add3A_1145 = arith.constant 28672 : i32
      %add3A_1146 = arith.addi %mul3A_1144, %add3A_1145 : i32
      %dma_wait3A_1147 = tpu.memref_slice %arg11[%add3A_1146] : memref<1572864xf32, #tpu.memory_space<vmem_shared>> -> memref<2048xf32, #tpu.memory_space<vmem_shared>>
      %dma_wait3A_1148 = tpu.memref_slice %arg11[%add3A_1146] : memref<1572864xf32, #tpu.memory_space<vmem_shared>> -> memref<2048xf32, #tpu.memory_space<vmem_shared>>
      tpu.wait_dma2 semaphore(%arg14 : memref<!tpu.dma_semaphore, #tpu.memory_space<semaphore_mem>>) src(%arg10 : memref<2048xf32, #tpu.memory_space<vmem>>) dst(%dma_wait3A_1148 : memref<2048xf32, #tpu.memory_space<vmem_shared>>)
      %mul3A_1149 = arith.constant 98304 : i32
      %mul3A_1150 = arith.muli %arg1, %mul3A_1149 : i32
      %add3A_1151 = arith.constant 30720 : i32
      %add3A_1152 = arith.addi %mul3A_1150, %add3A_1151 : i32
      %dma_wait3A_1153 = tpu.memref_slice %arg11[%add3A_1152] : memref<1572864xf32, #tpu.memory_space<vmem_shared>> -> memref<2048xf32, #tpu.memory_space<vmem_shared>>
      %dma_wait3A_1154 = tpu.memref_slice %arg11[%add3A_1152] : memref<1572864xf32, #tpu.memory_space<vmem_shared>> -> memref<2048xf32, #tpu.memory_space<vmem_shared>>
      tpu.wait_dma2 semaphore(%arg14 : memref<!tpu.dma_semaphore, #tpu.memory_space<semaphore_mem>>) src(%arg10 : memref<2048xf32, #tpu.memory_space<vmem>>) dst(%dma_wait3A_1154 : memref<2048xf32, #tpu.memory_space<vmem_shared>>)
      %mul3A_1155 = arith.constant 98304 : i32
      %mul3A_1156 = arith.muli %arg1, %mul3A_1155 : i32
      %add3A_1157 = arith.constant 32768 : i32
      %add3A_1158 = arith.addi %mul3A_1156, %add3A_1157 : i32
      %dma_wait3A_1159 = tpu.memref_slice %arg11[%add3A_1158] : memref<1572864xf32, #tpu.memory_space<vmem_shared>> -> memref<2048xf32, #tpu.memory_space<vmem_shared>>
      %dma_wait3A_1160 = tpu.memref_slice %arg11[%add3A_1158] : memref<1572864xf32, #tpu.memory_space<vmem_shared>> -> memref<2048xf32, #tpu.memory_space<vmem_shared>>
      tpu.wait_dma2 semaphore(%arg14 : memref<!tpu.dma_semaphore, #tpu.memory_space<semaphore_mem>>) src(%arg10 : memref<2048xf32, #tpu.memory_space<vmem>>) dst(%dma_wait3A_1160 : memref<2048xf32, #tpu.memory_space<vmem_shared>>)
      %mul3A_1161 = arith.constant 98304 : i32
      %mul3A_1162 = arith.muli %arg1, %mul3A_1161 : i32
      %add3A_1163 = arith.constant 34816 : i32
      %add3A_1164 = arith.addi %mul3A_1162, %add3A_1163 : i32
      %dma_wait3A_1165 = tpu.memref_slice %arg11[%add3A_1164] : memref<1572864xf32, #tpu.memory_space<vmem_shared>> -> memref<2048xf32, #tpu.memory_space<vmem_shared>>
      %dma_wait3A_1166 = tpu.memref_slice %arg11[%add3A_1164] : memref<1572864xf32, #tpu.memory_space<vmem_shared>> -> memref<2048xf32, #tpu.memory_space<vmem_shared>>
      tpu.wait_dma2 semaphore(%arg14 : memref<!tpu.dma_semaphore, #tpu.memory_space<semaphore_mem>>) src(%arg10 : memref<2048xf32, #tpu.memory_space<vmem>>) dst(%dma_wait3A_1166 : memref<2048xf32, #tpu.memory_space<vmem_shared>>)
      %mul3A_1167 = arith.constant 98304 : i32
      %mul3A_1168 = arith.muli %arg1, %mul3A_1167 : i32
      %add3A_1169 = arith.constant 36864 : i32
      %add3A_1170 = arith.addi %mul3A_1168, %add3A_1169 : i32
      %dma_wait3A_1171 = tpu.memref_slice %arg11[%add3A_1170] : memref<1572864xf32, #tpu.memory_space<vmem_shared>> -> memref<2048xf32, #tpu.memory_space<vmem_shared>>
      %dma_wait3A_1172 = tpu.memref_slice %arg11[%add3A_1170] : memref<1572864xf32, #tpu.memory_space<vmem_shared>> -> memref<2048xf32, #tpu.memory_space<vmem_shared>>
      tpu.wait_dma2 semaphore(%arg14 : memref<!tpu.dma_semaphore, #tpu.memory_space<semaphore_mem>>) src(%arg10 : memref<2048xf32, #tpu.memory_space<vmem>>) dst(%dma_wait3A_1172 : memref<2048xf32, #tpu.memory_space<vmem_shared>>)
      %mul3A_1173 = arith.constant 98304 : i32
      %mul3A_1174 = arith.muli %arg1, %mul3A_1173 : i32
      %add3A_1175 = arith.constant 38912 : i32
      %add3A_1176 = arith.addi %mul3A_1174, %add3A_1175 : i32
      %dma_wait3A_1177 = tpu.memref_slice %arg11[%add3A_1176] : memref<1572864xf32, #tpu.memory_space<vmem_shared>> -> memref<2048xf32, #tpu.memory_space<vmem_shared>>
      %dma_wait3A_1178 = tpu.memref_slice %arg11[%add3A_1176] : memref<1572864xf32, #tpu.memory_space<vmem_shared>> -> memref<2048xf32, #tpu.memory_space<vmem_shared>>
      tpu.wait_dma2 semaphore(%arg14 : memref<!tpu.dma_semaphore, #tpu.memory_space<semaphore_mem>>) src(%arg10 : memref<2048xf32, #tpu.memory_space<vmem>>) dst(%dma_wait3A_1178 : memref<2048xf32, #tpu.memory_space<vmem_shared>>)
      %mul3A_1179 = arith.constant 98304 : i32
      %mul3A_1180 = arith.muli %arg1, %mul3A_1179 : i32
      %add3A_1181 = arith.constant 40960 : i32
      %add3A_1182 = arith.addi %mul3A_1180, %add3A_1181 : i32
      %dma_wait3A_1183 = tpu.memref_slice %arg11[%add3A_1182] : memref<1572864xf32, #tpu.memory_space<vmem_shared>> -> memref<2048xf32, #tpu.memory_space<vmem_shared>>
      %dma_wait3A_1184 = tpu.memref_slice %arg11[%add3A_1182] : memref<1572864xf32, #tpu.memory_space<vmem_shared>> -> memref<2048xf32, #tpu.memory_space<vmem_shared>>
      tpu.wait_dma2 semaphore(%arg14 : memref<!tpu.dma_semaphore, #tpu.memory_space<semaphore_mem>>) src(%arg10 : memref<2048xf32, #tpu.memory_space<vmem>>) dst(%dma_wait3A_1184 : memref<2048xf32, #tpu.memory_space<vmem_shared>>)
      %mul3A_1185 = arith.constant 98304 : i32
      %mul3A_1186 = arith.muli %arg1, %mul3A_1185 : i32
      %add3A_1187 = arith.constant 43008 : i32
      %add3A_1188 = arith.addi %mul3A_1186, %add3A_1187 : i32
      %dma_wait3A_1189 = tpu.memref_slice %arg11[%add3A_1188] : memref<1572864xf32, #tpu.memory_space<vmem_shared>> -> memref<2048xf32, #tpu.memory_space<vmem_shared>>
      %dma_wait3A_1190 = tpu.memref_slice %arg11[%add3A_1188] : memref<1572864xf32, #tpu.memory_space<vmem_shared>> -> memref<2048xf32, #tpu.memory_space<vmem_shared>>
      tpu.wait_dma2 semaphore(%arg14 : memref<!tpu.dma_semaphore, #tpu.memory_space<semaphore_mem>>) src(%arg10 : memref<2048xf32, #tpu.memory_space<vmem>>) dst(%dma_wait3A_1190 : memref<2048xf32, #tpu.memory_space<vmem_shared>>)
      %mul3A_1191 = arith.constant 98304 : i32
      %mul3A_1192 = arith.muli %arg1, %mul3A_1191 : i32
      %add3A_1193 = arith.constant 45056 : i32
      %add3A_1194 = arith.addi %mul3A_1192, %add3A_1193 : i32
      %dma_wait3A_1195 = tpu.memref_slice %arg11[%add3A_1194] : memref<1572864xf32, #tpu.memory_space<vmem_shared>> -> memref<2048xf32, #tpu.memory_space<vmem_shared>>
      %dma_wait3A_1196 = tpu.memref_slice %arg11[%add3A_1194] : memref<1572864xf32, #tpu.memory_space<vmem_shared>> -> memref<2048xf32, #tpu.memory_space<vmem_shared>>
      tpu.wait_dma2 semaphore(%arg14 : memref<!tpu.dma_semaphore, #tpu.memory_space<semaphore_mem>>) src(%arg10 : memref<2048xf32, #tpu.memory_space<vmem>>) dst(%dma_wait3A_1196 : memref<2048xf32, #tpu.memory_space<vmem_shared>>)
      %mul3A_1197 = arith.constant 98304 : i32
      %mul3A_1198 = arith.muli %arg1, %mul3A_1197 : i32
      %add3A_1199 = arith.constant 47104 : i32
      %add3A_1200 = arith.addi %mul3A_1198, %add3A_1199 : i32
      %dma_wait3A_1201 = tpu.memref_slice %arg11[%add3A_1200] : memref<1572864xf32, #tpu.memory_space<vmem_shared>> -> memref<2048xf32, #tpu.memory_space<vmem_shared>>
      %dma_wait3A_1202 = tpu.memref_slice %arg11[%add3A_1200] : memref<1572864xf32, #tpu.memory_space<vmem_shared>> -> memref<2048xf32, #tpu.memory_space<vmem_shared>>
      tpu.wait_dma2 semaphore(%arg14 : memref<!tpu.dma_semaphore, #tpu.memory_space<semaphore_mem>>) src(%arg10 : memref<2048xf32, #tpu.memory_space<vmem>>) dst(%dma_wait3A_1202 : memref<2048xf32, #tpu.memory_space<vmem_shared>>)
      %mul3A_1203 = arith.constant 98304 : i32
      %mul3A_1204 = arith.muli %arg1, %mul3A_1203 : i32
      %add3A_1205 = arith.constant 49152 : i32
      %add3A_1206 = arith.addi %mul3A_1204, %add3A_1205 : i32
      %dma_wait3A_1207 = tpu.memref_slice %arg11[%add3A_1206] : memref<1572864xf32, #tpu.memory_space<vmem_shared>> -> memref<2048xf32, #tpu.memory_space<vmem_shared>>
      %dma_wait3A_1208 = tpu.memref_slice %arg11[%add3A_1206] : memref<1572864xf32, #tpu.memory_space<vmem_shared>> -> memref<2048xf32, #tpu.memory_space<vmem_shared>>
      tpu.wait_dma2 semaphore(%arg14 : memref<!tpu.dma_semaphore, #tpu.memory_space<semaphore_mem>>) src(%arg10 : memref<2048xf32, #tpu.memory_space<vmem>>) dst(%dma_wait3A_1208 : memref<2048xf32, #tpu.memory_space<vmem_shared>>)
      %mul3A_1209 = arith.constant 98304 : i32
      %mul3A_1210 = arith.muli %arg1, %mul3A_1209 : i32
      %add3A_1211 = arith.constant 51200 : i32
      %add3A_1212 = arith.addi %mul3A_1210, %add3A_1211 : i32
      %dma_wait3A_1213 = tpu.memref_slice %arg11[%add3A_1212] : memref<1572864xf32, #tpu.memory_space<vmem_shared>> -> memref<2048xf32, #tpu.memory_space<vmem_shared>>
      %dma_wait3A_1214 = tpu.memref_slice %arg11[%add3A_1212] : memref<1572864xf32, #tpu.memory_space<vmem_shared>> -> memref<2048xf32, #tpu.memory_space<vmem_shared>>
      tpu.wait_dma2 semaphore(%arg14 : memref<!tpu.dma_semaphore, #tpu.memory_space<semaphore_mem>>) src(%arg10 : memref<2048xf32, #tpu.memory_space<vmem>>) dst(%dma_wait3A_1214 : memref<2048xf32, #tpu.memory_space<vmem_shared>>)
      %mul3A_1215 = arith.constant 98304 : i32
      %mul3A_1216 = arith.muli %arg1, %mul3A_1215 : i32
      %add3A_1217 = arith.constant 53248 : i32
      %add3A_1218 = arith.addi %mul3A_1216, %add3A_1217 : i32
      %dma_wait3A_1219 = tpu.memref_slice %arg11[%add3A_1218] : memref<1572864xf32, #tpu.memory_space<vmem_shared>> -> memref<2048xf32, #tpu.memory_space<vmem_shared>>
      %dma_wait3A_1220 = tpu.memref_slice %arg11[%add3A_1218] : memref<1572864xf32, #tpu.memory_space<vmem_shared>> -> memref<2048xf32, #tpu.memory_space<vmem_shared>>
      tpu.wait_dma2 semaphore(%arg14 : memref<!tpu.dma_semaphore, #tpu.memory_space<semaphore_mem>>) src(%arg10 : memref<2048xf32, #tpu.memory_space<vmem>>) dst(%dma_wait3A_1220 : memref<2048xf32, #tpu.memory_space<vmem_shared>>)
      %mul3A_1221 = arith.constant 98304 : i32
      %mul3A_1222 = arith.muli %arg1, %mul3A_1221 : i32
      %add3A_1223 = arith.constant 55296 : i32
      %add3A_1224 = arith.addi %mul3A_1222, %add3A_1223 : i32
      %dma_wait3A_1225 = tpu.memref_slice %arg11[%add3A_1224] : memref<1572864xf32, #tpu.memory_space<vmem_shared>> -> memref<2048xf32, #tpu.memory_space<vmem_shared>>
      %dma_wait3A_1226 = tpu.memref_slice %arg11[%add3A_1224] : memref<1572864xf32, #tpu.memory_space<vmem_shared>> -> memref<2048xf32, #tpu.memory_space<vmem_shared>>
      tpu.wait_dma2 semaphore(%arg14 : memref<!tpu.dma_semaphore, #tpu.memory_space<semaphore_mem>>) src(%arg10 : memref<2048xf32, #tpu.memory_space<vmem>>) dst(%dma_wait3A_1226 : memref<2048xf32, #tpu.memory_space<vmem_shared>>)
      %mul3A_1227 = arith.constant 98304 : i32
      %mul3A_1228 = arith.muli %arg1, %mul3A_1227 : i32
      %add3A_1229 = arith.constant 57344 : i32
      %add3A_1230 = arith.addi %mul3A_1228, %add3A_1229 : i32
      %dma_wait3A_1231 = tpu.memref_slice %arg11[%add3A_1230] : memref<1572864xf32, #tpu.memory_space<vmem_shared>> -> memref<2048xf32, #tpu.memory_space<vmem_shared>>
      %dma_wait3A_1232 = tpu.memref_slice %arg11[%add3A_1230] : memref<1572864xf32, #tpu.memory_space<vmem_shared>> -> memref<2048xf32, #tpu.memory_space<vmem_shared>>
      tpu.wait_dma2 semaphore(%arg14 : memref<!tpu.dma_semaphore, #tpu.memory_space<semaphore_mem>>) src(%arg10 : memref<2048xf32, #tpu.memory_space<vmem>>) dst(%dma_wait3A_1232 : memref<2048xf32, #tpu.memory_space<vmem_shared>>)
      %mul3A_1233 = arith.constant 98304 : i32
      %mul3A_1234 = arith.muli %arg1, %mul3A_1233 : i32
      %add3A_1235 = arith.constant 59392 : i32
      %add3A_1236 = arith.addi %mul3A_1234, %add3A_1235 : i32
      %dma_wait3A_1237 = tpu.memref_slice %arg11[%add3A_1236] : memref<1572864xf32, #tpu.memory_space<vmem_shared>> -> memref<2048xf32, #tpu.memory_space<vmem_shared>>
      %dma_wait3A_1238 = tpu.memref_slice %arg11[%add3A_1236] : memref<1572864xf32, #tpu.memory_space<vmem_shared>> -> memref<2048xf32, #tpu.memory_space<vmem_shared>>
      tpu.wait_dma2 semaphore(%arg14 : memref<!tpu.dma_semaphore, #tpu.memory_space<semaphore_mem>>) src(%arg10 : memref<2048xf32, #tpu.memory_space<vmem>>) dst(%dma_wait3A_1238 : memref<2048xf32, #tpu.memory_space<vmem_shared>>)
      %mul3A_1239 = arith.constant 98304 : i32
      %mul3A_1240 = arith.muli %arg1, %mul3A_1239 : i32
      %add3A_1241 = arith.constant 61440 : i32
      %add3A_1242 = arith.addi %mul3A_1240, %add3A_1241 : i32
      %dma_wait3A_1243 = tpu.memref_slice %arg11[%add3A_1242] : memref<1572864xf32, #tpu.memory_space<vmem_shared>> -> memref<2048xf32, #tpu.memory_space<vmem_shared>>
      %dma_wait3A_1244 = tpu.memref_slice %arg11[%add3A_1242] : memref<1572864xf32, #tpu.memory_space<vmem_shared>> -> memref<2048xf32, #tpu.memory_space<vmem_shared>>
      tpu.wait_dma2 semaphore(%arg14 : memref<!tpu.dma_semaphore, #tpu.memory_space<semaphore_mem>>) src(%arg10 : memref<2048xf32, #tpu.memory_space<vmem>>) dst(%dma_wait3A_1244 : memref<2048xf32, #tpu.memory_space<vmem_shared>>)
      %mul3A_1245 = arith.constant 98304 : i32
      %mul3A_1246 = arith.muli %arg1, %mul3A_1245 : i32
      %add3A_1247 = arith.constant 63488 : i32
      %add3A_1248 = arith.addi %mul3A_1246, %add3A_1247 : i32
      %dma_wait3A_1249 = tpu.memref_slice %arg11[%add3A_1248] : memref<1572864xf32, #tpu.memory_space<vmem_shared>> -> memref<2048xf32, #tpu.memory_space<vmem_shared>>
      %dma_wait3A_1250 = tpu.memref_slice %arg11[%add3A_1248] : memref<1572864xf32, #tpu.memory_space<vmem_shared>> -> memref<2048xf32, #tpu.memory_space<vmem_shared>>
      tpu.wait_dma2 semaphore(%arg14 : memref<!tpu.dma_semaphore, #tpu.memory_space<semaphore_mem>>) src(%arg10 : memref<2048xf32, #tpu.memory_space<vmem>>) dst(%dma_wait3A_1250 : memref<2048xf32, #tpu.memory_space<vmem_shared>>)
      %mul3A_1251 = arith.constant 98304 : i32
      %mul3A_1252 = arith.muli %arg1, %mul3A_1251 : i32
      %add3A_1253 = arith.constant 65536 : i32
      %add3A_1254 = arith.addi %mul3A_1252, %add3A_1253 : i32
      %dma_wait3A_1255 = tpu.memref_slice %arg11[%add3A_1254] : memref<1572864xf32, #tpu.memory_space<vmem_shared>> -> memref<2048xf32, #tpu.memory_space<vmem_shared>>
      %dma_wait3A_1256 = tpu.memref_slice %arg11[%add3A_1254] : memref<1572864xf32, #tpu.memory_space<vmem_shared>> -> memref<2048xf32, #tpu.memory_space<vmem_shared>>
      tpu.wait_dma2 semaphore(%arg14 : memref<!tpu.dma_semaphore, #tpu.memory_space<semaphore_mem>>) src(%arg10 : memref<2048xf32, #tpu.memory_space<vmem>>) dst(%dma_wait3A_1256 : memref<2048xf32, #tpu.memory_space<vmem_shared>>)
      %mul3A_1257 = arith.constant 98304 : i32
      %mul3A_1258 = arith.muli %arg1, %mul3A_1257 : i32
      %add3A_1259 = arith.constant 67584 : i32
      %add3A_1260 = arith.addi %mul3A_1258, %add3A_1259 : i32
      %dma_wait3A_1261 = tpu.memref_slice %arg11[%add3A_1260] : memref<1572864xf32, #tpu.memory_space<vmem_shared>> -> memref<2048xf32, #tpu.memory_space<vmem_shared>>
      %dma_wait3A_1262 = tpu.memref_slice %arg11[%add3A_1260] : memref<1572864xf32, #tpu.memory_space<vmem_shared>> -> memref<2048xf32, #tpu.memory_space<vmem_shared>>
      tpu.wait_dma2 semaphore(%arg14 : memref<!tpu.dma_semaphore, #tpu.memory_space<semaphore_mem>>) src(%arg10 : memref<2048xf32, #tpu.memory_space<vmem>>) dst(%dma_wait3A_1262 : memref<2048xf32, #tpu.memory_space<vmem_shared>>)
      %mul3A_1263 = arith.constant 98304 : i32
      %mul3A_1264 = arith.muli %arg1, %mul3A_1263 : i32
      %add3A_1265 = arith.constant 69632 : i32
      %add3A_1266 = arith.addi %mul3A_1264, %add3A_1265 : i32
      %dma_wait3A_1267 = tpu.memref_slice %arg11[%add3A_1266] : memref<1572864xf32, #tpu.memory_space<vmem_shared>> -> memref<2048xf32, #tpu.memory_space<vmem_shared>>
      %dma_wait3A_1268 = tpu.memref_slice %arg11[%add3A_1266] : memref<1572864xf32, #tpu.memory_space<vmem_shared>> -> memref<2048xf32, #tpu.memory_space<vmem_shared>>
      tpu.wait_dma2 semaphore(%arg14 : memref<!tpu.dma_semaphore, #tpu.memory_space<semaphore_mem>>) src(%arg10 : memref<2048xf32, #tpu.memory_space<vmem>>) dst(%dma_wait3A_1268 : memref<2048xf32, #tpu.memory_space<vmem_shared>>)
      %mul3A_1269 = arith.constant 98304 : i32
      %mul3A_1270 = arith.muli %arg1, %mul3A_1269 : i32
      %add3A_1271 = arith.constant 71680 : i32
      %add3A_1272 = arith.addi %mul3A_1270, %add3A_1271 : i32
      %dma_wait3A_1273 = tpu.memref_slice %arg11[%add3A_1272] : memref<1572864xf32, #tpu.memory_space<vmem_shared>> -> memref<2048xf32, #tpu.memory_space<vmem_shared>>
      %dma_wait3A_1274 = tpu.memref_slice %arg11[%add3A_1272] : memref<1572864xf32, #tpu.memory_space<vmem_shared>> -> memref<2048xf32, #tpu.memory_space<vmem_shared>>
      tpu.wait_dma2 semaphore(%arg14 : memref<!tpu.dma_semaphore, #tpu.memory_space<semaphore_mem>>) src(%arg10 : memref<2048xf32, #tpu.memory_space<vmem>>) dst(%dma_wait3A_1274 : memref<2048xf32, #tpu.memory_space<vmem_shared>>)
      %mul3A_1275 = arith.constant 98304 : i32
      %mul3A_1276 = arith.muli %arg1, %mul3A_1275 : i32
      %add3A_1277 = arith.constant 73728 : i32
      %add3A_1278 = arith.addi %mul3A_1276, %add3A_1277 : i32
      %dma_wait3A_1279 = tpu.memref_slice %arg11[%add3A_1278] : memref<1572864xf32, #tpu.memory_space<vmem_shared>> -> memref<2048xf32, #tpu.memory_space<vmem_shared>>
      %dma_wait3A_1280 = tpu.memref_slice %arg11[%add3A_1278] : memref<1572864xf32, #tpu.memory_space<vmem_shared>> -> memref<2048xf32, #tpu.memory_space<vmem_shared>>
      tpu.wait_dma2 semaphore(%arg14 : memref<!tpu.dma_semaphore, #tpu.memory_space<semaphore_mem>>) src(%arg10 : memref<2048xf32, #tpu.memory_space<vmem>>) dst(%dma_wait3A_1280 : memref<2048xf32, #tpu.memory_space<vmem_shared>>)
      %mul3A_1281 = arith.constant 98304 : i32
      %mul3A_1282 = arith.muli %arg1, %mul3A_1281 : i32
      %add3A_1283 = arith.constant 75776 : i32
      %add3A_1284 = arith.addi %mul3A_1282, %add3A_1283 : i32
      %dma_wait3A_1285 = tpu.memref_slice %arg11[%add3A_1284] : memref<1572864xf32, #tpu.memory_space<vmem_shared>> -> memref<2048xf32, #tpu.memory_space<vmem_shared>>
      %dma_wait3A_1286 = tpu.memref_slice %arg11[%add3A_1284] : memref<1572864xf32, #tpu.memory_space<vmem_shared>> -> memref<2048xf32, #tpu.memory_space<vmem_shared>>
      tpu.wait_dma2 semaphore(%arg14 : memref<!tpu.dma_semaphore, #tpu.memory_space<semaphore_mem>>) src(%arg10 : memref<2048xf32, #tpu.memory_space<vmem>>) dst(%dma_wait3A_1286 : memref<2048xf32, #tpu.memory_space<vmem_shared>>)
      %mul3A_1287 = arith.constant 98304 : i32
      %mul3A_1288 = arith.muli %arg1, %mul3A_1287 : i32
      %add3A_1289 = arith.constant 77824 : i32
      %add3A_1290 = arith.addi %mul3A_1288, %add3A_1289 : i32
      %dma_wait3A_1291 = tpu.memref_slice %arg11[%add3A_1290] : memref<1572864xf32, #tpu.memory_space<vmem_shared>> -> memref<2048xf32, #tpu.memory_space<vmem_shared>>
      %dma_wait3A_1292 = tpu.memref_slice %arg11[%add3A_1290] : memref<1572864xf32, #tpu.memory_space<vmem_shared>> -> memref<2048xf32, #tpu.memory_space<vmem_shared>>
      tpu.wait_dma2 semaphore(%arg14 : memref<!tpu.dma_semaphore, #tpu.memory_space<semaphore_mem>>) src(%arg10 : memref<2048xf32, #tpu.memory_space<vmem>>) dst(%dma_wait3A_1292 : memref<2048xf32, #tpu.memory_space<vmem_shared>>)
      %mul3A_1293 = arith.constant 98304 : i32
      %mul3A_1294 = arith.muli %arg1, %mul3A_1293 : i32
      %add3A_1295 = arith.constant 79872 : i32
      %add3A_1296 = arith.addi %mul3A_1294, %add3A_1295 : i32
      %dma_wait3A_1297 = tpu.memref_slice %arg11[%add3A_1296] : memref<1572864xf32, #tpu.memory_space<vmem_shared>> -> memref<2048xf32, #tpu.memory_space<vmem_shared>>
      %dma_wait3A_1298 = tpu.memref_slice %arg11[%add3A_1296] : memref<1572864xf32, #tpu.memory_space<vmem_shared>> -> memref<2048xf32, #tpu.memory_space<vmem_shared>>
      tpu.wait_dma2 semaphore(%arg14 : memref<!tpu.dma_semaphore, #tpu.memory_space<semaphore_mem>>) src(%arg10 : memref<2048xf32, #tpu.memory_space<vmem>>) dst(%dma_wait3A_1298 : memref<2048xf32, #tpu.memory_space<vmem_shared>>)
      %mul3A_1299 = arith.constant 98304 : i32
      %mul3A_1300 = arith.muli %arg1, %mul3A_1299 : i32
      %add3A_1301 = arith.constant 81920 : i32
      %add3A_1302 = arith.addi %mul3A_1300, %add3A_1301 : i32
      %dma_wait3A_1303 = tpu.memref_slice %arg11[%add3A_1302] : memref<1572864xf32, #tpu.memory_space<vmem_shared>> -> memref<2048xf32, #tpu.memory_space<vmem_shared>>
      %dma_wait3A_1304 = tpu.memref_slice %arg11[%add3A_1302] : memref<1572864xf32, #tpu.memory_space<vmem_shared>> -> memref<2048xf32, #tpu.memory_space<vmem_shared>>
      tpu.wait_dma2 semaphore(%arg14 : memref<!tpu.dma_semaphore, #tpu.memory_space<semaphore_mem>>) src(%arg10 : memref<2048xf32, #tpu.memory_space<vmem>>) dst(%dma_wait3A_1304 : memref<2048xf32, #tpu.memory_space<vmem_shared>>)
      %mul3A_1305 = arith.constant 98304 : i32
      %mul3A_1306 = arith.muli %arg1, %mul3A_1305 : i32
      %add3A_1307 = arith.constant 83968 : i32
      %add3A_1308 = arith.addi %mul3A_1306, %add3A_1307 : i32
      %dma_wait3A_1309 = tpu.memref_slice %arg11[%add3A_1308] : memref<1572864xf32, #tpu.memory_space<vmem_shared>> -> memref<2048xf32, #tpu.memory_space<vmem_shared>>
      %dma_wait3A_1310 = tpu.memref_slice %arg11[%add3A_1308] : memref<1572864xf32, #tpu.memory_space<vmem_shared>> -> memref<2048xf32, #tpu.memory_space<vmem_shared>>
      tpu.wait_dma2 semaphore(%arg14 : memref<!tpu.dma_semaphore, #tpu.memory_space<semaphore_mem>>) src(%arg10 : memref<2048xf32, #tpu.memory_space<vmem>>) dst(%dma_wait3A_1310 : memref<2048xf32, #tpu.memory_space<vmem_shared>>)
      %mul3A_1311 = arith.constant 98304 : i32
      %mul3A_1312 = arith.muli %arg1, %mul3A_1311 : i32
      %add3A_1313 = arith.constant 86016 : i32
      %add3A_1314 = arith.addi %mul3A_1312, %add3A_1313 : i32
      %dma_wait3A_1315 = tpu.memref_slice %arg11[%add3A_1314] : memref<1572864xf32, #tpu.memory_space<vmem_shared>> -> memref<2048xf32, #tpu.memory_space<vmem_shared>>
      %dma_wait3A_1316 = tpu.memref_slice %arg11[%add3A_1314] : memref<1572864xf32, #tpu.memory_space<vmem_shared>> -> memref<2048xf32, #tpu.memory_space<vmem_shared>>
      tpu.wait_dma2 semaphore(%arg14 : memref<!tpu.dma_semaphore, #tpu.memory_space<semaphore_mem>>) src(%arg10 : memref<2048xf32, #tpu.memory_space<vmem>>) dst(%dma_wait3A_1316 : memref<2048xf32, #tpu.memory_space<vmem_shared>>)
      %mul3A_1317 = arith.constant 98304 : i32
      %mul3A_1318 = arith.muli %arg1, %mul3A_1317 : i32
      %add3A_1319 = arith.constant 88064 : i32
      %add3A_1320 = arith.addi %mul3A_1318, %add3A_1319 : i32
      %dma_wait3A_1321 = tpu.memref_slice %arg11[%add3A_1320] : memref<1572864xf32, #tpu.memory_space<vmem_shared>> -> memref<2048xf32, #tpu.memory_space<vmem_shared>>
      %dma_wait3A_1322 = tpu.memref_slice %arg11[%add3A_1320] : memref<1572864xf32, #tpu.memory_space<vmem_shared>> -> memref<2048xf32, #tpu.memory_space<vmem_shared>>
      tpu.wait_dma2 semaphore(%arg14 : memref<!tpu.dma_semaphore, #tpu.memory_space<semaphore_mem>>) src(%arg10 : memref<2048xf32, #tpu.memory_space<vmem>>) dst(%dma_wait3A_1322 : memref<2048xf32, #tpu.memory_space<vmem_shared>>)
      %mul3A_1323 = arith.constant 98304 : i32
      %mul3A_1324 = arith.muli %arg1, %mul3A_1323 : i32
      %add3A_1325 = arith.constant 90112 : i32
      %add3A_1326 = arith.addi %mul3A_1324, %add3A_1325 : i32
      %dma_wait3A_1327 = tpu.memref_slice %arg11[%add3A_1326] : memref<1572864xf32, #tpu.memory_space<vmem_shared>> -> memref<2048xf32, #tpu.memory_space<vmem_shared>>
      %dma_wait3A_1328 = tpu.memref_slice %arg11[%add3A_1326] : memref<1572864xf32, #tpu.memory_space<vmem_shared>> -> memref<2048xf32, #tpu.memory_space<vmem_shared>>
      tpu.wait_dma2 semaphore(%arg14 : memref<!tpu.dma_semaphore, #tpu.memory_space<semaphore_mem>>) src(%arg10 : memref<2048xf32, #tpu.memory_space<vmem>>) dst(%dma_wait3A_1328 : memref<2048xf32, #tpu.memory_space<vmem_shared>>)
      %mul3A_1329 = arith.constant 98304 : i32
      %mul3A_1330 = arith.muli %arg1, %mul3A_1329 : i32
      %add3A_1331 = arith.constant 92160 : i32
      %add3A_1332 = arith.addi %mul3A_1330, %add3A_1331 : i32
      %dma_wait3A_1333 = tpu.memref_slice %arg11[%add3A_1332] : memref<1572864xf32, #tpu.memory_space<vmem_shared>> -> memref<2048xf32, #tpu.memory_space<vmem_shared>>
      %dma_wait3A_1334 = tpu.memref_slice %arg11[%add3A_1332] : memref<1572864xf32, #tpu.memory_space<vmem_shared>> -> memref<2048xf32, #tpu.memory_space<vmem_shared>>
      tpu.wait_dma2 semaphore(%arg14 : memref<!tpu.dma_semaphore, #tpu.memory_space<semaphore_mem>>) src(%arg10 : memref<2048xf32, #tpu.memory_space<vmem>>) dst(%dma_wait3A_1334 : memref<2048xf32, #tpu.memory_space<vmem_shared>>)
      %mul3A_1335 = arith.constant 98304 : i32
      %mul3A_1336 = arith.muli %arg1, %mul3A_1335 : i32
      %add3A_1337 = arith.constant 94208 : i32
      %add3A_1338 = arith.addi %mul3A_1336, %add3A_1337 : i32
      %dma_wait3A_1339 = tpu.memref_slice %arg11[%add3A_1338] : memref<1572864xf32, #tpu.memory_space<vmem_shared>> -> memref<2048xf32, #tpu.memory_space<vmem_shared>>
      %dma_wait3A_1340 = tpu.memref_slice %arg11[%add3A_1338] : memref<1572864xf32, #tpu.memory_space<vmem_shared>> -> memref<2048xf32, #tpu.memory_space<vmem_shared>>
      tpu.wait_dma2 semaphore(%arg14 : memref<!tpu.dma_semaphore, #tpu.memory_space<semaphore_mem>>) src(%arg10 : memref<2048xf32, #tpu.memory_space<vmem>>) dst(%dma_wait3A_1340 : memref<2048xf32, #tpu.memory_space<vmem_shared>>)
      %mul3A_1341 = arith.constant 98304 : i32
      %mul3A_1342 = arith.muli %arg1, %mul3A_1341 : i32
      %add3A_1343 = arith.constant 96256 : i32
      %add3A_1344 = arith.addi %mul3A_1342, %add3A_1343 : i32
      %dma_wait3A_1345 = tpu.memref_slice %arg11[%add3A_1344] : memref<1572864xf32, #tpu.memory_space<vmem_shared>> -> memref<2048xf32, #tpu.memory_space<vmem_shared>>
      %dma_wait3A_1346 = tpu.memref_slice %arg11[%add3A_1344] : memref<1572864xf32, #tpu.memory_space<vmem_shared>> -> memref<2048xf32, #tpu.memory_space<vmem_shared>>
      tpu.wait_dma2 semaphore(%arg14 : memref<!tpu.dma_semaphore, #tpu.memory_space<semaphore_mem>>) src(%arg10 : memref<2048xf32, #tpu.memory_space<vmem>>) dst(%dma_wait3A_1346 : memref<2048xf32, #tpu.memory_space<vmem_shared>>)
      %barrier3A_1347 = arith.constant 0 : index
      tpu.barrier barrier_id(%barrier3A_1347)
      %while3A_1348 = arith.constant 0 : i32
      scf.yield %while3A_1348 : i32
    }
    %while3A_584 = arith.constant 1 : i32
    %while3A_585 = scf.for %while3A_586 = %while3A_581 to %while3A_577 step %while3A_584 iter_args(%while3A_587 = %while3A_583) -> (i32)  : i32 {
      %mul3A_588 = arith.constant 22 : i32
      %mul3A_589 = arith.muli %arg0, %mul3A_588 : i32
      %add3A_590 = arith.addi %while3A_586, %mul3A_589 : i32
      %mul3A_591 = arith.constant 1572864 : i32
      %mul3A_592 = arith.muli %add3A_590, %mul3A_591 : i32
      %broadcast_in_dim3A = arith.constant 1 : i32
      %broadcast_in_dim3A_593 = vector.broadcast %broadcast_in_dim3A : i32 to vector<16xi32>
      %shift_left3A = arith.constant 2 : i32
      %shift_left3A_594 = vector.broadcast %shift_left3A : i32 to vector<16xi32>
      %shift_left3A_595 = arith.shli %iota3A, %shift_left3A_594 : vector<16xi32>
      %broadcast_in_dim3A_596 = arith.constant 0 : i32
      %broadcast_in_dim3A_597 = vector.broadcast %broadcast_in_dim3A_596 : i32 to vector<16xi32>
      %scan3A = arith.constant 0 : i32
      %scan3A_598 = arith.constant 0 : i32
      %scan3A_599 = arith.constant 22 : i32
      %scan3A_600 = arith.addi %scan3A_598, %scan3A_599 : i32
      %scan3A_601 = arith.constant 1 : i32
      %scan3A_602:2 = scf.for %scan3A_1349 = %scan3A_598 to %scan3A_600 step %scan3A_601 iter_args(%scan3A_1350 = %broadcast_in_dim3A_597, %scan3A_1351 = %scan3A) -> (vector<16xi32>, i32)  : i32 {
        %mul3A_1352 = arith.constant 48 : i32
        %mul3A_1353 = arith.muli %scan3A_1349, %mul3A_1352 : i32
        %add3A_1354 = arith.constant 1 : i32
        %add3A_1355 = arith.addi %scan3A_1349, %add3A_1354 : i32
        %mul3A_1356 = arith.constant 48 : i32
        %mul3A_1357 = arith.muli %add3A_1355, %mul3A_1356 : i32
        %parallel_loop3A = arith.constant 1 : i32
        %parallel_loop3A_1358 = scf.for %parallel_loop3A_1373 = %mul3A_1353 to %mul3A_1357 step %parallel_loop3A iter_args(%parallel_loop3A_1374 = %scan3A_1350) -> (vector<16xi32>)  : i32 {
          %parallel_loop3A_1375 = arith.constant 16 : i32
          %parallel_loop3A_1376 = arith.muli %parallel_loop3A_1373, %parallel_loop3A_1375 : i32
          %parallel_loop3A_1377 = arith.index_cast %parallel_loop3A_1376 : i32 to index
          %parallel_loop3A_1378 = tpu.vector_load %arg6[%parallel_loop3A_1377] {strides = array<i32>} : memref<16896xi32, #tpu.memory_space<vmem>>, vector<16xi32>,
          %parallel_loop3A_1379 = vector.broadcast %mul3A_592 : i32 to vector<16xi32>
          %parallel_loop3A_1380 = arith.subi %parallel_loop3A_1378, %parallel_loop3A_1379 : vector<16xi32>
          %parallel_loop3A_1381 = vector.bitcast %parallel_loop3A_1380 : vector<16xi32> to vector<16xi32>
          %parallel_loop3A_1382 = arith.constant 1572864 : i32
          %parallel_loop3A_1383 = vector.broadcast %parallel_loop3A_1382 : i32 to vector<16xi32>
          %parallel_loop3A_1384 = arith.cmpi ult, %parallel_loop3A_1381, %parallel_loop3A_1383 : vector<16xi32>
          %parallel_loop3A_1385 = tpu.scan <sum>, %broadcast_in_dim3A_593 masked %parallel_loop3A_1384 : vector<16xi32>, vector<16xi1> -> vector<16xi32>
          %parallel_loop3A_1386 = arith.constant 1 : i32
          %parallel_loop3A_1387 = vector.broadcast %parallel_loop3A_1386 : i32 to vector<16xi32>
          %parallel_loop3A_1388 = arith.subi %parallel_loop3A_1385, %parallel_loop3A_1387 : vector<16xi32>
          %parallel_loop3A_1389 = arith.constant 2 : i32
          %parallel_loop3A_1390 = vector.broadcast %parallel_loop3A_1389 : i32 to vector<16xi32>
          %parallel_loop3A_1391 = arith.shli %parallel_loop3A_1388, %parallel_loop3A_1390 : vector<16xi32>
          %parallel_loop3A_1392 = arith.addi %parallel_loop3A_1374, %parallel_loop3A_1391 : vector<16xi32>
          %parallel_loop3A_1393 = arith.constant 7 : i32
          %parallel_loop3A_1394 = vector.broadcast %parallel_loop3A_1393 : i32 to vector<16xi32>
          %parallel_loop3A_1395 = arith.shrui %parallel_loop3A_1392, %parallel_loop3A_1394 : vector<16xi32>
          %parallel_loop3A_1396 = arith.constant 31 : i32
          %parallel_loop3A_1397 = vector.broadcast %parallel_loop3A_1396 : i32 to vector<16xi32>
          %parallel_loop3A_1398 = arith.andi %parallel_loop3A_1395, %parallel_loop3A_1397 : vector<16xi32>
          %parallel_loop3A_1399 = arith.constant 127 : i32
          %parallel_loop3A_1400 = vector.broadcast %parallel_loop3A_1399 : i32 to vector<16xi32>
          %parallel_loop3A_1401 = arith.andi %parallel_loop3A_1392, %parallel_loop3A_1400 : vector<16xi32>
          %parallel_loop3A_1402 = arith.constant 16 : i32
          %parallel_loop3A_1403 = arith.muli %parallel_loop3A_1373, %parallel_loop3A_1402 : i32
          %parallel_loop3A_1404 = arith.addi %mul3A_0, %parallel_loop3A_1403 : i32
          %parallel_loop3A_1405 = arith.constant 2 : i32
          %parallel_loop3A_1406 = arith.shli %parallel_loop3A_1404, %parallel_loop3A_1405 : i32
          %parallel_loop3A_1407 = vector.broadcast %parallel_loop3A_1406 : i32 to vector<16xi32>
          %parallel_loop3A_1408 = arith.addi %parallel_loop3A_1407, %shift_left3A_595 : vector<16xi32>
          tpu.vector_store_idx %arg7[%parallel_loop3A_1398, %parallel_loop3A_1401], %parallel_loop3A_1408 masked %parallel_loop3A_1384 : memref<32x128xi32, #tpu.memory_space<vmem>>[vector<16xi32>, vector<16xi32>], vector<16xi32>, vector<16xi1>
          %parallel_loop3A_1409 = arith.constant 1 : i32
          %parallel_loop3A_1410 = vector.broadcast %parallel_loop3A_1409 : i32 to vector<16xi32>
          %parallel_loop3A_1411 = arith.addi %parallel_loop3A_1401, %parallel_loop3A_1410 : vector<16xi32>
          %parallel_loop3A_1412 = arith.constant 1 : i32
          %parallel_loop3A_1413 = vector.broadcast %parallel_loop3A_1412 : i32 to vector<16xi32>
          %parallel_loop3A_1414 = arith.addi %parallel_loop3A_1408, %parallel_loop3A_1413 : vector<16xi32>
          tpu.vector_store_idx %arg7[%parallel_loop3A_1398, %parallel_loop3A_1411], %parallel_loop3A_1414 masked %parallel_loop3A_1384 : memref<32x128xi32, #tpu.memory_space<vmem>>[vector<16xi32>, vector<16xi32>], vector<16xi32>, vector<16xi1>
          %parallel_loop3A_1415 = arith.constant 2 : i32
          %parallel_loop3A_1416 = vector.broadcast %parallel_loop3A_1415 : i32 to vector<16xi32>
          %parallel_loop3A_1417 = arith.addi %parallel_loop3A_1401, %parallel_loop3A_1416 : vector<16xi32>
          %parallel_loop3A_1418 = arith.constant 2 : i32
          %parallel_loop3A_1419 = vector.broadcast %parallel_loop3A_1418 : i32 to vector<16xi32>
          %parallel_loop3A_1420 = arith.addi %parallel_loop3A_1408, %parallel_loop3A_1419 : vector<16xi32>
          tpu.vector_store_idx %arg7[%parallel_loop3A_1398, %parallel_loop3A_1417], %parallel_loop3A_1420 masked %parallel_loop3A_1384 : memref<32x128xi32, #tpu.memory_space<vmem>>[vector<16xi32>, vector<16xi32>], vector<16xi32>, vector<16xi1>
          %parallel_loop3A_1421 = arith.constant 3 : i32
          %parallel_loop3A_1422 = vector.broadcast %parallel_loop3A_1421 : i32 to vector<16xi32>
          %parallel_loop3A_1423 = arith.addi %parallel_loop3A_1401, %parallel_loop3A_1422 : vector<16xi32>
          %parallel_loop3A_1424 = arith.constant 3 : i32
          %parallel_loop3A_1425 = vector.broadcast %parallel_loop3A_1424 : i32 to vector<16xi32>
          %parallel_loop3A_1426 = arith.addi %parallel_loop3A_1408, %parallel_loop3A_1425 : vector<16xi32>
          tpu.vector_store_idx %arg7[%parallel_loop3A_1398, %parallel_loop3A_1423], %parallel_loop3A_1426 masked %parallel_loop3A_1384 : memref<32x128xi32, #tpu.memory_space<vmem>>[vector<16xi32>, vector<16xi32>], vector<16xi32>, vector<16xi1>
          tpu.vector_store_idx %arg8[%parallel_loop3A_1398, %parallel_loop3A_1401], %parallel_loop3A_1380 masked %parallel_loop3A_1384 : memref<32x128xi32, #tpu.memory_space<vmem>>[vector<16xi32>, vector<16xi32>], vector<16xi32>, vector<16xi1>
          %parallel_loop3A_1427 = arith.constant 1 : i32
          %parallel_loop3A_1428 = vector.broadcast %parallel_loop3A_1427 : i32 to vector<16xi32>
          %parallel_loop3A_1429 = arith.addi %parallel_loop3A_1401, %parallel_loop3A_1428 : vector<16xi32>
          %parallel_loop3A_1430 = arith.constant 1 : i32
          %parallel_loop3A_1431 = vector.broadcast %parallel_loop3A_1430 : i32 to vector<16xi32>
          %parallel_loop3A_1432 = arith.addi %parallel_loop3A_1380, %parallel_loop3A_1431 : vector<16xi32>
          tpu.vector_store_idx %arg8[%parallel_loop3A_1398, %parallel_loop3A_1429], %parallel_loop3A_1432 masked %parallel_loop3A_1384 : memref<32x128xi32, #tpu.memory_space<vmem>>[vector<16xi32>, vector<16xi32>], vector<16xi32>, vector<16xi1>
          %parallel_loop3A_1433 = arith.constant 2 : i32
          %parallel_loop3A_1434 = vector.broadcast %parallel_loop3A_1433 : i32 to vector<16xi32>
          %parallel_loop3A_1435 = arith.addi %parallel_loop3A_1401, %parallel_loop3A_1434 : vector<16xi32>
          %parallel_loop3A_1436 = arith.constant 8192 : i32
          %parallel_loop3A_1437 = vector.broadcast %parallel_loop3A_1436 : i32 to vector<16xi32>
          %parallel_loop3A_1438 = arith.addi %parallel_loop3A_1380, %parallel_loop3A_1437 : vector<16xi32>
          tpu.vector_store_idx %arg8[%parallel_loop3A_1398, %parallel_loop3A_1435], %parallel_loop3A_1438 masked %parallel_loop3A_1384 : memref<32x128xi32, #tpu.memory_space<vmem>>[vector<16xi32>, vector<16xi32>], vector<16xi32>, vector<16xi1>
          %parallel_loop3A_1439 = arith.constant 3 : i32
          %parallel_loop3A_1440 = vector.broadcast %parallel_loop3A_1439 : i32 to vector<16xi32>
          %parallel_loop3A_1441 = arith.addi %parallel_loop3A_1401, %parallel_loop3A_1440 : vector<16xi32>
          %parallel_loop3A_1442 = arith.constant 8193 : i32
          %parallel_loop3A_1443 = vector.broadcast %parallel_loop3A_1442 : i32 to vector<16xi32>
          %parallel_loop3A_1444 = arith.addi %parallel_loop3A_1380, %parallel_loop3A_1443 : vector<16xi32>
          tpu.vector_store_idx %arg8[%parallel_loop3A_1398, %parallel_loop3A_1441], %parallel_loop3A_1444 masked %parallel_loop3A_1384 : memref<32x128xi32, #tpu.memory_space<vmem>>[vector<16xi32>, vector<16xi32>], vector<16xi32>, vector<16xi1>
          %parallel_loop3A_1445 = tpu.all_reduce %parallel_loop3A_1384 {dim = 0 : i64, kind = #tpu.reduction_kind<sum>} : vector<16xi1> -> vector<16xi32>
          %parallel_loop3A_1446 = arith.constant 2 : i32
          %parallel_loop3A_1447 = vector.broadcast %parallel_loop3A_1446 : i32 to vector<16xi32>
          %parallel_loop3A_1448 = arith.shli %parallel_loop3A_1445, %parallel_loop3A_1447 : vector<16xi32>
          %parallel_loop3A_1449 = arith.addi %parallel_loop3A_1374, %parallel_loop3A_1448 : vector<16xi32>
          scf.yield %parallel_loop3A_1449 : vector<16xi32>
        } {sc.loop_unroll_factor = 16 : i64, sc.parallel_access}
        %reduce_max3A_1359 = arith.constant true
        %reduce_max3A_1360 = vector.broadcast %reduce_max3A_1359 : i1 to vector<16xi1>
        %reduce_max3A_1361 = arith.constant -2147483648 : i32
        %reduce_max3A_1362 = vector.broadcast %reduce_max3A_1361 : i32 to vector<16xi32>
        %reduce_max3A_1363 = arith.xori %parallel_loop3A_1358, %reduce_max3A_1362 : vector<16xi32>
        %reduce_max3A_1364 = tpu.scan <max>, %reduce_max3A_1363 masked %reduce_max3A_1360 : vector<16xi32>, vector<16xi1> -> vector<16xi32>
        %reduce_max3A_1365 = arith.xori %reduce_max3A_1364, %reduce_max3A_1362 : vector<16xi32>
        %reduce_max3A_1366 = vector.extract %reduce_max3A_1365[15] : i32 from vector<16xi32>
        %shift_right_logical3A_1367 = arith.constant 7 : i32
        %shift_right_logical3A_1368 = arith.shrui %reduce_max3A_1366, %shift_right_logical3A_1367 : i32
        %gt3A_1369 = arith.cmpi sgt, %shift_right_logical3A_1368, %scan3A_1351 : i32
        %convert_element_type3A_1370 = arith.extui %gt3A_1369 : i1 to i32
        %cond3A_1371 = arith.constant 0 : i32
        %cond3A_1372 = arith.cmpi ne, %convert_element_type3A_1370, %cond3A_1371 : i32
        scf.if %cond3A_1372 {
          %while3A_1373 = arith.constant 0 : i32
          %while3A_1374 = arith.subi %shift_right_logical3A_1368, %scan3A_1351 : i32
          %while3A_1375 = arith.addi %scan3A_1351, %while3A_1374 : i32
          %while3A_1376 = arith.constant 1 : i32
          %while3A_1377 = arith.divsi %while3A_1374, %while3A_1376 : i32
          %while3A_1378 = arith.muli %while3A_1377, %while3A_1376 : i32
          %while3A_1379 = arith.addi %scan3A_1351, %while3A_1378 : i32
          %while3A_1380 = arith.constant 1 : i32
          %while3A_1381 = scf.for %while3A_1417 = %scan3A_1351 to %while3A_1379 step %while3A_1380 iter_args(%while3A_1418 = %while3A_1373) -> (i32)  : i32 {
            %and3A_1419 = arith.constant 31 : i32
            %and3A_1420 = arith.andi %while3A_1417, %and3A_1419 : i32
            %dma_start3A_1421 = arith.constant 0 : i32
            %dma_start3A_1422 = tpu.memref_slice %arg9[%and3A_1420, %dma_start3A_1421] : memref<32x128xf32, #tpu.memory_space<vmem>> -> memref<1x128xf32, #tpu.memory_space<vmem>>
            %dma_start3A_1423 = tpu.memref_squeeze %dma_start3A_1422 : memref<1x128xf32, #tpu.memory_space<vmem>> -> memref<128xf32, #tpu.memory_space<vmem>>
            %dma_start3A_1424 = arith.constant 0 : i32
            %dma_start3A_1425 = tpu.memref_slice %arg7[%and3A_1420, %dma_start3A_1424] : memref<32x128xi32, #tpu.memory_space<vmem>> -> memref<1x128xi32, #tpu.memory_space<vmem>>
            %dma_start3A_1426 = tpu.memref_squeeze %dma_start3A_1425 : memref<1x128xi32, #tpu.memory_space<vmem>> -> memref<128xi32, #tpu.memory_space<vmem>>
            %dma_start3A_1427 = arith.constant 0 : i32
            %dma_start3A_1428 = tpu.memref_slice %arg3[%dma_start3A_1427] : memref<1081360xf32, #tpu.memory_space<hbm>> -> memref<1081360xf32, #tpu.memory_space<hbm>>
            tpu.enqueue_indirect_dma source(%dma_start3A_1428 : memref<1081360xf32, #tpu.memory_space<hbm>>) target(%dma_start3A_1423 : memref<128xf32, #tpu.memory_space<vmem>>) offsets(%dma_start3A_1426 : memref<128xi32, #tpu.memory_space<vmem>>) semaphore(%arg12 : memref<!tpu.dma_semaphore, #tpu.memory_space<semaphore_mem>>)
            %while3A_1429 = arith.constant 0 : i32
            scf.yield %while3A_1429 : i32
          }
          %while3A_1382 = arith.constant 1 : i32
          %while3A_1383 = scf.for %while3A_1417 = %while3A_1379 to %while3A_1375 step %while3A_1382 iter_args(%while3A_1418 = %while3A_1381) -> (i32)  : i32 {
            %and3A_1419 = arith.constant 31 : i32
            %and3A_1420 = arith.andi %while3A_1417, %and3A_1419 : i32
            %dma_start3A_1421 = arith.constant 0 : i32
            %dma_start3A_1422 = tpu.memref_slice %arg9[%and3A_1420, %dma_start3A_1421] : memref<32x128xf32, #tpu.memory_space<vmem>> -> memref<1x128xf32, #tpu.memory_space<vmem>>
            %dma_start3A_1423 = tpu.memref_squeeze %dma_start3A_1422 : memref<1x128xf32, #tpu.memory_space<vmem>> -> memref<128xf32, #tpu.memory_space<vmem>>
            %dma_start3A_1424 = arith.constant 0 : i32
            %dma_start3A_1425 = tpu.memref_slice %arg7[%and3A_1420, %dma_start3A_1424] : memref<32x128xi32, #tpu.memory_space<vmem>> -> memref<1x128xi32, #tpu.memory_space<vmem>>
            %dma_start3A_1426 = tpu.memref_squeeze %dma_start3A_1425 : memref<1x128xi32, #tpu.memory_space<vmem>> -> memref<128xi32, #tpu.memory_space<vmem>>
            %dma_start3A_1427 = arith.constant 0 : i32
            %dma_start3A_1428 = tpu.memref_slice %arg3[%dma_start3A_1427] : memref<1081360xf32, #tpu.memory_space<hbm>> -> memref<1081360xf32, #tpu.memory_space<hbm>>
            tpu.enqueue_indirect_dma source(%dma_start3A_1428 : memref<1081360xf32, #tpu.memory_space<hbm>>) target(%dma_start3A_1423 : memref<128xf32, #tpu.memory_space<vmem>>) offsets(%dma_start3A_1426 : memref<128xi32, #tpu.memory_space<vmem>>) semaphore(%arg12 : memref<!tpu.dma_semaphore, #tpu.memory_space<semaphore_mem>>)
            %while3A_1429 = arith.constant 0 : i32
            scf.yield %while3A_1429 : i32
          }
          %while3A_1384 = arith.constant 0 : i32
          %while3A_1385 = arith.subi %shift_right_logical3A_1368, %scan3A_1351 : i32
          %while3A_1386 = arith.addi %scan3A_1351, %while3A_1385 : i32
          %while3A_1387 = arith.constant 1 : i32
          %while3A_1388 = arith.divsi %while3A_1385, %while3A_1387 : i32
          %while3A_1389 = arith.muli %while3A_1388, %while3A_1387 : i32
          %while3A_1390 = arith.addi %scan3A_1351, %while3A_1389 : i32
          %while3A_1391 = arith.constant 1 : i32
          %while3A_1392 = scf.for %while3A_1417 = %scan3A_1351 to %while3A_1390 step %while3A_1391 iter_args(%while3A_1418 = %while3A_1384) -> (i32)  : i32 {
            %and3A_1419 = arith.constant 31 : i32
            %and3A_1420 = arith.andi %while3A_1417, %and3A_1419 : i32
            %dma_wait3A_1421 = arith.constant 0 : i32
            %dma_wait3A_1422 = tpu.memref_slice %arg9[%and3A_1420, %dma_wait3A_1421] : memref<32x128xf32, #tpu.memory_space<vmem>> -> memref<1x128xf32, #tpu.memory_space<vmem>>
            %dma_wait3A_1423 = tpu.memref_squeeze %dma_wait3A_1422 : memref<1x128xf32, #tpu.memory_space<vmem>> -> memref<128xf32, #tpu.memory_space<vmem>>
            %dma_wait3A_1424 = arith.constant 0 : i32
            %dma_wait3A_1425 = tpu.memref_slice %arg7[%and3A_1420, %dma_wait3A_1424] : memref<32x128xi32, #tpu.memory_space<vmem>> -> memref<1x128xi32, #tpu.memory_space<vmem>>
            %dma_wait3A_1426 = tpu.memref_squeeze %dma_wait3A_1425 : memref<1x128xi32, #tpu.memory_space<vmem>> -> memref<128xi32, #tpu.memory_space<vmem>>
            %dma_wait3A_1427 = arith.constant 0 : i32
            %dma_wait3A_1428 = tpu.memref_slice %arg3[%dma_wait3A_1427] : memref<1081360xf32, #tpu.memory_space<hbm>> -> memref<1081360xf32, #tpu.memory_space<hbm>>
            tpu.wait_indirect_dma semaphore(%arg12 : memref<!tpu.dma_semaphore, #tpu.memory_space<semaphore_mem>>) src(%dma_wait3A_1428 : memref<1081360xf32, #tpu.memory_space<hbm>>) dst(%dma_wait3A_1423 : memref<128xf32, #tpu.memory_space<vmem>>)
            %while3A_1429 = arith.constant 0 : i32
            scf.yield %while3A_1429 : i32
          }
          %while3A_1393 = arith.constant 1 : i32
          %while3A_1394 = scf.for %while3A_1417 = %while3A_1390 to %while3A_1386 step %while3A_1393 iter_args(%while3A_1418 = %while3A_1392) -> (i32)  : i32 {
            %and3A_1419 = arith.constant 31 : i32
            %and3A_1420 = arith.andi %while3A_1417, %and3A_1419 : i32
            %dma_wait3A_1421 = arith.constant 0 : i32
            %dma_wait3A_1422 = tpu.memref_slice %arg9[%and3A_1420, %dma_wait3A_1421] : memref<32x128xf32, #tpu.memory_space<vmem>> -> memref<1x128xf32, #tpu.memory_space<vmem>>
            %dma_wait3A_1423 = tpu.memref_squeeze %dma_wait3A_1422 : memref<1x128xf32, #tpu.memory_space<vmem>> -> memref<128xf32, #tpu.memory_space<vmem>>
            %dma_wait3A_1424 = arith.constant 0 : i32
            %dma_wait3A_1425 = tpu.memref_slice %arg7[%and3A_1420, %dma_wait3A_1424] : memref<32x128xi32, #tpu.memory_space<vmem>> -> memref<1x128xi32, #tpu.memory_space<vmem>>
            %dma_wait3A_1426 = tpu.memref_squeeze %dma_wait3A_1425 : memref<1x128xi32, #tpu.memory_space<vmem>> -> memref<128xi32, #tpu.memory_space<vmem>>
            %dma_wait3A_1427 = arith.constant 0 : i32
            %dma_wait3A_1428 = tpu.memref_slice %arg3[%dma_wait3A_1427] : memref<1081360xf32, #tpu.memory_space<hbm>> -> memref<1081360xf32, #tpu.memory_space<hbm>>
            tpu.wait_indirect_dma semaphore(%arg12 : memref<!tpu.dma_semaphore, #tpu.memory_space<semaphore_mem>>) src(%dma_wait3A_1428 : memref<1081360xf32, #tpu.memory_space<hbm>>) dst(%dma_wait3A_1423 : memref<128xf32, #tpu.memory_space<vmem>>)
            %while3A_1429 = arith.constant 0 : i32
            scf.yield %while3A_1429 : i32
          }
          %while3A_1395 = arith.constant 0 : i32
          %while3A_1396 = arith.subi %shift_right_logical3A_1368, %scan3A_1351 : i32
          %while3A_1397 = arith.addi %scan3A_1351, %while3A_1396 : i32
          %while3A_1398 = arith.constant 1 : i32
          %while3A_1399 = arith.divsi %while3A_1396, %while3A_1398 : i32
          %while3A_1400 = arith.muli %while3A_1399, %while3A_1398 : i32
          %while3A_1401 = arith.addi %scan3A_1351, %while3A_1400 : i32
          %while3A_1402 = arith.constant 1 : i32
          %while3A_1403 = scf.for %while3A_1417 = %scan3A_1351 to %while3A_1401 step %while3A_1402 iter_args(%while3A_1418 = %while3A_1395) -> (i32)  : i32 {
            %and3A_1419 = arith.constant 31 : i32
            %and3A_1420 = arith.andi %while3A_1417, %and3A_1419 : i32
            %dma_start3A_1421 = arith.constant 0 : i32
            %dma_start3A_1422 = tpu.memref_slice %arg9[%and3A_1420, %dma_start3A_1421] : memref<32x128xf32, #tpu.memory_space<vmem>> -> memref<1x128xf32, #tpu.memory_space<vmem>>
            %dma_start3A_1423 = tpu.memref_squeeze %dma_start3A_1422 : memref<1x128xf32, #tpu.memory_space<vmem>> -> memref<128xf32, #tpu.memory_space<vmem>>
            %dma_start3A_1424 = arith.constant 0 : i32
            %dma_start3A_1425 = tpu.memref_slice %arg8[%and3A_1420, %dma_start3A_1424] : memref<32x128xi32, #tpu.memory_space<vmem>> -> memref<1x128xi32, #tpu.memory_space<vmem>>
            %dma_start3A_1426 = tpu.memref_squeeze %dma_start3A_1425 : memref<1x128xi32, #tpu.memory_space<vmem>> -> memref<128xi32, #tpu.memory_space<vmem>>
            %dma_start3A_1427 = arith.constant 0 : i32
            %dma_start3A_1428 = tpu.memref_slice %arg11[%dma_start3A_1427] : memref<1572864xf32, #tpu.memory_space<vmem_shared>> -> memref<1572864xf32, #tpu.memory_space<vmem_shared>>
            tpu.enqueue_indirect_dma source(%dma_start3A_1423 : memref<128xf32, #tpu.memory_space<vmem>>) target(%dma_start3A_1428 : memref<1572864xf32, #tpu.memory_space<vmem_shared>>) offsets(%dma_start3A_1426 : memref<128xi32, #tpu.memory_space<vmem>>) semaphore(%arg13 : memref<!tpu.dma_semaphore, #tpu.memory_space<semaphore_mem>>) {add = true}
            %while3A_1429 = arith.constant 0 : i32
            scf.yield %while3A_1429 : i32
          }
          %while3A_1404 = arith.constant 1 : i32
          %while3A_1405 = scf.for %while3A_1417 = %while3A_1401 to %while3A_1397 step %while3A_1404 iter_args(%while3A_1418 = %while3A_1403) -> (i32)  : i32 {
            %and3A_1419 = arith.constant 31 : i32
            %and3A_1420 = arith.andi %while3A_1417, %and3A_1419 : i32
            %dma_start3A_1421 = arith.constant 0 : i32
            %dma_start3A_1422 = tpu.memref_slice %arg9[%and3A_1420, %dma_start3A_1421] : memref<32x128xf32, #tpu.memory_space<vmem>> -> memref<1x128xf32, #tpu.memory_space<vmem>>
            %dma_start3A_1423 = tpu.memref_squeeze %dma_start3A_1422 : memref<1x128xf32, #tpu.memory_space<vmem>> -> memref<128xf32, #tpu.memory_space<vmem>>
            %dma_start3A_1424 = arith.constant 0 : i32
            %dma_start3A_1425 = tpu.memref_slice %arg8[%and3A_1420, %dma_start3A_1424] : memref<32x128xi32, #tpu.memory_space<vmem>> -> memref<1x128xi32, #tpu.memory_space<vmem>>
            %dma_start3A_1426 = tpu.memref_squeeze %dma_start3A_1425 : memref<1x128xi32, #tpu.memory_space<vmem>> -> memref<128xi32, #tpu.memory_space<vmem>>
            %dma_start3A_1427 = arith.constant 0 : i32
            %dma_start3A_1428 = tpu.memref_slice %arg11[%dma_start3A_1427] : memref<1572864xf32, #tpu.memory_space<vmem_shared>> -> memref<1572864xf32, #tpu.memory_space<vmem_shared>>
            tpu.enqueue_indirect_dma source(%dma_start3A_1423 : memref<128xf32, #tpu.memory_space<vmem>>) target(%dma_start3A_1428 : memref<1572864xf32, #tpu.memory_space<vmem_shared>>) offsets(%dma_start3A_1426 : memref<128xi32, #tpu.memory_space<vmem>>) semaphore(%arg13 : memref<!tpu.dma_semaphore, #tpu.memory_space<semaphore_mem>>) {add = true}
            %while3A_1429 = arith.constant 0 : i32
            scf.yield %while3A_1429 : i32
          }
          %while3A_1406 = arith.constant 0 : i32
          %while3A_1407 = arith.subi %shift_right_logical3A_1368, %scan3A_1351 : i32
          %while3A_1408 = arith.addi %scan3A_1351, %while3A_1407 : i32
          %while3A_1409 = arith.constant 1 : i32
          %while3A_1410 = arith.divsi %while3A_1407, %while3A_1409 : i32
          %while3A_1411 = arith.muli %while3A_1410, %while3A_1409 : i32
          %while3A_1412 = arith.addi %scan3A_1351, %while3A_1411 : i32
          %while3A_1413 = arith.constant 1 : i32
          %while3A_1414 = scf.for %while3A_1417 = %scan3A_1351 to %while3A_1412 step %while3A_1413 iter_args(%while3A_1418 = %while3A_1406) -> (i32)  : i32 {
            %and3A_1419 = arith.constant 31 : i32
            %and3A_1420 = arith.andi %while3A_1417, %and3A_1419 : i32
            %dma_wait3A_1421 = arith.constant 0 : i32
            %dma_wait3A_1422 = tpu.memref_slice %arg9[%and3A_1420, %dma_wait3A_1421] : memref<32x128xf32, #tpu.memory_space<vmem>> -> memref<1x128xf32, #tpu.memory_space<vmem>>
            %dma_wait3A_1423 = tpu.memref_squeeze %dma_wait3A_1422 : memref<1x128xf32, #tpu.memory_space<vmem>> -> memref<128xf32, #tpu.memory_space<vmem>>
            %dma_wait3A_1424 = arith.constant 0 : i32
            %dma_wait3A_1425 = tpu.memref_slice %arg8[%and3A_1420, %dma_wait3A_1424] : memref<32x128xi32, #tpu.memory_space<vmem>> -> memref<1x128xi32, #tpu.memory_space<vmem>>
            %dma_wait3A_1426 = tpu.memref_squeeze %dma_wait3A_1425 : memref<1x128xi32, #tpu.memory_space<vmem>> -> memref<128xi32, #tpu.memory_space<vmem>>
            %dma_wait3A_1427 = arith.constant 0 : i32
            %dma_wait3A_1428 = tpu.memref_slice %arg11[%dma_wait3A_1427] : memref<1572864xf32, #tpu.memory_space<vmem_shared>> -> memref<1572864xf32, #tpu.memory_space<vmem_shared>>
            tpu.wait_indirect_dma semaphore(%arg13 : memref<!tpu.dma_semaphore, #tpu.memory_space<semaphore_mem>>) src(%dma_wait3A_1423 : memref<128xf32, #tpu.memory_space<vmem>>) dst(%dma_wait3A_1428 : memref<1572864xf32, #tpu.memory_space<vmem_shared>>)
            %while3A_1429 = arith.constant 0 : i32
            scf.yield %while3A_1429 : i32
          }
          %while3A_1415 = arith.constant 1 : i32
          %while3A_1416 = scf.for %while3A_1417 = %while3A_1412 to %while3A_1408 step %while3A_1415 iter_args(%while3A_1418 = %while3A_1414) -> (i32)  : i32 {
            %and3A_1419 = arith.constant 31 : i32
            %and3A_1420 = arith.andi %while3A_1417, %and3A_1419 : i32
            %dma_wait3A_1421 = arith.constant 0 : i32
            %dma_wait3A_1422 = tpu.memref_slice %arg9[%and3A_1420, %dma_wait3A_1421] : memref<32x128xf32, #tpu.memory_space<vmem>> -> memref<1x128xf32, #tpu.memory_space<vmem>>
            %dma_wait3A_1423 = tpu.memref_squeeze %dma_wait3A_1422 : memref<1x128xf32, #tpu.memory_space<vmem>> -> memref<128xf32, #tpu.memory_space<vmem>>
            %dma_wait3A_1424 = arith.constant 0 : i32
            %dma_wait3A_1425 = tpu.memref_slice %arg8[%and3A_1420, %dma_wait3A_1424] : memref<32x128xi32, #tpu.memory_space<vmem>> -> memref<1x128xi32, #tpu.memory_space<vmem>>
            %dma_wait3A_1426 = tpu.memref_squeeze %dma_wait3A_1425 : memref<1x128xi32, #tpu.memory_space<vmem>> -> memref<128xi32, #tpu.memory_space<vmem>>
            %dma_wait3A_1427 = arith.constant 0 : i32
            %dma_wait3A_1428 = tpu.memref_slice %arg11[%dma_wait3A_1427] : memref<1572864xf32, #tpu.memory_space<vmem_shared>> -> memref<1572864xf32, #tpu.memory_space<vmem_shared>>
            tpu.wait_indirect_dma semaphore(%arg13 : memref<!tpu.dma_semaphore, #tpu.memory_space<semaphore_mem>>) src(%dma_wait3A_1423 : memref<128xf32, #tpu.memory_space<vmem>>) dst(%dma_wait3A_1428 : memref<1572864xf32, #tpu.memory_space<vmem_shared>>)
            %while3A_1429 = arith.constant 0 : i32
            scf.yield %while3A_1429 : i32
          }
        } else {
        }
        scf.yield %parallel_loop3A_1358, %shift_right_logical3A_1368 : vector<16xi32>, i32
      }
      %scan3A_603 = arith.constant 22 : i32
      %add3A_604 = arith.constant 127 : i32
      %add3A_605 = vector.broadcast %add3A_604 : i32 to vector<16xi32>
      %add3A_606 = arith.addi %scan3A_602#0, %add3A_605 : vector<16xi32>
      %and3A = arith.constant -128 : i32
      %and3A_607 = vector.broadcast %and3A : i32 to vector<16xi32>
      %and3A_608 = arith.andi %add3A_606, %and3A_607 : vector<16xi32>
      %add3A_609 = arith.constant 0 : i32
      %add3A_610 = vector.broadcast %add3A_609 : i32 to vector<16xi32>
      %add3A_611 = arith.addi %scan3A_602#0, %add3A_610 : vector<16xi32>
      %add3A_612 = arith.addi %add3A_611, %iota3A : vector<16xi32>
      %lt3A = arith.cmpi slt, %add3A_612, %and3A_608 : vector<16xi32>
      %shift_right_logical3A = arith.constant 7 : i32
      %shift_right_logical3A_613 = vector.broadcast %shift_right_logical3A : i32 to vector<16xi32>
      %shift_right_logical3A_614 = arith.shrui %add3A_612, %shift_right_logical3A_613 : vector<16xi32>
      %and3A_615 = arith.constant 31 : i32
      %and3A_616 = vector.broadcast %and3A_615 : i32 to vector<16xi32>
      %and3A_617 = arith.andi %shift_right_logical3A_614, %and3A_616 : vector<16xi32>
      %and3A_618 = arith.constant 127 : i32
      %and3A_619 = vector.broadcast %and3A_618 : i32 to vector<16xi32>
      %and3A_620 = arith.andi %add3A_612, %and3A_619 : vector<16xi32>
      %broadcast_in_dim3A_621 = arith.constant 1081344 : i32
      %broadcast_in_dim3A_622 = vector.broadcast %broadcast_in_dim3A_621 : i32 to vector<16xi32>
      tpu.vector_store_idx %arg7[%and3A_617, %and3A_620], %broadcast_in_dim3A_622 masked %lt3A : memref<32x128xi32, #tpu.memory_space<vmem>>[vector<16xi32>, vector<16xi32>], vector<16xi32>, vector<16xi1>
      %broadcast_in_dim3A_623 = arith.constant 0 : i32
      %broadcast_in_dim3A_624 = vector.broadcast %broadcast_in_dim3A_623 : i32 to vector<16xi32>
      tpu.vector_store_idx %arg8[%and3A_617, %and3A_620], %broadcast_in_dim3A_624 masked %lt3A : memref<32x128xi32, #tpu.memory_space<vmem>>[vector<16xi32>, vector<16xi32>], vector<16xi32>, vector<16xi1>
      %add3A_625 = arith.constant 16 : i32
      %add3A_626 = vector.broadcast %add3A_625 : i32 to vector<16xi32>
      %add3A_627 = arith.addi %scan3A_602#0, %add3A_626 : vector<16xi32>
      %add3A_628 = arith.addi %add3A_627, %iota3A : vector<16xi32>
      %lt3A_629 = arith.cmpi slt, %add3A_628, %and3A_608 : vector<16xi32>
      %shift_right_logical3A_630 = arith.constant 7 : i32
      %shift_right_logical3A_631 = vector.broadcast %shift_right_logical3A_630 : i32 to vector<16xi32>
      %shift_right_logical3A_632 = arith.shrui %add3A_628, %shift_right_logical3A_631 : vector<16xi32>
      %and3A_633 = arith.constant 31 : i32
      %and3A_634 = vector.broadcast %and3A_633 : i32 to vector<16xi32>
      %and3A_635 = arith.andi %shift_right_logical3A_632, %and3A_634 : vector<16xi32>
      %and3A_636 = arith.constant 127 : i32
      %and3A_637 = vector.broadcast %and3A_636 : i32 to vector<16xi32>
      %and3A_638 = arith.andi %add3A_628, %and3A_637 : vector<16xi32>
      %broadcast_in_dim3A_639 = arith.constant 1081344 : i32
      %broadcast_in_dim3A_640 = vector.broadcast %broadcast_in_dim3A_639 : i32 to vector<16xi32>
      tpu.vector_store_idx %arg7[%and3A_635, %and3A_638], %broadcast_in_dim3A_640 masked %lt3A_629 : memref<32x128xi32, #tpu.memory_space<vmem>>[vector<16xi32>, vector<16xi32>], vector<16xi32>, vector<16xi1>
      %broadcast_in_dim3A_641 = arith.constant 0 : i32
      %broadcast_in_dim3A_642 = vector.broadcast %broadcast_in_dim3A_641 : i32 to vector<16xi32>
      tpu.vector_store_idx %arg8[%and3A_635, %and3A_638], %broadcast_in_dim3A_642 masked %lt3A_629 : memref<32x128xi32, #tpu.memory_space<vmem>>[vector<16xi32>, vector<16xi32>], vector<16xi32>, vector<16xi1>
      %add3A_643 = arith.constant 32 : i32
      %add3A_644 = vector.broadcast %add3A_643 : i32 to vector<16xi32>
      %add3A_645 = arith.addi %scan3A_602#0, %add3A_644 : vector<16xi32>
      %add3A_646 = arith.addi %add3A_645, %iota3A : vector<16xi32>
      %lt3A_647 = arith.cmpi slt, %add3A_646, %and3A_608 : vector<16xi32>
      %shift_right_logical3A_648 = arith.constant 7 : i32
      %shift_right_logical3A_649 = vector.broadcast %shift_right_logical3A_648 : i32 to vector<16xi32>
      %shift_right_logical3A_650 = arith.shrui %add3A_646, %shift_right_logical3A_649 : vector<16xi32>
      %and3A_651 = arith.constant 31 : i32
      %and3A_652 = vector.broadcast %and3A_651 : i32 to vector<16xi32>
      %and3A_653 = arith.andi %shift_right_logical3A_650, %and3A_652 : vector<16xi32>
      %and3A_654 = arith.constant 127 : i32
      %and3A_655 = vector.broadcast %and3A_654 : i32 to vector<16xi32>
      %and3A_656 = arith.andi %add3A_646, %and3A_655 : vector<16xi32>
      %broadcast_in_dim3A_657 = arith.constant 1081344 : i32
      %broadcast_in_dim3A_658 = vector.broadcast %broadcast_in_dim3A_657 : i32 to vector<16xi32>
      tpu.vector_store_idx %arg7[%and3A_653, %and3A_656], %broadcast_in_dim3A_658 masked %lt3A_647 : memref<32x128xi32, #tpu.memory_space<vmem>>[vector<16xi32>, vector<16xi32>], vector<16xi32>, vector<16xi1>
      %broadcast_in_dim3A_659 = arith.constant 0 : i32
      %broadcast_in_dim3A_660 = vector.broadcast %broadcast_in_dim3A_659 : i32 to vector<16xi32>
      tpu.vector_store_idx %arg8[%and3A_653, %and3A_656], %broadcast_in_dim3A_660 masked %lt3A_647 : memref<32x128xi32, #tpu.memory_space<vmem>>[vector<16xi32>, vector<16xi32>], vector<16xi32>, vector<16xi1>
      %add3A_661 = arith.constant 48 : i32
      %add3A_662 = vector.broadcast %add3A_661 : i32 to vector<16xi32>
      %add3A_663 = arith.addi %scan3A_602#0, %add3A_662 : vector<16xi32>
      %add3A_664 = arith.addi %add3A_663, %iota3A : vector<16xi32>
      %lt3A_665 = arith.cmpi slt, %add3A_664, %and3A_608 : vector<16xi32>
      %shift_right_logical3A_666 = arith.constant 7 : i32
      %shift_right_logical3A_667 = vector.broadcast %shift_right_logical3A_666 : i32 to vector<16xi32>
      %shift_right_logical3A_668 = arith.shrui %add3A_664, %shift_right_logical3A_667 : vector<16xi32>
      %and3A_669 = arith.constant 31 : i32
      %and3A_670 = vector.broadcast %and3A_669 : i32 to vector<16xi32>
      %and3A_671 = arith.andi %shift_right_logical3A_668, %and3A_670 : vector<16xi32>
      %and3A_672 = arith.constant 127 : i32
      %and3A_673 = vector.broadcast %and3A_672 : i32 to vector<16xi32>
      %and3A_674 = arith.andi %add3A_664, %and3A_673 : vector<16xi32>
      %broadcast_in_dim3A_675 = arith.constant 1081344 : i32
      %broadcast_in_dim3A_676 = vector.broadcast %broadcast_in_dim3A_675 : i32 to vector<16xi32>
      tpu.vector_store_idx %arg7[%and3A_671, %and3A_674], %broadcast_in_dim3A_676 masked %lt3A_665 : memref<32x128xi32, #tpu.memory_space<vmem>>[vector<16xi32>, vector<16xi32>], vector<16xi32>, vector<16xi1>
      %broadcast_in_dim3A_677 = arith.constant 0 : i32
      %broadcast_in_dim3A_678 = vector.broadcast %broadcast_in_dim3A_677 : i32 to vector<16xi32>
      tpu.vector_store_idx %arg8[%and3A_671, %and3A_674], %broadcast_in_dim3A_678 masked %lt3A_665 : memref<32x128xi32, #tpu.memory_space<vmem>>[vector<16xi32>, vector<16xi32>], vector<16xi32>, vector<16xi1>
      %add3A_679 = arith.constant 64 : i32
      %add3A_680 = vector.broadcast %add3A_679 : i32 to vector<16xi32>
      %add3A_681 = arith.addi %scan3A_602#0, %add3A_680 : vector<16xi32>
      %add3A_682 = arith.addi %add3A_681, %iota3A : vector<16xi32>
      %lt3A_683 = arith.cmpi slt, %add3A_682, %and3A_608 : vector<16xi32>
      %shift_right_logical3A_684 = arith.constant 7 : i32
      %shift_right_logical3A_685 = vector.broadcast %shift_right_logical3A_684 : i32 to vector<16xi32>
      %shift_right_logical3A_686 = arith.shrui %add3A_682, %shift_right_logical3A_685 : vector<16xi32>
      %and3A_687 = arith.constant 31 : i32
      %and3A_688 = vector.broadcast %and3A_687 : i32 to vector<16xi32>
      %and3A_689 = arith.andi %shift_right_logical3A_686, %and3A_688 : vector<16xi32>
      %and3A_690 = arith.constant 127 : i32
      %and3A_691 = vector.broadcast %and3A_690 : i32 to vector<16xi32>
      %and3A_692 = arith.andi %add3A_682, %and3A_691 : vector<16xi32>
      %broadcast_in_dim3A_693 = arith.constant 1081344 : i32
      %broadcast_in_dim3A_694 = vector.broadcast %broadcast_in_dim3A_693 : i32 to vector<16xi32>
      tpu.vector_store_idx %arg7[%and3A_689, %and3A_692], %broadcast_in_dim3A_694 masked %lt3A_683 : memref<32x128xi32, #tpu.memory_space<vmem>>[vector<16xi32>, vector<16xi32>], vector<16xi32>, vector<16xi1>
      %broadcast_in_dim3A_695 = arith.constant 0 : i32
      %broadcast_in_dim3A_696 = vector.broadcast %broadcast_in_dim3A_695 : i32 to vector<16xi32>
      tpu.vector_store_idx %arg8[%and3A_689, %and3A_692], %broadcast_in_dim3A_696 masked %lt3A_683 : memref<32x128xi32, #tpu.memory_space<vmem>>[vector<16xi32>, vector<16xi32>], vector<16xi32>, vector<16xi1>
      %add3A_697 = arith.constant 80 : i32
      %add3A_698 = vector.broadcast %add3A_697 : i32 to vector<16xi32>
      %add3A_699 = arith.addi %scan3A_602#0, %add3A_698 : vector<16xi32>
      %add3A_700 = arith.addi %add3A_699, %iota3A : vector<16xi32>
      %lt3A_701 = arith.cmpi slt, %add3A_700, %and3A_608 : vector<16xi32>
      %shift_right_logical3A_702 = arith.constant 7 : i32
      %shift_right_logical3A_703 = vector.broadcast %shift_right_logical3A_702 : i32 to vector<16xi32>
      %shift_right_logical3A_704 = arith.shrui %add3A_700, %shift_right_logical3A_703 : vector<16xi32>
      %and3A_705 = arith.constant 31 : i32
      %and3A_706 = vector.broadcast %and3A_705 : i32 to vector<16xi32>
      %and3A_707 = arith.andi %shift_right_logical3A_704, %and3A_706 : vector<16xi32>
      %and3A_708 = arith.constant 127 : i32
      %and3A_709 = vector.broadcast %and3A_708 : i32 to vector<16xi32>
      %and3A_710 = arith.andi %add3A_700, %and3A_709 : vector<16xi32>
      %broadcast_in_dim3A_711 = arith.constant 1081344 : i32
      %broadcast_in_dim3A_712 = vector.broadcast %broadcast_in_dim3A_711 : i32 to vector<16xi32>
      tpu.vector_store_idx %arg7[%and3A_707, %and3A_710], %broadcast_in_dim3A_712 masked %lt3A_701 : memref<32x128xi32, #tpu.memory_space<vmem>>[vector<16xi32>, vector<16xi32>], vector<16xi32>, vector<16xi1>
      %broadcast_in_dim3A_713 = arith.constant 0 : i32
      %broadcast_in_dim3A_714 = vector.broadcast %broadcast_in_dim3A_713 : i32 to vector<16xi32>
      tpu.vector_store_idx %arg8[%and3A_707, %and3A_710], %broadcast_in_dim3A_714 masked %lt3A_701 : memref<32x128xi32, #tpu.memory_space<vmem>>[vector<16xi32>, vector<16xi32>], vector<16xi32>, vector<16xi1>
      %add3A_715 = arith.constant 96 : i32
      %add3A_716 = vector.broadcast %add3A_715 : i32 to vector<16xi32>
      %add3A_717 = arith.addi %scan3A_602#0, %add3A_716 : vector<16xi32>
      %add3A_718 = arith.addi %add3A_717, %iota3A : vector<16xi32>
      %lt3A_719 = arith.cmpi slt, %add3A_718, %and3A_608 : vector<16xi32>
      %shift_right_logical3A_720 = arith.constant 7 : i32
      %shift_right_logical3A_721 = vector.broadcast %shift_right_logical3A_720 : i32 to vector<16xi32>
      %shift_right_logical3A_722 = arith.shrui %add3A_718, %shift_right_logical3A_721 : vector<16xi32>
      %and3A_723 = arith.constant 31 : i32
      %and3A_724 = vector.broadcast %and3A_723 : i32 to vector<16xi32>
      %and3A_725 = arith.andi %shift_right_logical3A_722, %and3A_724 : vector<16xi32>
      %and3A_726 = arith.constant 127 : i32
      %and3A_727 = vector.broadcast %and3A_726 : i32 to vector<16xi32>
      %and3A_728 = arith.andi %add3A_718, %and3A_727 : vector<16xi32>
      %broadcast_in_dim3A_729 = arith.constant 1081344 : i32
      %broadcast_in_dim3A_730 = vector.broadcast %broadcast_in_dim3A_729 : i32 to vector<16xi32>
      tpu.vector_store_idx %arg7[%and3A_725, %and3A_728], %broadcast_in_dim3A_730 masked %lt3A_719 : memref<32x128xi32, #tpu.memory_space<vmem>>[vector<16xi32>, vector<16xi32>], vector<16xi32>, vector<16xi1>
      %broadcast_in_dim3A_731 = arith.constant 0 : i32
      %broadcast_in_dim3A_732 = vector.broadcast %broadcast_in_dim3A_731 : i32 to vector<16xi32>
      tpu.vector_store_idx %arg8[%and3A_725, %and3A_728], %broadcast_in_dim3A_732 masked %lt3A_719 : memref<32x128xi32, #tpu.memory_space<vmem>>[vector<16xi32>, vector<16xi32>], vector<16xi32>, vector<16xi1>
      %add3A_733 = arith.constant 112 : i32
      %add3A_734 = vector.broadcast %add3A_733 : i32 to vector<16xi32>
      %add3A_735 = arith.addi %scan3A_602#0, %add3A_734 : vector<16xi32>
      %add3A_736 = arith.addi %add3A_735, %iota3A : vector<16xi32>
      %lt3A_737 = arith.cmpi slt, %add3A_736, %and3A_608 : vector<16xi32>
      %shift_right_logical3A_738 = arith.constant 7 : i32
      %shift_right_logical3A_739 = vector.broadcast %shift_right_logical3A_738 : i32 to vector<16xi32>
      %shift_right_logical3A_740 = arith.shrui %add3A_736, %shift_right_logical3A_739 : vector<16xi32>
      %and3A_741 = arith.constant 31 : i32
      %and3A_742 = vector.broadcast %and3A_741 : i32 to vector<16xi32>
      %and3A_743 = arith.andi %shift_right_logical3A_740, %and3A_742 : vector<16xi32>
      %and3A_744 = arith.constant 127 : i32
      %and3A_745 = vector.broadcast %and3A_744 : i32 to vector<16xi32>
      %and3A_746 = arith.andi %add3A_736, %and3A_745 : vector<16xi32>
      %broadcast_in_dim3A_747 = arith.constant 1081344 : i32
      %broadcast_in_dim3A_748 = vector.broadcast %broadcast_in_dim3A_747 : i32 to vector<16xi32>
      tpu.vector_store_idx %arg7[%and3A_743, %and3A_746], %broadcast_in_dim3A_748 masked %lt3A_737 : memref<32x128xi32, #tpu.memory_space<vmem>>[vector<16xi32>, vector<16xi32>], vector<16xi32>, vector<16xi1>
      %broadcast_in_dim3A_749 = arith.constant 0 : i32
      %broadcast_in_dim3A_750 = vector.broadcast %broadcast_in_dim3A_749 : i32 to vector<16xi32>
      tpu.vector_store_idx %arg8[%and3A_743, %and3A_746], %broadcast_in_dim3A_750 masked %lt3A_737 : memref<32x128xi32, #tpu.memory_space<vmem>>[vector<16xi32>, vector<16xi32>], vector<16xi32>, vector<16xi1>
      %reduce_max3A = arith.constant true
      %reduce_max3A_751 = vector.broadcast %reduce_max3A : i1 to vector<16xi1>
      %reduce_max3A_752 = arith.constant -2147483648 : i32
      %reduce_max3A_753 = vector.broadcast %reduce_max3A_752 : i32 to vector<16xi32>
      %reduce_max3A_754 = arith.xori %and3A_608, %reduce_max3A_753 : vector<16xi32>
      %reduce_max3A_755 = tpu.scan <max>, %reduce_max3A_754 masked %reduce_max3A_751 : vector<16xi32>, vector<16xi1> -> vector<16xi32>
      %reduce_max3A_756 = arith.xori %reduce_max3A_755, %reduce_max3A_753 : vector<16xi32>
      %reduce_max3A_757 = vector.extract %reduce_max3A_756[15] : i32 from vector<16xi32>
      %shift_right_logical3A_758 = arith.constant 7 : i32
      %shift_right_logical3A_759 = arith.shrui %reduce_max3A_757, %shift_right_logical3A_758 : i32
      %gt3A = arith.cmpi sgt, %shift_right_logical3A_759, %scan3A_602#1 : i32
      %convert_element_type3A = arith.extui %gt3A : i1 to i32
      %cond3A = arith.constant 0 : i32
      %cond3A_760 = arith.cmpi ne, %convert_element_type3A, %cond3A : i32
      scf.if %cond3A_760 {
        %while3A_1349 = arith.constant 0 : i32
        %while3A_1350 = arith.subi %shift_right_logical3A_759, %scan3A_602#1 : i32
        %while3A_1351 = arith.addi %scan3A_602#1, %while3A_1350 : i32
        %while3A_1352 = arith.constant 1 : i32
        %while3A_1353 = arith.divsi %while3A_1350, %while3A_1352 : i32
        %while3A_1354 = arith.muli %while3A_1353, %while3A_1352 : i32
        %while3A_1355 = arith.addi %scan3A_602#1, %while3A_1354 : i32
        %while3A_1356 = arith.constant 1 : i32
        %while3A_1357 = scf.for %while3A_1393 = %scan3A_602#1 to %while3A_1355 step %while3A_1356 iter_args(%while3A_1394 = %while3A_1349) -> (i32)  : i32 {
          %and3A_1395 = arith.constant 31 : i32
          %and3A_1396 = arith.andi %while3A_1393, %and3A_1395 : i32
          %dma_start3A_1397 = arith.constant 0 : i32
          %dma_start3A_1398 = tpu.memref_slice %arg9[%and3A_1396, %dma_start3A_1397] : memref<32x128xf32, #tpu.memory_space<vmem>> -> memref<1x128xf32, #tpu.memory_space<vmem>>
          %dma_start3A_1399 = tpu.memref_squeeze %dma_start3A_1398 : memref<1x128xf32, #tpu.memory_space<vmem>> -> memref<128xf32, #tpu.memory_space<vmem>>
          %dma_start3A_1400 = arith.constant 0 : i32
          %dma_start3A_1401 = tpu.memref_slice %arg7[%and3A_1396, %dma_start3A_1400] : memref<32x128xi32, #tpu.memory_space<vmem>> -> memref<1x128xi32, #tpu.memory_space<vmem>>
          %dma_start3A_1402 = tpu.memref_squeeze %dma_start3A_1401 : memref<1x128xi32, #tpu.memory_space<vmem>> -> memref<128xi32, #tpu.memory_space<vmem>>
          %dma_start3A_1403 = arith.constant 0 : i32
          %dma_start3A_1404 = tpu.memref_slice %arg3[%dma_start3A_1403] : memref<1081360xf32, #tpu.memory_space<hbm>> -> memref<1081360xf32, #tpu.memory_space<hbm>>
          tpu.enqueue_indirect_dma source(%dma_start3A_1404 : memref<1081360xf32, #tpu.memory_space<hbm>>) target(%dma_start3A_1399 : memref<128xf32, #tpu.memory_space<vmem>>) offsets(%dma_start3A_1402 : memref<128xi32, #tpu.memory_space<vmem>>) semaphore(%arg12 : memref<!tpu.dma_semaphore, #tpu.memory_space<semaphore_mem>>)
          %while3A_1405 = arith.constant 0 : i32
          scf.yield %while3A_1405 : i32
        }
        %while3A_1358 = arith.constant 1 : i32
        %while3A_1359 = scf.for %while3A_1393 = %while3A_1355 to %while3A_1351 step %while3A_1358 iter_args(%while3A_1394 = %while3A_1357) -> (i32)  : i32 {
          %and3A_1395 = arith.constant 31 : i32
          %and3A_1396 = arith.andi %while3A_1393, %and3A_1395 : i32
          %dma_start3A_1397 = arith.constant 0 : i32
          %dma_start3A_1398 = tpu.memref_slice %arg9[%and3A_1396, %dma_start3A_1397] : memref<32x128xf32, #tpu.memory_space<vmem>> -> memref<1x128xf32, #tpu.memory_space<vmem>>
          %dma_start3A_1399 = tpu.memref_squeeze %dma_start3A_1398 : memref<1x128xf32, #tpu.memory_space<vmem>> -> memref<128xf32, #tpu.memory_space<vmem>>
          %dma_start3A_1400 = arith.constant 0 : i32
          %dma_start3A_1401 = tpu.memref_slice %arg7[%and3A_1396, %dma_start3A_1400] : memref<32x128xi32, #tpu.memory_space<vmem>> -> memref<1x128xi32, #tpu.memory_space<vmem>>
          %dma_start3A_1402 = tpu.memref_squeeze %dma_start3A_1401 : memref<1x128xi32, #tpu.memory_space<vmem>> -> memref<128xi32, #tpu.memory_space<vmem>>
          %dma_start3A_1403 = arith.constant 0 : i32
          %dma_start3A_1404 = tpu.memref_slice %arg3[%dma_start3A_1403] : memref<1081360xf32, #tpu.memory_space<hbm>> -> memref<1081360xf32, #tpu.memory_space<hbm>>
          tpu.enqueue_indirect_dma source(%dma_start3A_1404 : memref<1081360xf32, #tpu.memory_space<hbm>>) target(%dma_start3A_1399 : memref<128xf32, #tpu.memory_space<vmem>>) offsets(%dma_start3A_1402 : memref<128xi32, #tpu.memory_space<vmem>>) semaphore(%arg12 : memref<!tpu.dma_semaphore, #tpu.memory_space<semaphore_mem>>)
          %while3A_1405 = arith.constant 0 : i32
          scf.yield %while3A_1405 : i32
        }
        %while3A_1360 = arith.constant 0 : i32
        %while3A_1361 = arith.subi %shift_right_logical3A_759, %scan3A_602#1 : i32
        %while3A_1362 = arith.addi %scan3A_602#1, %while3A_1361 : i32
        %while3A_1363 = arith.constant 1 : i32
        %while3A_1364 = arith.divsi %while3A_1361, %while3A_1363 : i32
        %while3A_1365 = arith.muli %while3A_1364, %while3A_1363 : i32
        %while3A_1366 = arith.addi %scan3A_602#1, %while3A_1365 : i32
        %while3A_1367 = arith.constant 1 : i32
        %while3A_1368 = scf.for %while3A_1393 = %scan3A_602#1 to %while3A_1366 step %while3A_1367 iter_args(%while3A_1394 = %while3A_1360) -> (i32)  : i32 {
          %and3A_1395 = arith.constant 31 : i32
          %and3A_1396 = arith.andi %while3A_1393, %and3A_1395 : i32
          %dma_wait3A_1397 = arith.constant 0 : i32
          %dma_wait3A_1398 = tpu.memref_slice %arg9[%and3A_1396, %dma_wait3A_1397] : memref<32x128xf32, #tpu.memory_space<vmem>> -> memref<1x128xf32, #tpu.memory_space<vmem>>
          %dma_wait3A_1399 = tpu.memref_squeeze %dma_wait3A_1398 : memref<1x128xf32, #tpu.memory_space<vmem>> -> memref<128xf32, #tpu.memory_space<vmem>>
          %dma_wait3A_1400 = arith.constant 0 : i32
          %dma_wait3A_1401 = tpu.memref_slice %arg7[%and3A_1396, %dma_wait3A_1400] : memref<32x128xi32, #tpu.memory_space<vmem>> -> memref<1x128xi32, #tpu.memory_space<vmem>>
          %dma_wait3A_1402 = tpu.memref_squeeze %dma_wait3A_1401 : memref<1x128xi32, #tpu.memory_space<vmem>> -> memref<128xi32, #tpu.memory_space<vmem>>
          %dma_wait3A_1403 = arith.constant 0 : i32
          %dma_wait3A_1404 = tpu.memref_slice %arg3[%dma_wait3A_1403] : memref<1081360xf32, #tpu.memory_space<hbm>> -> memref<1081360xf32, #tpu.memory_space<hbm>>
          tpu.wait_indirect_dma semaphore(%arg12 : memref<!tpu.dma_semaphore, #tpu.memory_space<semaphore_mem>>) src(%dma_wait3A_1404 : memref<1081360xf32, #tpu.memory_space<hbm>>) dst(%dma_wait3A_1399 : memref<128xf32, #tpu.memory_space<vmem>>)
          %while3A_1405 = arith.constant 0 : i32
          scf.yield %while3A_1405 : i32
        }
        %while3A_1369 = arith.constant 1 : i32
        %while3A_1370 = scf.for %while3A_1393 = %while3A_1366 to %while3A_1362 step %while3A_1369 iter_args(%while3A_1394 = %while3A_1368) -> (i32)  : i32 {
          %and3A_1395 = arith.constant 31 : i32
          %and3A_1396 = arith.andi %while3A_1393, %and3A_1395 : i32
          %dma_wait3A_1397 = arith.constant 0 : i32
          %dma_wait3A_1398 = tpu.memref_slice %arg9[%and3A_1396, %dma_wait3A_1397] : memref<32x128xf32, #tpu.memory_space<vmem>> -> memref<1x128xf32, #tpu.memory_space<vmem>>
          %dma_wait3A_1399 = tpu.memref_squeeze %dma_wait3A_1398 : memref<1x128xf32, #tpu.memory_space<vmem>> -> memref<128xf32, #tpu.memory_space<vmem>>
          %dma_wait3A_1400 = arith.constant 0 : i32
          %dma_wait3A_1401 = tpu.memref_slice %arg7[%and3A_1396, %dma_wait3A_1400] : memref<32x128xi32, #tpu.memory_space<vmem>> -> memref<1x128xi32, #tpu.memory_space<vmem>>
          %dma_wait3A_1402 = tpu.memref_squeeze %dma_wait3A_1401 : memref<1x128xi32, #tpu.memory_space<vmem>> -> memref<128xi32, #tpu.memory_space<vmem>>
          %dma_wait3A_1403 = arith.constant 0 : i32
          %dma_wait3A_1404 = tpu.memref_slice %arg3[%dma_wait3A_1403] : memref<1081360xf32, #tpu.memory_space<hbm>> -> memref<1081360xf32, #tpu.memory_space<hbm>>
          tpu.wait_indirect_dma semaphore(%arg12 : memref<!tpu.dma_semaphore, #tpu.memory_space<semaphore_mem>>) src(%dma_wait3A_1404 : memref<1081360xf32, #tpu.memory_space<hbm>>) dst(%dma_wait3A_1399 : memref<128xf32, #tpu.memory_space<vmem>>)
          %while3A_1405 = arith.constant 0 : i32
          scf.yield %while3A_1405 : i32
        }
        %while3A_1371 = arith.constant 0 : i32
        %while3A_1372 = arith.subi %shift_right_logical3A_759, %scan3A_602#1 : i32
        %while3A_1373 = arith.addi %scan3A_602#1, %while3A_1372 : i32
        %while3A_1374 = arith.constant 1 : i32
        %while3A_1375 = arith.divsi %while3A_1372, %while3A_1374 : i32
        %while3A_1376 = arith.muli %while3A_1375, %while3A_1374 : i32
        %while3A_1377 = arith.addi %scan3A_602#1, %while3A_1376 : i32
        %while3A_1378 = arith.constant 1 : i32
        %while3A_1379 = scf.for %while3A_1393 = %scan3A_602#1 to %while3A_1377 step %while3A_1378 iter_args(%while3A_1394 = %while3A_1371) -> (i32)  : i32 {
          %and3A_1395 = arith.constant 31 : i32
          %and3A_1396 = arith.andi %while3A_1393, %and3A_1395 : i32
          %dma_start3A_1397 = arith.constant 0 : i32
          %dma_start3A_1398 = tpu.memref_slice %arg9[%and3A_1396, %dma_start3A_1397] : memref<32x128xf32, #tpu.memory_space<vmem>> -> memref<1x128xf32, #tpu.memory_space<vmem>>
          %dma_start3A_1399 = tpu.memref_squeeze %dma_start3A_1398 : memref<1x128xf32, #tpu.memory_space<vmem>> -> memref<128xf32, #tpu.memory_space<vmem>>
          %dma_start3A_1400 = arith.constant 0 : i32
          %dma_start3A_1401 = tpu.memref_slice %arg8[%and3A_1396, %dma_start3A_1400] : memref<32x128xi32, #tpu.memory_space<vmem>> -> memref<1x128xi32, #tpu.memory_space<vmem>>
          %dma_start3A_1402 = tpu.memref_squeeze %dma_start3A_1401 : memref<1x128xi32, #tpu.memory_space<vmem>> -> memref<128xi32, #tpu.memory_space<vmem>>
          %dma_start3A_1403 = arith.constant 0 : i32
          %dma_start3A_1404 = tpu.memref_slice %arg11[%dma_start3A_1403] : memref<1572864xf32, #tpu.memory_space<vmem_shared>> -> memref<1572864xf32, #tpu.memory_space<vmem_shared>>
          tpu.enqueue_indirect_dma source(%dma_start3A_1399 : memref<128xf32, #tpu.memory_space<vmem>>) target(%dma_start3A_1404 : memref<1572864xf32, #tpu.memory_space<vmem_shared>>) offsets(%dma_start3A_1402 : memref<128xi32, #tpu.memory_space<vmem>>) semaphore(%arg13 : memref<!tpu.dma_semaphore, #tpu.memory_space<semaphore_mem>>) {add = true}
          %while3A_1405 = arith.constant 0 : i32
          scf.yield %while3A_1405 : i32
        }
        %while3A_1380 = arith.constant 1 : i32
        %while3A_1381 = scf.for %while3A_1393 = %while3A_1377 to %while3A_1373 step %while3A_1380 iter_args(%while3A_1394 = %while3A_1379) -> (i32)  : i32 {
          %and3A_1395 = arith.constant 31 : i32
          %and3A_1396 = arith.andi %while3A_1393, %and3A_1395 : i32
          %dma_start3A_1397 = arith.constant 0 : i32
          %dma_start3A_1398 = tpu.memref_slice %arg9[%and3A_1396, %dma_start3A_1397] : memref<32x128xf32, #tpu.memory_space<vmem>> -> memref<1x128xf32, #tpu.memory_space<vmem>>
          %dma_start3A_1399 = tpu.memref_squeeze %dma_start3A_1398 : memref<1x128xf32, #tpu.memory_space<vmem>> -> memref<128xf32, #tpu.memory_space<vmem>>
          %dma_start3A_1400 = arith.constant 0 : i32
          %dma_start3A_1401 = tpu.memref_slice %arg8[%and3A_1396, %dma_start3A_1400] : memref<32x128xi32, #tpu.memory_space<vmem>> -> memref<1x128xi32, #tpu.memory_space<vmem>>
          %dma_start3A_1402 = tpu.memref_squeeze %dma_start3A_1401 : memref<1x128xi32, #tpu.memory_space<vmem>> -> memref<128xi32, #tpu.memory_space<vmem>>
          %dma_start3A_1403 = arith.constant 0 : i32
          %dma_start3A_1404 = tpu.memref_slice %arg11[%dma_start3A_1403] : memref<1572864xf32, #tpu.memory_space<vmem_shared>> -> memref<1572864xf32, #tpu.memory_space<vmem_shared>>
          tpu.enqueue_indirect_dma source(%dma_start3A_1399 : memref<128xf32, #tpu.memory_space<vmem>>) target(%dma_start3A_1404 : memref<1572864xf32, #tpu.memory_space<vmem_shared>>) offsets(%dma_start3A_1402 : memref<128xi32, #tpu.memory_space<vmem>>) semaphore(%arg13 : memref<!tpu.dma_semaphore, #tpu.memory_space<semaphore_mem>>) {add = true}
          %while3A_1405 = arith.constant 0 : i32
          scf.yield %while3A_1405 : i32
        }
        %while3A_1382 = arith.constant 0 : i32
        %while3A_1383 = arith.subi %shift_right_logical3A_759, %scan3A_602#1 : i32
        %while3A_1384 = arith.addi %scan3A_602#1, %while3A_1383 : i32
        %while3A_1385 = arith.constant 1 : i32
        %while3A_1386 = arith.divsi %while3A_1383, %while3A_1385 : i32
        %while3A_1387 = arith.muli %while3A_1386, %while3A_1385 : i32
        %while3A_1388 = arith.addi %scan3A_602#1, %while3A_1387 : i32
        %while3A_1389 = arith.constant 1 : i32
        %while3A_1390 = scf.for %while3A_1393 = %scan3A_602#1 to %while3A_1388 step %while3A_1389 iter_args(%while3A_1394 = %while3A_1382) -> (i32)  : i32 {
          %and3A_1395 = arith.constant 31 : i32
          %and3A_1396 = arith.andi %while3A_1393, %and3A_1395 : i32
          %dma_wait3A_1397 = arith.constant 0 : i32
          %dma_wait3A_1398 = tpu.memref_slice %arg9[%and3A_1396, %dma_wait3A_1397] : memref<32x128xf32, #tpu.memory_space<vmem>> -> memref<1x128xf32, #tpu.memory_space<vmem>>
          %dma_wait3A_1399 = tpu.memref_squeeze %dma_wait3A_1398 : memref<1x128xf32, #tpu.memory_space<vmem>> -> memref<128xf32, #tpu.memory_space<vmem>>
          %dma_wait3A_1400 = arith.constant 0 : i32
          %dma_wait3A_1401 = tpu.memref_slice %arg8[%and3A_1396, %dma_wait3A_1400] : memref<32x128xi32, #tpu.memory_space<vmem>> -> memref<1x128xi32, #tpu.memory_space<vmem>>
          %dma_wait3A_1402 = tpu.memref_squeeze %dma_wait3A_1401 : memref<1x128xi32, #tpu.memory_space<vmem>> -> memref<128xi32, #tpu.memory_space<vmem>>
          %dma_wait3A_1403 = arith.constant 0 : i32
          %dma_wait3A_1404 = tpu.memref_slice %arg11[%dma_wait3A_1403] : memref<1572864xf32, #tpu.memory_space<vmem_shared>> -> memref<1572864xf32, #tpu.memory_space<vmem_shared>>
          tpu.wait_indirect_dma semaphore(%arg13 : memref<!tpu.dma_semaphore, #tpu.memory_space<semaphore_mem>>) src(%dma_wait3A_1399 : memref<128xf32, #tpu.memory_space<vmem>>) dst(%dma_wait3A_1404 : memref<1572864xf32, #tpu.memory_space<vmem_shared>>)
          %while3A_1405 = arith.constant 0 : i32
          scf.yield %while3A_1405 : i32
        }
        %while3A_1391 = arith.constant 1 : i32
        %while3A_1392 = scf.for %while3A_1393 = %while3A_1388 to %while3A_1384 step %while3A_1391 iter_args(%while3A_1394 = %while3A_1390) -> (i32)  : i32 {
          %and3A_1395 = arith.constant 31 : i32
          %and3A_1396 = arith.andi %while3A_1393, %and3A_1395 : i32
          %dma_wait3A_1397 = arith.constant 0 : i32
          %dma_wait3A_1398 = tpu.memref_slice %arg9[%and3A_1396, %dma_wait3A_1397] : memref<32x128xf32, #tpu.memory_space<vmem>> -> memref<1x128xf32, #tpu.memory_space<vmem>>
          %dma_wait3A_1399 = tpu.memref_squeeze %dma_wait3A_1398 : memref<1x128xf32, #tpu.memory_space<vmem>> -> memref<128xf32, #tpu.memory_space<vmem>>
          %dma_wait3A_1400 = arith.constant 0 : i32
          %dma_wait3A_1401 = tpu.memref_slice %arg8[%and3A_1396, %dma_wait3A_1400] : memref<32x128xi32, #tpu.memory_space<vmem>> -> memref<1x128xi32, #tpu.memory_space<vmem>>
          %dma_wait3A_1402 = tpu.memref_squeeze %dma_wait3A_1401 : memref<1x128xi32, #tpu.memory_space<vmem>> -> memref<128xi32, #tpu.memory_space<vmem>>
          %dma_wait3A_1403 = arith.constant 0 : i32
          %dma_wait3A_1404 = tpu.memref_slice %arg11[%dma_wait3A_1403] : memref<1572864xf32, #tpu.memory_space<vmem_shared>> -> memref<1572864xf32, #tpu.memory_space<vmem_shared>>
          tpu.wait_indirect_dma semaphore(%arg13 : memref<!tpu.dma_semaphore, #tpu.memory_space<semaphore_mem>>) src(%dma_wait3A_1399 : memref<128xf32, #tpu.memory_space<vmem>>) dst(%dma_wait3A_1404 : memref<1572864xf32, #tpu.memory_space<vmem_shared>>)
          %while3A_1405 = arith.constant 0 : i32
          scf.yield %while3A_1405 : i32
        }
      } else {
      }
      %barrier3A_761 = arith.constant 0 : index
      tpu.barrier barrier_id(%barrier3A_761)
      %eq3A = arith.constant 42 : i32
      %eq3A_762 = arith.cmpi eq, %add3A_590, %eq3A : i32
      %convert_element_type3A_763 = arith.extui %eq3A_762 : i1 to i32
      %cond3A_764 = arith.constant 0 : i32
      %cond3A_765 = arith.cmpi ne, %convert_element_type3A_763, %cond3A_764 : i32
      scf.if %cond3A_765 {
        %mul3A_1349 = arith.constant 65536 : i32
        %mul3A_1350 = arith.muli %arg1, %mul3A_1349 : i32
        %mul3A_1351 = arith.constant 65536 : i32
        %mul3A_1352 = arith.muli %arg1, %mul3A_1351 : i32
        %add3A_1353 = arith.addi %mul3A_592, %mul3A_1352 : i32
        "tpu.region"() ({
          %run_scoped3A = tpu.sem_alloc : memref<!tpu.dma_semaphore, #tpu.memory_space<semaphore_mem>>
          %dma_start3A_1354 = tpu.memref_slice %arg5[%add3A_1353] : memref<67108864xf32, #tpu.memory_space<hbm>> -> memref<65536xf32, #tpu.memory_space<hbm>>
          %dma_start3A_1355 = tpu.memref_slice %arg11[%mul3A_1350] : memref<1572864xf32, #tpu.memory_space<vmem_shared>> -> memref<65536xf32, #tpu.memory_space<vmem_shared>>
          tpu.enqueue_dma source(%dma_start3A_1355 : memref<65536xf32, #tpu.memory_space<vmem_shared>>) target(%dma_start3A_1354 : memref<65536xf32, #tpu.memory_space<hbm>>) target_semaphore(%run_scoped3A : memref<!tpu.dma_semaphore, #tpu.memory_space<semaphore_mem>>)
          %dma_wait3A_1356 = tpu.memref_slice %arg5[%add3A_1353] : memref<67108864xf32, #tpu.memory_space<hbm>> -> memref<65536xf32, #tpu.memory_space<hbm>>
          %dma_wait3A_1357 = tpu.memref_slice %arg11[%mul3A_1350] : memref<1572864xf32, #tpu.memory_space<vmem_shared>> -> memref<65536xf32, #tpu.memory_space<vmem_shared>>
          tpu.wait_dma2 semaphore(%run_scoped3A : memref<!tpu.dma_semaphore, #tpu.memory_space<semaphore_mem>>) src(%dma_wait3A_1357 : memref<65536xf32, #tpu.memory_space<vmem_shared>>) dst(%dma_wait3A_1356 : memref<65536xf32, #tpu.memory_space<hbm>>)
          tpu.yield
        }) : () -> ()
      } else {
      }
      %ne3A = arith.constant 42 : i32
      %ne3A_766 = arith.cmpi ne, %add3A_590, %ne3A : i32
      %convert_element_type3A_767 = arith.extui %ne3A_766 : i1 to i32
      %cond3A_768 = arith.constant 0 : i32
      %cond3A_769 = arith.cmpi ne, %convert_element_type3A_767, %cond3A_768 : i32
      scf.if %cond3A_769 {
        %mul3A_1349 = arith.constant 98304 : i32
        %mul3A_1350 = arith.muli %arg1, %mul3A_1349 : i32
        %mul3A_1351 = arith.constant 98304 : i32
        %mul3A_1352 = arith.muli %arg1, %mul3A_1351 : i32
        %add3A_1353 = arith.addi %mul3A_592, %mul3A_1352 : i32
        "tpu.region"() ({
          %run_scoped3A = tpu.sem_alloc : memref<!tpu.dma_semaphore, #tpu.memory_space<semaphore_mem>>
          %dma_start3A_1354 = tpu.memref_slice %arg5[%add3A_1353] : memref<67108864xf32, #tpu.memory_space<hbm>> -> memref<98304xf32, #tpu.memory_space<hbm>>
          %dma_start3A_1355 = tpu.memref_slice %arg11[%mul3A_1350] : memref<1572864xf32, #tpu.memory_space<vmem_shared>> -> memref<98304xf32, #tpu.memory_space<vmem_shared>>
          tpu.enqueue_dma source(%dma_start3A_1355 : memref<98304xf32, #tpu.memory_space<vmem_shared>>) target(%dma_start3A_1354 : memref<98304xf32, #tpu.memory_space<hbm>>) target_semaphore(%run_scoped3A : memref<!tpu.dma_semaphore, #tpu.memory_space<semaphore_mem>>)
          %dma_wait3A_1356 = tpu.memref_slice %arg5[%add3A_1353] : memref<67108864xf32, #tpu.memory_space<hbm>> -> memref<98304xf32, #tpu.memory_space<hbm>>
          %dma_wait3A_1357 = tpu.memref_slice %arg11[%mul3A_1350] : memref<1572864xf32, #tpu.memory_space<vmem_shared>> -> memref<98304xf32, #tpu.memory_space<vmem_shared>>
          tpu.wait_dma2 semaphore(%run_scoped3A : memref<!tpu.dma_semaphore, #tpu.memory_space<semaphore_mem>>) src(%dma_wait3A_1357 : memref<98304xf32, #tpu.memory_space<vmem_shared>>) dst(%dma_wait3A_1356 : memref<98304xf32, #tpu.memory_space<hbm>>)
          tpu.yield
        }) : () -> ()
      } else {
      }
      %barrier3A_770 = arith.constant 0 : index
      tpu.barrier barrier_id(%barrier3A_770)
      %mul3A_771 = arith.constant 98304 : i32
      %mul3A_772 = arith.muli %arg1, %mul3A_771 : i32
      %add3A_773 = arith.constant 0 : i32
      %add3A_774 = arith.addi %mul3A_772, %add3A_773 : i32
      %dma_start3A_775 = tpu.memref_slice %arg11[%add3A_774] : memref<1572864xf32, #tpu.memory_space<vmem_shared>> -> memref<2048xf32, #tpu.memory_space<vmem_shared>>
      %dma_start3A_776 = tpu.memref_slice %arg11[%add3A_774] : memref<1572864xf32, #tpu.memory_space<vmem_shared>> -> memref<2048xf32, #tpu.memory_space<vmem_shared>>
      tpu.enqueue_dma source(%arg10 : memref<2048xf32, #tpu.memory_space<vmem>>) target(%dma_start3A_776 : memref<2048xf32, #tpu.memory_space<vmem_shared>>) target_semaphore(%arg14 : memref<!tpu.dma_semaphore, #tpu.memory_space<semaphore_mem>>)
      %mul3A_777 = arith.constant 98304 : i32
      %mul3A_778 = arith.muli %arg1, %mul3A_777 : i32
      %add3A_779 = arith.constant 2048 : i32
      %add3A_780 = arith.addi %mul3A_778, %add3A_779 : i32
      %dma_start3A_781 = tpu.memref_slice %arg11[%add3A_780] : memref<1572864xf32, #tpu.memory_space<vmem_shared>> -> memref<2048xf32, #tpu.memory_space<vmem_shared>>
      %dma_start3A_782 = tpu.memref_slice %arg11[%add3A_780] : memref<1572864xf32, #tpu.memory_space<vmem_shared>> -> memref<2048xf32, #tpu.memory_space<vmem_shared>>
      tpu.enqueue_dma source(%arg10 : memref<2048xf32, #tpu.memory_space<vmem>>) target(%dma_start3A_782 : memref<2048xf32, #tpu.memory_space<vmem_shared>>) target_semaphore(%arg14 : memref<!tpu.dma_semaphore, #tpu.memory_space<semaphore_mem>>)
      %mul3A_783 = arith.constant 98304 : i32
      %mul3A_784 = arith.muli %arg1, %mul3A_783 : i32
      %add3A_785 = arith.constant 4096 : i32
      %add3A_786 = arith.addi %mul3A_784, %add3A_785 : i32
      %dma_start3A_787 = tpu.memref_slice %arg11[%add3A_786] : memref<1572864xf32, #tpu.memory_space<vmem_shared>> -> memref<2048xf32, #tpu.memory_space<vmem_shared>>
      %dma_start3A_788 = tpu.memref_slice %arg11[%add3A_786] : memref<1572864xf32, #tpu.memory_space<vmem_shared>> -> memref<2048xf32, #tpu.memory_space<vmem_shared>>
      tpu.enqueue_dma source(%arg10 : memref<2048xf32, #tpu.memory_space<vmem>>) target(%dma_start3A_788 : memref<2048xf32, #tpu.memory_space<vmem_shared>>) target_semaphore(%arg14 : memref<!tpu.dma_semaphore, #tpu.memory_space<semaphore_mem>>)
      %mul3A_789 = arith.constant 98304 : i32
      %mul3A_790 = arith.muli %arg1, %mul3A_789 : i32
      %add3A_791 = arith.constant 6144 : i32
      %add3A_792 = arith.addi %mul3A_790, %add3A_791 : i32
      %dma_start3A_793 = tpu.memref_slice %arg11[%add3A_792] : memref<1572864xf32, #tpu.memory_space<vmem_shared>> -> memref<2048xf32, #tpu.memory_space<vmem_shared>>
      %dma_start3A_794 = tpu.memref_slice %arg11[%add3A_792] : memref<1572864xf32, #tpu.memory_space<vmem_shared>> -> memref<2048xf32, #tpu.memory_space<vmem_shared>>
      tpu.enqueue_dma source(%arg10 : memref<2048xf32, #tpu.memory_space<vmem>>) target(%dma_start3A_794 : memref<2048xf32, #tpu.memory_space<vmem_shared>>) target_semaphore(%arg14 : memref<!tpu.dma_semaphore, #tpu.memory_space<semaphore_mem>>)
      %mul3A_795 = arith.constant 98304 : i32
      %mul3A_796 = arith.muli %arg1, %mul3A_795 : i32
      %add3A_797 = arith.constant 8192 : i32
      %add3A_798 = arith.addi %mul3A_796, %add3A_797 : i32
      %dma_start3A_799 = tpu.memref_slice %arg11[%add3A_798] : memref<1572864xf32, #tpu.memory_space<vmem_shared>> -> memref<2048xf32, #tpu.memory_space<vmem_shared>>
      %dma_start3A_800 = tpu.memref_slice %arg11[%add3A_798] : memref<1572864xf32, #tpu.memory_space<vmem_shared>> -> memref<2048xf32, #tpu.memory_space<vmem_shared>>
      tpu.enqueue_dma source(%arg10 : memref<2048xf32, #tpu.memory_space<vmem>>) target(%dma_start3A_800 : memref<2048xf32, #tpu.memory_space<vmem_shared>>) target_semaphore(%arg14 : memref<!tpu.dma_semaphore, #tpu.memory_space<semaphore_mem>>)
      %mul3A_801 = arith.constant 98304 : i32
      %mul3A_802 = arith.muli %arg1, %mul3A_801 : i32
      %add3A_803 = arith.constant 10240 : i32
      %add3A_804 = arith.addi %mul3A_802, %add3A_803 : i32
      %dma_start3A_805 = tpu.memref_slice %arg11[%add3A_804] : memref<1572864xf32, #tpu.memory_space<vmem_shared>> -> memref<2048xf32, #tpu.memory_space<vmem_shared>>
      %dma_start3A_806 = tpu.memref_slice %arg11[%add3A_804] : memref<1572864xf32, #tpu.memory_space<vmem_shared>> -> memref<2048xf32, #tpu.memory_space<vmem_shared>>
      tpu.enqueue_dma source(%arg10 : memref<2048xf32, #tpu.memory_space<vmem>>) target(%dma_start3A_806 : memref<2048xf32, #tpu.memory_space<vmem_shared>>) target_semaphore(%arg14 : memref<!tpu.dma_semaphore, #tpu.memory_space<semaphore_mem>>)
      %mul3A_807 = arith.constant 98304 : i32
      %mul3A_808 = arith.muli %arg1, %mul3A_807 : i32
      %add3A_809 = arith.constant 12288 : i32
      %add3A_810 = arith.addi %mul3A_808, %add3A_809 : i32
      %dma_start3A_811 = tpu.memref_slice %arg11[%add3A_810] : memref<1572864xf32, #tpu.memory_space<vmem_shared>> -> memref<2048xf32, #tpu.memory_space<vmem_shared>>
      %dma_start3A_812 = tpu.memref_slice %arg11[%add3A_810] : memref<1572864xf32, #tpu.memory_space<vmem_shared>> -> memref<2048xf32, #tpu.memory_space<vmem_shared>>
      tpu.enqueue_dma source(%arg10 : memref<2048xf32, #tpu.memory_space<vmem>>) target(%dma_start3A_812 : memref<2048xf32, #tpu.memory_space<vmem_shared>>) target_semaphore(%arg14 : memref<!tpu.dma_semaphore, #tpu.memory_space<semaphore_mem>>)
      %mul3A_813 = arith.constant 98304 : i32
      %mul3A_814 = arith.muli %arg1, %mul3A_813 : i32
      %add3A_815 = arith.constant 14336 : i32
      %add3A_816 = arith.addi %mul3A_814, %add3A_815 : i32
      %dma_start3A_817 = tpu.memref_slice %arg11[%add3A_816] : memref<1572864xf32, #tpu.memory_space<vmem_shared>> -> memref<2048xf32, #tpu.memory_space<vmem_shared>>
      %dma_start3A_818 = tpu.memref_slice %arg11[%add3A_816] : memref<1572864xf32, #tpu.memory_space<vmem_shared>> -> memref<2048xf32, #tpu.memory_space<vmem_shared>>
      tpu.enqueue_dma source(%arg10 : memref<2048xf32, #tpu.memory_space<vmem>>) target(%dma_start3A_818 : memref<2048xf32, #tpu.memory_space<vmem_shared>>) target_semaphore(%arg14 : memref<!tpu.dma_semaphore, #tpu.memory_space<semaphore_mem>>)
      %mul3A_819 = arith.constant 98304 : i32
      %mul3A_820 = arith.muli %arg1, %mul3A_819 : i32
      %add3A_821 = arith.constant 16384 : i32
      %add3A_822 = arith.addi %mul3A_820, %add3A_821 : i32
      %dma_start3A_823 = tpu.memref_slice %arg11[%add3A_822] : memref<1572864xf32, #tpu.memory_space<vmem_shared>> -> memref<2048xf32, #tpu.memory_space<vmem_shared>>
      %dma_start3A_824 = tpu.memref_slice %arg11[%add3A_822] : memref<1572864xf32, #tpu.memory_space<vmem_shared>> -> memref<2048xf32, #tpu.memory_space<vmem_shared>>
      tpu.enqueue_dma source(%arg10 : memref<2048xf32, #tpu.memory_space<vmem>>) target(%dma_start3A_824 : memref<2048xf32, #tpu.memory_space<vmem_shared>>) target_semaphore(%arg14 : memref<!tpu.dma_semaphore, #tpu.memory_space<semaphore_mem>>)
      %mul3A_825 = arith.constant 98304 : i32
      %mul3A_826 = arith.muli %arg1, %mul3A_825 : i32
      %add3A_827 = arith.constant 18432 : i32
      %add3A_828 = arith.addi %mul3A_826, %add3A_827 : i32
      %dma_start3A_829 = tpu.memref_slice %arg11[%add3A_828] : memref<1572864xf32, #tpu.memory_space<vmem_shared>> -> memref<2048xf32, #tpu.memory_space<vmem_shared>>
      %dma_start3A_830 = tpu.memref_slice %arg11[%add3A_828] : memref<1572864xf32, #tpu.memory_space<vmem_shared>> -> memref<2048xf32, #tpu.memory_space<vmem_shared>>
      tpu.enqueue_dma source(%arg10 : memref<2048xf32, #tpu.memory_space<vmem>>) target(%dma_start3A_830 : memref<2048xf32, #tpu.memory_space<vmem_shared>>) target_semaphore(%arg14 : memref<!tpu.dma_semaphore, #tpu.memory_space<semaphore_mem>>)
      %mul3A_831 = arith.constant 98304 : i32
      %mul3A_832 = arith.muli %arg1, %mul3A_831 : i32
      %add3A_833 = arith.constant 20480 : i32
      %add3A_834 = arith.addi %mul3A_832, %add3A_833 : i32
      %dma_start3A_835 = tpu.memref_slice %arg11[%add3A_834] : memref<1572864xf32, #tpu.memory_space<vmem_shared>> -> memref<2048xf32, #tpu.memory_space<vmem_shared>>
      %dma_start3A_836 = tpu.memref_slice %arg11[%add3A_834] : memref<1572864xf32, #tpu.memory_space<vmem_shared>> -> memref<2048xf32, #tpu.memory_space<vmem_shared>>
      tpu.enqueue_dma source(%arg10 : memref<2048xf32, #tpu.memory_space<vmem>>) target(%dma_start3A_836 : memref<2048xf32, #tpu.memory_space<vmem_shared>>) target_semaphore(%arg14 : memref<!tpu.dma_semaphore, #tpu.memory_space<semaphore_mem>>)
      %mul3A_837 = arith.constant 98304 : i32
      %mul3A_838 = arith.muli %arg1, %mul3A_837 : i32
      %add3A_839 = arith.constant 22528 : i32
      %add3A_840 = arith.addi %mul3A_838, %add3A_839 : i32
      %dma_start3A_841 = tpu.memref_slice %arg11[%add3A_840] : memref<1572864xf32, #tpu.memory_space<vmem_shared>> -> memref<2048xf32, #tpu.memory_space<vmem_shared>>
      %dma_start3A_842 = tpu.memref_slice %arg11[%add3A_840] : memref<1572864xf32, #tpu.memory_space<vmem_shared>> -> memref<2048xf32, #tpu.memory_space<vmem_shared>>
      tpu.enqueue_dma source(%arg10 : memref<2048xf32, #tpu.memory_space<vmem>>) target(%dma_start3A_842 : memref<2048xf32, #tpu.memory_space<vmem_shared>>) target_semaphore(%arg14 : memref<!tpu.dma_semaphore, #tpu.memory_space<semaphore_mem>>)
      %mul3A_843 = arith.constant 98304 : i32
      %mul3A_844 = arith.muli %arg1, %mul3A_843 : i32
      %add3A_845 = arith.constant 24576 : i32
      %add3A_846 = arith.addi %mul3A_844, %add3A_845 : i32
      %dma_start3A_847 = tpu.memref_slice %arg11[%add3A_846] : memref<1572864xf32, #tpu.memory_space<vmem_shared>> -> memref<2048xf32, #tpu.memory_space<vmem_shared>>
      %dma_start3A_848 = tpu.memref_slice %arg11[%add3A_846] : memref<1572864xf32, #tpu.memory_space<vmem_shared>> -> memref<2048xf32, #tpu.memory_space<vmem_shared>>
      tpu.enqueue_dma source(%arg10 : memref<2048xf32, #tpu.memory_space<vmem>>) target(%dma_start3A_848 : memref<2048xf32, #tpu.memory_space<vmem_shared>>) target_semaphore(%arg14 : memref<!tpu.dma_semaphore, #tpu.memory_space<semaphore_mem>>)
      %mul3A_849 = arith.constant 98304 : i32
      %mul3A_850 = arith.muli %arg1, %mul3A_849 : i32
      %add3A_851 = arith.constant 26624 : i32
      %add3A_852 = arith.addi %mul3A_850, %add3A_851 : i32
      %dma_start3A_853 = tpu.memref_slice %arg11[%add3A_852] : memref<1572864xf32, #tpu.memory_space<vmem_shared>> -> memref<2048xf32, #tpu.memory_space<vmem_shared>>
      %dma_start3A_854 = tpu.memref_slice %arg11[%add3A_852] : memref<1572864xf32, #tpu.memory_space<vmem_shared>> -> memref<2048xf32, #tpu.memory_space<vmem_shared>>
      tpu.enqueue_dma source(%arg10 : memref<2048xf32, #tpu.memory_space<vmem>>) target(%dma_start3A_854 : memref<2048xf32, #tpu.memory_space<vmem_shared>>) target_semaphore(%arg14 : memref<!tpu.dma_semaphore, #tpu.memory_space<semaphore_mem>>)
      %mul3A_855 = arith.constant 98304 : i32
      %mul3A_856 = arith.muli %arg1, %mul3A_855 : i32
      %add3A_857 = arith.constant 28672 : i32
      %add3A_858 = arith.addi %mul3A_856, %add3A_857 : i32
      %dma_start3A_859 = tpu.memref_slice %arg11[%add3A_858] : memref<1572864xf32, #tpu.memory_space<vmem_shared>> -> memref<2048xf32, #tpu.memory_space<vmem_shared>>
      %dma_start3A_860 = tpu.memref_slice %arg11[%add3A_858] : memref<1572864xf32, #tpu.memory_space<vmem_shared>> -> memref<2048xf32, #tpu.memory_space<vmem_shared>>
      tpu.enqueue_dma source(%arg10 : memref<2048xf32, #tpu.memory_space<vmem>>) target(%dma_start3A_860 : memref<2048xf32, #tpu.memory_space<vmem_shared>>) target_semaphore(%arg14 : memref<!tpu.dma_semaphore, #tpu.memory_space<semaphore_mem>>)
      %mul3A_861 = arith.constant 98304 : i32
      %mul3A_862 = arith.muli %arg1, %mul3A_861 : i32
      %add3A_863 = arith.constant 30720 : i32
      %add3A_864 = arith.addi %mul3A_862, %add3A_863 : i32
      %dma_start3A_865 = tpu.memref_slice %arg11[%add3A_864] : memref<1572864xf32, #tpu.memory_space<vmem_shared>> -> memref<2048xf32, #tpu.memory_space<vmem_shared>>
      %dma_start3A_866 = tpu.memref_slice %arg11[%add3A_864] : memref<1572864xf32, #tpu.memory_space<vmem_shared>> -> memref<2048xf32, #tpu.memory_space<vmem_shared>>
      tpu.enqueue_dma source(%arg10 : memref<2048xf32, #tpu.memory_space<vmem>>) target(%dma_start3A_866 : memref<2048xf32, #tpu.memory_space<vmem_shared>>) target_semaphore(%arg14 : memref<!tpu.dma_semaphore, #tpu.memory_space<semaphore_mem>>)
      %mul3A_867 = arith.constant 98304 : i32
      %mul3A_868 = arith.muli %arg1, %mul3A_867 : i32
      %add3A_869 = arith.constant 32768 : i32
      %add3A_870 = arith.addi %mul3A_868, %add3A_869 : i32
      %dma_start3A_871 = tpu.memref_slice %arg11[%add3A_870] : memref<1572864xf32, #tpu.memory_space<vmem_shared>> -> memref<2048xf32, #tpu.memory_space<vmem_shared>>
      %dma_start3A_872 = tpu.memref_slice %arg11[%add3A_870] : memref<1572864xf32, #tpu.memory_space<vmem_shared>> -> memref<2048xf32, #tpu.memory_space<vmem_shared>>
      tpu.enqueue_dma source(%arg10 : memref<2048xf32, #tpu.memory_space<vmem>>) target(%dma_start3A_872 : memref<2048xf32, #tpu.memory_space<vmem_shared>>) target_semaphore(%arg14 : memref<!tpu.dma_semaphore, #tpu.memory_space<semaphore_mem>>)
      %mul3A_873 = arith.constant 98304 : i32
      %mul3A_874 = arith.muli %arg1, %mul3A_873 : i32
      %add3A_875 = arith.constant 34816 : i32
      %add3A_876 = arith.addi %mul3A_874, %add3A_875 : i32
      %dma_start3A_877 = tpu.memref_slice %arg11[%add3A_876] : memref<1572864xf32, #tpu.memory_space<vmem_shared>> -> memref<2048xf32, #tpu.memory_space<vmem_shared>>
      %dma_start3A_878 = tpu.memref_slice %arg11[%add3A_876] : memref<1572864xf32, #tpu.memory_space<vmem_shared>> -> memref<2048xf32, #tpu.memory_space<vmem_shared>>
      tpu.enqueue_dma source(%arg10 : memref<2048xf32, #tpu.memory_space<vmem>>) target(%dma_start3A_878 : memref<2048xf32, #tpu.memory_space<vmem_shared>>) target_semaphore(%arg14 : memref<!tpu.dma_semaphore, #tpu.memory_space<semaphore_mem>>)
      %mul3A_879 = arith.constant 98304 : i32
      %mul3A_880 = arith.muli %arg1, %mul3A_879 : i32
      %add3A_881 = arith.constant 36864 : i32
      %add3A_882 = arith.addi %mul3A_880, %add3A_881 : i32
      %dma_start3A_883 = tpu.memref_slice %arg11[%add3A_882] : memref<1572864xf32, #tpu.memory_space<vmem_shared>> -> memref<2048xf32, #tpu.memory_space<vmem_shared>>
      %dma_start3A_884 = tpu.memref_slice %arg11[%add3A_882] : memref<1572864xf32, #tpu.memory_space<vmem_shared>> -> memref<2048xf32, #tpu.memory_space<vmem_shared>>
      tpu.enqueue_dma source(%arg10 : memref<2048xf32, #tpu.memory_space<vmem>>) target(%dma_start3A_884 : memref<2048xf32, #tpu.memory_space<vmem_shared>>) target_semaphore(%arg14 : memref<!tpu.dma_semaphore, #tpu.memory_space<semaphore_mem>>)
      %mul3A_885 = arith.constant 98304 : i32
      %mul3A_886 = arith.muli %arg1, %mul3A_885 : i32
      %add3A_887 = arith.constant 38912 : i32
      %add3A_888 = arith.addi %mul3A_886, %add3A_887 : i32
      %dma_start3A_889 = tpu.memref_slice %arg11[%add3A_888] : memref<1572864xf32, #tpu.memory_space<vmem_shared>> -> memref<2048xf32, #tpu.memory_space<vmem_shared>>
      %dma_start3A_890 = tpu.memref_slice %arg11[%add3A_888] : memref<1572864xf32, #tpu.memory_space<vmem_shared>> -> memref<2048xf32, #tpu.memory_space<vmem_shared>>
      tpu.enqueue_dma source(%arg10 : memref<2048xf32, #tpu.memory_space<vmem>>) target(%dma_start3A_890 : memref<2048xf32, #tpu.memory_space<vmem_shared>>) target_semaphore(%arg14 : memref<!tpu.dma_semaphore, #tpu.memory_space<semaphore_mem>>)
      %mul3A_891 = arith.constant 98304 : i32
      %mul3A_892 = arith.muli %arg1, %mul3A_891 : i32
      %add3A_893 = arith.constant 40960 : i32
      %add3A_894 = arith.addi %mul3A_892, %add3A_893 : i32
      %dma_start3A_895 = tpu.memref_slice %arg11[%add3A_894] : memref<1572864xf32, #tpu.memory_space<vmem_shared>> -> memref<2048xf32, #tpu.memory_space<vmem_shared>>
      %dma_start3A_896 = tpu.memref_slice %arg11[%add3A_894] : memref<1572864xf32, #tpu.memory_space<vmem_shared>> -> memref<2048xf32, #tpu.memory_space<vmem_shared>>
      tpu.enqueue_dma source(%arg10 : memref<2048xf32, #tpu.memory_space<vmem>>) target(%dma_start3A_896 : memref<2048xf32, #tpu.memory_space<vmem_shared>>) target_semaphore(%arg14 : memref<!tpu.dma_semaphore, #tpu.memory_space<semaphore_mem>>)
      %mul3A_897 = arith.constant 98304 : i32
      %mul3A_898 = arith.muli %arg1, %mul3A_897 : i32
      %add3A_899 = arith.constant 43008 : i32
      %add3A_900 = arith.addi %mul3A_898, %add3A_899 : i32
      %dma_start3A_901 = tpu.memref_slice %arg11[%add3A_900] : memref<1572864xf32, #tpu.memory_space<vmem_shared>> -> memref<2048xf32, #tpu.memory_space<vmem_shared>>
      %dma_start3A_902 = tpu.memref_slice %arg11[%add3A_900] : memref<1572864xf32, #tpu.memory_space<vmem_shared>> -> memref<2048xf32, #tpu.memory_space<vmem_shared>>
      tpu.enqueue_dma source(%arg10 : memref<2048xf32, #tpu.memory_space<vmem>>) target(%dma_start3A_902 : memref<2048xf32, #tpu.memory_space<vmem_shared>>) target_semaphore(%arg14 : memref<!tpu.dma_semaphore, #tpu.memory_space<semaphore_mem>>)
      %mul3A_903 = arith.constant 98304 : i32
      %mul3A_904 = arith.muli %arg1, %mul3A_903 : i32
      %add3A_905 = arith.constant 45056 : i32
      %add3A_906 = arith.addi %mul3A_904, %add3A_905 : i32
      %dma_start3A_907 = tpu.memref_slice %arg11[%add3A_906] : memref<1572864xf32, #tpu.memory_space<vmem_shared>> -> memref<2048xf32, #tpu.memory_space<vmem_shared>>
      %dma_start3A_908 = tpu.memref_slice %arg11[%add3A_906] : memref<1572864xf32, #tpu.memory_space<vmem_shared>> -> memref<2048xf32, #tpu.memory_space<vmem_shared>>
      tpu.enqueue_dma source(%arg10 : memref<2048xf32, #tpu.memory_space<vmem>>) target(%dma_start3A_908 : memref<2048xf32, #tpu.memory_space<vmem_shared>>) target_semaphore(%arg14 : memref<!tpu.dma_semaphore, #tpu.memory_space<semaphore_mem>>)
      %mul3A_909 = arith.constant 98304 : i32
      %mul3A_910 = arith.muli %arg1, %mul3A_909 : i32
      %add3A_911 = arith.constant 47104 : i32
      %add3A_912 = arith.addi %mul3A_910, %add3A_911 : i32
      %dma_start3A_913 = tpu.memref_slice %arg11[%add3A_912] : memref<1572864xf32, #tpu.memory_space<vmem_shared>> -> memref<2048xf32, #tpu.memory_space<vmem_shared>>
      %dma_start3A_914 = tpu.memref_slice %arg11[%add3A_912] : memref<1572864xf32, #tpu.memory_space<vmem_shared>> -> memref<2048xf32, #tpu.memory_space<vmem_shared>>
      tpu.enqueue_dma source(%arg10 : memref<2048xf32, #tpu.memory_space<vmem>>) target(%dma_start3A_914 : memref<2048xf32, #tpu.memory_space<vmem_shared>>) target_semaphore(%arg14 : memref<!tpu.dma_semaphore, #tpu.memory_space<semaphore_mem>>)
      %mul3A_915 = arith.constant 98304 : i32
      %mul3A_916 = arith.muli %arg1, %mul3A_915 : i32
      %add3A_917 = arith.constant 49152 : i32
      %add3A_918 = arith.addi %mul3A_916, %add3A_917 : i32
      %dma_start3A_919 = tpu.memref_slice %arg11[%add3A_918] : memref<1572864xf32, #tpu.memory_space<vmem_shared>> -> memref<2048xf32, #tpu.memory_space<vmem_shared>>
      %dma_start3A_920 = tpu.memref_slice %arg11[%add3A_918] : memref<1572864xf32, #tpu.memory_space<vmem_shared>> -> memref<2048xf32, #tpu.memory_space<vmem_shared>>
      tpu.enqueue_dma source(%arg10 : memref<2048xf32, #tpu.memory_space<vmem>>) target(%dma_start3A_920 : memref<2048xf32, #tpu.memory_space<vmem_shared>>) target_semaphore(%arg14 : memref<!tpu.dma_semaphore, #tpu.memory_space<semaphore_mem>>)
      %mul3A_921 = arith.constant 98304 : i32
      %mul3A_922 = arith.muli %arg1, %mul3A_921 : i32
      %add3A_923 = arith.constant 51200 : i32
      %add3A_924 = arith.addi %mul3A_922, %add3A_923 : i32
      %dma_start3A_925 = tpu.memref_slice %arg11[%add3A_924] : memref<1572864xf32, #tpu.memory_space<vmem_shared>> -> memref<2048xf32, #tpu.memory_space<vmem_shared>>
      %dma_start3A_926 = tpu.memref_slice %arg11[%add3A_924] : memref<1572864xf32, #tpu.memory_space<vmem_shared>> -> memref<2048xf32, #tpu.memory_space<vmem_shared>>
      tpu.enqueue_dma source(%arg10 : memref<2048xf32, #tpu.memory_space<vmem>>) target(%dma_start3A_926 : memref<2048xf32, #tpu.memory_space<vmem_shared>>) target_semaphore(%arg14 : memref<!tpu.dma_semaphore, #tpu.memory_space<semaphore_mem>>)
      %mul3A_927 = arith.constant 98304 : i32
      %mul3A_928 = arith.muli %arg1, %mul3A_927 : i32
      %add3A_929 = arith.constant 53248 : i32
      %add3A_930 = arith.addi %mul3A_928, %add3A_929 : i32
      %dma_start3A_931 = tpu.memref_slice %arg11[%add3A_930] : memref<1572864xf32, #tpu.memory_space<vmem_shared>> -> memref<2048xf32, #tpu.memory_space<vmem_shared>>
      %dma_start3A_932 = tpu.memref_slice %arg11[%add3A_930] : memref<1572864xf32, #tpu.memory_space<vmem_shared>> -> memref<2048xf32, #tpu.memory_space<vmem_shared>>
      tpu.enqueue_dma source(%arg10 : memref<2048xf32, #tpu.memory_space<vmem>>) target(%dma_start3A_932 : memref<2048xf32, #tpu.memory_space<vmem_shared>>) target_semaphore(%arg14 : memref<!tpu.dma_semaphore, #tpu.memory_space<semaphore_mem>>)
      %mul3A_933 = arith.constant 98304 : i32
      %mul3A_934 = arith.muli %arg1, %mul3A_933 : i32
      %add3A_935 = arith.constant 55296 : i32
      %add3A_936 = arith.addi %mul3A_934, %add3A_935 : i32
      %dma_start3A_937 = tpu.memref_slice %arg11[%add3A_936] : memref<1572864xf32, #tpu.memory_space<vmem_shared>> -> memref<2048xf32, #tpu.memory_space<vmem_shared>>
      %dma_start3A_938 = tpu.memref_slice %arg11[%add3A_936] : memref<1572864xf32, #tpu.memory_space<vmem_shared>> -> memref<2048xf32, #tpu.memory_space<vmem_shared>>
      tpu.enqueue_dma source(%arg10 : memref<2048xf32, #tpu.memory_space<vmem>>) target(%dma_start3A_938 : memref<2048xf32, #tpu.memory_space<vmem_shared>>) target_semaphore(%arg14 : memref<!tpu.dma_semaphore, #tpu.memory_space<semaphore_mem>>)
      %mul3A_939 = arith.constant 98304 : i32
      %mul3A_940 = arith.muli %arg1, %mul3A_939 : i32
      %add3A_941 = arith.constant 57344 : i32
      %add3A_942 = arith.addi %mul3A_940, %add3A_941 : i32
      %dma_start3A_943 = tpu.memref_slice %arg11[%add3A_942] : memref<1572864xf32, #tpu.memory_space<vmem_shared>> -> memref<2048xf32, #tpu.memory_space<vmem_shared>>
      %dma_start3A_944 = tpu.memref_slice %arg11[%add3A_942] : memref<1572864xf32, #tpu.memory_space<vmem_shared>> -> memref<2048xf32, #tpu.memory_space<vmem_shared>>
      tpu.enqueue_dma source(%arg10 : memref<2048xf32, #tpu.memory_space<vmem>>) target(%dma_start3A_944 : memref<2048xf32, #tpu.memory_space<vmem_shared>>) target_semaphore(%arg14 : memref<!tpu.dma_semaphore, #tpu.memory_space<semaphore_mem>>)
      %mul3A_945 = arith.constant 98304 : i32
      %mul3A_946 = arith.muli %arg1, %mul3A_945 : i32
      %add3A_947 = arith.constant 59392 : i32
      %add3A_948 = arith.addi %mul3A_946, %add3A_947 : i32
      %dma_start3A_949 = tpu.memref_slice %arg11[%add3A_948] : memref<1572864xf32, #tpu.memory_space<vmem_shared>> -> memref<2048xf32, #tpu.memory_space<vmem_shared>>
      %dma_start3A_950 = tpu.memref_slice %arg11[%add3A_948] : memref<1572864xf32, #tpu.memory_space<vmem_shared>> -> memref<2048xf32, #tpu.memory_space<vmem_shared>>
      tpu.enqueue_dma source(%arg10 : memref<2048xf32, #tpu.memory_space<vmem>>) target(%dma_start3A_950 : memref<2048xf32, #tpu.memory_space<vmem_shared>>) target_semaphore(%arg14 : memref<!tpu.dma_semaphore, #tpu.memory_space<semaphore_mem>>)
      %mul3A_951 = arith.constant 98304 : i32
      %mul3A_952 = arith.muli %arg1, %mul3A_951 : i32
      %add3A_953 = arith.constant 61440 : i32
      %add3A_954 = arith.addi %mul3A_952, %add3A_953 : i32
      %dma_start3A_955 = tpu.memref_slice %arg11[%add3A_954] : memref<1572864xf32, #tpu.memory_space<vmem_shared>> -> memref<2048xf32, #tpu.memory_space<vmem_shared>>
      %dma_start3A_956 = tpu.memref_slice %arg11[%add3A_954] : memref<1572864xf32, #tpu.memory_space<vmem_shared>> -> memref<2048xf32, #tpu.memory_space<vmem_shared>>
      tpu.enqueue_dma source(%arg10 : memref<2048xf32, #tpu.memory_space<vmem>>) target(%dma_start3A_956 : memref<2048xf32, #tpu.memory_space<vmem_shared>>) target_semaphore(%arg14 : memref<!tpu.dma_semaphore, #tpu.memory_space<semaphore_mem>>)
      %mul3A_957 = arith.constant 98304 : i32
      %mul3A_958 = arith.muli %arg1, %mul3A_957 : i32
      %add3A_959 = arith.constant 63488 : i32
      %add3A_960 = arith.addi %mul3A_958, %add3A_959 : i32
      %dma_start3A_961 = tpu.memref_slice %arg11[%add3A_960] : memref<1572864xf32, #tpu.memory_space<vmem_shared>> -> memref<2048xf32, #tpu.memory_space<vmem_shared>>
      %dma_start3A_962 = tpu.memref_slice %arg11[%add3A_960] : memref<1572864xf32, #tpu.memory_space<vmem_shared>> -> memref<2048xf32, #tpu.memory_space<vmem_shared>>
      tpu.enqueue_dma source(%arg10 : memref<2048xf32, #tpu.memory_space<vmem>>) target(%dma_start3A_962 : memref<2048xf32, #tpu.memory_space<vmem_shared>>) target_semaphore(%arg14 : memref<!tpu.dma_semaphore, #tpu.memory_space<semaphore_mem>>)
      %mul3A_963 = arith.constant 98304 : i32
      %mul3A_964 = arith.muli %arg1, %mul3A_963 : i32
      %add3A_965 = arith.constant 65536 : i32
      %add3A_966 = arith.addi %mul3A_964, %add3A_965 : i32
      %dma_start3A_967 = tpu.memref_slice %arg11[%add3A_966] : memref<1572864xf32, #tpu.memory_space<vmem_shared>> -> memref<2048xf32, #tpu.memory_space<vmem_shared>>
      %dma_start3A_968 = tpu.memref_slice %arg11[%add3A_966] : memref<1572864xf32, #tpu.memory_space<vmem_shared>> -> memref<2048xf32, #tpu.memory_space<vmem_shared>>
      tpu.enqueue_dma source(%arg10 : memref<2048xf32, #tpu.memory_space<vmem>>) target(%dma_start3A_968 : memref<2048xf32, #tpu.memory_space<vmem_shared>>) target_semaphore(%arg14 : memref<!tpu.dma_semaphore, #tpu.memory_space<semaphore_mem>>)
      %mul3A_969 = arith.constant 98304 : i32
      %mul3A_970 = arith.muli %arg1, %mul3A_969 : i32
      %add3A_971 = arith.constant 67584 : i32
      %add3A_972 = arith.addi %mul3A_970, %add3A_971 : i32
      %dma_start3A_973 = tpu.memref_slice %arg11[%add3A_972] : memref<1572864xf32, #tpu.memory_space<vmem_shared>> -> memref<2048xf32, #tpu.memory_space<vmem_shared>>
      %dma_start3A_974 = tpu.memref_slice %arg11[%add3A_972] : memref<1572864xf32, #tpu.memory_space<vmem_shared>> -> memref<2048xf32, #tpu.memory_space<vmem_shared>>
      tpu.enqueue_dma source(%arg10 : memref<2048xf32, #tpu.memory_space<vmem>>) target(%dma_start3A_974 : memref<2048xf32, #tpu.memory_space<vmem_shared>>) target_semaphore(%arg14 : memref<!tpu.dma_semaphore, #tpu.memory_space<semaphore_mem>>)
      %mul3A_975 = arith.constant 98304 : i32
      %mul3A_976 = arith.muli %arg1, %mul3A_975 : i32
      %add3A_977 = arith.constant 69632 : i32
      %add3A_978 = arith.addi %mul3A_976, %add3A_977 : i32
      %dma_start3A_979 = tpu.memref_slice %arg11[%add3A_978] : memref<1572864xf32, #tpu.memory_space<vmem_shared>> -> memref<2048xf32, #tpu.memory_space<vmem_shared>>
      %dma_start3A_980 = tpu.memref_slice %arg11[%add3A_978] : memref<1572864xf32, #tpu.memory_space<vmem_shared>> -> memref<2048xf32, #tpu.memory_space<vmem_shared>>
      tpu.enqueue_dma source(%arg10 : memref<2048xf32, #tpu.memory_space<vmem>>) target(%dma_start3A_980 : memref<2048xf32, #tpu.memory_space<vmem_shared>>) target_semaphore(%arg14 : memref<!tpu.dma_semaphore, #tpu.memory_space<semaphore_mem>>)
      %mul3A_981 = arith.constant 98304 : i32
      %mul3A_982 = arith.muli %arg1, %mul3A_981 : i32
      %add3A_983 = arith.constant 71680 : i32
      %add3A_984 = arith.addi %mul3A_982, %add3A_983 : i32
      %dma_start3A_985 = tpu.memref_slice %arg11[%add3A_984] : memref<1572864xf32, #tpu.memory_space<vmem_shared>> -> memref<2048xf32, #tpu.memory_space<vmem_shared>>
      %dma_start3A_986 = tpu.memref_slice %arg11[%add3A_984] : memref<1572864xf32, #tpu.memory_space<vmem_shared>> -> memref<2048xf32, #tpu.memory_space<vmem_shared>>
      tpu.enqueue_dma source(%arg10 : memref<2048xf32, #tpu.memory_space<vmem>>) target(%dma_start3A_986 : memref<2048xf32, #tpu.memory_space<vmem_shared>>) target_semaphore(%arg14 : memref<!tpu.dma_semaphore, #tpu.memory_space<semaphore_mem>>)
      %mul3A_987 = arith.constant 98304 : i32
      %mul3A_988 = arith.muli %arg1, %mul3A_987 : i32
      %add3A_989 = arith.constant 73728 : i32
      %add3A_990 = arith.addi %mul3A_988, %add3A_989 : i32
      %dma_start3A_991 = tpu.memref_slice %arg11[%add3A_990] : memref<1572864xf32, #tpu.memory_space<vmem_shared>> -> memref<2048xf32, #tpu.memory_space<vmem_shared>>
      %dma_start3A_992 = tpu.memref_slice %arg11[%add3A_990] : memref<1572864xf32, #tpu.memory_space<vmem_shared>> -> memref<2048xf32, #tpu.memory_space<vmem_shared>>
      tpu.enqueue_dma source(%arg10 : memref<2048xf32, #tpu.memory_space<vmem>>) target(%dma_start3A_992 : memref<2048xf32, #tpu.memory_space<vmem_shared>>) target_semaphore(%arg14 : memref<!tpu.dma_semaphore, #tpu.memory_space<semaphore_mem>>)
      %mul3A_993 = arith.constant 98304 : i32
      %mul3A_994 = arith.muli %arg1, %mul3A_993 : i32
      %add3A_995 = arith.constant 75776 : i32
      %add3A_996 = arith.addi %mul3A_994, %add3A_995 : i32
      %dma_start3A_997 = tpu.memref_slice %arg11[%add3A_996] : memref<1572864xf32, #tpu.memory_space<vmem_shared>> -> memref<2048xf32, #tpu.memory_space<vmem_shared>>
      %dma_start3A_998 = tpu.memref_slice %arg11[%add3A_996] : memref<1572864xf32, #tpu.memory_space<vmem_shared>> -> memref<2048xf32, #tpu.memory_space<vmem_shared>>
      tpu.enqueue_dma source(%arg10 : memref<2048xf32, #tpu.memory_space<vmem>>) target(%dma_start3A_998 : memref<2048xf32, #tpu.memory_space<vmem_shared>>) target_semaphore(%arg14 : memref<!tpu.dma_semaphore, #tpu.memory_space<semaphore_mem>>)
      %mul3A_999 = arith.constant 98304 : i32
      %mul3A_1000 = arith.muli %arg1, %mul3A_999 : i32
      %add3A_1001 = arith.constant 77824 : i32
      %add3A_1002 = arith.addi %mul3A_1000, %add3A_1001 : i32
      %dma_start3A_1003 = tpu.memref_slice %arg11[%add3A_1002] : memref<1572864xf32, #tpu.memory_space<vmem_shared>> -> memref<2048xf32, #tpu.memory_space<vmem_shared>>
      %dma_start3A_1004 = tpu.memref_slice %arg11[%add3A_1002] : memref<1572864xf32, #tpu.memory_space<vmem_shared>> -> memref<2048xf32, #tpu.memory_space<vmem_shared>>
      tpu.enqueue_dma source(%arg10 : memref<2048xf32, #tpu.memory_space<vmem>>) target(%dma_start3A_1004 : memref<2048xf32, #tpu.memory_space<vmem_shared>>) target_semaphore(%arg14 : memref<!tpu.dma_semaphore, #tpu.memory_space<semaphore_mem>>)
      %mul3A_1005 = arith.constant 98304 : i32
      %mul3A_1006 = arith.muli %arg1, %mul3A_1005 : i32
      %add3A_1007 = arith.constant 79872 : i32
      %add3A_1008 = arith.addi %mul3A_1006, %add3A_1007 : i32
      %dma_start3A_1009 = tpu.memref_slice %arg11[%add3A_1008] : memref<1572864xf32, #tpu.memory_space<vmem_shared>> -> memref<2048xf32, #tpu.memory_space<vmem_shared>>
      %dma_start3A_1010 = tpu.memref_slice %arg11[%add3A_1008] : memref<1572864xf32, #tpu.memory_space<vmem_shared>> -> memref<2048xf32, #tpu.memory_space<vmem_shared>>
      tpu.enqueue_dma source(%arg10 : memref<2048xf32, #tpu.memory_space<vmem>>) target(%dma_start3A_1010 : memref<2048xf32, #tpu.memory_space<vmem_shared>>) target_semaphore(%arg14 : memref<!tpu.dma_semaphore, #tpu.memory_space<semaphore_mem>>)
      %mul3A_1011 = arith.constant 98304 : i32
      %mul3A_1012 = arith.muli %arg1, %mul3A_1011 : i32
      %add3A_1013 = arith.constant 81920 : i32
      %add3A_1014 = arith.addi %mul3A_1012, %add3A_1013 : i32
      %dma_start3A_1015 = tpu.memref_slice %arg11[%add3A_1014] : memref<1572864xf32, #tpu.memory_space<vmem_shared>> -> memref<2048xf32, #tpu.memory_space<vmem_shared>>
      %dma_start3A_1016 = tpu.memref_slice %arg11[%add3A_1014] : memref<1572864xf32, #tpu.memory_space<vmem_shared>> -> memref<2048xf32, #tpu.memory_space<vmem_shared>>
      tpu.enqueue_dma source(%arg10 : memref<2048xf32, #tpu.memory_space<vmem>>) target(%dma_start3A_1016 : memref<2048xf32, #tpu.memory_space<vmem_shared>>) target_semaphore(%arg14 : memref<!tpu.dma_semaphore, #tpu.memory_space<semaphore_mem>>)
      %mul3A_1017 = arith.constant 98304 : i32
      %mul3A_1018 = arith.muli %arg1, %mul3A_1017 : i32
      %add3A_1019 = arith.constant 83968 : i32
      %add3A_1020 = arith.addi %mul3A_1018, %add3A_1019 : i32
      %dma_start3A_1021 = tpu.memref_slice %arg11[%add3A_1020] : memref<1572864xf32, #tpu.memory_space<vmem_shared>> -> memref<2048xf32, #tpu.memory_space<vmem_shared>>
      %dma_start3A_1022 = tpu.memref_slice %arg11[%add3A_1020] : memref<1572864xf32, #tpu.memory_space<vmem_shared>> -> memref<2048xf32, #tpu.memory_space<vmem_shared>>
      tpu.enqueue_dma source(%arg10 : memref<2048xf32, #tpu.memory_space<vmem>>) target(%dma_start3A_1022 : memref<2048xf32, #tpu.memory_space<vmem_shared>>) target_semaphore(%arg14 : memref<!tpu.dma_semaphore, #tpu.memory_space<semaphore_mem>>)
      %mul3A_1023 = arith.constant 98304 : i32
      %mul3A_1024 = arith.muli %arg1, %mul3A_1023 : i32
      %add3A_1025 = arith.constant 86016 : i32
      %add3A_1026 = arith.addi %mul3A_1024, %add3A_1025 : i32
      %dma_start3A_1027 = tpu.memref_slice %arg11[%add3A_1026] : memref<1572864xf32, #tpu.memory_space<vmem_shared>> -> memref<2048xf32, #tpu.memory_space<vmem_shared>>
      %dma_start3A_1028 = tpu.memref_slice %arg11[%add3A_1026] : memref<1572864xf32, #tpu.memory_space<vmem_shared>> -> memref<2048xf32, #tpu.memory_space<vmem_shared>>
      tpu.enqueue_dma source(%arg10 : memref<2048xf32, #tpu.memory_space<vmem>>) target(%dma_start3A_1028 : memref<2048xf32, #tpu.memory_space<vmem_shared>>) target_semaphore(%arg14 : memref<!tpu.dma_semaphore, #tpu.memory_space<semaphore_mem>>)
      %mul3A_1029 = arith.constant 98304 : i32
      %mul3A_1030 = arith.muli %arg1, %mul3A_1029 : i32
      %add3A_1031 = arith.constant 88064 : i32
      %add3A_1032 = arith.addi %mul3A_1030, %add3A_1031 : i32
      %dma_start3A_1033 = tpu.memref_slice %arg11[%add3A_1032] : memref<1572864xf32, #tpu.memory_space<vmem_shared>> -> memref<2048xf32, #tpu.memory_space<vmem_shared>>
      %dma_start3A_1034 = tpu.memref_slice %arg11[%add3A_1032] : memref<1572864xf32, #tpu.memory_space<vmem_shared>> -> memref<2048xf32, #tpu.memory_space<vmem_shared>>
      tpu.enqueue_dma source(%arg10 : memref<2048xf32, #tpu.memory_space<vmem>>) target(%dma_start3A_1034 : memref<2048xf32, #tpu.memory_space<vmem_shared>>) target_semaphore(%arg14 : memref<!tpu.dma_semaphore, #tpu.memory_space<semaphore_mem>>)
      %mul3A_1035 = arith.constant 98304 : i32
      %mul3A_1036 = arith.muli %arg1, %mul3A_1035 : i32
      %add3A_1037 = arith.constant 90112 : i32
      %add3A_1038 = arith.addi %mul3A_1036, %add3A_1037 : i32
      %dma_start3A_1039 = tpu.memref_slice %arg11[%add3A_1038] : memref<1572864xf32, #tpu.memory_space<vmem_shared>> -> memref<2048xf32, #tpu.memory_space<vmem_shared>>
      %dma_start3A_1040 = tpu.memref_slice %arg11[%add3A_1038] : memref<1572864xf32, #tpu.memory_space<vmem_shared>> -> memref<2048xf32, #tpu.memory_space<vmem_shared>>
      tpu.enqueue_dma source(%arg10 : memref<2048xf32, #tpu.memory_space<vmem>>) target(%dma_start3A_1040 : memref<2048xf32, #tpu.memory_space<vmem_shared>>) target_semaphore(%arg14 : memref<!tpu.dma_semaphore, #tpu.memory_space<semaphore_mem>>)
      %mul3A_1041 = arith.constant 98304 : i32
      %mul3A_1042 = arith.muli %arg1, %mul3A_1041 : i32
      %add3A_1043 = arith.constant 92160 : i32
      %add3A_1044 = arith.addi %mul3A_1042, %add3A_1043 : i32
      %dma_start3A_1045 = tpu.memref_slice %arg11[%add3A_1044] : memref<1572864xf32, #tpu.memory_space<vmem_shared>> -> memref<2048xf32, #tpu.memory_space<vmem_shared>>
      %dma_start3A_1046 = tpu.memref_slice %arg11[%add3A_1044] : memref<1572864xf32, #tpu.memory_space<vmem_shared>> -> memref<2048xf32, #tpu.memory_space<vmem_shared>>
      tpu.enqueue_dma source(%arg10 : memref<2048xf32, #tpu.memory_space<vmem>>) target(%dma_start3A_1046 : memref<2048xf32, #tpu.memory_space<vmem_shared>>) target_semaphore(%arg14 : memref<!tpu.dma_semaphore, #tpu.memory_space<semaphore_mem>>)
      %mul3A_1047 = arith.constant 98304 : i32
      %mul3A_1048 = arith.muli %arg1, %mul3A_1047 : i32
      %add3A_1049 = arith.constant 94208 : i32
      %add3A_1050 = arith.addi %mul3A_1048, %add3A_1049 : i32
      %dma_start3A_1051 = tpu.memref_slice %arg11[%add3A_1050] : memref<1572864xf32, #tpu.memory_space<vmem_shared>> -> memref<2048xf32, #tpu.memory_space<vmem_shared>>
      %dma_start3A_1052 = tpu.memref_slice %arg11[%add3A_1050] : memref<1572864xf32, #tpu.memory_space<vmem_shared>> -> memref<2048xf32, #tpu.memory_space<vmem_shared>>
      tpu.enqueue_dma source(%arg10 : memref<2048xf32, #tpu.memory_space<vmem>>) target(%dma_start3A_1052 : memref<2048xf32, #tpu.memory_space<vmem_shared>>) target_semaphore(%arg14 : memref<!tpu.dma_semaphore, #tpu.memory_space<semaphore_mem>>)
      %mul3A_1053 = arith.constant 98304 : i32
      %mul3A_1054 = arith.muli %arg1, %mul3A_1053 : i32
      %add3A_1055 = arith.constant 96256 : i32
      %add3A_1056 = arith.addi %mul3A_1054, %add3A_1055 : i32
      %dma_start3A_1057 = tpu.memref_slice %arg11[%add3A_1056] : memref<1572864xf32, #tpu.memory_space<vmem_shared>> -> memref<2048xf32, #tpu.memory_space<vmem_shared>>
      %dma_start3A_1058 = tpu.memref_slice %arg11[%add3A_1056] : memref<1572864xf32, #tpu.memory_space<vmem_shared>> -> memref<2048xf32, #tpu.memory_space<vmem_shared>>
      tpu.enqueue_dma source(%arg10 : memref<2048xf32, #tpu.memory_space<vmem>>) target(%dma_start3A_1058 : memref<2048xf32, #tpu.memory_space<vmem_shared>>) target_semaphore(%arg14 : memref<!tpu.dma_semaphore, #tpu.memory_space<semaphore_mem>>)
      %mul3A_1059 = arith.constant 98304 : i32
      %mul3A_1060 = arith.muli %arg1, %mul3A_1059 : i32
      %add3A_1061 = arith.constant 0 : i32
      %add3A_1062 = arith.addi %mul3A_1060, %add3A_1061 : i32
      %dma_wait3A_1063 = tpu.memref_slice %arg11[%add3A_1062] : memref<1572864xf32, #tpu.memory_space<vmem_shared>> -> memref<2048xf32, #tpu.memory_space<vmem_shared>>
      %dma_wait3A_1064 = tpu.memref_slice %arg11[%add3A_1062] : memref<1572864xf32, #tpu.memory_space<vmem_shared>> -> memref<2048xf32, #tpu.memory_space<vmem_shared>>
      tpu.wait_dma2 semaphore(%arg14 : memref<!tpu.dma_semaphore, #tpu.memory_space<semaphore_mem>>) src(%arg10 : memref<2048xf32, #tpu.memory_space<vmem>>) dst(%dma_wait3A_1064 : memref<2048xf32, #tpu.memory_space<vmem_shared>>)
      %mul3A_1065 = arith.constant 98304 : i32
      %mul3A_1066 = arith.muli %arg1, %mul3A_1065 : i32
      %add3A_1067 = arith.constant 2048 : i32
      %add3A_1068 = arith.addi %mul3A_1066, %add3A_1067 : i32
      %dma_wait3A_1069 = tpu.memref_slice %arg11[%add3A_1068] : memref<1572864xf32, #tpu.memory_space<vmem_shared>> -> memref<2048xf32, #tpu.memory_space<vmem_shared>>
      %dma_wait3A_1070 = tpu.memref_slice %arg11[%add3A_1068] : memref<1572864xf32, #tpu.memory_space<vmem_shared>> -> memref<2048xf32, #tpu.memory_space<vmem_shared>>
      tpu.wait_dma2 semaphore(%arg14 : memref<!tpu.dma_semaphore, #tpu.memory_space<semaphore_mem>>) src(%arg10 : memref<2048xf32, #tpu.memory_space<vmem>>) dst(%dma_wait3A_1070 : memref<2048xf32, #tpu.memory_space<vmem_shared>>)
      %mul3A_1071 = arith.constant 98304 : i32
      %mul3A_1072 = arith.muli %arg1, %mul3A_1071 : i32
      %add3A_1073 = arith.constant 4096 : i32
      %add3A_1074 = arith.addi %mul3A_1072, %add3A_1073 : i32
      %dma_wait3A_1075 = tpu.memref_slice %arg11[%add3A_1074] : memref<1572864xf32, #tpu.memory_space<vmem_shared>> -> memref<2048xf32, #tpu.memory_space<vmem_shared>>
      %dma_wait3A_1076 = tpu.memref_slice %arg11[%add3A_1074] : memref<1572864xf32, #tpu.memory_space<vmem_shared>> -> memref<2048xf32, #tpu.memory_space<vmem_shared>>
      tpu.wait_dma2 semaphore(%arg14 : memref<!tpu.dma_semaphore, #tpu.memory_space<semaphore_mem>>) src(%arg10 : memref<2048xf32, #tpu.memory_space<vmem>>) dst(%dma_wait3A_1076 : memref<2048xf32, #tpu.memory_space<vmem_shared>>)
      %mul3A_1077 = arith.constant 98304 : i32
      %mul3A_1078 = arith.muli %arg1, %mul3A_1077 : i32
      %add3A_1079 = arith.constant 6144 : i32
      %add3A_1080 = arith.addi %mul3A_1078, %add3A_1079 : i32
      %dma_wait3A_1081 = tpu.memref_slice %arg11[%add3A_1080] : memref<1572864xf32, #tpu.memory_space<vmem_shared>> -> memref<2048xf32, #tpu.memory_space<vmem_shared>>
      %dma_wait3A_1082 = tpu.memref_slice %arg11[%add3A_1080] : memref<1572864xf32, #tpu.memory_space<vmem_shared>> -> memref<2048xf32, #tpu.memory_space<vmem_shared>>
      tpu.wait_dma2 semaphore(%arg14 : memref<!tpu.dma_semaphore, #tpu.memory_space<semaphore_mem>>) src(%arg10 : memref<2048xf32, #tpu.memory_space<vmem>>) dst(%dma_wait3A_1082 : memref<2048xf32, #tpu.memory_space<vmem_shared>>)
      %mul3A_1083 = arith.constant 98304 : i32
      %mul3A_1084 = arith.muli %arg1, %mul3A_1083 : i32
      %add3A_1085 = arith.constant 8192 : i32
      %add3A_1086 = arith.addi %mul3A_1084, %add3A_1085 : i32
      %dma_wait3A_1087 = tpu.memref_slice %arg11[%add3A_1086] : memref<1572864xf32, #tpu.memory_space<vmem_shared>> -> memref<2048xf32, #tpu.memory_space<vmem_shared>>
      %dma_wait3A_1088 = tpu.memref_slice %arg11[%add3A_1086] : memref<1572864xf32, #tpu.memory_space<vmem_shared>> -> memref<2048xf32, #tpu.memory_space<vmem_shared>>
      tpu.wait_dma2 semaphore(%arg14 : memref<!tpu.dma_semaphore, #tpu.memory_space<semaphore_mem>>) src(%arg10 : memref<2048xf32, #tpu.memory_space<vmem>>) dst(%dma_wait3A_1088 : memref<2048xf32, #tpu.memory_space<vmem_shared>>)
      %mul3A_1089 = arith.constant 98304 : i32
      %mul3A_1090 = arith.muli %arg1, %mul3A_1089 : i32
      %add3A_1091 = arith.constant 10240 : i32
      %add3A_1092 = arith.addi %mul3A_1090, %add3A_1091 : i32
      %dma_wait3A_1093 = tpu.memref_slice %arg11[%add3A_1092] : memref<1572864xf32, #tpu.memory_space<vmem_shared>> -> memref<2048xf32, #tpu.memory_space<vmem_shared>>
      %dma_wait3A_1094 = tpu.memref_slice %arg11[%add3A_1092] : memref<1572864xf32, #tpu.memory_space<vmem_shared>> -> memref<2048xf32, #tpu.memory_space<vmem_shared>>
      tpu.wait_dma2 semaphore(%arg14 : memref<!tpu.dma_semaphore, #tpu.memory_space<semaphore_mem>>) src(%arg10 : memref<2048xf32, #tpu.memory_space<vmem>>) dst(%dma_wait3A_1094 : memref<2048xf32, #tpu.memory_space<vmem_shared>>)
      %mul3A_1095 = arith.constant 98304 : i32
      %mul3A_1096 = arith.muli %arg1, %mul3A_1095 : i32
      %add3A_1097 = arith.constant 12288 : i32
      %add3A_1098 = arith.addi %mul3A_1096, %add3A_1097 : i32
      %dma_wait3A_1099 = tpu.memref_slice %arg11[%add3A_1098] : memref<1572864xf32, #tpu.memory_space<vmem_shared>> -> memref<2048xf32, #tpu.memory_space<vmem_shared>>
      %dma_wait3A_1100 = tpu.memref_slice %arg11[%add3A_1098] : memref<1572864xf32, #tpu.memory_space<vmem_shared>> -> memref<2048xf32, #tpu.memory_space<vmem_shared>>
      tpu.wait_dma2 semaphore(%arg14 : memref<!tpu.dma_semaphore, #tpu.memory_space<semaphore_mem>>) src(%arg10 : memref<2048xf32, #tpu.memory_space<vmem>>) dst(%dma_wait3A_1100 : memref<2048xf32, #tpu.memory_space<vmem_shared>>)
      %mul3A_1101 = arith.constant 98304 : i32
      %mul3A_1102 = arith.muli %arg1, %mul3A_1101 : i32
      %add3A_1103 = arith.constant 14336 : i32
      %add3A_1104 = arith.addi %mul3A_1102, %add3A_1103 : i32
      %dma_wait3A_1105 = tpu.memref_slice %arg11[%add3A_1104] : memref<1572864xf32, #tpu.memory_space<vmem_shared>> -> memref<2048xf32, #tpu.memory_space<vmem_shared>>
      %dma_wait3A_1106 = tpu.memref_slice %arg11[%add3A_1104] : memref<1572864xf32, #tpu.memory_space<vmem_shared>> -> memref<2048xf32, #tpu.memory_space<vmem_shared>>
      tpu.wait_dma2 semaphore(%arg14 : memref<!tpu.dma_semaphore, #tpu.memory_space<semaphore_mem>>) src(%arg10 : memref<2048xf32, #tpu.memory_space<vmem>>) dst(%dma_wait3A_1106 : memref<2048xf32, #tpu.memory_space<vmem_shared>>)
      %mul3A_1107 = arith.constant 98304 : i32
      %mul3A_1108 = arith.muli %arg1, %mul3A_1107 : i32
      %add3A_1109 = arith.constant 16384 : i32
      %add3A_1110 = arith.addi %mul3A_1108, %add3A_1109 : i32
      %dma_wait3A_1111 = tpu.memref_slice %arg11[%add3A_1110] : memref<1572864xf32, #tpu.memory_space<vmem_shared>> -> memref<2048xf32, #tpu.memory_space<vmem_shared>>
      %dma_wait3A_1112 = tpu.memref_slice %arg11[%add3A_1110] : memref<1572864xf32, #tpu.memory_space<vmem_shared>> -> memref<2048xf32, #tpu.memory_space<vmem_shared>>
      tpu.wait_dma2 semaphore(%arg14 : memref<!tpu.dma_semaphore, #tpu.memory_space<semaphore_mem>>) src(%arg10 : memref<2048xf32, #tpu.memory_space<vmem>>) dst(%dma_wait3A_1112 : memref<2048xf32, #tpu.memory_space<vmem_shared>>)
      %mul3A_1113 = arith.constant 98304 : i32
      %mul3A_1114 = arith.muli %arg1, %mul3A_1113 : i32
      %add3A_1115 = arith.constant 18432 : i32
      %add3A_1116 = arith.addi %mul3A_1114, %add3A_1115 : i32
      %dma_wait3A_1117 = tpu.memref_slice %arg11[%add3A_1116] : memref<1572864xf32, #tpu.memory_space<vmem_shared>> -> memref<2048xf32, #tpu.memory_space<vmem_shared>>
      %dma_wait3A_1118 = tpu.memref_slice %arg11[%add3A_1116] : memref<1572864xf32, #tpu.memory_space<vmem_shared>> -> memref<2048xf32, #tpu.memory_space<vmem_shared>>
      tpu.wait_dma2 semaphore(%arg14 : memref<!tpu.dma_semaphore, #tpu.memory_space<semaphore_mem>>) src(%arg10 : memref<2048xf32, #tpu.memory_space<vmem>>) dst(%dma_wait3A_1118 : memref<2048xf32, #tpu.memory_space<vmem_shared>>)
      %mul3A_1119 = arith.constant 98304 : i32
      %mul3A_1120 = arith.muli %arg1, %mul3A_1119 : i32
      %add3A_1121 = arith.constant 20480 : i32
      %add3A_1122 = arith.addi %mul3A_1120, %add3A_1121 : i32
      %dma_wait3A_1123 = tpu.memref_slice %arg11[%add3A_1122] : memref<1572864xf32, #tpu.memory_space<vmem_shared>> -> memref<2048xf32, #tpu.memory_space<vmem_shared>>
      %dma_wait3A_1124 = tpu.memref_slice %arg11[%add3A_1122] : memref<1572864xf32, #tpu.memory_space<vmem_shared>> -> memref<2048xf32, #tpu.memory_space<vmem_shared>>
      tpu.wait_dma2 semaphore(%arg14 : memref<!tpu.dma_semaphore, #tpu.memory_space<semaphore_mem>>) src(%arg10 : memref<2048xf32, #tpu.memory_space<vmem>>) dst(%dma_wait3A_1124 : memref<2048xf32, #tpu.memory_space<vmem_shared>>)
      %mul3A_1125 = arith.constant 98304 : i32
      %mul3A_1126 = arith.muli %arg1, %mul3A_1125 : i32
      %add3A_1127 = arith.constant 22528 : i32
      %add3A_1128 = arith.addi %mul3A_1126, %add3A_1127 : i32
      %dma_wait3A_1129 = tpu.memref_slice %arg11[%add3A_1128] : memref<1572864xf32, #tpu.memory_space<vmem_shared>> -> memref<2048xf32, #tpu.memory_space<vmem_shared>>
      %dma_wait3A_1130 = tpu.memref_slice %arg11[%add3A_1128] : memref<1572864xf32, #tpu.memory_space<vmem_shared>> -> memref<2048xf32, #tpu.memory_space<vmem_shared>>
      tpu.wait_dma2 semaphore(%arg14 : memref<!tpu.dma_semaphore, #tpu.memory_space<semaphore_mem>>) src(%arg10 : memref<2048xf32, #tpu.memory_space<vmem>>) dst(%dma_wait3A_1130 : memref<2048xf32, #tpu.memory_space<vmem_shared>>)
      %mul3A_1131 = arith.constant 98304 : i32
      %mul3A_1132 = arith.muli %arg1, %mul3A_1131 : i32
      %add3A_1133 = arith.constant 24576 : i32
      %add3A_1134 = arith.addi %mul3A_1132, %add3A_1133 : i32
      %dma_wait3A_1135 = tpu.memref_slice %arg11[%add3A_1134] : memref<1572864xf32, #tpu.memory_space<vmem_shared>> -> memref<2048xf32, #tpu.memory_space<vmem_shared>>
      %dma_wait3A_1136 = tpu.memref_slice %arg11[%add3A_1134] : memref<1572864xf32, #tpu.memory_space<vmem_shared>> -> memref<2048xf32, #tpu.memory_space<vmem_shared>>
      tpu.wait_dma2 semaphore(%arg14 : memref<!tpu.dma_semaphore, #tpu.memory_space<semaphore_mem>>) src(%arg10 : memref<2048xf32, #tpu.memory_space<vmem>>) dst(%dma_wait3A_1136 : memref<2048xf32, #tpu.memory_space<vmem_shared>>)
      %mul3A_1137 = arith.constant 98304 : i32
      %mul3A_1138 = arith.muli %arg1, %mul3A_1137 : i32
      %add3A_1139 = arith.constant 26624 : i32
      %add3A_1140 = arith.addi %mul3A_1138, %add3A_1139 : i32
      %dma_wait3A_1141 = tpu.memref_slice %arg11[%add3A_1140] : memref<1572864xf32, #tpu.memory_space<vmem_shared>> -> memref<2048xf32, #tpu.memory_space<vmem_shared>>
      %dma_wait3A_1142 = tpu.memref_slice %arg11[%add3A_1140] : memref<1572864xf32, #tpu.memory_space<vmem_shared>> -> memref<2048xf32, #tpu.memory_space<vmem_shared>>
      tpu.wait_dma2 semaphore(%arg14 : memref<!tpu.dma_semaphore, #tpu.memory_space<semaphore_mem>>) src(%arg10 : memref<2048xf32, #tpu.memory_space<vmem>>) dst(%dma_wait3A_1142 : memref<2048xf32, #tpu.memory_space<vmem_shared>>)
      %mul3A_1143 = arith.constant 98304 : i32
      %mul3A_1144 = arith.muli %arg1, %mul3A_1143 : i32
      %add3A_1145 = arith.constant 28672 : i32
      %add3A_1146 = arith.addi %mul3A_1144, %add3A_1145 : i32
      %dma_wait3A_1147 = tpu.memref_slice %arg11[%add3A_1146] : memref<1572864xf32, #tpu.memory_space<vmem_shared>> -> memref<2048xf32, #tpu.memory_space<vmem_shared>>
      %dma_wait3A_1148 = tpu.memref_slice %arg11[%add3A_1146] : memref<1572864xf32, #tpu.memory_space<vmem_shared>> -> memref<2048xf32, #tpu.memory_space<vmem_shared>>
      tpu.wait_dma2 semaphore(%arg14 : memref<!tpu.dma_semaphore, #tpu.memory_space<semaphore_mem>>) src(%arg10 : memref<2048xf32, #tpu.memory_space<vmem>>) dst(%dma_wait3A_1148 : memref<2048xf32, #tpu.memory_space<vmem_shared>>)
      %mul3A_1149 = arith.constant 98304 : i32
      %mul3A_1150 = arith.muli %arg1, %mul3A_1149 : i32
      %add3A_1151 = arith.constant 30720 : i32
      %add3A_1152 = arith.addi %mul3A_1150, %add3A_1151 : i32
      %dma_wait3A_1153 = tpu.memref_slice %arg11[%add3A_1152] : memref<1572864xf32, #tpu.memory_space<vmem_shared>> -> memref<2048xf32, #tpu.memory_space<vmem_shared>>
      %dma_wait3A_1154 = tpu.memref_slice %arg11[%add3A_1152] : memref<1572864xf32, #tpu.memory_space<vmem_shared>> -> memref<2048xf32, #tpu.memory_space<vmem_shared>>
      tpu.wait_dma2 semaphore(%arg14 : memref<!tpu.dma_semaphore, #tpu.memory_space<semaphore_mem>>) src(%arg10 : memref<2048xf32, #tpu.memory_space<vmem>>) dst(%dma_wait3A_1154 : memref<2048xf32, #tpu.memory_space<vmem_shared>>)
      %mul3A_1155 = arith.constant 98304 : i32
      %mul3A_1156 = arith.muli %arg1, %mul3A_1155 : i32
      %add3A_1157 = arith.constant 32768 : i32
      %add3A_1158 = arith.addi %mul3A_1156, %add3A_1157 : i32
      %dma_wait3A_1159 = tpu.memref_slice %arg11[%add3A_1158] : memref<1572864xf32, #tpu.memory_space<vmem_shared>> -> memref<2048xf32, #tpu.memory_space<vmem_shared>>
      %dma_wait3A_1160 = tpu.memref_slice %arg11[%add3A_1158] : memref<1572864xf32, #tpu.memory_space<vmem_shared>> -> memref<2048xf32, #tpu.memory_space<vmem_shared>>
      tpu.wait_dma2 semaphore(%arg14 : memref<!tpu.dma_semaphore, #tpu.memory_space<semaphore_mem>>) src(%arg10 : memref<2048xf32, #tpu.memory_space<vmem>>) dst(%dma_wait3A_1160 : memref<2048xf32, #tpu.memory_space<vmem_shared>>)
      %mul3A_1161 = arith.constant 98304 : i32
      %mul3A_1162 = arith.muli %arg1, %mul3A_1161 : i32
      %add3A_1163 = arith.constant 34816 : i32
      %add3A_1164 = arith.addi %mul3A_1162, %add3A_1163 : i32
      %dma_wait3A_1165 = tpu.memref_slice %arg11[%add3A_1164] : memref<1572864xf32, #tpu.memory_space<vmem_shared>> -> memref<2048xf32, #tpu.memory_space<vmem_shared>>
      %dma_wait3A_1166 = tpu.memref_slice %arg11[%add3A_1164] : memref<1572864xf32, #tpu.memory_space<vmem_shared>> -> memref<2048xf32, #tpu.memory_space<vmem_shared>>
      tpu.wait_dma2 semaphore(%arg14 : memref<!tpu.dma_semaphore, #tpu.memory_space<semaphore_mem>>) src(%arg10 : memref<2048xf32, #tpu.memory_space<vmem>>) dst(%dma_wait3A_1166 : memref<2048xf32, #tpu.memory_space<vmem_shared>>)
      %mul3A_1167 = arith.constant 98304 : i32
      %mul3A_1168 = arith.muli %arg1, %mul3A_1167 : i32
      %add3A_1169 = arith.constant 36864 : i32
      %add3A_1170 = arith.addi %mul3A_1168, %add3A_1169 : i32
      %dma_wait3A_1171 = tpu.memref_slice %arg11[%add3A_1170] : memref<1572864xf32, #tpu.memory_space<vmem_shared>> -> memref<2048xf32, #tpu.memory_space<vmem_shared>>
      %dma_wait3A_1172 = tpu.memref_slice %arg11[%add3A_1170] : memref<1572864xf32, #tpu.memory_space<vmem_shared>> -> memref<2048xf32, #tpu.memory_space<vmem_shared>>
      tpu.wait_dma2 semaphore(%arg14 : memref<!tpu.dma_semaphore, #tpu.memory_space<semaphore_mem>>) src(%arg10 : memref<2048xf32, #tpu.memory_space<vmem>>) dst(%dma_wait3A_1172 : memref<2048xf32, #tpu.memory_space<vmem_shared>>)
      %mul3A_1173 = arith.constant 98304 : i32
      %mul3A_1174 = arith.muli %arg1, %mul3A_1173 : i32
      %add3A_1175 = arith.constant 38912 : i32
      %add3A_1176 = arith.addi %mul3A_1174, %add3A_1175 : i32
      %dma_wait3A_1177 = tpu.memref_slice %arg11[%add3A_1176] : memref<1572864xf32, #tpu.memory_space<vmem_shared>> -> memref<2048xf32, #tpu.memory_space<vmem_shared>>
      %dma_wait3A_1178 = tpu.memref_slice %arg11[%add3A_1176] : memref<1572864xf32, #tpu.memory_space<vmem_shared>> -> memref<2048xf32, #tpu.memory_space<vmem_shared>>
      tpu.wait_dma2 semaphore(%arg14 : memref<!tpu.dma_semaphore, #tpu.memory_space<semaphore_mem>>) src(%arg10 : memref<2048xf32, #tpu.memory_space<vmem>>) dst(%dma_wait3A_1178 : memref<2048xf32, #tpu.memory_space<vmem_shared>>)
      %mul3A_1179 = arith.constant 98304 : i32
      %mul3A_1180 = arith.muli %arg1, %mul3A_1179 : i32
      %add3A_1181 = arith.constant 40960 : i32
      %add3A_1182 = arith.addi %mul3A_1180, %add3A_1181 : i32
      %dma_wait3A_1183 = tpu.memref_slice %arg11[%add3A_1182] : memref<1572864xf32, #tpu.memory_space<vmem_shared>> -> memref<2048xf32, #tpu.memory_space<vmem_shared>>
      %dma_wait3A_1184 = tpu.memref_slice %arg11[%add3A_1182] : memref<1572864xf32, #tpu.memory_space<vmem_shared>> -> memref<2048xf32, #tpu.memory_space<vmem_shared>>
      tpu.wait_dma2 semaphore(%arg14 : memref<!tpu.dma_semaphore, #tpu.memory_space<semaphore_mem>>) src(%arg10 : memref<2048xf32, #tpu.memory_space<vmem>>) dst(%dma_wait3A_1184 : memref<2048xf32, #tpu.memory_space<vmem_shared>>)
      %mul3A_1185 = arith.constant 98304 : i32
      %mul3A_1186 = arith.muli %arg1, %mul3A_1185 : i32
      %add3A_1187 = arith.constant 43008 : i32
      %add3A_1188 = arith.addi %mul3A_1186, %add3A_1187 : i32
      %dma_wait3A_1189 = tpu.memref_slice %arg11[%add3A_1188] : memref<1572864xf32, #tpu.memory_space<vmem_shared>> -> memref<2048xf32, #tpu.memory_space<vmem_shared>>
      %dma_wait3A_1190 = tpu.memref_slice %arg11[%add3A_1188] : memref<1572864xf32, #tpu.memory_space<vmem_shared>> -> memref<2048xf32, #tpu.memory_space<vmem_shared>>
      tpu.wait_dma2 semaphore(%arg14 : memref<!tpu.dma_semaphore, #tpu.memory_space<semaphore_mem>>) src(%arg10 : memref<2048xf32, #tpu.memory_space<vmem>>) dst(%dma_wait3A_1190 : memref<2048xf32, #tpu.memory_space<vmem_shared>>)
      %mul3A_1191 = arith.constant 98304 : i32
      %mul3A_1192 = arith.muli %arg1, %mul3A_1191 : i32
      %add3A_1193 = arith.constant 45056 : i32
      %add3A_1194 = arith.addi %mul3A_1192, %add3A_1193 : i32
      %dma_wait3A_1195 = tpu.memref_slice %arg11[%add3A_1194] : memref<1572864xf32, #tpu.memory_space<vmem_shared>> -> memref<2048xf32, #tpu.memory_space<vmem_shared>>
      %dma_wait3A_1196 = tpu.memref_slice %arg11[%add3A_1194] : memref<1572864xf32, #tpu.memory_space<vmem_shared>> -> memref<2048xf32, #tpu.memory_space<vmem_shared>>
      tpu.wait_dma2 semaphore(%arg14 : memref<!tpu.dma_semaphore, #tpu.memory_space<semaphore_mem>>) src(%arg10 : memref<2048xf32, #tpu.memory_space<vmem>>) dst(%dma_wait3A_1196 : memref<2048xf32, #tpu.memory_space<vmem_shared>>)
      %mul3A_1197 = arith.constant 98304 : i32
      %mul3A_1198 = arith.muli %arg1, %mul3A_1197 : i32
      %add3A_1199 = arith.constant 47104 : i32
      %add3A_1200 = arith.addi %mul3A_1198, %add3A_1199 : i32
      %dma_wait3A_1201 = tpu.memref_slice %arg11[%add3A_1200] : memref<1572864xf32, #tpu.memory_space<vmem_shared>> -> memref<2048xf32, #tpu.memory_space<vmem_shared>>
      %dma_wait3A_1202 = tpu.memref_slice %arg11[%add3A_1200] : memref<1572864xf32, #tpu.memory_space<vmem_shared>> -> memref<2048xf32, #tpu.memory_space<vmem_shared>>
      tpu.wait_dma2 semaphore(%arg14 : memref<!tpu.dma_semaphore, #tpu.memory_space<semaphore_mem>>) src(%arg10 : memref<2048xf32, #tpu.memory_space<vmem>>) dst(%dma_wait3A_1202 : memref<2048xf32, #tpu.memory_space<vmem_shared>>)
      %mul3A_1203 = arith.constant 98304 : i32
      %mul3A_1204 = arith.muli %arg1, %mul3A_1203 : i32
      %add3A_1205 = arith.constant 49152 : i32
      %add3A_1206 = arith.addi %mul3A_1204, %add3A_1205 : i32
      %dma_wait3A_1207 = tpu.memref_slice %arg11[%add3A_1206] : memref<1572864xf32, #tpu.memory_space<vmem_shared>> -> memref<2048xf32, #tpu.memory_space<vmem_shared>>
      %dma_wait3A_1208 = tpu.memref_slice %arg11[%add3A_1206] : memref<1572864xf32, #tpu.memory_space<vmem_shared>> -> memref<2048xf32, #tpu.memory_space<vmem_shared>>
      tpu.wait_dma2 semaphore(%arg14 : memref<!tpu.dma_semaphore, #tpu.memory_space<semaphore_mem>>) src(%arg10 : memref<2048xf32, #tpu.memory_space<vmem>>) dst(%dma_wait3A_1208 : memref<2048xf32, #tpu.memory_space<vmem_shared>>)
      %mul3A_1209 = arith.constant 98304 : i32
      %mul3A_1210 = arith.muli %arg1, %mul3A_1209 : i32
      %add3A_1211 = arith.constant 51200 : i32
      %add3A_1212 = arith.addi %mul3A_1210, %add3A_1211 : i32
      %dma_wait3A_1213 = tpu.memref_slice %arg11[%add3A_1212] : memref<1572864xf32, #tpu.memory_space<vmem_shared>> -> memref<2048xf32, #tpu.memory_space<vmem_shared>>
      %dma_wait3A_1214 = tpu.memref_slice %arg11[%add3A_1212] : memref<1572864xf32, #tpu.memory_space<vmem_shared>> -> memref<2048xf32, #tpu.memory_space<vmem_shared>>
      tpu.wait_dma2 semaphore(%arg14 : memref<!tpu.dma_semaphore, #tpu.memory_space<semaphore_mem>>) src(%arg10 : memref<2048xf32, #tpu.memory_space<vmem>>) dst(%dma_wait3A_1214 : memref<2048xf32, #tpu.memory_space<vmem_shared>>)
      %mul3A_1215 = arith.constant 98304 : i32
      %mul3A_1216 = arith.muli %arg1, %mul3A_1215 : i32
      %add3A_1217 = arith.constant 53248 : i32
      %add3A_1218 = arith.addi %mul3A_1216, %add3A_1217 : i32
      %dma_wait3A_1219 = tpu.memref_slice %arg11[%add3A_1218] : memref<1572864xf32, #tpu.memory_space<vmem_shared>> -> memref<2048xf32, #tpu.memory_space<vmem_shared>>
      %dma_wait3A_1220 = tpu.memref_slice %arg11[%add3A_1218] : memref<1572864xf32, #tpu.memory_space<vmem_shared>> -> memref<2048xf32, #tpu.memory_space<vmem_shared>>
      tpu.wait_dma2 semaphore(%arg14 : memref<!tpu.dma_semaphore, #tpu.memory_space<semaphore_mem>>) src(%arg10 : memref<2048xf32, #tpu.memory_space<vmem>>) dst(%dma_wait3A_1220 : memref<2048xf32, #tpu.memory_space<vmem_shared>>)
      %mul3A_1221 = arith.constant 98304 : i32
      %mul3A_1222 = arith.muli %arg1, %mul3A_1221 : i32
      %add3A_1223 = arith.constant 55296 : i32
      %add3A_1224 = arith.addi %mul3A_1222, %add3A_1223 : i32
      %dma_wait3A_1225 = tpu.memref_slice %arg11[%add3A_1224] : memref<1572864xf32, #tpu.memory_space<vmem_shared>> -> memref<2048xf32, #tpu.memory_space<vmem_shared>>
      %dma_wait3A_1226 = tpu.memref_slice %arg11[%add3A_1224] : memref<1572864xf32, #tpu.memory_space<vmem_shared>> -> memref<2048xf32, #tpu.memory_space<vmem_shared>>
      tpu.wait_dma2 semaphore(%arg14 : memref<!tpu.dma_semaphore, #tpu.memory_space<semaphore_mem>>) src(%arg10 : memref<2048xf32, #tpu.memory_space<vmem>>) dst(%dma_wait3A_1226 : memref<2048xf32, #tpu.memory_space<vmem_shared>>)
      %mul3A_1227 = arith.constant 98304 : i32
      %mul3A_1228 = arith.muli %arg1, %mul3A_1227 : i32
      %add3A_1229 = arith.constant 57344 : i32
      %add3A_1230 = arith.addi %mul3A_1228, %add3A_1229 : i32
      %dma_wait3A_1231 = tpu.memref_slice %arg11[%add3A_1230] : memref<1572864xf32, #tpu.memory_space<vmem_shared>> -> memref<2048xf32, #tpu.memory_space<vmem_shared>>
      %dma_wait3A_1232 = tpu.memref_slice %arg11[%add3A_1230] : memref<1572864xf32, #tpu.memory_space<vmem_shared>> -> memref<2048xf32, #tpu.memory_space<vmem_shared>>
      tpu.wait_dma2 semaphore(%arg14 : memref<!tpu.dma_semaphore, #tpu.memory_space<semaphore_mem>>) src(%arg10 : memref<2048xf32, #tpu.memory_space<vmem>>) dst(%dma_wait3A_1232 : memref<2048xf32, #tpu.memory_space<vmem_shared>>)
      %mul3A_1233 = arith.constant 98304 : i32
      %mul3A_1234 = arith.muli %arg1, %mul3A_1233 : i32
      %add3A_1235 = arith.constant 59392 : i32
      %add3A_1236 = arith.addi %mul3A_1234, %add3A_1235 : i32
      %dma_wait3A_1237 = tpu.memref_slice %arg11[%add3A_1236] : memref<1572864xf32, #tpu.memory_space<vmem_shared>> -> memref<2048xf32, #tpu.memory_space<vmem_shared>>
      %dma_wait3A_1238 = tpu.memref_slice %arg11[%add3A_1236] : memref<1572864xf32, #tpu.memory_space<vmem_shared>> -> memref<2048xf32, #tpu.memory_space<vmem_shared>>
      tpu.wait_dma2 semaphore(%arg14 : memref<!tpu.dma_semaphore, #tpu.memory_space<semaphore_mem>>) src(%arg10 : memref<2048xf32, #tpu.memory_space<vmem>>) dst(%dma_wait3A_1238 : memref<2048xf32, #tpu.memory_space<vmem_shared>>)
      %mul3A_1239 = arith.constant 98304 : i32
      %mul3A_1240 = arith.muli %arg1, %mul3A_1239 : i32
      %add3A_1241 = arith.constant 61440 : i32
      %add3A_1242 = arith.addi %mul3A_1240, %add3A_1241 : i32
      %dma_wait3A_1243 = tpu.memref_slice %arg11[%add3A_1242] : memref<1572864xf32, #tpu.memory_space<vmem_shared>> -> memref<2048xf32, #tpu.memory_space<vmem_shared>>
      %dma_wait3A_1244 = tpu.memref_slice %arg11[%add3A_1242] : memref<1572864xf32, #tpu.memory_space<vmem_shared>> -> memref<2048xf32, #tpu.memory_space<vmem_shared>>
      tpu.wait_dma2 semaphore(%arg14 : memref<!tpu.dma_semaphore, #tpu.memory_space<semaphore_mem>>) src(%arg10 : memref<2048xf32, #tpu.memory_space<vmem>>) dst(%dma_wait3A_1244 : memref<2048xf32, #tpu.memory_space<vmem_shared>>)
      %mul3A_1245 = arith.constant 98304 : i32
      %mul3A_1246 = arith.muli %arg1, %mul3A_1245 : i32
      %add3A_1247 = arith.constant 63488 : i32
      %add3A_1248 = arith.addi %mul3A_1246, %add3A_1247 : i32
      %dma_wait3A_1249 = tpu.memref_slice %arg11[%add3A_1248] : memref<1572864xf32, #tpu.memory_space<vmem_shared>> -> memref<2048xf32, #tpu.memory_space<vmem_shared>>
      %dma_wait3A_1250 = tpu.memref_slice %arg11[%add3A_1248] : memref<1572864xf32, #tpu.memory_space<vmem_shared>> -> memref<2048xf32, #tpu.memory_space<vmem_shared>>
      tpu.wait_dma2 semaphore(%arg14 : memref<!tpu.dma_semaphore, #tpu.memory_space<semaphore_mem>>) src(%arg10 : memref<2048xf32, #tpu.memory_space<vmem>>) dst(%dma_wait3A_1250 : memref<2048xf32, #tpu.memory_space<vmem_shared>>)
      %mul3A_1251 = arith.constant 98304 : i32
      %mul3A_1252 = arith.muli %arg1, %mul3A_1251 : i32
      %add3A_1253 = arith.constant 65536 : i32
      %add3A_1254 = arith.addi %mul3A_1252, %add3A_1253 : i32
      %dma_wait3A_1255 = tpu.memref_slice %arg11[%add3A_1254] : memref<1572864xf32, #tpu.memory_space<vmem_shared>> -> memref<2048xf32, #tpu.memory_space<vmem_shared>>
      %dma_wait3A_1256 = tpu.memref_slice %arg11[%add3A_1254] : memref<1572864xf32, #tpu.memory_space<vmem_shared>> -> memref<2048xf32, #tpu.memory_space<vmem_shared>>
      tpu.wait_dma2 semaphore(%arg14 : memref<!tpu.dma_semaphore, #tpu.memory_space<semaphore_mem>>) src(%arg10 : memref<2048xf32, #tpu.memory_space<vmem>>) dst(%dma_wait3A_1256 : memref<2048xf32, #tpu.memory_space<vmem_shared>>)
      %mul3A_1257 = arith.constant 98304 : i32
      %mul3A_1258 = arith.muli %arg1, %mul3A_1257 : i32
      %add3A_1259 = arith.constant 67584 : i32
      %add3A_1260 = arith.addi %mul3A_1258, %add3A_1259 : i32
      %dma_wait3A_1261 = tpu.memref_slice %arg11[%add3A_1260] : memref<1572864xf32, #tpu.memory_space<vmem_shared>> -> memref<2048xf32, #tpu.memory_space<vmem_shared>>
      %dma_wait3A_1262 = tpu.memref_slice %arg11[%add3A_1260] : memref<1572864xf32, #tpu.memory_space<vmem_shared>> -> memref<2048xf32, #tpu.memory_space<vmem_shared>>
      tpu.wait_dma2 semaphore(%arg14 : memref<!tpu.dma_semaphore, #tpu.memory_space<semaphore_mem>>) src(%arg10 : memref<2048xf32, #tpu.memory_space<vmem>>) dst(%dma_wait3A_1262 : memref<2048xf32, #tpu.memory_space<vmem_shared>>)
      %mul3A_1263 = arith.constant 98304 : i32
      %mul3A_1264 = arith.muli %arg1, %mul3A_1263 : i32
      %add3A_1265 = arith.constant 69632 : i32
      %add3A_1266 = arith.addi %mul3A_1264, %add3A_1265 : i32
      %dma_wait3A_1267 = tpu.memref_slice %arg11[%add3A_1266] : memref<1572864xf32, #tpu.memory_space<vmem_shared>> -> memref<2048xf32, #tpu.memory_space<vmem_shared>>
      %dma_wait3A_1268 = tpu.memref_slice %arg11[%add3A_1266] : memref<1572864xf32, #tpu.memory_space<vmem_shared>> -> memref<2048xf32, #tpu.memory_space<vmem_shared>>
      tpu.wait_dma2 semaphore(%arg14 : memref<!tpu.dma_semaphore, #tpu.memory_space<semaphore_mem>>) src(%arg10 : memref<2048xf32, #tpu.memory_space<vmem>>) dst(%dma_wait3A_1268 : memref<2048xf32, #tpu.memory_space<vmem_shared>>)
      %mul3A_1269 = arith.constant 98304 : i32
      %mul3A_1270 = arith.muli %arg1, %mul3A_1269 : i32
      %add3A_1271 = arith.constant 71680 : i32
      %add3A_1272 = arith.addi %mul3A_1270, %add3A_1271 : i32
      %dma_wait3A_1273 = tpu.memref_slice %arg11[%add3A_1272] : memref<1572864xf32, #tpu.memory_space<vmem_shared>> -> memref<2048xf32, #tpu.memory_space<vmem_shared>>
      %dma_wait3A_1274 = tpu.memref_slice %arg11[%add3A_1272] : memref<1572864xf32, #tpu.memory_space<vmem_shared>> -> memref<2048xf32, #tpu.memory_space<vmem_shared>>
      tpu.wait_dma2 semaphore(%arg14 : memref<!tpu.dma_semaphore, #tpu.memory_space<semaphore_mem>>) src(%arg10 : memref<2048xf32, #tpu.memory_space<vmem>>) dst(%dma_wait3A_1274 : memref<2048xf32, #tpu.memory_space<vmem_shared>>)
      %mul3A_1275 = arith.constant 98304 : i32
      %mul3A_1276 = arith.muli %arg1, %mul3A_1275 : i32
      %add3A_1277 = arith.constant 73728 : i32
      %add3A_1278 = arith.addi %mul3A_1276, %add3A_1277 : i32
      %dma_wait3A_1279 = tpu.memref_slice %arg11[%add3A_1278] : memref<1572864xf32, #tpu.memory_space<vmem_shared>> -> memref<2048xf32, #tpu.memory_space<vmem_shared>>
      %dma_wait3A_1280 = tpu.memref_slice %arg11[%add3A_1278] : memref<1572864xf32, #tpu.memory_space<vmem_shared>> -> memref<2048xf32, #tpu.memory_space<vmem_shared>>
      tpu.wait_dma2 semaphore(%arg14 : memref<!tpu.dma_semaphore, #tpu.memory_space<semaphore_mem>>) src(%arg10 : memref<2048xf32, #tpu.memory_space<vmem>>) dst(%dma_wait3A_1280 : memref<2048xf32, #tpu.memory_space<vmem_shared>>)
      %mul3A_1281 = arith.constant 98304 : i32
      %mul3A_1282 = arith.muli %arg1, %mul3A_1281 : i32
      %add3A_1283 = arith.constant 75776 : i32
      %add3A_1284 = arith.addi %mul3A_1282, %add3A_1283 : i32
      %dma_wait3A_1285 = tpu.memref_slice %arg11[%add3A_1284] : memref<1572864xf32, #tpu.memory_space<vmem_shared>> -> memref<2048xf32, #tpu.memory_space<vmem_shared>>
      %dma_wait3A_1286 = tpu.memref_slice %arg11[%add3A_1284] : memref<1572864xf32, #tpu.memory_space<vmem_shared>> -> memref<2048xf32, #tpu.memory_space<vmem_shared>>
      tpu.wait_dma2 semaphore(%arg14 : memref<!tpu.dma_semaphore, #tpu.memory_space<semaphore_mem>>) src(%arg10 : memref<2048xf32, #tpu.memory_space<vmem>>) dst(%dma_wait3A_1286 : memref<2048xf32, #tpu.memory_space<vmem_shared>>)
      %mul3A_1287 = arith.constant 98304 : i32
      %mul3A_1288 = arith.muli %arg1, %mul3A_1287 : i32
      %add3A_1289 = arith.constant 77824 : i32
      %add3A_1290 = arith.addi %mul3A_1288, %add3A_1289 : i32
      %dma_wait3A_1291 = tpu.memref_slice %arg11[%add3A_1290] : memref<1572864xf32, #tpu.memory_space<vmem_shared>> -> memref<2048xf32, #tpu.memory_space<vmem_shared>>
      %dma_wait3A_1292 = tpu.memref_slice %arg11[%add3A_1290] : memref<1572864xf32, #tpu.memory_space<vmem_shared>> -> memref<2048xf32, #tpu.memory_space<vmem_shared>>
      tpu.wait_dma2 semaphore(%arg14 : memref<!tpu.dma_semaphore, #tpu.memory_space<semaphore_mem>>) src(%arg10 : memref<2048xf32, #tpu.memory_space<vmem>>) dst(%dma_wait3A_1292 : memref<2048xf32, #tpu.memory_space<vmem_shared>>)
      %mul3A_1293 = arith.constant 98304 : i32
      %mul3A_1294 = arith.muli %arg1, %mul3A_1293 : i32
      %add3A_1295 = arith.constant 79872 : i32
      %add3A_1296 = arith.addi %mul3A_1294, %add3A_1295 : i32
      %dma_wait3A_1297 = tpu.memref_slice %arg11[%add3A_1296] : memref<1572864xf32, #tpu.memory_space<vmem_shared>> -> memref<2048xf32, #tpu.memory_space<vmem_shared>>
      %dma_wait3A_1298 = tpu.memref_slice %arg11[%add3A_1296] : memref<1572864xf32, #tpu.memory_space<vmem_shared>> -> memref<2048xf32, #tpu.memory_space<vmem_shared>>
      tpu.wait_dma2 semaphore(%arg14 : memref<!tpu.dma_semaphore, #tpu.memory_space<semaphore_mem>>) src(%arg10 : memref<2048xf32, #tpu.memory_space<vmem>>) dst(%dma_wait3A_1298 : memref<2048xf32, #tpu.memory_space<vmem_shared>>)
      %mul3A_1299 = arith.constant 98304 : i32
      %mul3A_1300 = arith.muli %arg1, %mul3A_1299 : i32
      %add3A_1301 = arith.constant 81920 : i32
      %add3A_1302 = arith.addi %mul3A_1300, %add3A_1301 : i32
      %dma_wait3A_1303 = tpu.memref_slice %arg11[%add3A_1302] : memref<1572864xf32, #tpu.memory_space<vmem_shared>> -> memref<2048xf32, #tpu.memory_space<vmem_shared>>
      %dma_wait3A_1304 = tpu.memref_slice %arg11[%add3A_1302] : memref<1572864xf32, #tpu.memory_space<vmem_shared>> -> memref<2048xf32, #tpu.memory_space<vmem_shared>>
      tpu.wait_dma2 semaphore(%arg14 : memref<!tpu.dma_semaphore, #tpu.memory_space<semaphore_mem>>) src(%arg10 : memref<2048xf32, #tpu.memory_space<vmem>>) dst(%dma_wait3A_1304 : memref<2048xf32, #tpu.memory_space<vmem_shared>>)
      %mul3A_1305 = arith.constant 98304 : i32
      %mul3A_1306 = arith.muli %arg1, %mul3A_1305 : i32
      %add3A_1307 = arith.constant 83968 : i32
      %add3A_1308 = arith.addi %mul3A_1306, %add3A_1307 : i32
      %dma_wait3A_1309 = tpu.memref_slice %arg11[%add3A_1308] : memref<1572864xf32, #tpu.memory_space<vmem_shared>> -> memref<2048xf32, #tpu.memory_space<vmem_shared>>
      %dma_wait3A_1310 = tpu.memref_slice %arg11[%add3A_1308] : memref<1572864xf32, #tpu.memory_space<vmem_shared>> -> memref<2048xf32, #tpu.memory_space<vmem_shared>>
      tpu.wait_dma2 semaphore(%arg14 : memref<!tpu.dma_semaphore, #tpu.memory_space<semaphore_mem>>) src(%arg10 : memref<2048xf32, #tpu.memory_space<vmem>>) dst(%dma_wait3A_1310 : memref<2048xf32, #tpu.memory_space<vmem_shared>>)
      %mul3A_1311 = arith.constant 98304 : i32
      %mul3A_1312 = arith.muli %arg1, %mul3A_1311 : i32
      %add3A_1313 = arith.constant 86016 : i32
      %add3A_1314 = arith.addi %mul3A_1312, %add3A_1313 : i32
      %dma_wait3A_1315 = tpu.memref_slice %arg11[%add3A_1314] : memref<1572864xf32, #tpu.memory_space<vmem_shared>> -> memref<2048xf32, #tpu.memory_space<vmem_shared>>
      %dma_wait3A_1316 = tpu.memref_slice %arg11[%add3A_1314] : memref<1572864xf32, #tpu.memory_space<vmem_shared>> -> memref<2048xf32, #tpu.memory_space<vmem_shared>>
      tpu.wait_dma2 semaphore(%arg14 : memref<!tpu.dma_semaphore, #tpu.memory_space<semaphore_mem>>) src(%arg10 : memref<2048xf32, #tpu.memory_space<vmem>>) dst(%dma_wait3A_1316 : memref<2048xf32, #tpu.memory_space<vmem_shared>>)
      %mul3A_1317 = arith.constant 98304 : i32
      %mul3A_1318 = arith.muli %arg1, %mul3A_1317 : i32
      %add3A_1319 = arith.constant 88064 : i32
      %add3A_1320 = arith.addi %mul3A_1318, %add3A_1319 : i32
      %dma_wait3A_1321 = tpu.memref_slice %arg11[%add3A_1320] : memref<1572864xf32, #tpu.memory_space<vmem_shared>> -> memref<2048xf32, #tpu.memory_space<vmem_shared>>
      %dma_wait3A_1322 = tpu.memref_slice %arg11[%add3A_1320] : memref<1572864xf32, #tpu.memory_space<vmem_shared>> -> memref<2048xf32, #tpu.memory_space<vmem_shared>>
      tpu.wait_dma2 semaphore(%arg14 : memref<!tpu.dma_semaphore, #tpu.memory_space<semaphore_mem>>) src(%arg10 : memref<2048xf32, #tpu.memory_space<vmem>>) dst(%dma_wait3A_1322 : memref<2048xf32, #tpu.memory_space<vmem_shared>>)
      %mul3A_1323 = arith.constant 98304 : i32
      %mul3A_1324 = arith.muli %arg1, %mul3A_1323 : i32
      %add3A_1325 = arith.constant 90112 : i32
      %add3A_1326 = arith.addi %mul3A_1324, %add3A_1325 : i32
      %dma_wait3A_1327 = tpu.memref_slice %arg11[%add3A_1326] : memref<1572864xf32, #tpu.memory_space<vmem_shared>> -> memref<2048xf32, #tpu.memory_space<vmem_shared>>
      %dma_wait3A_1328 = tpu.memref_slice %arg11[%add3A_1326] : memref<1572864xf32, #tpu.memory_space<vmem_shared>> -> memref<2048xf32, #tpu.memory_space<vmem_shared>>
      tpu.wait_dma2 semaphore(%arg14 : memref<!tpu.dma_semaphore, #tpu.memory_space<semaphore_mem>>) src(%arg10 : memref<2048xf32, #tpu.memory_space<vmem>>) dst(%dma_wait3A_1328 : memref<2048xf32, #tpu.memory_space<vmem_shared>>)
      %mul3A_1329 = arith.constant 98304 : i32
      %mul3A_1330 = arith.muli %arg1, %mul3A_1329 : i32
      %add3A_1331 = arith.constant 92160 : i32
      %add3A_1332 = arith.addi %mul3A_1330, %add3A_1331 : i32
      %dma_wait3A_1333 = tpu.memref_slice %arg11[%add3A_1332] : memref<1572864xf32, #tpu.memory_space<vmem_shared>> -> memref<2048xf32, #tpu.memory_space<vmem_shared>>
      %dma_wait3A_1334 = tpu.memref_slice %arg11[%add3A_1332] : memref<1572864xf32, #tpu.memory_space<vmem_shared>> -> memref<2048xf32, #tpu.memory_space<vmem_shared>>
      tpu.wait_dma2 semaphore(%arg14 : memref<!tpu.dma_semaphore, #tpu.memory_space<semaphore_mem>>) src(%arg10 : memref<2048xf32, #tpu.memory_space<vmem>>) dst(%dma_wait3A_1334 : memref<2048xf32, #tpu.memory_space<vmem_shared>>)
      %mul3A_1335 = arith.constant 98304 : i32
      %mul3A_1336 = arith.muli %arg1, %mul3A_1335 : i32
      %add3A_1337 = arith.constant 94208 : i32
      %add3A_1338 = arith.addi %mul3A_1336, %add3A_1337 : i32
      %dma_wait3A_1339 = tpu.memref_slice %arg11[%add3A_1338] : memref<1572864xf32, #tpu.memory_space<vmem_shared>> -> memref<2048xf32, #tpu.memory_space<vmem_shared>>
      %dma_wait3A_1340 = tpu.memref_slice %arg11[%add3A_1338] : memref<1572864xf32, #tpu.memory_space<vmem_shared>> -> memref<2048xf32, #tpu.memory_space<vmem_shared>>
      tpu.wait_dma2 semaphore(%arg14 : memref<!tpu.dma_semaphore, #tpu.memory_space<semaphore_mem>>) src(%arg10 : memref<2048xf32, #tpu.memory_space<vmem>>) dst(%dma_wait3A_1340 : memref<2048xf32, #tpu.memory_space<vmem_shared>>)
      %mul3A_1341 = arith.constant 98304 : i32
      %mul3A_1342 = arith.muli %arg1, %mul3A_1341 : i32
      %add3A_1343 = arith.constant 96256 : i32
      %add3A_1344 = arith.addi %mul3A_1342, %add3A_1343 : i32
      %dma_wait3A_1345 = tpu.memref_slice %arg11[%add3A_1344] : memref<1572864xf32, #tpu.memory_space<vmem_shared>> -> memref<2048xf32, #tpu.memory_space<vmem_shared>>
      %dma_wait3A_1346 = tpu.memref_slice %arg11[%add3A_1344] : memref<1572864xf32, #tpu.memory_space<vmem_shared>> -> memref<2048xf32, #tpu.memory_space<vmem_shared>>
      tpu.wait_dma2 semaphore(%arg14 : memref<!tpu.dma_semaphore, #tpu.memory_space<semaphore_mem>>) src(%arg10 : memref<2048xf32, #tpu.memory_space<vmem>>) dst(%dma_wait3A_1346 : memref<2048xf32, #tpu.memory_space<vmem_shared>>)
      %barrier3A_1347 = arith.constant 0 : index
      tpu.barrier barrier_id(%barrier3A_1347)
      %while3A_1348 = arith.constant 0 : i32
      scf.yield %while3A_1348 : i32
    }
    return
  }
}

module attributes {stable_mosaic.version = 14 : i64} {
  func.func @_keys_body(%arg0: memref<264x1024xi32, #tpu.memory_space<vmem>>, %arg1: memref<264x1024xi32, #tpu.memory_space<vmem>>, %arg2: memref<264x1024xi32, #tpu.memory_space<vmem>>) attributes {dimension_semantics = [], scalar_prefetch = 0 : i64, scratch_operands = 0 : i64, tpu.core_type = #tpu.core_type<tc>} {
    %get3A = arith.constant 0 : index
    %get3A_0 = arith.constant 0 : index
    %get3A_1 = vector.load %arg0[%get3A, %get3A_0] : memref<264x1024xi32, #tpu.memory_space<vmem>>, vector<264x1024xi32>
    %mul3A = arith.constant 16384 : i32
    %mul3A_2 = vector.broadcast %mul3A : i32 to vector<264x1024xi32>
    %mul3A_3 = arith.muli %get3A_1, %mul3A_2 : vector<264x1024xi32>
    %get3A_4 = arith.constant 0 : index
    %get3A_5 = arith.constant 0 : index
    %get3A_6 = vector.load %arg1[%get3A_4, %get3A_5] : memref<264x1024xi32, #tpu.memory_space<vmem>>, vector<264x1024xi32>
    %mul3A_7 = arith.constant 2 : i32
    %mul3A_8 = vector.broadcast %mul3A_7 : i32 to vector<264x1024xi32>
    %mul3A_9 = arith.muli %get3A_6, %mul3A_8 : vector<264x1024xi32>
    %add3A = arith.addi %mul3A_3, %mul3A_9 : vector<264x1024xi32>
    %swap3A = arith.constant 0 : index
    %swap3A_10 = arith.constant 0 : index
    %swap3A_11 = vector.load %arg2[%swap3A, %swap3A_10] : memref<264x1024xi32, #tpu.memory_space<vmem>>, vector<264x1024xi32>
    tpu.vector_store %arg2[%swap3A, %swap3A_10], %add3A {strides = array<i32>} : memref<264x1024xi32, #tpu.memory_space<vmem>>, vector<264x1024xi32>,
    return
  }
}

module attributes {stable_mosaic.version = 14 : i64} {
  func.func @_mlp_body(%arg0: i32, %arg1: memref<2048x3xf32, #tpu.memory_space<vmem>>, %arg2: memref<3x256xf32, #tpu.memory_space<vmem>>, %arg3: memref<1x256xf32, #tpu.memory_space<vmem>>, %arg4: memref<256x256xbf16, #tpu.memory_space<vmem>>, %arg5: memref<1x256xf32, #tpu.memory_space<vmem>>, %arg6: memref<256x4xf32, #tpu.memory_space<vmem>>, %arg7: memref<1x4xf32, #tpu.memory_space<vmem>>, %arg8: memref<2048x4xf32, #tpu.memory_space<vmem>>) attributes {dimension_semantics = [#tpu.dimension_semantics<arbitrary>], iteration_bounds = array<i64: 132>, scalar_prefetch = 0 : i64, scratch_operands = 0 : i64, tpu.core_type = #tpu.core_type<tc>, window_params = [{transform_indices = @transform_0, window_bounds = array<i64: 2048, 3>}, {pipeline_mode = #tpu.pipeline_mode<synchronous>, transform_indices = @transform_1, window_bounds = array<i64: 3, 256>}, {pipeline_mode = #tpu.pipeline_mode<synchronous>, transform_indices = @transform_2, window_bounds = array<i64: 1, 256>}, {pipeline_mode = #tpu.pipeline_mode<synchronous>, transform_indices = @transform_3, window_bounds = array<i64: 256, 256>}, {pipeline_mode = #tpu.pipeline_mode<synchronous>, transform_indices = @transform_4, window_bounds = array<i64: 1, 256>}, {pipeline_mode = #tpu.pipeline_mode<synchronous>, transform_indices = @transform_5, window_bounds = array<i64: 256, 4>}, {pipeline_mode = #tpu.pipeline_mode<synchronous>, transform_indices = @transform_6, window_bounds = array<i64: 1, 4>}, {transform_indices = @transform_7, window_bounds = array<i64: 2048, 4>}]} {
    %get3A = arith.constant 0 : index
    %get3A_0 = arith.constant 0 : index
    %get3A_1 = vector.load %arg1[%get3A, %get3A_0] : memref<2048x3xf32, #tpu.memory_space<vmem>>, vector<2048x3xf32>
    %get3A_2 = arith.constant 0 : index
    %get3A_3 = arith.constant 0 : index
    %get3A_4 = vector.load %arg2[%get3A_2, %get3A_3] : memref<3x256xf32, #tpu.memory_space<vmem>>, vector<3x256xf32>
    %dot_general3A = arith.constant dense<0.000000e+00> : vector<2048x256xf32>
    %dot_general3A_5 = tpu.matmul %get3A_1, %get3A_4, %dot_general3A {dimension_numbers = #tpu.dot_dimension_numbers<[1], [0], [0], [1], [0, 0, 1, 1], [], []>, transpose_lhs_hint = false} : vector<2048x3xf32>, vector<3x256xf32>, vector<2048x256xf32> -> vector<2048x256xf32>
    %get3A_6 = arith.constant 0 : index
    %get3A_7 = arith.constant 0 : index
    %get3A_8 = vector.load %arg3[%get3A_6, %get3A_7] : memref<1x256xf32, #tpu.memory_space<vmem>>, vector<1x256xf32>
    %add3A = vector.broadcast %get3A_8 : vector<1x256xf32> to vector<2048x256xf32>
    %add3A_9 = arith.addf %dot_general3A_5, %add3A : vector<2048x256xf32>
    %tanh3A = math.tanh %add3A_9 : vector<2048x256xf32>
    %convert_element_type3A = arith.truncf %tanh3A : vector<2048x256xf32> to vector<2048x256xbf16>
    %get3A_10 = arith.constant 0 : index
    %get3A_11 = arith.constant 0 : index
    %get3A_12 = vector.load %arg4[%get3A_10, %get3A_11] : memref<256x256xbf16, #tpu.memory_space<vmem>>, vector<256x256xbf16>
    %dot_general3A_13 = arith.constant dense<0.000000e+00> : vector<2048x256xf32>
    %dot_general3A_14 = tpu.matmul %convert_element_type3A, %get3A_12, %dot_general3A_13 {dimension_numbers = #tpu.dot_dimension_numbers<[1], [0], [0], [1], [0, 0, 1, 1], [], []>, transpose_lhs_hint = false} : vector<2048x256xbf16>, vector<256x256xbf16>, vector<2048x256xf32> -> vector<2048x256xf32>
    %get3A_15 = arith.constant 0 : index
    %get3A_16 = arith.constant 0 : index
    %get3A_17 = vector.load %arg5[%get3A_15, %get3A_16] : memref<1x256xf32, #tpu.memory_space<vmem>>, vector<1x256xf32>
    %add3A_18 = vector.broadcast %get3A_17 : vector<1x256xf32> to vector<2048x256xf32>
    %add3A_19 = arith.addf %dot_general3A_14, %add3A_18 : vector<2048x256xf32>
    %tanh3A_20 = math.tanh %add3A_19 : vector<2048x256xf32>
    %get3A_21 = arith.constant 0 : index
    %get3A_22 = arith.constant 0 : index
    %get3A_23 = vector.load %arg6[%get3A_21, %get3A_22] : memref<256x4xf32, #tpu.memory_space<vmem>>, vector<256x4xf32>
    %dot_general3A_24 = arith.constant dense<0.000000e+00> : vector<2048x4xf32>
    %dot_general3A_25 = tpu.matmul %tanh3A_20, %get3A_23, %dot_general3A_24 {dimension_numbers = #tpu.dot_dimension_numbers<[1], [0], [0], [1], [0, 0, 1, 1], [], []>, transpose_lhs_hint = false} : vector<2048x256xf32>, vector<256x4xf32>, vector<2048x4xf32> -> vector<2048x4xf32>
    %get3A_26 = arith.constant 0 : index
    %get3A_27 = arith.constant 0 : index
    %get3A_28 = vector.load %arg7[%get3A_26, %get3A_27] : memref<1x4xf32, #tpu.memory_space<vmem>>, vector<1x4xf32>
    %add3A_29 = vector.broadcast %get3A_28 : vector<1x4xf32> to vector<2048x4xf32>
    %add3A_30 = arith.addf %dot_general3A_25, %add3A_29 : vector<2048x4xf32>
    %swap3A = arith.constant 0 : index
    %swap3A_31 = arith.constant 0 : index
    %swap3A_32 = vector.load %arg8[%swap3A, %swap3A_31] : memref<2048x4xf32, #tpu.memory_space<vmem>>, vector<2048x4xf32>
    tpu.vector_store %arg8[%swap3A, %swap3A_31], %add3A_30 {strides = array<i32>} : memref<2048x4xf32, #tpu.memory_space<vmem>>, vector<2048x4xf32>,
    return
  }
  func.func @transform_0(%arg0: i32) -> (i32, i32) {
    %c0_i32 = arith.constant 0 : i32
    %c0_i32_0 = arith.constant 0 : i32
    return %arg0, %c0_i32 : i32, i32
  }
  func.func @transform_1(%arg0: i32) -> (i32, i32) {
    %c0_i32 = arith.constant 0 : i32
    %c0_i32_0 = arith.constant 0 : i32
    %c0_i32_1 = arith.constant 0 : i32
    return %c0_i32, %c0_i32_0 : i32, i32
  }
  func.func @transform_2(%arg0: i32) -> (i32, i32) {
    %c0_i32 = arith.constant 0 : i32
    %c0_i32_0 = arith.constant 0 : i32
    %c0_i32_1 = arith.constant 0 : i32
    return %c0_i32, %c0_i32_0 : i32, i32
  }
  func.func @transform_3(%arg0: i32) -> (i32, i32) {
    %c0_i32 = arith.constant 0 : i32
    %c0_i32_0 = arith.constant 0 : i32
    %c0_i32_1 = arith.constant 0 : i32
    return %c0_i32, %c0_i32_0 : i32, i32
  }
  func.func @transform_4(%arg0: i32) -> (i32, i32) {
    %c0_i32 = arith.constant 0 : i32
    %c0_i32_0 = arith.constant 0 : i32
    %c0_i32_1 = arith.constant 0 : i32
    return %c0_i32, %c0_i32_0 : i32, i32
  }
  func.func @transform_5(%arg0: i32) -> (i32, i32) {
    %c0_i32 = arith.constant 0 : i32
    %c0_i32_0 = arith.constant 0 : i32
    %c0_i32_1 = arith.constant 0 : i32
    return %c0_i32, %c0_i32_0 : i32, i32
  }
  func.func @transform_6(%arg0: i32) -> (i32, i32) {
    %c0_i32 = arith.constant 0 : i32
    %c0_i32_0 = arith.constant 0 : i32
    %c0_i32_1 = arith.constant 0 : i32
    return %c0_i32, %c0_i32_0 : i32, i32
  }
  func.func @transform_7(%arg0: i32) -> (i32, i32) {
    %c0_i32 = arith.constant 0 : i32
    %c0_i32_0 = arith.constant 0 : i32
    return %arg0, %c0_i32 : i32, i32
  }
}

</mosaic_0001>

<sc_bundles>
// kernel: _impl.5.cloned.1.call-start
scs
__scs_entry_jumppad:
0x0: {  	(pc) =	sbr.rel $0x88, $3  }
0x1: {  	(tag) =	ssettag $0x0;
	lr =	simm.s32 $0x1  }
0x2: {  	[smem:$0x3F99] =	sst lr;
	_ =	strace $0xD0000000  }
0x3: {  	_ = 	snop  }
0x4: {  	_ = 	snop  }
0x5: {  	_ = 	snop  }
0x6: {  	_ = 	snop  }
0x7: {  	_ = 	snop  }
__scs_overlays_trampoline_lowered:
0x8: {  	[smem:$0x3FA8] =	sst s0  }
0x9: {  	[smem:$0x3FA9] =	sst s1  }
0xa: {  	[smem:$0x3FAA] =	sst s2  }
0xb: {  	[smem:$0x3FAB] =	sst s3  }
0xc: {  	[smem:$0x3FAC] =	sst s4  }
0xd: {  	[smem:$0x3FAD] =	sst s5  }
0xe: {  	[smem:$0x3FAE] =	sst s6  }
0xf: {  	[smem:$0x3FAF] =	sst s7  }
0x10: {  	[smem:$0x3FB0] =	sst s8  }
0x11: {  	[smem:$0x3FB1] =	sst s9;
	s0 =	simm.s32 @!p0 $0x0  }
0x12: {  	s1 =	sld [smem:$0x3F97];
	s0 =	simm.s32 @p0 $0x1  }
0x13: {  	[smem:$0x3FB2] =	sst s0;
	s0 =	simm.s32 @!p1 $0x0  }
0x14: {  	s2 =	sld [smem:$0x3F96];
	s0 =	simm.s32 @p1 $0x1  }
0x15: {  	[smem:$0x3FB3] =	sst s0;
	s0 =	simm.s32 @!p2 $0x0  }
0x16: {  	s3 =	sld [smem:$0x3FDB];
	s0 =	simm.s32 @p2 $0x1  }
0x17: {  	s4 =	simm.s32 $0x1BF5;
	[smem:$0x3FB5] =	sst s0  }
0x18: {  	s0 =	sld [smem:$0x3F98];
	_ =	swait.ge [sflag:s4], $0x0  }
0x19: {  	s7 =	sld [smem:$0x3F99]  }
0x1a: {  	s8 =	sadd.s32 $0xFFFFE003, lr  }
0x1b: {  	s9 =	sadd.s32 $0xFFFFFEF7, lr;
	s5 =	simm.s32 $0xFFFFFFFF;
	p2 =	slt.u32 s8, $0xFFFFF086  }
0x1c: {  	p1 =	slt.u32 s9, $0xF7A;
	s5 =	simm.s32 @!p2 $0x0  }
0x1d: {  	s5 =	simm.s32 @p1 $0x1;
	p0 =	seq.s32 s7, s2  }
0x1e: {  	s7 =	smul.u32 @!p0 $0xF7A, s2;
	p2 =	seq.s32 @!p0 s5, $0x0  }
0x1f: {  	s9 =	smul.u32 $0xF7A, s1;
	s8 =	simm.s32 @!p0 $0x1BF5;
	p2 =	por !p2, p0  }
0x20: {  	[sflag:s8] =	ssyncset.s32 @!p0 $0xFFFFF086;
	s6 =	sadd.s32 @!p0 s3, s7;
	s7 =	simm.s32 @!p0 $0x108  }
0x21: {  	s3 =	sadd.s32 s3, s9;
	s6 =	sadd.s32 @!p0 $0x88, s6;
	s7 =	simm.s32 @p2 $0x1082  }
0x22: {  	[simem:s7], [sflag:s8] =	dma.local @!p0 [hbm:s6], $0xF7A  }
0x23: {  	s9 =	sor.u32 $0xD0000000, s2;
	s6 =	simm.s32 $0x108;
	_ =	swait.ge @!p0 [sflag:s8], $0x0  }
0x24: {  	s3 =	sadd.s32 $0x88, s3;
	s6 =	simm.s32 @!p1 $0x1082;
	[sflag:s4] =	ssyncset.s32 $0xFFFFF086  }
0x25: {  	[simem:s6], [sflag:s4] =	dma.local [hbm:s3], $0xF7A  }
0x26: {  	[smem:$0x3F99] =	sst s1;
	(tag) =	ssettag s2;
	_ =	strace s9  }
0x27: {  	s1 =	sld [smem:$0x3FA9]  }
0x28: {  	s2 =	sld [smem:$0x3FAA]  }
0x29: {  	s4 =	sld [smem:$0x3FAC]  }
0x2a: {  	p0 =	seq.s32 s5, $0x0;
	s5 =	sld [smem:$0x3FAD]  }
0x2b: {  	s6 =	sld [smem:$0x3FAE]  }
0x2c: {  	s7 =	sld [smem:$0x3FAF]  }
0x2d: {  	s3 =	simm.s32 $0x108;
	s8 =	sld [smem:$0x3FB0]  }
0x2e: {  	s3 =	simm.s32 @!p0 $0x1082;
	s9 =	sld [smem:$0x3FB1]  }
0x2f: {  	lr =	sadd.s32 s0, s3;
	s0 =	sld [smem:$0x3FA8]  }
0x30: {  	s3 =	sld [smem:$0x3FAB]  }
0x31: {  	[smem:$0x3FB4] =	sst s10  }
0x32: {  	s10 =	sld [smem:$0x3FB2];
	_ =	sdelay $0x3  }
0x33: {  	p0 =	seq.s32 s10, $0x1;
	s10 =	sld [smem:$0x3FB4];
	_ =	sdelay $0x3  }
0x34: {  	[smem:$0x3FB4] =	sst s10  }
0x35: {  	s10 =	sld [smem:$0x3FB3];
	_ =	sdelay $0x3  }
0x36: {  	p1 =	seq.s32 s10, $0x1;
	s10 =	sld [smem:$0x3FB4];
	_ =	sdelay $0x3  }
0x37: {  	[smem:$0x3FB4] =	sst s10  }
0x38: {  	s10 =	sld [smem:$0x3FB5]  }
0x39: {  	_ = 	snop;
	(pc) =	sbr.ind lr, $3  }
0x3a: {  	_ = 	snop  }
0x3b: {  	_ = 	snop  }
0x3c: {  	p2 =	seq.s32 s10, $0x1;
	s10 =	sld [smem:$0x3FB4]  }
0x3d: {  	_ =	shalt  }
0x3e: {  	_ =	shalt  }
0x3f: {  	_ =	shalt  }
0x40: {  	_ =	shalt  }
0x41: {  	_ =	shalt  }
0x42: {  	_ =	shalt  }
0x43: {  	_ =	shalt  }
0x44: {  	_ =	shalt  }
0x45: {  	_ =	shalt  }
0x46: {  	_ =	shalt  }
0x47: {  	_ =	shalt  }
0x48: {  	_ =	shalt  }
0x49: {  	_ =	shalt  }
0x4a: {  	_ =	shalt  }
0x4b: {  	_ =	shalt  }
0x4c: {  	_ =	shalt  }
0x4d: {  	_ =	shalt  }
0x4e: {  	_ =	shalt  }
0x4f: {  	_ =	shalt  }
0x50: {  	_ =	shalt  }
0x51: {  	_ =	shalt  }
0x52: {  	_ =	shalt  }
0x53: {  	_ =	shalt  }
0x54: {  	_ =	shalt  }
0x55: {  	_ =	shalt  }
0x56: {  	_ =	shalt  }
0x57: {  	_ =	shalt  }
0x58: {  	_ =	shalt  }
0x59: {  	_ =	shalt  }
0x5a: {  	_ =	shalt  }
0x5b: {  	_ =	shalt  }
0x5c: {  	_ =	shalt  }
0x5d: {  	_ =	shalt  }
0x5e: {  	_ =	shalt  }
0x5f: {  	_ =	shalt  }
0x60: {  	_ =	shalt  }
0x61: {  	_ =	shalt  }
0x62: {  	_ =	shalt  }
0x63: {  	_ =	shalt  }
0x64: {  	_ =	shalt  }
0x65: {  	_ =	shalt  }
0x66: {  	_ =	shalt  }
0x67: {  	_ =	shalt  }
0x68: {  	_ =	shalt  }
0x69: {  	_ =	shalt  }
0x6a: {  	_ =	shalt  }
0x6b: {  	_ =	shalt  }
0x6c: {  	_ =	shalt  }
0x6d: {  	_ =	shalt  }
0x6e: {  	_ =	shalt  }
0x6f: {  	_ =	shalt  }
0x70: {  	_ =	shalt  }
0x71: {  	_ =	shalt  }
0x72: {  	_ =	shalt  }
0x73: {  	_ =	shalt  }
0x74: {  	_ =	shalt  }
0x75: {  	_ =	shalt  }
0x76: {  	_ =	shalt  }
0x77: {  	_ =	shalt  }
0x78: {  	_ =	shalt  }
0x79: {  	_ =	shalt  }
0x7a: {  	_ =	shalt  }
0x7b: {  	_ =	shalt  }
0x7c: {  	_ =	shalt  }
0x7d: {  	_ =	shalt  }
0x7e: {  	_ =	shalt  }
0x7f: {  	_ =	shalt  }
0x80: {  	_ =	shalt  }
0x81: {  	_ =	shalt  }
0x82: {  	_ =	shalt  }
0x83: {  	_ =	shalt  }
0x84: {  	_ =	shalt  }
0x85: {  	_ =	shalt  }
0x86: {  	_ =	shalt  }
0x87: {  	_ =	shalt  }
.Lfunc_end0:
.L_simem_size_0:
called_computation_lowered:
.L_overlay_start_0:
0x88: {  	s2 =	sld [smem:$0x3FD9]  }
0x89: {  	s3 =	sld [smem:$0x3FFE];
	_ =	sdelay $0x1  }
0x8a: {  	s1 =	srdreg.scid  }
0x8b: {  	s0 =	sand.u32 $0x1, s1  }
0x8c: {  	s17 =	sshll.u32 s0, $0xA;
	s2 =	sadd.s32 s3, s2  }
0x8d: {  	s2 =	sadd.s32 s2, s17  }
0x8e: {  	[smem:$0x3FC0] =	sst s2  }
0x8f: {  	_ = 	snop  }
0x90: {  	s2 =	sld [smem:$0x3FD0];
	(tm) =	ssettm $0x1  }
0x91: {  	s18 =	sld [smem:$0x3FFB];
	_ =	sdelay $0x3  }
0x92: {  	_ =	strace s18  }
0x93: {  	s3 =	sld [smem:$0x3FFC];
	_ =	sdelay $0x3  }
0x94: {  	_ =	strace s3  }
0x95: {  	s3 =	sld [smem:$0x3FFD];
	_ =	sdelay $0x3  }
0x96: {  	_ =	strace s3  }
0x97: {  	_ =	strace $0x8FFFFFFF  }
0x98: {  	s19 =	sld [smem:$0x3FDB];
	_ =	sdelay $0x1  }
0x99: {  	s4 =	simm.s32 $_scs_section_size  }
0x9a: {  	s5 =	simm.s32 $_size__tile_overlayer_lowered;
	s6 =	simm.s32 $_tile_overlayer_lowered  }
0x9b: {  	s22 =	simm.s32 $0x1BFF;
	s21 =	sshll.u32 s6, $0x1;
	s3 =	sadd.s32 s4, s19  }
0x9c: {  	s7 =	simm.s32 $0x0;
	s20 =	sshll.u32 s5, $0x1;
	s5 =	sadd.s32 s21, s3  }
0x9d: {  	[timem:s7], [sflag:s22] =	dma.local [hbm:s5], s20  }
0x9e: {  	_ =	swait.ge [sflag:s22], s20  }
0x9f: {  	s4 =	ssub.s32 $0x0, s20;
	[sflag:s22] =	ssyncset.done $0x0  }
0xa0: {  	[sflag:s22] =	ssyncadd.s32 s4;
	_ =	sdelay $0x1  }
0xa1: {  	s23 =	simm.s32 $0x1B8B  }
0xa2: {  	_ =	swait.ge [sflag:s23], $0x1  }
0xa3: {  	[sflag:s23] =	ssyncset.done $0x0  }
0xa4: {  	s25 =	simm.s32 $0x1B8E;
	s24 =	sld [smem:$0x3FFE];
	[sflag:s23] =	ssyncadd.s32 $0xFFFFFFFF  }
0xa5: {  	s26 =	simm.s32 $execute0_lowered;
	[smem:$0x3FD2] =	sst s25  }
0xa6: {  	s5 =	sshll.u32 s26, $0x1;
	_ =	strace $0x80000046;
	[dreg:$0x1] =	wrdreg $0xFFFFFFFF  }
0xa7: {  	s28 =	simm.s32 $_size_execute0_lowered;
	s3 =	sadd.s32 s3, s5;
	[dreg:$0x0] =	wrdreg $0x0  }
0xa8: {  	s5 =	sshll.u32 s28, $0x1;
	[dreg:$0x2] =	wrdreg s3  }
0xa9: {  	[dreg:$0x3] =	wrdreg s5  }
0xaa: {  	[dreg:$0x4] =	wrdreg $0xC0  }
0xab: {  	_ =	task [dreg:s7], $0x5FFFF  }
0xac: {  	[dreg:$0x1] =	wrdreg $0xFFFFFFFF  }
0xad: {  	[dreg:$0x0] =	wrdreg $0x60  }
0xae: {  	[dreg:$0x2] =	wrdreg s24  }
0xaf: {  	[dreg:$0x3] =	wrdreg s2  }
0xb0: {  	[dreg:$0x4] =	wrdreg $0x7A000  }
0xb1: {  	[dreg:$0x5] =	wrdreg $0x9  }
0xb2: {  	_ =	task.clear_ibuf [dreg:s7], $0x6FFFF;
	_ =	strace $0x90000046  }
0xb3: {  	s29 =	simm.s32 $0x9;
	_ =	strace $0x80000048  }
0xb4: {  	_ =	swait.ge [sflag:s29], $0x1  }
0xb5: {  	[sflag:s29] =	ssyncadd.s32 $0xFFFFFFFF  }
0xb6: {  	_ =	strace $0x90000048  }
0xb7: {  	_ =	sfence  }
0xb8: {  	s30 =	sld [smem:$0x0];
	_ =	sdelay $0x2  }
0xb9: {  	s31 =	sshll.u32 s1, $0xD;
	s1 =	sshrl.u32 s1, $0x2  }
0xba: {  	s3 =	sand.u32 $0x4000, s31;
	s1 =	sadd.s32 s1, s30  }
0xbb: {  	s0 =	sor.u32 s3, s0;
	s1 =	sshll.u32 s1, $0x11  }
0xbc: {  	s0 =	sor.u32 s1, s0  }
0xbd: {  	s0 =	sadd.s32 $0x8F2B, s0  }
0xbe: {  	[sflag:s0] =	ssyncadd.remote.s32 $0x1  }
0xbf: {  	_ =	sfence.sel $0xFFFF  }
0xc0: {  	[dreg:$0x0] =	wrdreg $0xFFFFFFFF;
	(pc) =	sbr.abs _section_cstart, $3  }
0xc1: {  	[dreg:$0x1] =	wrdreg $0xFFFFFFFF  }
0xc2: {  	_ =	task.clear_ibuf [dreg:s7], $0x2FFFF;
	_ =	strace $0x9FFFFFFF  }
0xc3: {  	(tm) =	ssettm $0x7FFFFFFF  }
tec
execute0_lowered:
.L_overlay_start_1:
0x0: {  	(tag) =	ssettag $0x1  }
0x1: {  	s0 =	rddreg [dreg:$0x0]  }
0x2: {  	s1 =	rddreg [dreg:$0x1]  }
0x3: {  	s3 =	rddreg [dreg:$0x2];
	s2 =	simm.s32 $0x0;
	s7 =	stileid.u32  }
0x4: {  	s4 =	srdreg.scid;
	[smem:$0x7FF] =	sst s2  }
0x5: {  	s4 =	sand.u32 $0x1, s4;
	s8 =	smul.u32 $0x18000, s7;
	s6 =	sadd.s32 $0x8A00, s0  }
0x6: {  	s9 =	sadd.s32 $0x8C00, s0;
	_ =	strace $0x80000047;
	[dreg:$0x5] =	wrdreg s6  }
0x7: {  	s5 =	ssub.s32 $0x2, s4;
	[dreg:$0x6] =	wrdreg s9  }
0x8: {  	s18 =	ssub.s32 $0x16, s4;
	s4 =	smul.u32 $0x16, s4;
	[dreg:$0x4] =	wrdreg s8  }
0x9: {  	s8 =	sadd.s32 s8, s3;
	[dreg:$0x13] =	wrdreg s18  }
0xa: {  	s25 =	sadd.s32 $0x800, s8;
	[dreg:$0x14] =	wrdreg s4  }
0xb: {  	s23 =	sshrl.u32 s5, $0x1;
	s26 =	sadd.s32 $0x1000, s8;
	[dreg:$0x8] =	wrdreg s25  }
0xc: {  	s24 =	ssub.s32 s5, s23;
	s5 =	sadd.s32 $0x1800, s8;
	[dreg:$0x9] =	wrdreg s26  }
0xd: {  	s6 =	sadd.s32 $0x2000, s8;
	[dreg:$0xa] =	wrdreg s5  }
0xe: {  	s10 =	sadd.s32 $0x2800, s8;
	[dreg:$0xb] =	wrdreg s6  }
0xf: {  	s11 =	sadd.s32 $0x3000, s8;
	[dreg:$0xc] =	wrdreg s10  }
0x10: {  	s12 =	sadd.s32 $0x3800, s8;
	[dreg:$0xd] =	wrdreg s11  }
0x11: {  	s13 =	sadd.s32 $0x4000, s8;
	[dreg:$0xe] =	wrdreg s12  }
0x12: {  	s14 =	sadd.s32 $0x4800, s8;
	[dreg:$0xf] =	wrdreg s13  }
0x13: {  	s15 =	sadd.s32 $0x5000, s8;
	[dreg:$0x10] =	wrdreg s14  }
0x14: {  	s17 =	sadd.s32 $0x5800, s8;
	[dreg:$0x11] =	wrdreg s15  }
0x15: {  	s22 =	smul.u32 $0x4200, s7;
	s20 =	sadd.s32 $0x6000, s8;
	[dreg:$0x12] =	wrdreg s17  }
0x16: {  	s21 =	sadd.s32 $0x6800, s8;
	[dreg:$0x18] =	wrdreg s20  }
0x17: {  	s2 =	sshrl.u32 s22, $0x3;
	s22 =	sadd.s32 $0x7000, s8;
	[dreg:$0x19] =	wrdreg s21  }
0x18: {  	s23 =	sadd.s32 $0x7800, s8;
	[dreg:$0x1a] =	wrdreg s22  }
0x19: {  	s4 =	sadd.s32 $0xA000, s8;
	[dreg:$0x1b] =	wrdreg s23  }
0x1a: {  	s2 =	sadd.s32 s2, s0;
	s18 =	sadd.s32 $0x10000, s8;
	[smem:$0x7E9] =	sst s4  }
0x1b: {  	s2 =	sadd.s32 $0x600, s2;
	[smem:$0x7F5] =	sst s18  }
0x1c: {  	s0 =	smax.u32 s24, $0x1;
	[dreg:$0x7] =	wrdreg s2  }
0x1d: {  	s24 =	sadd.s32 $0x8000, s8;
	[dreg:$0x17] =	wrdreg s0  }
0x1e: {  	s25 =	sadd.s32 $0x8800, s8;
	[dreg:$0x1c] =	wrdreg s24  }
0x1f: {  	s26 =	sadd.s32 $0x9000, s8;
	[dreg:$0x1d] =	wrdreg s25  }
0x20: {  	s5 =	sadd.s32 $0xA800, s8;
	[dreg:$0x1e] =	wrdreg s26  }
0x21: {  	s6 =	sadd.s32 $0xB000, s8;
	[smem:$0x7EA] =	sst s5  }
0x22: {  	s10 =	sadd.s32 $0xC000, s8;
	[smem:$0x7EB] =	sst s6  }
0x23: {  	s11 =	sadd.s32 $0xC800, s8;
	[smem:$0x7ED] =	sst s10  }
0x24: {  	s16 =	sshll.u32 s7, $0xD;
	s12 =	sadd.s32 $0xD000, s8;
	[smem:$0x7EE] =	sst s11  }
0x25: {  	s19 =	sshll.u32 s7, $0x10;
	s13 =	sadd.s32 $0xD800, s8;
	[smem:$0x7EF] =	sst s12  }
0x26: {  	s28 =	sadd.s32 $0x14800, s8;
	s14 =	sadd.s32 $0xE000, s8;
	[smem:$0x7F0] =	sst s13  }
0x27: {  	s29 =	sadd.s32 $0x15000, s8;
	s15 =	sadd.s32 $0xE800, s8;
	[smem:$0x7F1] =	sst s14  }
0x28: {  	s30 =	sadd.s32 $0x15800, s8;
	s17 =	sadd.s32 $0xF800, s8;
	[smem:$0x7F2] =	sst s15  }
0x29: {  	s31 =	sadd.s32 $0x16000, s8;
	s20 =	sadd.s32 $0x11000, s8;
	[smem:$0x7F4] =	sst s17  }
0x2a: {  	s21 =	sadd.s32 $0x11800, s8;
	s22 =	sadd.s32 $0x12000, s8;
	[smem:$0x7F7] =	sst s20  }
0x2b: {  	s23 =	sadd.s32 $0x12800, s8;
	s4 =	sadd.s32 $0x17000, s8;
	[smem:$0x7F8] =	sst s21  }
0x2c: {  	s2 =	sadd.s32 s16, s9;
	s9 =	sadd.s32 $0xB800, s8;
	[smem:$0x7F9] =	sst s22  }
0x2d: {  	s16 =	sadd.s32 $0xF000, s8;
	[smem:$0x7FA] =	sst s23;
	s24 =	sadd.s32 $0x13000, s8  }
0x2e: {  	s25 =	sadd.s32 $0x13800, s8;
	s26 =	sadd.s32 $0x14000, s8;
	[smem:$0x7EC] =	sst s9  }
0x2f: {  	s0 =	sadd.s32 $0x16800, s8;
	s6 =	sadd.s32 $0x17800, s8;
	[smem:$0x7F3] =	sst s16  }
0x30: {  	s5 =	simm.s32 $0x4200;
	s21 =	simm.s32 $0x80;
	[smem:$0x7FB] =	sst s24  }
0x31: {  	s22 =	simm.s32 $0x1;
	s23 =	simm.s32 $0x2;
	[smem:$0x7FC] =	sst s25  }
.Ltmp0:
0x32: {  	s2 =	sadd.s32 $0x7E0000, s2;
	[smem:$0x7FD] =	sst s26;
	(pc) =	sbr.rel .LBB2_1-.Ltmp0, $4  }
0x33: {  	v0 =	vlaneseq.u32;
	s11 =	simm.s32 $0x0;
	[dreg:$0x15] =	wrdreg s2;
	s2 =	sadd.s32 s19, s3  }
0x34: {  	v1 =	vmul.u32 $0x4, v0;
	s9 =	smul.u32 $0x10800, s7;
	s19 =	sadd.s32 $0x10800, s8;
	[dreg:$0x16] =	wrdreg s2  }
0x35: {  	v2 =	vimm.s32 $0x1;
	v6 =	vimm.s32 $0x108000;
	v7 =	vimm.s32 $0x0;
	s25 =	simm.s32 $0x7200;
	s2 =	sadd.s32 $0x9800, s8;
	[smem:$0x7F6] =	sst s19  }
0x36: {  	v3 =	vor.u32 $0x1, v1;
	v4 =	vor.u32 $0x2, v1;
	v5 =	vor.u32 $0x3, v1;
	s7 =	simm.s32 $0x5200;
	[dreg:$0x1f] =	wrdreg s2;
	s2 =	simm.s32 $0x3  }
.LBB2_27:
0x37: {  	s11 =	sld [smem:$0x7E8];
	_ =	sdelay $0x2  }
0x38: {  	s10 =	rddreg [dreg:$0x17];
	s11 =	sadd.s32 $0x1, s11  }
0x39: {  	p0 =	sne.s32 s11, s10  }
.Ltmp1:
0x3a: {  	_ = 	snop;
	(pc) =	sbr.rel @!p0 .LBB2_28-.Ltmp1, $1  }
0x3b: {  	_ =	sdelay $0x3  }
.LBB2_1:
0x3c: {  	[smem:$0x7E8] =	sst s11  }
0x3d: {  	s10 =	simm.s32 $0x0;
	s17 =	rddreg [dreg:$0x7];
	s12 =	simm.s32 $0x4  }
0x3e: {  	[tilespmem:s10], [sflag:$0x4] =	stream.linear.gather [hbm4b:s17+s10], $0x4200, $0x38;
	[tilespmem:$0x1FA00] =	vst v63  }
0x3f: {  	_ =	swait.ge [sflag:s12], $0x4200  }
0x40: {  	[sflag:s12] =	ssyncset.done $0x0  }
0x41: {  	s18 =	rddreg [dreg:$0x5];
	[sflag:s12] =	ssyncadd.s32 $0xFFFFBE00  }
0x42: {  	[tilespmem:s25], [sflag:$0x4] =	stream.linear.gather [hbm4b:s18+s10], $0x800, $0x38;
	[tilespmem:$0x1FA00] =	vst v63  }
0x43: {  	_ =	swait.ge [sflag:s12], $0x800  }
0x44: {  	[sflag:s12] =	ssyncset.done $0x0  }
0x45: {  	s19 =	rddreg [dreg:$0x8];
	[sflag:s12] =	ssyncadd.s32 $0xFFFFF800  }
0x46: {  	[spmem:s8] =	stream.linear.scatter [tilespmem:s25], [sflag:$0x3], $0x800, $0x38;
	[tilespmem:$0x1FA00] =	vst v63  }
0x47: {  	s20 =	rddreg [dreg:$0x9]  }
0x48: {  	[spmem:s19] =	stream.linear.scatter [tilespmem:s25], [sflag:$0x3], $0x800, $0x38;
	[tilespmem:$0x1FA00] =	vst v63  }
0x49: {  	s24 =	rddreg [dreg:$0xa]  }
0x4a: {  	[spmem:s20] =	stream.linear.scatter [tilespmem:s25], [sflag:$0x3], $0x800, $0x38;
	[tilespmem:$0x1FA00] =	vst v63  }
0x4b: {  	s26 =	rddreg [dreg:$0xb]  }
0x4c: {  	[spmem:s24] =	stream.linear.scatter [tilespmem:s25], [sflag:$0x3], $0x800, $0x38;
	[tilespmem:$0x1FA00] =	vst v63  }
0x4d: {  	s11 =	rddreg [dreg:$0xc]  }
0x4e: {  	[spmem:s26] =	stream.linear.scatter [tilespmem:s25], [sflag:$0x3], $0x800, $0x38;
	[tilespmem:$0x1FA00] =	vst v63  }
0x4f: {  	s13 =	rddreg [dreg:$0xe]  }
0x50: {  	[spmem:s11] =	stream.linear.scatter [tilespmem:s25], [sflag:$0x3], $0x800, $0x38;
	[tilespmem:$0x1FA00] =	vst v63  }
0x51: {  	s12 =	rddreg [dreg:$0xd]  }
0x52: {  	[spmem:s12] =	stream.linear.scatter [tilespmem:s25], [sflag:$0x3], $0x800, $0x38;
	[tilespmem:$0x1FA00] =	vst v63  }
0x53: {  	s14 =	rddreg [dreg:$0xf]  }
0x54: {  	[spmem:s13] =	stream.linear.scatter [tilespmem:s25], [sflag:$0x3], $0x800, $0x38;
	[tilespmem:$0x1FA00] =	vst v63  }
0x55: {  	s15 =	rddreg [dreg:$0x10]  }
0x56: {  	[spmem:s14] =	stream.linear.scatter [tilespmem:s25], [sflag:$0x3], $0x800, $0x38;
	[tilespmem:$0x1FA00] =	vst v63  }
0x57: {  	s16 =	rddreg [dreg:$0x11]  }
0x58: {  	[spmem:s15] =	stream.linear.scatter [tilespmem:s25], [sflag:$0x3], $0x800, $0x38;
	[tilespmem:$0x1FA00] =	vst v63  }
0x59: {  	s17 =	rddreg [dreg:$0x12]  }
0x5a: {  	[spmem:s16] =	stream.linear.scatter [tilespmem:s25], [sflag:$0x3], $0x800, $0x38;
	[tilespmem:$0x1FA00] =	vst v63  }
0x5b: {  	s18 =	rddreg [dreg:$0x18]  }
0x5c: {  	[spmem:s17] =	stream.linear.scatter [tilespmem:s25], [sflag:$0x3], $0x800, $0x38;
	[tilespmem:$0x1FA00] =	vst v63  }
0x5d: {  	s19 =	rddreg [dreg:$0x19]  }
0x5e: {  	[spmem:s18] =	stream.linear.scatter [tilespmem:s25], [sflag:$0x3], $0x800, $0x38;
	[tilespmem:$0x1FA00] =	vst v63  }
0x5f: {  	s20 =	rddreg [dreg:$0x1a]  }
0x60: {  	[spmem:s19] =	stream.linear.scatter [tilespmem:s25], [sflag:$0x3], $0x800, $0x38;
	[tilespmem:$0x1FA00] =	vst v63  }
0x61: {  	s24 =	rddreg [dreg:$0x1b]  }
0x62: {  	[spmem:s20] =	stream.linear.scatter [tilespmem:s25], [sflag:$0x3], $0x800, $0x38;
	[tilespmem:$0x1FA00] =	vst v63  }
0x63: {  	s26 =	rddreg [dreg:$0x1c]  }
0x64: {  	[spmem:s24] =	stream.linear.scatter [tilespmem:s25], [sflag:$0x3], $0x800, $0x38;
	[tilespmem:$0x1FA00] =	vst v63  }
0x65: {  	s11 =	rddreg [dreg:$0x1d]  }
0x66: {  	[spmem:s26] =	stream.linear.scatter [tilespmem:s25], [sflag:$0x3], $0x800, $0x38;
	[tilespmem:$0x1FA00] =	vst v63  }
0x67: {  	s12 =	rddreg [dreg:$0x1e]  }
0x68: {  	[spmem:s11] =	stream.linear.scatter [tilespmem:s25], [sflag:$0x3], $0x800, $0x38;
	[tilespmem:$0x1FA00] =	vst v63  }
0x69: {  	s13 =	rddreg [dreg:$0x1f]  }
0x6a: {  	[spmem:s12] =	stream.linear.scatter [tilespmem:s25], [sflag:$0x3], $0x800, $0x38;
	[tilespmem:$0x1FA00] =	vst v63  }
0x6b: {  	s14 =	sld [smem:$0x7E9]  }
0x6c: {  	[spmem:s13] =	stream.linear.scatter [tilespmem:s25], [sflag:$0x3], $0x800, $0x38;
	[tilespmem:$0x1FA00] =	vst v63  }
0x6d: {  	s15 =	sld [smem:$0x7EA]  }
0x6e: {  	[spmem:s14] =	stream.linear.scatter [tilespmem:s25], [sflag:$0x3], $0x800, $0x38;
	[tilespmem:$0x1FA00] =	vst v63  }
0x6f: {  	s16 =	sld [smem:$0x7EB]  }
0x70: {  	[spmem:s15] =	stream.linear.scatter [tilespmem:s25], [sflag:$0x3], $0x800, $0x38;
	[tilespmem:$0x1FA00] =	vst v63  }
0x71: {  	s17 =	sld [smem:$0x7EC]  }
0x72: {  	[spmem:s16] =	stream.linear.scatter [tilespmem:s25], [sflag:$0x3], $0x800, $0x38;
	[tilespmem:$0x1FA00] =	vst v63  }
0x73: {  	s18 =	sld [smem:$0x7ED]  }
0x74: {  	[spmem:s17] =	stream.linear.scatter [tilespmem:s25], [sflag:$0x3], $0x800, $0x38;
	[tilespmem:$0x1FA00] =	vst v63  }
0x75: {  	s19 =	sld [smem:$0x7EE]  }
0x76: {  	[spmem:s18] =	stream.linear.scatter [tilespmem:s25], [sflag:$0x3], $0x800, $0x38;
	[tilespmem:$0x1FA00] =	vst v63  }
0x77: {  	s20 =	sld [smem:$0x7EF]  }
0x78: {  	[spmem:s19] =	stream.linear.scatter [tilespmem:s25], [sflag:$0x3], $0x800, $0x38;
	[tilespmem:$0x1FA00] =	vst v63  }
0x79: {  	s24 =	sld [smem:$0x7F0]  }
0x7a: {  	[spmem:s20] =	stream.linear.scatter [tilespmem:s25], [sflag:$0x3], $0x800, $0x38;
	[tilespmem:$0x1FA00] =	vst v63  }
0x7b: {  	s26 =	sld [smem:$0x7F1]  }
0x7c: {  	[spmem:s24] =	stream.linear.scatter [tilespmem:s25], [sflag:$0x3], $0x800, $0x38;
	[tilespmem:$0x1FA00] =	vst v63  }
0x7d: {  	s11 =	sld [smem:$0x7F2]  }
0x7e: {  	[spmem:s26] =	stream.linear.scatter [tilespmem:s25], [sflag:$0x3], $0x800, $0x38;
	[tilespmem:$0x1FA00] =	vst v63  }
0x7f: {  	s12 =	sld [smem:$0x7F3]  }
0x80: {  	[spmem:s11] =	stream.linear.scatter [tilespmem:s25], [sflag:$0x3], $0x800, $0x38;
	[tilespmem:$0x1FA00] =	vst v63  }
0x81: {  	s13 =	sld [smem:$0x7F4]  }
0x82: {  	[spmem:s12] =	stream.linear.scatter [tilespmem:s25], [sflag:$0x3], $0x800, $0x38;
	[tilespmem:$0x1FA00] =	vst v63  }
0x83: {  	s14 =	sld [smem:$0x7F5]  }
0x84: {  	[spmem:s13] =	stream.linear.scatter [tilespmem:s25], [sflag:$0x3], $0x800, $0x38;
	[tilespmem:$0x1FA00] =	vst v63  }
0x85: {  	s15 =	sld [smem:$0x7F6]  }
0x86: {  	[spmem:s14] =	stream.linear.scatter [tilespmem:s25], [sflag:$0x3], $0x800, $0x38;
	[tilespmem:$0x1FA00] =	vst v63  }
0x87: {  	s16 =	sld [smem:$0x7F7]  }
0x88: {  	[spmem:s15] =	stream.linear.scatter [tilespmem:s25], [sflag:$0x3], $0x800, $0x38;
	[tilespmem:$0x1FA00] =	vst v63  }
0x89: {  	s17 =	sld [smem:$0x7F8]  }
0x8a: {  	[spmem:s16] =	stream.linear.scatter [tilespmem:s25], [sflag:$0x3], $0x800, $0x38;
	[tilespmem:$0x1FA00] =	vst v63  }
0x8b: {  	s18 =	sld [smem:$0x7F9]  }
0x8c: {  	[spmem:s17] =	stream.linear.scatter [tilespmem:s25], [sflag:$0x3], $0x800, $0x38;
	[tilespmem:$0x1FA00] =	vst v63  }
0x8d: {  	s19 =	sld [smem:$0x7FA]  }
0x8e: {  	[spmem:s18] =	stream.linear.scatter [tilespmem:s25], [sflag:$0x3], $0x800, $0x38;
	[tilespmem:$0x1FA00] =	vst v63  }
0x8f: {  	s20 =	sld [smem:$0x7FB]  }
0x90: {  	[spmem:s19] =	stream.linear.scatter [tilespmem:s25], [sflag:$0x3], $0x800, $0x38;
	[tilespmem:$0x1FA00] =	vst v63  }
0x91: {  	s24 =	sld [smem:$0x7FC]  }
0x92: {  	[spmem:s20] =	stream.linear.scatter [tilespmem:s25], [sflag:$0x3], $0x800, $0x38;
	[tilespmem:$0x1FA00] =	vst v63  }
0x93: {  	s26 =	sld [smem:$0x7FD]  }
0x94: {  	[spmem:s24] =	stream.linear.scatter [tilespmem:s25], [sflag:$0x3], $0x800, $0x38;
	[tilespmem:$0x1FA00] =	vst v63  }
0x95: {  	_ = 	snop  }
0x96: {  	[spmem:s26] =	stream.linear.scatter [tilespmem:s25], [sflag:$0x3], $0x800, $0x38;
	[tilespmem:$0x1FA00] =	vst v63  }
0x97: {  	_ = 	snop  }
0x98: {  	[spmem:s28] =	stream.linear.scatter [tilespmem:s25], [sflag:$0x3], $0x800, $0x38;
	[tilespmem:$0x1FA00] =	vst v63  }
0x99: {  	_ = 	snop  }
0x9a: {  	[spmem:s29] =	stream.linear.scatter [tilespmem:s25], [sflag:$0x3], $0x800, $0x38;
	[tilespmem:$0x1FA00] =	vst v63  }
0x9b: {  	_ = 	snop  }
0x9c: {  	[spmem:s30] =	stream.linear.scatter [tilespmem:s25], [sflag:$0x3], $0x800, $0x38;
	[tilespmem:$0x1FA00] =	vst v63  }
0x9d: {  	_ = 	snop  }
0x9e: {  	[spmem:s31] =	stream.linear.scatter [tilespmem:s25], [sflag:$0x3], $0x800, $0x38;
	[tilespmem:$0x1FA00] =	vst v63  }
0x9f: {  	_ = 	snop  }
0xa0: {  	[spmem:s0] =	stream.linear.scatter [tilespmem:s25], [sflag:$0x3], $0x800, $0x38;
	[tilespmem:$0x1FA00] =	vst v63  }
0xa1: {  	_ = 	snop  }
0xa2: {  	[spmem:s4] =	stream.linear.scatter [tilespmem:s25], [sflag:$0x3], $0x800, $0x38;
	[tilespmem:$0x1FA00] =	vst v63  }
0xa3: {  	_ = 	snop  }
0xa4: {  	[spmem:s6] =	stream.linear.scatter [tilespmem:s25], [sflag:$0x3], $0x800, $0x38;
	[tilespmem:$0x1FA00] =	vst v63  }
0xa5: {  	_ =	swait.ge [sflag:s2], $0x800  }
0xa6: {  	[sflag:s2] =	ssyncset.done $0x0  }
0xa7: {  	[sflag:s2] =	ssyncadd.s32 $0xFFFFF800  }
0xa8: {  	_ =	swait.ge [sflag:s2], $0x800  }
0xa9: {  	[sflag:s2] =	ssyncset.done $0x0  }
0xaa: {  	[sflag:s2] =	ssyncadd.s32 $0xFFFFF800  }
0xab: {  	_ =	swait.ge [sflag:s2], $0x800  }
0xac: {  	[sflag:s2] =	ssyncset.done $0x0  }
0xad: {  	[sflag:s2] =	ssyncadd.s32 $0xFFFFF800  }
0xae: {  	_ =	swait.ge [sflag:s2], $0x800  }
0xaf: {  	[sflag:s2] =	ssyncset.done $0x0  }
0xb0: {  	[sflag:s2] =	ssyncadd.s32 $0xFFFFF800  }
0xb1: {  	_ =	swait.ge [sflag:s2], $0x800  }
0xb2: {  	[sflag:s2] =	ssyncset.done $0x0  }
0xb3: {  	[sflag:s2] =	ssyncadd.s32 $0xFFFFF800  }
0xb4: {  	_ =	swait.ge [sflag:s2], $0x800  }
0xb5: {  	[sflag:s2] =	ssyncset.done $0x0  }
0xb6: {  	[sflag:s2] =	ssyncadd.s32 $0xFFFFF800  }
0xb7: {  	_ =	swait.ge [sflag:s2], $0x800  }
0xb8: {  	[sflag:s2] =	ssyncset.done $0x0  }
0xb9: {  	[sflag:s2] =	ssyncadd.s32 $0xFFFFF800  }
0xba: {  	_ =	swait.ge [sflag:s2], $0x800  }
0xbb: {  	[sflag:s2] =	ssyncset.done $0x0  }
0xbc: {  	[sflag:s2] =	ssyncadd.s32 $0xFFFFF800  }
0xbd: {  	_ =	swait.ge [sflag:s2], $0x800  }
0xbe: {  	[sflag:s2] =	ssyncset.done $0x0  }
0xbf: {  	[sflag:s2] =	ssyncadd.s32 $0xFFFFF800  }
0xc0: {  	_ =	swait.ge [sflag:s2], $0x800  }
0xc1: {  	[sflag:s2] =	ssyncset.done $0x0  }
0xc2: {  	[sflag:s2] =	ssyncadd.s32 $0xFFFFF800  }
0xc3: {  	_ =	swait.ge [sflag:s2], $0x800  }
0xc4: {  	[sflag:s2] =	ssyncset.done $0x0  }
0xc5: {  	[sflag:s2] =	ssyncadd.s32 $0xFFFFF800  }
0xc6: {  	_ =	swait.ge [sflag:s2], $0x800  }
0xc7: {  	[sflag:s2] =	ssyncset.done $0x0  }
0xc8: {  	[sflag:s2] =	ssyncadd.s32 $0xFFFFF800  }
0xc9: {  	_ =	swait.ge [sflag:s2], $0x800  }
0xca: {  	[sflag:s2] =	ssyncset.done $0x0  }
0xcb: {  	[sflag:s2] =	ssyncadd.s32 $0xFFFFF800  }
0xcc: {  	_ =	swait.ge [sflag:s2], $0x800  }
0xcd: {  	[sflag:s2] =	ssyncset.done $0x0  }
0xce: {  	[sflag:s2] =	ssyncadd.s32 $0xFFFFF800  }
0xcf: {  	_ =	swait.ge [sflag:s2], $0x800  }
0xd0: {  	[sflag:s2] =	ssyncset.done $0x0  }
0xd1: {  	[sflag:s2] =	ssyncadd.s32 $0xFFFFF800  }
0xd2: {  	_ =	swait.ge [sflag:s2], $0x800  }
0xd3: {  	[sflag:s2] =	ssyncset.done $0x0  }
0xd4: {  	[sflag:s2] =	ssyncadd.s32 $0xFFFFF800  }
0xd5: {  	_ =	swait.ge [sflag:s2], $0x800  }
0xd6: {  	[sflag:s2] =	ssyncset.done $0x0  }
0xd7: {  	[sflag:s2] =	ssyncadd.s32 $0xFFFFF800  }
0xd8: {  	_ =	swait.ge [sflag:s2], $0x800  }
0xd9: {  	[sflag:s2] =	ssyncset.done $0x0  }
0xda: {  	[sflag:s2] =	ssyncadd.s32 $0xFFFFF800  }
0xdb: {  	_ =	swait.ge [sflag:s2], $0x800  }
0xdc: {  	[sflag:s2] =	ssyncset.done $0x0  }
0xdd: {  	[sflag:s2] =	ssyncadd.s32 $0xFFFFF800  }
0xde: {  	_ =	swait.ge [sflag:s2], $0x800  }
0xdf: {  	[sflag:s2] =	ssyncset.done $0x0  }
0xe0: {  	[sflag:s2] =	ssyncadd.s32 $0xFFFFF800  }
0xe1: {  	_ =	swait.ge [sflag:s2], $0x800  }
0xe2: {  	[sflag:s2] =	ssyncset.done $0x0  }
0xe3: {  	[sflag:s2] =	ssyncadd.s32 $0xFFFFF800  }
0xe4: {  	_ =	swait.ge [sflag:s2], $0x800  }
0xe5: {  	[sflag:s2] =	ssyncset.done $0x0  }
0xe6: {  	[sflag:s2] =	ssyncadd.s32 $0xFFFFF800  }
0xe7: {  	_ =	swait.ge [sflag:s2], $0x800  }
0xe8: {  	[sflag:s2] =	ssyncset.done $0x0  }
0xe9: {  	[sflag:s2] =	ssyncadd.s32 $0xFFFFF800  }
0xea: {  	_ =	swait.ge [sflag:s2], $0x800  }
0xeb: {  	[sflag:s2] =	ssyncset.done $0x0  }
0xec: {  	[sflag:s2] =	ssyncadd.s32 $0xFFFFF800  }
0xed: {  	_ =	swait.ge [sflag:s2], $0x800  }
0xee: {  	[sflag:s2] =	ssyncset.done $0x0  }
0xef: {  	[sflag:s2] =	ssyncadd.s32 $0xFFFFF800  }
0xf0: {  	_ =	swait.ge [sflag:s2], $0x800  }
0xf1: {  	[sflag:s2] =	ssyncset.done $0x0  }
0xf2: {  	[sflag:s2] =	ssyncadd.s32 $0xFFFFF800  }
0xf3: {  	_ =	swait.ge [sflag:s2], $0x800  }
0xf4: {  	[sflag:s2] =	ssyncset.done $0x0  }
0xf5: {  	[sflag:s2] =	ssyncadd.s32 $0xFFFFF800  }
0xf6: {  	_ =	swait.ge [sflag:s2], $0x800  }
0xf7: {  	[sflag:s2] =	ssyncset.done $0x0  }
0xf8: {  	[sflag:s2] =	ssyncadd.s32 $0xFFFFF800  }
0xf9: {  	_ =	swait.ge [sflag:s2], $0x800  }
0xfa: {  	[sflag:s2] =	ssyncset.done $0x0  }
0xfb: {  	[sflag:s2] =	ssyncadd.s32 $0xFFFFF800  }
0xfc: {  	_ =	swait.ge [sflag:s2], $0x800  }
0xfd: {  	[sflag:s2] =	ssyncset.done $0x0  }
0xfe: {  	[sflag:s2] =	ssyncadd.s32 $0xFFFFF800  }
0xff: {  	_ =	swait.ge [sflag:s2], $0x800  }
0x100: {  	[sflag:s2] =	ssyncset.done $0x0  }
0x101: {  	[sflag:s2] =	ssyncadd.s32 $0xFFFFF800  }
0x102: {  	_ =	swait.ge [sflag:s2], $0x800  }
0x103: {  	[sflag:s2] =	ssyncset.done $0x0  }
0x104: {  	[sflag:s2] =	ssyncadd.s32 $0xFFFFF800  }
0x105: {  	_ =	swait.ge [sflag:s2], $0x800  }
0x106: {  	[sflag:s2] =	ssyncset.done $0x0  }
0x107: {  	[sflag:s2] =	ssyncadd.s32 $0xFFFFF800  }
0x108: {  	_ =	swait.ge [sflag:s2], $0x800  }
0x109: {  	[sflag:s2] =	ssyncset.done $0x0  }
0x10a: {  	[sflag:s2] =	ssyncadd.s32 $0xFFFFF800  }
0x10b: {  	_ =	swait.ge [sflag:s2], $0x800  }
0x10c: {  	[sflag:s2] =	ssyncset.done $0x0  }
0x10d: {  	[sflag:s2] =	ssyncadd.s32 $0xFFFFF800  }
0x10e: {  	_ =	swait.ge [sflag:s2], $0x800  }
0x10f: {  	[sflag:s2] =	ssyncset.done $0x0  }
0x110: {  	[sflag:s2] =	ssyncadd.s32 $0xFFFFF800  }
0x111: {  	_ =	swait.ge [sflag:s2], $0x800  }
0x112: {  	[sflag:s2] =	ssyncset.done $0x0  }
0x113: {  	[sflag:s2] =	ssyncadd.s32 $0xFFFFF800  }
0x114: {  	_ =	swait.ge [sflag:s2], $0x800  }
0x115: {  	[sflag:s2] =	ssyncset.done $0x0  }
0x116: {  	[sflag:s2] =	ssyncadd.s32 $0xFFFFF800  }
0x117: {  	_ =	swait.ge [sflag:s2], $0x800  }
0x118: {  	[sflag:s2] =	ssyncset.done $0x0  }
0x119: {  	[sflag:s2] =	ssyncadd.s32 $0xFFFFF800  }
0x11a: {  	_ =	swait.ge [sflag:s2], $0x800  }
0x11b: {  	[sflag:s2] =	ssyncset.done $0x0  }
0x11c: {  	[sflag:s2] =	ssyncadd.s32 $0xFFFFF800  }
0x11d: {  	_ =	swait.ge [sflag:s2], $0x800  }
0x11e: {  	[sflag:s2] =	ssyncset.done $0x0  }
0x11f: {  	[sflag:s2] =	ssyncadd.s32 $0xFFFFF800  }
0x120: {  	_ =	swait.ge [sflag:s2], $0x800  }
0x121: {  	[sflag:s2] =	ssyncset.done $0x0  }
0x122: {  	[sflag:s2] =	ssyncadd.s32 $0xFFFFF800  }
0x123: {  	_ =	swait.ge [sflag:s2], $0x800  }
0x124: {  	[sflag:s2] =	ssyncset.done $0x0  }
0x125: {  	[sflag:s2] =	ssyncadd.s32 $0xFFFFF800  }
0x126: {  	_ =	swait.ge [sflag:s2], $0x800  }
0x127: {  	[sflag:s2] =	ssyncset.done $0x0  }
0x128: {  	[sflag:s2] =	ssyncadd.s32 $0xFFFFF800  }
0x129: {  	_ =	swait.ge [sflag:s2], $0x800  }
0x12a: {  	[sflag:s2] =	ssyncset.done $0x0  }
0x12b: {  	[sflag:s2] =	ssyncadd.s32 $0xFFFFF800  }
0x12c: {  	_ =	swait.ge [sflag:s2], $0x800  }
0x12d: {  	[sflag:s2] =	ssyncset.done $0x0  }
0x12e: {  	[sflag:s2] =	ssyncadd.s32 $0xFFFFF800  }
0x12f: {  	_ =	swait.ge [sflag:s2], $0x800  }
0x130: {  	[sflag:s2] =	ssyncset.done $0x0  }
0x131: {  	[sflag:s2] =	ssyncadd.s32 $0xFFFFF800  }
.Ltmp2:
0x132: {  	_ =	swait.ge [sflag:s2], $0x800;
	(pc) =	sbr.rel .LBB2_2-.Ltmp2, $4  }
0x133: {  	[sflag:s2] =	ssyncset.done $0x0  }
0x134: {  	[sflag:s2] =	ssyncadd.s32 $0xFFFFF800  }
0x135: {  	[bflag:$0x0] =	sbarrier.arrive $0xFFFF  }
0x136: {  	s24 =	simm.s32 $0x0  }
.LBB2_25:
0x137: {  	[sflag:s23] =	ssyncadd.s32 $0xFFFFFF80  }
.LBB2_26:
0x138: {  	p0 =	sne.s32 s10, $0x2A;
	s10 =	rddreg [dreg:$0x4]  }
0x139: {  	[bflag:$0x0] =	sbarrier.arrive $0xFFFF;
	s13 =	stileid.u32;
	s10 =	sadd.s32 @p0 s10, s11  }
0x13a: {  	s11 =	sshll.u32 @p0 s13, $0x6;
	s12 =	rddreg [dreg:$0x6];
	s10 =	sshrl.u32 @p0 s10, $0x3  }
0x13b: {  	s11 =	sor.u32 @p0 $0x1C04, s11;
	s10 =	sadd.s32 @p0 s12, s10;
	s12 =	sshrl.u32 @p0 s8, $0x3  }
0x13c: {  	[hbm:s10], [sflag:s11] =	dma.local @p0 [spmem:s12], $0x3000  }
0x13d: {  	s10 =	simm.s32 @p0 $0x4  }
0x13e: {  	_ =	swait.ge @p0 [sflag:s10], $0x3000  }
0x13f: {  	s11 =	sshll.u32 @!p0 s13, $0x6;
	[sflag:s10] =	ssyncset.done @p0 $0x0  }
0x140: {  	[sflag:s10] =	ssyncadd.s32 @p0 $0xFFFFD000;
	s10 =	sor.u32 @!p0 $0x1C04, s11;
	s11 =	rddreg [dreg:$0x16]  }
0x141: {  	s13 =	rddreg [dreg:$0x15];
	s11 =	sshrl.u32 @!p0 s11, $0x3  }
0x142: {  	[hbm:s13], [sflag:s10] =	dma.local @!p0 [spmem:s11], $0x2000  }
0x143: {  	s10 =	simm.s32 @!p0 $0x4  }
0x144: {  	_ =	swait.ge @!p0 [sflag:s10], $0x2000  }
0x145: {  	[sflag:s10] =	ssyncset.done @!p0 $0x0  }
0x146: {  	[sflag:s10] =	ssyncadd.s32 @!p0 $0xFFFFE000  }
0x147: {  	[bflag:$0x0] =	sbarrier.arrive $0xFFFF  }
0x148: {  	[spmem:s8] =	stream.linear.scatter [tilespmem:s25], [sflag:$0x3], $0x800, $0x38;
	[tilespmem:$0x1FA00] =	vst v63  }
0x149: {  	s26 =	rddreg [dreg:$0x8]  }
0x14a: {  	s11 =	rddreg [dreg:$0x9]  }
0x14b: {  	[spmem:s26] =	stream.linear.scatter [tilespmem:s25], [sflag:$0x3], $0x800, $0x38;
	[tilespmem:$0x1FA00] =	vst v63  }
0x14c: {  	s13 =	rddreg [dreg:$0xa]  }
0x14d: {  	[spmem:s11] =	stream.linear.scatter [tilespmem:s25], [sflag:$0x3], $0x800, $0x38;
	[tilespmem:$0x1FA00] =	vst v63  }
0x14e: {  	s14 =	rddreg [dreg:$0xb]  }
0x14f: {  	[spmem:s13] =	stream.linear.scatter [tilespmem:s25], [sflag:$0x3], $0x800, $0x38;
	[tilespmem:$0x1FA00] =	vst v63  }
0x150: {  	s15 =	rddreg [dreg:$0xc]  }
0x151: {  	[spmem:s14] =	stream.linear.scatter [tilespmem:s25], [sflag:$0x3], $0x800, $0x38;
	[tilespmem:$0x1FA00] =	vst v63  }
0x152: {  	s16 =	rddreg [dreg:$0xd]  }
0x153: {  	[spmem:s15] =	stream.linear.scatter [tilespmem:s25], [sflag:$0x3], $0x800, $0x38;
	[tilespmem:$0x1FA00] =	vst v63  }
0x154: {  	s17 =	rddreg [dreg:$0xe]  }
0x155: {  	[spmem:s16] =	stream.linear.scatter [tilespmem:s25], [sflag:$0x3], $0x800, $0x38;
	[tilespmem:$0x1FA00] =	vst v63  }
0x156: {  	s18 =	rddreg [dreg:$0xf]  }
0x157: {  	[spmem:s17] =	stream.linear.scatter [tilespmem:s25], [sflag:$0x3], $0x800, $0x38;
	[tilespmem:$0x1FA00] =	vst v63  }
0x158: {  	s19 =	rddreg [dreg:$0x10]  }
0x159: {  	[spmem:s18] =	stream.linear.scatter [tilespmem:s25], [sflag:$0x3], $0x800, $0x38;
	[tilespmem:$0x1FA00] =	vst v63  }
0x15a: {  	s20 =	rddreg [dreg:$0x11]  }
0x15b: {  	[spmem:s19] =	stream.linear.scatter [tilespmem:s25], [sflag:$0x3], $0x800, $0x38;
	[tilespmem:$0x1FA00] =	vst v63  }
0x15c: {  	s26 =	rddreg [dreg:$0x12]  }
0x15d: {  	[spmem:s20] =	stream.linear.scatter [tilespmem:s25], [sflag:$0x3], $0x800, $0x38;
	[tilespmem:$0x1FA00] =	vst v63  }
0x15e: {  	s11 =	rddreg [dreg:$0x18]  }
0x15f: {  	[spmem:s26] =	stream.linear.scatter [tilespmem:s25], [sflag:$0x3], $0x800, $0x38;
	[tilespmem:$0x1FA00] =	vst v63  }
0x160: {  	s13 =	rddreg [dreg:$0x19]  }
0x161: {  	[spmem:s11] =	stream.linear.scatter [tilespmem:s25], [sflag:$0x3], $0x800, $0x38;
	[tilespmem:$0x1FA00] =	vst v63  }
0x162: {  	s14 =	rddreg [dreg:$0x1a]  }
0x163: {  	[spmem:s13] =	stream.linear.scatter [tilespmem:s25], [sflag:$0x3], $0x800, $0x38;
	[tilespmem:$0x1FA00] =	vst v63  }
0x164: {  	s15 =	rddreg [dreg:$0x1b]  }
0x165: {  	[spmem:s14] =	stream.linear.scatter [tilespmem:s25], [sflag:$0x3], $0x800, $0x38;
	[tilespmem:$0x1FA00] =	vst v63  }
0x166: {  	s16 =	rddreg [dreg:$0x1c]  }
0x167: {  	[spmem:s15] =	stream.linear.scatter [tilespmem:s25], [sflag:$0x3], $0x800, $0x38;
	[tilespmem:$0x1FA00] =	vst v63  }
0x168: {  	s17 =	rddreg [dreg:$0x1d]  }
0x169: {  	[spmem:s16] =	stream.linear.scatter [tilespmem:s25], [sflag:$0x3], $0x800, $0x38;
	[tilespmem:$0x1FA00] =	vst v63  }
0x16a: {  	s18 =	rddreg [dreg:$0x1e]  }
0x16b: {  	[spmem:s17] =	stream.linear.scatter [tilespmem:s25], [sflag:$0x3], $0x800, $0x38;
	[tilespmem:$0x1FA00] =	vst v63  }
0x16c: {  	s19 =	rddreg [dreg:$0x1f]  }
0x16d: {  	[spmem:s18] =	stream.linear.scatter [tilespmem:s25], [sflag:$0x3], $0x800, $0x38;
	[tilespmem:$0x1FA00] =	vst v63  }
0x16e: {  	s20 =	sld [smem:$0x7E9]  }
0x16f: {  	[spmem:s19] =	stream.linear.scatter [tilespmem:s25], [sflag:$0x3], $0x800, $0x38;
	[tilespmem:$0x1FA00] =	vst v63  }
0x170: {  	s26 =	sld [smem:$0x7EA]  }
0x171: {  	[spmem:s20] =	stream.linear.scatter [tilespmem:s25], [sflag:$0x3], $0x800, $0x38;
	[tilespmem:$0x1FA00] =	vst v63  }
0x172: {  	s11 =	sld [smem:$0x7EB]  }
0x173: {  	[spmem:s26] =	stream.linear.scatter [tilespmem:s25], [sflag:$0x3], $0x800, $0x38;
	[tilespmem:$0x1FA00] =	vst v63  }
0x174: {  	s13 =	sld [smem:$0x7EC]  }
0x175: {  	[spmem:s11] =	stream.linear.scatter [tilespmem:s25], [sflag:$0x3], $0x800, $0x38;
	[tilespmem:$0x1FA00] =	vst v63  }
0x176: {  	s14 =	sld [smem:$0x7ED]  }
0x177: {  	[spmem:s13] =	stream.linear.scatter [tilespmem:s25], [sflag:$0x3], $0x800, $0x38;
	[tilespmem:$0x1FA00] =	vst v63  }
0x178: {  	s15 =	sld [smem:$0x7EE]  }
0x179: {  	[spmem:s14] =	stream.linear.scatter [tilespmem:s25], [sflag:$0x3], $0x800, $0x38;
	[tilespmem:$0x1FA00] =	vst v63  }
0x17a: {  	s16 =	sld [smem:$0x7EF]  }
0x17b: {  	[spmem:s15] =	stream.linear.scatter [tilespmem:s25], [sflag:$0x3], $0x800, $0x38;
	[tilespmem:$0x1FA00] =	vst v63  }
0x17c: {  	s17 =	sld [smem:$0x7F0]  }
0x17d: {  	[spmem:s16] =	stream.linear.scatter [tilespmem:s25], [sflag:$0x3], $0x800, $0x38;
	[tilespmem:$0x1FA00] =	vst v63  }
0x17e: {  	s18 =	sld [smem:$0x7F1]  }
0x17f: {  	[spmem:s17] =	stream.linear.scatter [tilespmem:s25], [sflag:$0x3], $0x800, $0x38;
	[tilespmem:$0x1FA00] =	vst v63  }
0x180: {  	s19 =	sld [smem:$0x7F2]  }
0x181: {  	[spmem:s18] =	stream.linear.scatter [tilespmem:s25], [sflag:$0x3], $0x800, $0x38;
	[tilespmem:$0x1FA00] =	vst v63  }
0x182: {  	s20 =	sld [smem:$0x7F3]  }
0x183: {  	[spmem:s19] =	stream.linear.scatter [tilespmem:s25], [sflag:$0x3], $0x800, $0x38;
	[tilespmem:$0x1FA00] =	vst v63  }
0x184: {  	s26 =	sld [smem:$0x7F4]  }
0x185: {  	[spmem:s20] =	stream.linear.scatter [tilespmem:s25], [sflag:$0x3], $0x800, $0x38;
	[tilespmem:$0x1FA00] =	vst v63  }
0x186: {  	s11 =	sld [smem:$0x7F5]  }
0x187: {  	[spmem:s26] =	stream.linear.scatter [tilespmem:s25], [sflag:$0x3], $0x800, $0x38;
	[tilespmem:$0x1FA00] =	vst v63  }
0x188: {  	s13 =	sld [smem:$0x7F6]  }
0x189: {  	[spmem:s11] =	stream.linear.scatter [tilespmem:s25], [sflag:$0x3], $0x800, $0x38;
	[tilespmem:$0x1FA00] =	vst v63  }
0x18a: {  	s14 =	sld [smem:$0x7F7]  }
0x18b: {  	[spmem:s13] =	stream.linear.scatter [tilespmem:s25], [sflag:$0x3], $0x800, $0x38;
	[tilespmem:$0x1FA00] =	vst v63  }
0x18c: {  	s15 =	sld [smem:$0x7F8]  }
0x18d: {  	[spmem:s14] =	stream.linear.scatter [tilespmem:s25], [sflag:$0x3], $0x800, $0x38;
	[tilespmem:$0x1FA00] =	vst v63  }
0x18e: {  	s16 =	sld [smem:$0x7F9]  }
0x18f: {  	[spmem:s15] =	stream.linear.scatter [tilespmem:s25], [sflag:$0x3], $0x800, $0x38;
	[tilespmem:$0x1FA00] =	vst v63  }
0x190: {  	s17 =	sld [smem:$0x7FA]  }
0x191: {  	[spmem:s16] =	stream.linear.scatter [tilespmem:s25], [sflag:$0x3], $0x800, $0x38;
	[tilespmem:$0x1FA00] =	vst v63  }
0x192: {  	s18 =	sld [smem:$0x7FB]  }
0x193: {  	[spmem:s17] =	stream.linear.scatter [tilespmem:s25], [sflag:$0x3], $0x800, $0x38;
	[tilespmem:$0x1FA00] =	vst v63  }
0x194: {  	s19 =	sld [smem:$0x7FC]  }
0x195: {  	[spmem:s18] =	stream.linear.scatter [tilespmem:s25], [sflag:$0x3], $0x800, $0x38;
	[tilespmem:$0x1FA00] =	vst v63  }
0x196: {  	s20 =	sld [smem:$0x7FD]  }
0x197: {  	[spmem:s19] =	stream.linear.scatter [tilespmem:s25], [sflag:$0x3], $0x800, $0x38;
	[tilespmem:$0x1FA00] =	vst v63  }
0x198: {  	_ = 	snop  }
0x199: {  	[spmem:s20] =	stream.linear.scatter [tilespmem:s25], [sflag:$0x3], $0x800, $0x38;
	[tilespmem:$0x1FA00] =	vst v63  }
0x19a: {  	_ = 	snop  }
0x19b: {  	[spmem:s28] =	stream.linear.scatter [tilespmem:s25], [sflag:$0x3], $0x800, $0x38;
	[tilespmem:$0x1FA00] =	vst v63  }
0x19c: {  	_ = 	snop  }
0x19d: {  	[spmem:s29] =	stream.linear.scatter [tilespmem:s25], [sflag:$0x3], $0x800, $0x38;
	[tilespmem:$0x1FA00] =	vst v63  }
0x19e: {  	_ = 	snop  }
0x19f: {  	[spmem:s30] =	stream.linear.scatter [tilespmem:s25], [sflag:$0x3], $0x800, $0x38;
	[tilespmem:$0x1FA00] =	vst v63  }
0x1a0: {  	_ = 	snop  }
0x1a1: {  	[spmem:s31] =	stream.linear.scatter [tilespmem:s25], [sflag:$0x3], $0x800, $0x38;
	[tilespmem:$0x1FA00] =	vst v63  }
0x1a2: {  	_ = 	snop  }
0x1a3: {  	[spmem:s0] =	stream.linear.scatter [tilespmem:s25], [sflag:$0x3], $0x800, $0x38;
	[tilespmem:$0x1FA00] =	vst v63  }
0x1a4: {  	_ = 	snop  }
0x1a5: {  	[spmem:s4] =	stream.linear.scatter [tilespmem:s25], [sflag:$0x3], $0x800, $0x38;
	[tilespmem:$0x1FA00] =	vst v63  }
0x1a6: {  	_ = 	snop  }
0x1a7: {  	[spmem:s6] =	stream.linear.scatter [tilespmem:s25], [sflag:$0x3], $0x800, $0x38;
	[tilespmem:$0x1FA00] =	vst v63  }
0x1a8: {  	_ =	swait.ge [sflag:s2], $0x800  }
0x1a9: {  	[sflag:s2] =	ssyncset.done $0x0  }
0x1aa: {  	[sflag:s2] =	ssyncadd.s32 $0xFFFFF800  }
0x1ab: {  	_ =	swait.ge [sflag:s2], $0x800  }
0x1ac: {  	[sflag:s2] =	ssyncset.done $0x0  }
0x1ad: {  	[sflag:s2] =	ssyncadd.s32 $0xFFFFF800  }
0x1ae: {  	_ =	swait.ge [sflag:s2], $0x800  }
0x1af: {  	[sflag:s2] =	ssyncset.done $0x0  }
0x1b0: {  	[sflag:s2] =	ssyncadd.s32 $0xFFFFF800  }
0x1b1: {  	_ =	swait.ge [sflag:s2], $0x800  }
0x1b2: {  	[sflag:s2] =	ssyncset.done $0x0  }
0x1b3: {  	[sflag:s2] =	ssyncadd.s32 $0xFFFFF800  }
0x1b4: {  	_ =	swait.ge [sflag:s2], $0x800  }
0x1b5: {  	[sflag:s2] =	ssyncset.done $0x0  }
0x1b6: {  	[sflag:s2] =	ssyncadd.s32 $0xFFFFF800  }
0x1b7: {  	_ =	swait.ge [sflag:s2], $0x800  }
0x1b8: {  	[sflag:s2] =	ssyncset.done $0x0  }
0x1b9: {  	[sflag:s2] =	ssyncadd.s32 $0xFFFFF800  }
0x1ba: {  	_ =	swait.ge [sflag:s2], $0x800  }
0x1bb: {  	[sflag:s2] =	ssyncset.done $0x0  }
0x1bc: {  	[sflag:s2] =	ssyncadd.s32 $0xFFFFF800  }
0x1bd: {  	_ =	swait.ge [sflag:s2], $0x800  }
0x1be: {  	[sflag:s2] =	ssyncset.done $0x0  }
0x1bf: {  	[sflag:s2] =	ssyncadd.s32 $0xFFFFF800  }
0x1c0: {  	_ =	swait.ge [sflag:s2], $0x800  }
0x1c1: {  	[sflag:s2] =	ssyncset.done $0x0  }
0x1c2: {  	[sflag:s2] =	ssyncadd.s32 $0xFFFFF800  }
0x1c3: {  	_ =	swait.ge [sflag:s2], $0x800  }
0x1c4: {  	[sflag:s2] =	ssyncset.done $0x0  }
0x1c5: {  	[sflag:s2] =	ssyncadd.s32 $0xFFFFF800  }
0x1c6: {  	_ =	swait.ge [sflag:s2], $0x800  }
0x1c7: {  	[sflag:s2] =	ssyncset.done $0x0  }
0x1c8: {  	[sflag:s2] =	ssyncadd.s32 $0xFFFFF800  }
0x1c9: {  	_ =	swait.ge [sflag:s2], $0x800  }
0x1ca: {  	[sflag:s2] =	ssyncset.done $0x0  }
0x1cb: {  	[sflag:s2] =	ssyncadd.s32 $0xFFFFF800  }
0x1cc: {  	_ =	swait.ge [sflag:s2], $0x800  }
0x1cd: {  	[sflag:s2] =	ssyncset.done $0x0  }
0x1ce: {  	[sflag:s2] =	ssyncadd.s32 $0xFFFFF800  }
0x1cf: {  	_ =	swait.ge [sflag:s2], $0x800  }
0x1d0: {  	[sflag:s2] =	ssyncset.done $0x0  }
0x1d1: {  	[sflag:s2] =	ssyncadd.s32 $0xFFFFF800  }
0x1d2: {  	_ =	swait.ge [sflag:s2], $0x800  }
0x1d3: {  	[sflag:s2] =	ssyncset.done $0x0  }
0x1d4: {  	[sflag:s2] =	ssyncadd.s32 $0xFFFFF800  }
0x1d5: {  	_ =	swait.ge [sflag:s2], $0x800  }
0x1d6: {  	[sflag:s2] =	ssyncset.done $0x0  }
0x1d7: {  	[sflag:s2] =	ssyncadd.s32 $0xFFFFF800  }
0x1d8: {  	_ =	swait.ge [sflag:s2], $0x800  }
0x1d9: {  	[sflag:s2] =	ssyncset.done $0x0  }
0x1da: {  	[sflag:s2] =	ssyncadd.s32 $0xFFFFF800  }
0x1db: {  	_ =	swait.ge [sflag:s2], $0x800  }
0x1dc: {  	[sflag:s2] =	ssyncset.done $0x0  }
0x1dd: {  	[sflag:s2] =	ssyncadd.s32 $0xFFFFF800  }
0x1de: {  	_ =	swait.ge [sflag:s2], $0x800  }
0x1df: {  	[sflag:s2] =	ssyncset.done $0x0  }
0x1e0: {  	[sflag:s2] =	ssyncadd.s32 $0xFFFFF800  }
0x1e1: {  	_ =	swait.ge [sflag:s2], $0x800  }
0x1e2: {  	[sflag:s2] =	ssyncset.done $0x0  }
0x1e3: {  	[sflag:s2] =	ssyncadd.s32 $0xFFFFF800  }
0x1e4: {  	_ =	swait.ge [sflag:s2], $0x800  }
0x1e5: {  	[sflag:s2] =	ssyncset.done $0x0  }
0x1e6: {  	[sflag:s2] =	ssyncadd.s32 $0xFFFFF800  }
0x1e7: {  	_ =	swait.ge [sflag:s2], $0x800  }
0x1e8: {  	[sflag:s2] =	ssyncset.done $0x0  }
0x1e9: {  	[sflag:s2] =	ssyncadd.s32 $0xFFFFF800  }
0x1ea: {  	_ =	swait.ge [sflag:s2], $0x800  }
0x1eb: {  	[sflag:s2] =	ssyncset.done $0x0  }
0x1ec: {  	[sflag:s2] =	ssyncadd.s32 $0xFFFFF800  }
0x1ed: {  	_ =	swait.ge [sflag:s2], $0x800  }
0x1ee: {  	[sflag:s2] =	ssyncset.done $0x0  }
0x1ef: {  	[sflag:s2] =	ssyncadd.s32 $0xFFFFF800  }
0x1f0: {  	_ =	swait.ge [sflag:s2], $0x800  }
0x1f1: {  	[sflag:s2] =	ssyncset.done $0x0  }
0x1f2: {  	[sflag:s2] =	ssyncadd.s32 $0xFFFFF800  }
0x1f3: {  	_ =	swait.ge [sflag:s2], $0x800  }
0x1f4: {  	[sflag:s2] =	ssyncset.done $0x0  }
0x1f5: {  	[sflag:s2] =	ssyncadd.s32 $0xFFFFF800  }
0x1f6: {  	_ =	swait.ge [sflag:s2], $0x800  }
0x1f7: {  	[sflag:s2] =	ssyncset.done $0x0  }
0x1f8: {  	[sflag:s2] =	ssyncadd.s32 $0xFFFFF800  }
0x1f9: {  	_ =	swait.ge [sflag:s2], $0x800  }
0x1fa: {  	[sflag:s2] =	ssyncset.done $0x0  }
0x1fb: {  	[sflag:s2] =	ssyncadd.s32 $0xFFFFF800  }
0x1fc: {  	_ =	swait.ge [sflag:s2], $0x800  }
0x1fd: {  	[sflag:s2] =	ssyncset.done $0x0  }
0x1fe: {  	[sflag:s2] =	ssyncadd.s32 $0xFFFFF800  }
0x1ff: {  	_ =	swait.ge [sflag:s2], $0x800  }
0x200: {  	[sflag:s2] =	ssyncset.done $0x0  }
0x201: {  	[sflag:s2] =	ssyncadd.s32 $0xFFFFF800  }
0x202: {  	_ =	swait.ge [sflag:s2], $0x800  }
0x203: {  	[sflag:s2] =	ssyncset.done $0x0  }
0x204: {  	[sflag:s2] =	ssyncadd.s32 $0xFFFFF800  }
0x205: {  	_ =	swait.ge [sflag:s2], $0x800  }
0x206: {  	[sflag:s2] =	ssyncset.done $0x0  }
0x207: {  	[sflag:s2] =	ssyncadd.s32 $0xFFFFF800  }
0x208: {  	_ =	swait.ge [sflag:s2], $0x800  }
0x209: {  	[sflag:s2] =	ssyncset.done $0x0  }
0x20a: {  	[sflag:s2] =	ssyncadd.s32 $0xFFFFF800  }
0x20b: {  	_ =	swait.ge [sflag:s2], $0x800  }
0x20c: {  	[sflag:s2] =	ssyncset.done $0x0  }
0x20d: {  	[sflag:s2] =	ssyncadd.s32 $0xFFFFF800  }
0x20e: {  	_ =	swait.ge [sflag:s2], $0x800  }
0x20f: {  	[sflag:s2] =	ssyncset.done $0x0  }
0x210: {  	[sflag:s2] =	ssyncadd.s32 $0xFFFFF800  }
0x211: {  	_ =	swait.ge [sflag:s2], $0x800  }
0x212: {  	[sflag:s2] =	ssyncset.done $0x0  }
0x213: {  	[sflag:s2] =	ssyncadd.s32 $0xFFFFF800  }
0x214: {  	_ =	swait.ge [sflag:s2], $0x800  }
0x215: {  	[sflag:s2] =	ssyncset.done $0x0  }
0x216: {  	[sflag:s2] =	ssyncadd.s32 $0xFFFFF800  }
0x217: {  	_ =	swait.ge [sflag:s2], $0x800  }
0x218: {  	[sflag:s2] =	ssyncset.done $0x0  }
0x219: {  	[sflag:s2] =	ssyncadd.s32 $0xFFFFF800  }
0x21a: {  	_ =	swait.ge [sflag:s2], $0x800  }
0x21b: {  	[sflag:s2] =	ssyncset.done $0x0  }
0x21c: {  	[sflag:s2] =	ssyncadd.s32 $0xFFFFF800  }
0x21d: {  	_ =	swait.ge [sflag:s2], $0x800  }
0x21e: {  	[sflag:s2] =	ssyncset.done $0x0  }
0x21f: {  	[sflag:s2] =	ssyncadd.s32 $0xFFFFF800  }
0x220: {  	_ =	swait.ge [sflag:s2], $0x800  }
0x221: {  	[sflag:s2] =	ssyncset.done $0x0  }
0x222: {  	[sflag:s2] =	ssyncadd.s32 $0xFFFFF800  }
0x223: {  	_ =	swait.ge [sflag:s2], $0x800  }
0x224: {  	[sflag:s2] =	ssyncset.done $0x0  }
0x225: {  	[sflag:s2] =	ssyncadd.s32 $0xFFFFF800  }
0x226: {  	_ =	swait.ge [sflag:s2], $0x800  }
0x227: {  	[sflag:s2] =	ssyncset.done $0x0  }
0x228: {  	[sflag:s2] =	ssyncadd.s32 $0xFFFFF800  }
0x229: {  	_ =	swait.ge [sflag:s2], $0x800  }
0x22a: {  	[sflag:s2] =	ssyncset.done $0x0  }
0x22b: {  	[sflag:s2] =	ssyncadd.s32 $0xFFFFF800  }
0x22c: {  	_ =	swait.ge [sflag:s2], $0x800  }
0x22d: {  	[sflag:s2] =	ssyncset.done $0x0  }
0x22e: {  	[sflag:s2] =	ssyncadd.s32 $0xFFFFF800  }
0x22f: {  	_ =	swait.ge [sflag:s2], $0x800  }
0x230: {  	[sflag:s2] =	ssyncset.done $0x0  }
0x231: {  	[sflag:s2] =	ssyncadd.s32 $0xFFFFF800  }
0x232: {  	_ =	swait.ge [sflag:s2], $0x800  }
0x233: {  	[sflag:s2] =	ssyncset.done $0x0  }
0x234: {  	[sflag:s2] =	ssyncadd.s32 $0xFFFFF800  }
0x235: {  	_ =	swait.ge [sflag:s2], $0x800  }
0x236: {  	s24 =	sadd.s32 $0x1, s24;
	s26 =	rddreg [dreg:$0x13]  }
0x237: {  	p0 =	sne.s32 s24, s26  }
.Ltmp3:
0x238: {  	_ = 	snop;
	(pc) =	sbr.rel @!p0 .LBB2_27-.Ltmp3, $4  }
0x239: {  	[sflag:s2] =	ssyncset.done $0x0  }
0x23a: {  	[sflag:s2] =	ssyncadd.s32 $0xFFFFF800  }
0x23b: {  	[bflag:$0x0] =	sbarrier.arrive $0xFFFF  }
0x23c: {  	s12 =	stileid.u32  }
.LBB2_2:
.Ltmp4:
0x23d: {  	s10 =	rddreg [dreg:$0x14];
	(pc) =	sbr.rel .LBB2_3-.Ltmp4, $3  }
0x23e: {  	s10 =	sadd.s32 s10, s24  }
0x23f: {  	s11 =	smul.u32 $0x180000, s10;
	_ =	sdelay $0x1  }
0x240: {  	v9 =	vimm.s32 $0x0;
	s17 =	simm.s32 $0x0;
	s12 =	simm.s32 $0x0;
	s13 =	simm.s32 $0x0;
	v8 =	vmov s11  }
.LBB2_14:
0x241: {  	[sflag:s23] =	ssyncadd.s32 $0xFFFFFF80  }
.LBB2_15:
0x242: {  	s13 =	sadd.s32 $0x1, s13  }
0x243: {  	p0 =	sne.s32 s13, $0x16  }
.Ltmp5:
0x244: {  	_ = 	snop;
	(pc) =	sbr.rel @!p0 .LBB2_16-.Ltmp5, $2  }
0x245: {  	_ =	sdelay $0x2  }
0x246: {  	s17 =	sadd.s32 $0xC00, s17  }
.LBB2_3:
0x247: {  	s15 =	smul.u32 $0x30, s13;
	_ =	sdelay $0x1  }
0x248: {  	s14 =	smov.u32 s12;
	s12 =	smov.u32 s17;
	s16 =	sadd.s32 $0x30, s15  }
.LBB2_4:
0x249: {  	s19 =	sshra.s32 s12, $0x2  }
0x24a: {  	v10 =	vld [tilespmem:s19+$0x0];
	_ =	sdelay $0x4  }
0x24b: {  	v14 =	vsub.s32 v10, v8  }
0x24c: {  	vm5 =	vlt.u32 v14, $0x180000  }
0x24d: {  	(xrf0) =	vadd.scan.msk.s32 vm5, v2;
	_ =	sdelay $0x1  }
0x24e: {  	v10 =	vld [tilespmem:s19+$0x10];
	_ =	sdelay $0x1  }
0x24f: {  	s18 =	sadd.s32 s12, s9  }
0x250: {  	v30 =	vor.u32 s18, v1;
	v19 =	vor.u32 s18, v3;
	s20 =	sadd.s32 $0x40, s18  }
0x251: {  	v48 =	vor.u32 s18, v4;
	v43 =	vor.u32 s18, v5;
	v41 =	vor.u32 s20, v1;
	v11, _, _ =	vpop (xrf0)  }
0x252: {  	v45 =	vor.u32 s20, v3;
	v13 =	vsub.s32 v10, v8;
	v11 =	vshll.u32 v11, $0x2  }
0x253: {  	s26 =	sadd.s32 $0x80, s18;
	v42 =	vor.u32 s20, v4;
	vm0 =	vlt.u32 v13, $0x180000;
	v11 =	vadd.s32 v11, v9  }
0x254: {  	v54 =	vor.u32 s20, v5;
	v50 =	vor.u32 s26, v4;
	(xrf0) =	vadd.scan.msk.s32 vm0, v2;
	v10 =	vadd.s32 $0xFFFFFFFC, v11  }
0x255: {  	v51 =	vor.u32 s26, v5;
	v49 =	vadd.s32 $0x1, v14;
	v12 =	vand.u32 $0x7F, v10  }
0x256: {  	v11 =	vand.u32 $0xF80, v10;
	v15 =	vand.u32 $0xFFF, v10;
	v10 =	vadd.s32 $0x1, v12  }
0x257: {  	v44 =	vadd.s32 $0x2000, v14;
	v21 =	vmpcnt.ones.xlane vm5;
	v16 =	vand.u32 $0x80, v10  }
0x258: {  	v40 =	vadd.s32 $0x2001, v14;
	v10 =	vand.u32 $0x7F, v10;
	v16 =	vadd.s32 v11, v16  }
0x259: {  	v31 =	vshll.u32 v21, $0x2;
	v17 =	vadd.s32 $0x2, v12;
	v26 =	vor.u32 v10, v16;
	v10 =	vld [tilespmem:s19+$0x20]  }
0x25a: {  	v9 =	vadd.s32 v9, v31;
	v12 =	vadd.s32 $0x3, v12;
	v18 =	vand.u32 $0x80, v17;
	v32, _, _ =	vpop (xrf0)  }
0x25b: {  	v33 =	vand.u32 $0x80, v12;
	v12 =	vand.u32 $0x7F, v12;
	v34 =	vshll.u32 v32, $0x2  }
0x25c: {  	v18 =	vadd.s32 v11, v18;
	v11 =	vadd.s32 v11, v33;
	v16 =	vadd.s32 v34, v9  }
0x25d: {  	v24 =	vmpcnt.ones.xlane vm0;
	v31 =	vor.u32 v12, v11;
	v11 =	vadd.s32 $0xFFFFFFFC, v16  }
0x25e: {  	v57 =	vadd.s32 $0x1, v13;
	v16 =	vand.u32 $0x7F, v11;
	v12 =	vsub.s32 v10, v8  }
0x25f: {  	v38 =	vshll.u32 v24, $0x2;
	v10 =	vadd.s32 $0x1, v16;
	vm2 =	vlt.u32 v12, $0x180000  }
0x260: {  	v17 =	vand.u32 $0x7F, v17;
	v35 =	vand.u32 $0xF80, v11;
	v36 =	vand.u32 $0x80, v10;
	(xrf0) =	vadd.scan.msk.s32 vm2, v2  }
0x261: {  	v21 =	vand.u32 $0xFFF, v11;
	v10 =	vand.u32 $0x7F, v10;
	v11 =	vadd.s32 v35, v36  }
0x262: {  	v20 =	vor.u32 v17, v18;
	v22 =	vor.u32 v10, v11;
	v10 =	vadd.s32 $0x2, v16  }
0x263: {  	v37 =	vld [tilespmem:s19+$0x30];
	v33 =	vor.u32 s26, v3;
	v9 =	vadd.s32 v9, v38;
	v11 =	vand.u32 $0x80, v10  }
0x264: {  	v16 =	vadd.s32 $0x3, v16;
	v10 =	vand.u32 $0x7F, v10;
	v11 =	vadd.s32 v35, v11  }
0x265: {  	v38 =	vor.u32 s26, v1;
	[tilespmem:v15+s5+$0x0] =	vst.idx.msk vm5, v30;
	v23 =	vor.u32 v10, v11;
	v10 =	vand.u32 $0x80, v16  }
0x266: {  	s26 =	sadd.s32 $0xC0, s18;
	[tilespmem:v26+s5+$0x0] =	vst.idx.msk vm5, v19;
	v32 =	vmpcnt.ones.xlane vm2;
	v11 =	vand.u32 $0x7F, v16;
	v10 =	vadd.s32 v35, v10;
	v39, _, _ =	vpop (xrf0)  }
0x267: {  	v34 =	vor.u32 s26, v1;
	[tilespmem:v20+s5+$0x0] =	vst.idx.msk vm5, v48;
	v27 =	vor.u32 v11, v10;
	v10 =	vshll.u32 v39, $0x2  }
0x268: {  	[tilespmem:v31+s5+$0x0] =	vst.idx.msk vm5, v43;
	v53 =	vshll.u32 v32, $0x2;
	v11 =	vadd.s32 v10, v9;
	v10 =	vsub.s32 v37, v8  }
0x269: {  	[tilespmem:v15+s7+$0x0] =	vst.idx.msk vm5, v14;
	v32 =	vadd.s32 $0x2001, v12;
	v11 =	vadd.s32 $0xFFFFFFFC, v11;
	vm1 =	vlt.u32 v10, $0x180000  }
0x26a: {  	[tilespmem:v26+s7+$0x0] =	vst.idx.msk vm5, v49;
	v35 =	vadd.s32 $0x2001, v13;
	v47 =	vand.u32 $0x7F, v11;
	(xrf0) =	vadd.scan.msk.s32 vm1, v2  }
0x26b: {  	[tilespmem:v20+s7+$0x0] =	vst.idx.msk vm5, v44;
	v20 =	vld [tilespmem:s19+$0x60];
	v46 =	vand.u32 $0xF80, v11;
	v16 =	vand.u32 $0xFFF, v11;
	v11 =	vadd.s32 $0x1, v47  }
0x26c: {  	[tilespmem:v21+s5+$0x0] =	vst.idx.msk vm0, v41;
	v9 =	vadd.s32 v9, v53;
	v25 =	vadd.s32 $0x2, v47;
	v52 =	vand.u32 $0x80, v11  }
0x26d: {  	[tilespmem:v22+s5+$0x0] =	vst.idx.msk vm0, v45;
	v11 =	vand.u32 $0x7F, v11;
	v28 =	vand.u32 $0x80, v25;
	v24 =	vadd.s32 v46, v52  }
0x26e: {  	v37 =	vadd.s32 $0x2000, v13;
	[tilespmem:v23+s5+$0x0] =	vst.idx.msk vm0, v42;
	v29 =	vadd.s32 v46, v28;
	v28 =	vor.u32 v11, v24;
	v11 =	vld [tilespmem:s19+$0x40]  }
0x26f: {  	v48 =	vadd.s32 $0x2001, v10;
	v18 =	vadd.s32 $0x3, v47;
	[tilespmem:v27+s5+$0x0] =	vst.idx.msk vm0, v54;
	v25 =	vand.u32 $0x7F, v25  }
0x270: {  	v56 =	vand.u32 $0x80, v18;
	v18 =	vand.u32 $0x7F, v18;
	[tilespmem:v21+s7+$0x0] =	vst.idx.msk vm0, v13;
	v13 =	vsub.s32 v20, v8;
	v55, _, _ =	vpop (xrf0)  }
0x271: {  	v17 =	vadd.s32 v46, v56;
	v46 =	vadd.s32 $0x2000, v12;
	v58 =	vshll.u32 v55, $0x2  }
0x272: {  	vm14 =	vlt.u32 v13, $0x180000;
	v24 =	vor.u32 v25, v29;
	v25 =	vadd.s32 v58, v9  }
0x273: {  	[tilespmem:v22+s7+$0x0] =	vst.idx.msk vm0, v57;
	v29 =	vor.u32 v18, v17;
	v59 =	vadd.s32 $0xFFFFFFFC, v25;
	v11 =	vsub.s32 v11, v8  }
0x274: {  	[tilespmem:v23+s7+$0x0] =	vst.idx.msk vm0, v37;
	v55 =	vadd.s32 $0x1, v12;
	v25 =	vand.u32 $0x7F, v59;
	vm4 =	vlt.u32 v11, $0x180000  }
0x275: {  	v37 =	vld [tilespmem:s19+$0x70];
	[tilespmem:v16+s5+$0x0] =	vst.idx.msk vm2, v38;
	v52 =	vand.u32 $0xF80, v59;
	v18 =	vand.u32 $0xFFF, v59;
	v59 =	vmpcnt.ones.xlane vm1  }
0x276: {  	[tilespmem:v28+s5+$0x0] =	vst.idx.msk vm2, v33;
	v42 =	vadd.s32 $0x1, v11;
	v45 =	vadd.s32 $0x2000, v11;
	v54 =	vadd.s32 $0x2001, v11  }
0x277: {  	[tilespmem:v24+s5+$0x0] =	vst.idx.msk vm2, v50;
	v36 =	vadd.s32 $0x1, v25;
	v47 =	vadd.s32 $0x2, v25;
	v58 =	vadd.s32 $0x3, v25  }
0x278: {  	(xrf0) =	vadd.scan.msk.s32 vm4, v2;
	v39 =	vand.u32 $0x80, v36;
	v60 =	vand.u32 $0x7F, v36;
	v36 =	vor.u32 s26, v4  }
0x279: {  	[tilespmem:v29+s5+$0x0] =	vst.idx.msk vm2, v51;
	v53 =	vand.u32 $0x80, v47;
	v47 =	vand.u32 $0x7F, v47;
	v62 =	vand.u32 $0x80, v58  }
0x27a: {  	v58 =	vand.u32 $0x7F, v58;
	v63 =	vshll.u32 v59, $0x2;
	[tilespmem:v16+s7+$0x0] =	vst.idx.msk vm2, v12;
	v12 =	vsub.s32 v37, v8  }
0x27b: {  	v56 =	vld [tilespmem:s19+$0x50];
	v61 =	vadd.s32 v52, v39;
	v39 =	vor.u32 s26, v3;
	v53 =	vadd.s32 v52, v53  }
0x27c: {  	v52 =	vadd.s32 v52, v62;
	vm15 =	vlt.u32 v12, $0x180000;
	v17 =	vor.u32 v60, v61  }
0x27d: {  	[tilespmem:v31+s7+$0x0] =	vst.idx.msk vm5, v40;
	v25 =	vor.u32 v47, v53;
	v47 =	vor.u32 s26, v5;
	v30 =	vor.u32 v58, v52  }
0x27e: {  	[tilespmem:v27+s7+$0x0] =	vst.idx.msk vm0, v35;
	v58 =	vadd.s32 v9, v63;
	v52 =	vadd.s32 $0x1, v10;
	v53 =	vadd.s32 $0x2000, v10;
	s26 =	sadd.s32 $0x100, s18;
	v60, _, _ =	vpop (xrf0)  }
0x27f: {  	[tilespmem:v28+s7+$0x0] =	vst.idx.msk vm2, v55;
	v43 =	vor.u32 s26, v1;
	v31 =	vor.u32 s26, v4;
	v9 =	vshll.u32 v60, $0x2  }
0x280: {  	[tilespmem:v24+s7+$0x0] =	vst.idx.msk vm2, v46;
	v40 =	vor.u32 s26, v5;
	v61 =	vadd.s32 v9, v58;
	v9 =	vsub.s32 v56, v8  }
0x281: {  	[tilespmem:v18+s5+$0x0] =	vst.idx.msk vm1, v34;
	v56 =	vor.u32 s26, v3;
	s26 =	sadd.s32 $0x140, s18;
	v19 =	vadd.s32 $0xFFFFFFFC, v61;
	vm3 =	vlt.u32 v9, $0x180000  }
0x282: {  	[tilespmem:v17+s5+$0x0] =	vst.idx.msk vm1, v39;
	v23 =	vor.u32 s26, v3;
	v27 =	vor.u32 s26, v4;
	v33 =	vor.u32 s26, v5  }
0x283: {  	v28 =	vadd.s32 $0x1, v9;
	v24 =	vadd.s32 $0x2000, v9;
	v60 =	vand.u32 $0x7F, v19;
	(xrf0) =	vadd.scan.msk.s32 vm3, v2  }
0x284: {  	v37 =	vadd.s32 $0x2001, v9;
	[tilespmem:v25+s5+$0x0] =	vst.idx.msk vm1, v36;
	v59 =	vand.u32 $0xF80, v19;
	v61 =	vadd.s32 $0x1, v60  }
0x285: {  	v19 =	vand.u32 $0xFFF, v19;
	[tilespmem:v30+s5+$0x0] =	vst.idx.msk vm1, v47;
	v63 =	vadd.s32 $0x2, v60;
	v62 =	vand.u32 $0x80, v61  }
0x286: {  	[tilespmem:v18+s7+$0x0] =	vst.idx.msk vm1, v10;
	v26 =	vand.u32 $0x7F, v61;
	v14 =	vadd.s32 v59, v62;
	v62 =	vand.u32 $0x80, v63  }
0x287: {  	[tilespmem:v17+s7+$0x0] =	vst.idx.msk vm1, v52;
	v63 =	vand.u32 $0x7F, v63;
	v61 =	vadd.s32 v59, v62;
	v62 =	vmpcnt.ones.xlane vm4  }
0x288: {  	[tilespmem:v25+s7+$0x0] =	vst.idx.msk vm1, v53;
	v15 =	vor.u32 v26, v14;
	v14 =	vor.u32 v63, v61;
	v63 =	vadd.s32 $0x3, v60  }
0x289: {  	[tilespmem:v30+s7+$0x0] =	vst.idx.msk vm1, v48;
	v30 =	vadd.s32 $0x1, v13;
	v49 =	vshll.u32 v62, $0x2;
	v60, _, _ =	vpop (xrf0);
	v61 =	vand.u32 $0x80, v63  }
0x28a: {  	v26 =	vand.u32 $0x7F, v63;
	v41 =	vadd.s32 v58, v49;
	v44 =	vshll.u32 v60, $0x2  }
0x28b: {  	v62 =	vadd.s32 v59, v61;
	v58 =	vor.u32 s26, v1;
	s26 =	sadd.s32 $0x180, s18;
	v44 =	vadd.s32 v44, v41  }
0x28c: {  	[tilespmem:v29+s7+$0x0] =	vst.idx.msk vm2, v32;
	v26 =	vor.u32 v26, v62;
	v29 =	vor.u32 s26, v1;
	v34 =	vor.u32 s26, v3  }
0x28d: {  	[tilespmem:v19+s5+$0x0] =	vst.idx.msk vm4, v43;
	v39 =	vor.u32 s26, v4;
	v18 =	vor.u32 s26, v5;
	s26 =	sadd.s32 $0x1C0, s18;
	v44 =	vadd.s32 $0xFFFFFFFC, v44  }
0x28e: {  	(xrf0) =	vadd.scan.msk.s32 vm14, v2;
	v48 =	vor.u32 s26, v1;
	v43 =	vor.u32 s26, v5;
	v49 =	vand.u32 $0x7F, v44  }
0x28f: {  	v57 =	vand.u32 $0xF80, v44;
	v20 =	vand.u32 $0xFFF, v44;
	v63 =	vadd.s32 $0x1, v49  }
0x290: {  	v60 =	vadd.s32 $0x2, v49;
	v59 =	vand.u32 $0x80, v63;
	v21 =	vand.u32 $0x7F, v63  }
0x291: {  	[tilespmem:v15+s5+$0x0] =	vst.idx.msk vm4, v56;
	v61 =	vand.u32 $0x80, v60;
	v63 =	vadd.s32 $0x3, v49;
	v49 =	vmpcnt.ones.xlane vm3  }
0x292: {  	[tilespmem:v14+s5+$0x0] =	vst.idx.msk vm4, v31;
	v22 =	vadd.s32 v57, v59;
	v62 =	vadd.s32 v57, v61;
	v59 =	vand.u32 $0x80, v63  }
0x293: {  	v35 =	vand.u32 $0x7F, v63;
	[tilespmem:v26+s5+$0x0] =	vst.idx.msk vm4, v40;
	v40 =	vor.u32 s26, v3;
	v21 =	vor.u32 v21, v22  }
0x294: {  	v22 =	vand.u32 $0x7F, v60;
	v44 =	vadd.s32 v57, v59;
	v38 =	vshll.u32 v49, $0x2;
	v60, _, _ =	vpop (xrf0)  }
0x295: {  	[tilespmem:v19+s7+$0x0] =	vst.idx.msk vm4, v11;
	v19 =	vor.u32 s26, v4;
	v38 =	vadd.s32 v41, v38;
	v61 =	vshll.u32 v60, $0x2  }
0x296: {  	(xrf0) =	vadd.scan.msk.s32 vm15, v2;
	v22 =	vor.u32 v22, v62;
	v35 =	vor.u32 v35, v44;
	v62 =	vadd.s32 v61, v38  }
0x297: {  	[tilespmem:v15+s7+$0x0] =	vst.idx.msk vm4, v42;
	v42 =	vadd.s32 $0x2001, v12;
	v16 =	vadd.s32 $0xFFFFFFFC, v62;
	v62 =	vmpcnt.ones.xlane vm14  }
0x298: {  	[tilespmem:v20+s5+$0x0] =	vst.idx.msk vm3, v58;
	v41 =	vand.u32 $0xF80, v16;
	v44 =	vand.u32 $0x7F, v16;
	v16 =	vand.u32 $0xFFF, v16  }
0x299: {  	[tilespmem:v14+s7+$0x0] =	vst.idx.msk vm4, v45;
	v63 =	vadd.s32 $0x1, v44;
	v57 =	vadd.s32 $0x2, v44;
	v10 =	vadd.s32 $0x3, v44  }
0x29a: {  	v50 =	vshll.u32 v62, $0x2;
	v44 =	vadd.s32 $0x2001, v13;
	[tilespmem:v21+s5+$0x0] =	vst.idx.msk vm3, v23;
	v23 =	vadd.s32 $0x1, v12  }
0x29b: {  	[tilespmem:v26+s7+$0x0] =	vst.idx.msk vm4, v54;
	v55 =	vand.u32 $0x80, v63;
	v32 =	vand.u32 $0x7F, v63;
	v60 =	vand.u32 $0x80, v57  }
0x29c: {  	v61 =	vand.u32 $0x7F, v57;
	v17 =	vadd.s32 v38, v50;
	v52 =	vand.u32 $0x80, v10;
	[tilespmem:v22+s5+$0x0] =	vst.idx.msk vm3, v27  }
0x29d: {  	v63 =	vld [tilespmem:s19+$0x80];
	v51, _, _ =	vpop (xrf0);
	v10 =	vand.u32 $0x7F, v10;
	v59 =	vadd.s32 v41, v55;
	v46 =	vadd.s32 v41, v60;
	[tilespmem:v35+s5+$0x0] =	vst.idx.msk vm3, v33  }
0x29e: {  	v55 =	vshll.u32 v51, $0x2;
	v57 =	vadd.s32 v41, v52;
	v32 =	vor.u32 v32, v59;
	[tilespmem:v20+s7+$0x0] =	vst.idx.msk vm3, v9  }
0x29f: {  	s26 =	sadd.s32 $0x200, s18;
	v41 =	vadd.s32 $0x2000, v13;
	v36 =	vor.u32 v61, v46;
	v59 =	vadd.s32 v55, v17;
	[tilespmem:v21+s7+$0x0] =	vst.idx.msk vm3, v28  }
0x2a0: {  	v33 =	vor.u32 s26, v1;
	v25 =	vor.u32 v10, v57;
	v38 =	vadd.s32 $0xFFFFFFFC, v59;
	[tilespmem:v16+s5+$0x0] =	vst.idx.msk vm14, v29  }
0x2a1: {  	v60 =	vand.u32 $0x7F, v38;
	v62 =	vand.u32 $0xF80, v38;
	v31 =	vand.u32 $0xFFF, v38;
	[tilespmem:v22+s7+$0x0] =	vst.idx.msk vm3, v24  }
0x2a2: {  	v10 =	vsub.s32 v63, v8;
	v61 =	vadd.s32 $0x1, v60;
	v53 =	vadd.s32 $0x2, v60;
	[tilespmem:v35+s7+$0x0] =	vst.idx.msk vm3, v37  }
0x2a3: {  	v56 =	vadd.s32 $0x3, v60;
	vm8 =	vlt.u32 v10, $0x180000;
	v63 =	vand.u32 $0x80, v61;
	[tilespmem:v32+s5+$0x0] =	vst.idx.msk vm14, v34  }
0x2a4: {  	v51 =	vand.u32 $0x7F, v61;
	v11 =	vand.u32 $0x80, v53;
	(xrf0) =	vadd.scan.msk.s32 vm8, v2;
	[tilespmem:v36+s5+$0x0] =	vst.idx.msk vm14, v39  }
0x2a5: {  	v46 =	vand.u32 $0x7F, v53;
	v52 =	vadd.s32 v62, v63;
	v11 =	vadd.s32 v62, v11;
	[tilespmem:v25+s5+$0x0] =	vst.idx.msk vm14, v18  }
0x2a6: {  	v38 =	vor.u32 v51, v52;
	v14 =	vor.u32 v46, v11;
	v11 =	vand.u32 $0x80, v56;
	[tilespmem:v31+s5+$0x0] =	vst.idx.msk vm15, v48  }
0x2a7: {  	v57 =	vmpcnt.ones.xlane vm15;
	v15 =	vand.u32 $0x7F, v56;
	v11 =	vadd.s32 v62, v11;
	[tilespmem:v16+s7+$0x0] =	vst.idx.msk vm14, v13  }
0x2a8: {  	v55 =	vld [tilespmem:s19+$0x90];
	v20 =	vor.u32 s26, v3;
	v29 =	vor.u32 s26, v5;
	v15 =	vor.u32 v15, v11;
	[tilespmem:v32+s7+$0x0] =	vst.idx.msk vm14, v30  }
0x2a9: {  	v49 =	vld [tilespmem:s19+$0xB0];
	v59 =	vshll.u32 v57, $0x2;
	v35 =	vor.u32 s26, v4;
	s26 =	sadd.s32 $0x240, s18;
	v56 =	vmpcnt.ones.xlane vm8;
	[tilespmem:v36+s7+$0x0] =	vst.idx.msk vm14, v41  }
0x2aa: {  	v27 =	vadd.s32 $0x2000, v12;
	v17 =	vadd.s32 v17, v59;
	v37 =	vor.u32 s26, v1;
	v60, _, _ =	vpop (xrf0);
	[tilespmem:v25+s7+$0x0] =	vst.idx.msk vm14, v44  }
0x2ab: {  	v39 =	vor.u32 s26, v4;
	v28 =	vshll.u32 v56, $0x2;
	[tilespmem:v38+s5+$0x0] =	vst.idx.msk vm15, v40;
	v11 =	vshll.u32 v60, $0x2  }
0x2ac: {  	v13 =	vadd.s32 $0x2000, v10;
	v30 =	vadd.s32 $0x2001, v10;
	[tilespmem:v14+s5+$0x0] =	vst.idx.msk vm15, v19;
	v26 =	vadd.s32 v11, v17  }
0x2ad: {  	v25 =	vor.u32 s26, v3;
	v11 =	vsub.s32 v55, v8;
	v17 =	vadd.s32 v17, v28;
	[tilespmem:v15+s5+$0x0] =	vst.idx.msk vm15, v43  }
0x2ae: {  	v26 =	vadd.s32 $0xFFFFFFFC, v26;
	vm9 =	vlt.u32 v11, $0x180000;
	[tilespmem:v31+s7+$0x0] =	vst.idx.msk vm15, v12;
	v12 =	vsub.s32 v49, v8  }
0x2af: {  	v31 =	vadd.s32 $0x2001, v11;
	v45 =	vand.u32 $0xF80, v26;
	v61 =	vand.u32 $0x7F, v26;
	(xrf0) =	vadd.scan.msk.s32 vm9, v2  }
0x2b0: {  	v26 =	vand.u32 $0xFFF, v26;
	v51 =	vmpcnt.ones.xlane vm9;
	v62 =	vadd.s32 $0x1, v61  }
0x2b1: {  	[tilespmem:v38+s7+$0x0] =	vst.idx.msk vm15, v23;
	v23 =	vadd.s32 $0x1, v11;
	vm11 =	vlt.u32 v12, $0x180000;
	v9 =	vand.u32 $0x80, v62  }
0x2b2: {  	v63 =	vadd.s32 $0x2, v61;
	v52 =	vand.u32 $0x7F, v62;
	v9 =	vadd.s32 v45, v9  }
0x2b3: {  	v57 =	vadd.s32 $0x3, v61;
	[tilespmem:v14+s7+$0x0] =	vst.idx.msk vm15, v27;
	v14 =	vadd.s32 $0x2000, v11;
	v21 =	vor.u32 v52, v9;
	v9 =	vld [tilespmem:s19+$0xA0]  }
0x2b4: {  	v53 =	vand.u32 $0x80, v63;
	v54 =	vand.u32 $0x7F, v63;
	v59 =	vand.u32 $0x80, v57  }
0x2b5: {  	v24 =	vand.u32 $0x7F, v57;
	[tilespmem:v15+s7+$0x0] =	vst.idx.msk vm15, v42;
	v42 =	vmpcnt.ones.xlane vm11;
	v55 =	vadd.s32 v45, v53;
	v58, _, _ =	vpop (xrf0)  }
0x2b6: {  	v28 =	vadd.s32 v45, v59;
	v53 =	vshll.u32 v51, $0x2;
	v60 =	vshll.u32 v58, $0x2  }
0x2b7: {  	v22 =	vor.u32 v54, v55;
	v18 =	vor.u32 v24, v28;
	v34 =	vadd.s32 v60, v17  }
0x2b8: {  	v24 =	vadd.s32 $0x1, v10;
	v61 =	vadd.s32 $0xFFFFFFFC, v34;
	v9 =	vsub.s32 v9, v8  }
0x2b9: {  	[tilespmem:v26+s5+$0x0] =	vst.idx.msk vm8, v33;
	v17 =	vadd.s32 v17, v53;
	v62 =	vand.u32 $0x7F, v61;
	vm10 =	vlt.u32 v9, $0x180000  }
0x2ba: {  	[tilespmem:v21+s5+$0x0] =	vst.idx.msk vm8, v20;
	v34 =	vand.u32 $0xF80, v61;
	v28 =	vand.u32 $0xFFF, v61;
	v63 =	vadd.s32 $0x1, v62  }
0x2bb: {  	(xrf0) =	vadd.scan.msk.s32 vm10, v2;
	v47 =	vadd.s32 $0x2, v62;
	v16 =	vadd.s32 $0x3, v62;
	v45 =	vand.u32 $0x80, v63  }
0x2bc: {  	[tilespmem:v22+s5+$0x0] =	vst.idx.msk vm8, v35;
	v32 =	vand.u32 $0x7F, v63;
	v48 =	vand.u32 $0x80, v47;
	v36 =	vand.u32 $0x7F, v47  }
0x2bd: {  	[tilespmem:v18+s5+$0x0] =	vst.idx.msk vm8, v29;
	v52 =	vand.u32 $0x80, v16;
	v16 =	vand.u32 $0x7F, v16;
	v46 =	vadd.s32 v34, v45  }
0x2be: {  	[tilespmem:v26+s7+$0x0] =	vst.idx.msk vm8, v10;
	v50 =	vadd.s32 v34, v48;
	v34 =	vadd.s32 v34, v52;
	v48 =	vmpcnt.ones.xlane vm10  }
0x2bf: {  	[tilespmem:v21+s7+$0x0] =	vst.idx.msk vm8, v24;
	v32 =	vor.u32 v32, v46;
	v19 =	vor.u32 v36, v50;
	v36 =	vor.u32 s26, v5;
	s26 =	sadd.s32 $0x280, s18  }
0x2c0: {  	v16 =	vor.u32 v16, v34;
	[tilespmem:v22+s7+$0x0] =	vst.idx.msk vm8, v13;
	v22 =	vadd.s32 $0x2000, v9;
	v15 =	vor.u32 s26, v1  }
0x2c1: {  	v33 =	vor.u32 s26, v3;
	v29 =	vor.u32 s26, v4;
	v26 =	vor.u32 s26, v5;
	s26 =	sadd.s32 $0x2C0, s18;
	v54, _, _ =	vpop (xrf0)  }
0x2c2: {  	v50 =	vshll.u32 v48, $0x2;
	[tilespmem:v28+s5+$0x0] =	vst.idx.msk vm9, v37;
	v37 =	vor.u32 s26, v1;
	v55 =	vshll.u32 v54, $0x2  }
0x2c3: {  	v43 =	vor.u32 s26, v5;
	(xrf0) =	vadd.scan.msk.s32 vm11, v2;
	v56 =	vadd.s32 v55, v17;
	v17 =	vadd.s32 v17, v50  }
0x2c4: {  	[tilespmem:v32+s5+$0x0] =	vst.idx.msk vm9, v25;
	v25 =	vadd.s32 $0x2001, v9;
	v50 =	vadd.s32 $0x1, v12;
	v57 =	vadd.s32 $0xFFFFFFFC, v56  }
0x2c5: {  	v56 =	vadd.s32 $0x1, v9;
	[tilespmem:v19+s5+$0x0] =	vst.idx.msk vm9, v39;
	v58 =	vand.u32 $0xF80, v57;
	v59 =	vand.u32 $0x7F, v57  }
0x2c6: {  	v27 =	vand.u32 $0xFFF, v57;
	[tilespmem:v16+s5+$0x0] =	vst.idx.msk vm9, v36;
	v36 =	vor.u32 s26, v3;
	v60 =	vadd.s32 $0x1, v59  }
0x2c7: {  	v62 =	vadd.s32 $0x2, v59;
	v10 =	vadd.s32 $0x3, v59;
	[tilespmem:v28+s7+$0x0] =	vst.idx.msk vm9, v11;
	v11 =	vor.u32 s26, v4  }
0x2c8: {  	v49 =	vld [tilespmem:s19+$0xC0];
	v28 =	vadd.s32 $0x2000, v12;
	v61 =	vand.u32 $0x80, v60;
	v63 =	vand.u32 $0x7F, v60  }
0x2c9: {  	v46 =	vand.u32 $0x80, v62;
	v47 =	vand.u32 $0x7F, v62;
	v52 =	vand.u32 $0x80, v10  }
0x2ca: {  	v51, _, _ =	vpop (xrf0);
	v10 =	vand.u32 $0x7F, v10;
	v45 =	vadd.s32 v58, v61;
	v41 =	vadd.s32 v58, v46  }
0x2cb: {  	[tilespmem:v18+s7+$0x0] =	vst.idx.msk vm8, v30;
	v53 =	vshll.u32 v51, $0x2;
	v54 =	vadd.s32 v58, v52;
	v46 =	vshll.u32 v42, $0x2  }
0x2cc: {  	v20 =	vor.u32 v63, v45;
	v35 =	vor.u32 v47, v41;
	v55 =	vadd.s32 v53, v17  }
0x2cd: {  	v13 =	vor.u32 v10, v54;
	v10 =	vsub.s32 v49, v8;
	v48 =	vadd.s32 v17, v46  }
0x2ce: {  	[tilespmem:v32+s7+$0x0] =	vst.idx.msk vm9, v23;
	v63 =	vld [tilespmem:s19+$0xD0];
	v21 =	vadd.s32 $0xFFFFFFFC, v55;
	vm12 =	vlt.u32 v10, $0x180000;
	v46 =	vadd.s32 $0x2000, v10  }
0x2cf: {  	[tilespmem:v19+s7+$0x0] =	vst.idx.msk vm9, v14;
	v57 =	vand.u32 $0x7F, v21;
	v59 =	vand.u32 $0xF80, v21;
	v21 =	vand.u32 $0xFFF, v21  }
0x2d0: {  	[tilespmem:v16+s7+$0x0] =	vst.idx.msk vm9, v31;
	v58 =	vadd.s32 $0x1, v57;
	v61 =	vadd.s32 $0x2, v57;
	v24 =	vadd.s32 $0x3, v57  }
0x2d1: {  	[tilespmem:v27+s5+$0x0] =	vst.idx.msk vm10, v15;
	v60 =	vand.u32 $0x80, v58;
	v30 =	vand.u32 $0x7F, v58;
	v62 =	vand.u32 $0x80, v61  }
0x2d2: {  	(xrf0) =	vadd.scan.msk.s32 vm12, v2;
	v44 =	vand.u32 $0x80, v24;
	v45 =	vand.u32 $0x7F, v24;
	v38 =	vadd.s32 v59, v60  }
0x2d3: {  	s26 =	sadd.s32 $0x300, s18;
	v41 =	vadd.s32 v59, v62;
	v23 =	vadd.s32 v59, v44;
	v24 =	vsub.s32 v63, v8  }
0x2d4: {  	[tilespmem:v20+s5+$0x0] =	vst.idx.msk vm10, v33;
	v60 =	vmpcnt.ones.xlane vm12;
	v62 =	vor.u32 s26, v4;
	v44 =	vadd.s32 $0x1, v10  }
0x2d5: {  	v30 =	vor.u32 v30, v38;
	v38 =	vand.u32 $0x7F, v61;
	v15 =	vor.u32 v45, v23;
	[tilespmem:v35+s5+$0x0] =	vst.idx.msk vm10, v29  }
0x2d6: {  	vm13 =	vlt.u32 v24, $0x180000;
	v29 =	vadd.s32 $0x2001, v12;
	v61 =	vld [tilespmem:s19+$0xE0];
	v14 =	vor.u32 v38, v41;
	[tilespmem:v13+s5+$0x0] =	vst.idx.msk vm10, v26  }
0x2d7: {  	v26 =	vor.u32 s26, v1;
	[tilespmem:v21+s5+$0x0] =	vst.idx.msk vm11, v37;
	v37 =	vor.u32 s26, v5;
	v38 =	vshll.u32 v60, $0x2  }
0x2d8: {  	v47, _, _ =	vpop (xrf0);
	(xrf0) =	vadd.scan.msk.s32 vm13, v2;
	[tilespmem:v27+s7+$0x0] =	vst.idx.msk vm10, v9;
	v9 =	vor.u32 s26, v3;
	v16 =	vadd.s32 v48, v38  }
0x2d9: {  	s26 =	sadd.s32 $0x340, s18;
	v38 =	vadd.s32 $0x2001, v24;
	v49 =	vshll.u32 v47, $0x2;
	[tilespmem:v20+s7+$0x0] =	vst.idx.msk vm10, v56;
	v47 =	vadd.s32 $0x2001, v10  }
0x2da: {  	v34 =	vor.u32 s26, v5;
	v17 =	vadd.s32 v49, v48;
	[tilespmem:v35+s7+$0x0] =	vst.idx.msk vm10, v22;
	v35 =	vadd.s32 $0x1, v24  }
0x2db: {  	v17 =	vadd.s32 $0xFFFFFFFC, v17;
	v22 =	vsub.s32 v61, v8;
	v61 =	vor.u32 s26, v4  }
0x2dc: {  	[tilespmem:v13+s7+$0x0] =	vst.idx.msk vm10, v25;
	v51 =	vand.u32 $0xF80, v17;
	v52 =	vand.u32 $0x7F, v17;
	v17 =	vand.u32 $0xFFF, v17  }
0x2dd: {  	[tilespmem:v30+s5+$0x0] =	vst.idx.msk vm11, v36;
	vm14 =	vlt.u32 v22, $0x180000;
	v53 =	vadd.s32 $0x1, v52;
	v55 =	vadd.s32 $0x2, v52  }
0x2de: {  	[tilespmem:v14+s5+$0x0] =	vst.idx.msk vm11, v11;
	v63 =	vadd.s32 $0x3, v52;
	v54 =	vand.u32 $0x80, v53;
	v56 =	vand.u32 $0x7F, v53  }
0x2df: {  	[tilespmem:v15+s5+$0x0] =	vst.idx.msk vm11, v43;
	v58 =	vand.u32 $0x80, v55;
	v59 =	vand.u32 $0x7F, v55;
	v40 =	vand.u32 $0x80, v63  }
0x2e0: {  	v39, _, _ =	vpop (xrf0);
	v11 =	vand.u32 $0x7F, v63;
	[tilespmem:v21+s7+$0x0] =	vst.idx.msk vm11, v12;
	v57 =	vadd.s32 v51, v54;
	v27 =	vadd.s32 v51, v58  }
0x2e1: {  	v32 =	vshll.u32 v39, $0x2;
	v41 =	vadd.s32 v51, v40;
	[tilespmem:v30+s7+$0x0] =	vst.idx.msk vm11, v50;
	v50 =	vor.u32 s26, v1  }
0x2e2: {  	v55 =	vld [tilespmem:s19+$0xF0];
	v13 =	vor.u32 v56, v57;
	v20 =	vor.u32 v59, v27;
	v42 =	vadd.s32 v32, v16  }
0x2e3: {  	v11 =	vor.u32 v11, v41;
	v57 =	vmpcnt.ones.xlane vm13;
	v43 =	vadd.s32 $0xFFFFFFFC, v42  }
0x2e4: {  	(xrf0) =	vadd.scan.msk.s32 vm14, v2;
	v59 =	vor.u32 s26, v3;
	v41 =	vmpcnt.ones.xlane vm14;
	v45 =	vand.u32 $0x7F, v43  }
0x2e5: {  	[tilespmem:v14+s7+$0x0] =	vst.idx.msk vm11, v28;
	v49 =	vand.u32 $0xF80, v43;
	v19 =	vand.u32 $0xFFF, v43;
	v60 =	vshll.u32 v57, $0x2  }
0x2e6: {  	[tilespmem:v15+s7+$0x0] =	vst.idx.msk vm11, v29;
	v48 =	vadd.s32 $0x1, v45;
	v54 =	vadd.s32 $0x2, v45;
	v21 =	vadd.s32 $0x3, v45  }
0x2e7: {  	[tilespmem:v17+s5+$0x0] =	vst.idx.msk vm12, v26;
	v16 =	vadd.s32 v16, v60;
	v32 =	vsub.s32 v55, v8;
	v51 =	vand.u32 $0x80, v48  }
0x2e8: {  	v52 =	vand.u32 $0x7F, v48;
	v56 =	vand.u32 $0x80, v54;
	v58 =	vand.u32 $0x7F, v54;
	[tilespmem:v13+s5+$0x0] =	vst.idx.msk vm12, v9  }
0x2e9: {  	v63 =	vand.u32 $0x80, v21;
	vm15 =	vlt.u32 v32, $0x180000;
	v53 =	vadd.s32 v49, v51;
	[tilespmem:v20+s5+$0x0] =	vst.idx.msk vm12, v62  }
0x2ea: {  	v21 =	vand.u32 $0x7F, v21;
	v15 =	vadd.s32 v49, v56;
	v14 =	vor.u32 v52, v53;
	v62, _, _ =	vpop (xrf0);
	[tilespmem:v11+s5+$0x0] =	vst.idx.msk vm12, v37  }
0x2eb: {  	s26 =	sadd.s32 $0x380, s18;
	v9 =	vor.u32 v58, v15;
	(xrf0) =	vadd.scan.msk.s32 vm15, v2;
	v26 =	vshll.u32 v62, $0x2;
	[tilespmem:v19+s5+$0x0] =	vst.idx.msk vm13, v50  }
0x2ec: {  	v52 =	vor.u32 s26, v4;
	[tilespmem:v17+s7+$0x0] =	vst.idx.msk vm12, v10;
	v10 =	vadd.s32 v49, v63;
	v33 =	vadd.s32 v26, v16  }
0x2ed: {  	v17 =	vadd.s32 $0xFFFFFFFC, v33;
	[tilespmem:v13+s7+$0x0] =	vst.idx.msk vm12, v44;
	v10 =	vor.u32 v21, v10;
	v44 =	vshll.u32 v41, $0x2  }
0x2ee: {  	v37 =	vadd.s32 $0x2000, v24;
	v36 =	vand.u32 $0x7F, v17;
	[tilespmem:v20+s7+$0x0] =	vst.idx.msk vm12, v46;
	v16 =	vadd.s32 v16, v44  }
0x2ef: {  	v39 =	vadd.s32 $0x1, v36;
	[tilespmem:v11+s7+$0x0] =	vst.idx.msk vm12, v47;
	v11 =	vand.u32 $0xF80, v17;
	v17 =	vand.u32 $0xFFF, v17  }
0x2f0: {  	[tilespmem:v14+s5+$0x0] =	vst.idx.msk vm13, v59;
	v43 =	vadd.s32 $0x2, v36;
	v13 =	vadd.s32 $0x3, v36;
	v40 =	vand.u32 $0x80, v39  }
0x2f1: {  	v25 =	vand.u32 $0x7F, v39;
	[tilespmem:v9+s5+$0x0] =	vst.idx.msk vm13, v61;
	v45 =	vand.u32 $0x80, v43;
	v46, _, _ =	vpop (xrf0);
	v48 =	vand.u32 $0x80, v13  }
0x2f2: {  	v26 =	vadd.s32 v11, v40;
	v18 =	vadd.s32 v11, v45;
	v47 =	vshll.u32 v46, $0x2;
	[tilespmem:v10+s5+$0x0] =	vst.idx.msk vm13, v34  }
0x2f3: {  	v11 =	vadd.s32 v11, v48;
	v42 =	vor.u32 v25, v26;
	v25 =	vand.u32 $0x7F, v43;
	[tilespmem:v19+s7+$0x0] =	vst.idx.msk vm13, v24  }
0x2f4: {  	v49 =	vand.u32 $0x7F, v13;
	v23 =	vadd.s32 v47, v16;
	v18 =	vor.u32 v25, v18;
	[tilespmem:v14+s7+$0x0] =	vst.idx.msk vm13, v35  }
0x2f5: {  	v59 =	vadd.s32 $0x1, v22;
	v11 =	vor.u32 v49, v11;
	v50 =	vadd.s32 $0xFFFFFFFC, v23;
	[tilespmem:v9+s7+$0x0] =	vst.idx.msk vm13, v37  }
0x2f6: {  	v61 =	vadd.s32 $0x2000, v22;
	v51 =	vand.u32 $0x7F, v50;
	v9 =	vor.u32 s26, v1;
	[tilespmem:v10+s7+$0x0] =	vst.idx.msk vm13, v38  }
0x2f7: {  	v54 =	vand.u32 $0xF80, v50;
	v13 =	vand.u32 $0xFFF, v50;
	v10 =	vor.u32 s26, v3;
	[tilespmem:v17+s5+$0x0] =	vst.idx.msk vm14, v9  }
0x2f8: {  	v53 =	vadd.s32 $0x1, v51;
	v57 =	vadd.s32 $0x2, v51;
	v12 =	vadd.s32 $0x3, v51;
	[tilespmem:v42+s5+$0x0] =	vst.idx.msk vm14, v10  }
0x2f9: {  	v9 =	vor.u32 s26, v5;
	v55 =	vand.u32 $0x80, v53;
	v58 =	vand.u32 $0x80, v57;
	[tilespmem:v18+s5+$0x0] =	vst.idx.msk vm14, v52  }
0x2fa: {  	v60 =	vand.u32 $0x80, v12;
	v10 =	vand.u32 $0x7F, v53;
	v56 =	vadd.s32 v54, v55;
	[tilespmem:v11+s5+$0x0] =	vst.idx.msk vm14, v9  }
0x2fb: {  	v14 =	vadd.s32 v54, v58;
	v10 =	vor.u32 v10, v56;
	v9 =	vand.u32 $0x7F, v57;
	[tilespmem:v17+s7+$0x0] =	vst.idx.msk vm14, v22  }
0x2fc: {  	v12 =	vand.u32 $0x7F, v12;
	v9 =	vor.u32 v9, v14;
	v14 =	vadd.s32 v54, v60;
	[tilespmem:v42+s7+$0x0] =	vst.idx.msk vm14, v59  }
0x2fd: {  	s18 =	sadd.s32 $0x3C0, s18;
	v62 =	vadd.s32 $0x2001, v22;
	v12 =	vor.u32 v12, v14;
	[tilespmem:v18+s7+$0x0] =	vst.idx.msk vm14, v61  }
0x2fe: {  	[tilespmem:v11+s7+$0x0] =	vst.idx.msk vm14, v62;
	v11 =	vor.u32 s18, v1  }
0x2ff: {  	[tilespmem:v13+s5+$0x0] =	vst.idx.msk vm15, v11;
	v11 =	vor.u32 s18, v3  }
0x300: {  	s15 =	sadd.s32 $0x10, s15;
	[tilespmem:v10+s5+$0x0] =	vst.idx.msk vm15, v11;
	v11 =	vor.u32 s18, v4  }
0x301: {  	p0 =	slt.u32 s15, s16;
	[tilespmem:v9+s5+$0x0] =	vst.idx.msk vm15, v11;
	v11 =	vor.u32 s18, v5  }
.Ltmp6:
0x302: {  	[tilespmem:v12+s5+$0x0] =	vst.idx.msk vm15, v11;
	(pc) =	sbr.rel @p0 .LBB2_4-.Ltmp6, $4  }
0x303: {  	v63 =	vmpcnt.ones.xlane vm15;
	v11 =	vadd.s32 $0x1, v32;
	[tilespmem:v13+s7+$0x0] =	vst.idx.msk vm15, v32  }
0x304: {  	[tilespmem:v10+s7+$0x0] =	vst.idx.msk vm15, v11;
	v10 =	vadd.s32 $0x2000, v32  }
0x305: {  	[tilespmem:v9+s7+$0x0] =	vst.idx.msk vm15, v10;
	v9 =	vadd.s32 $0x2001, v32;
	v10 =	vshll.u32 v63, $0x2  }
0x306: {  	s12 =	sadd.s32 $0x400, s12;
	[tilespmem:v12+s7+$0x0] =	vst.idx.msk vm15, v9;
	v9 =	vadd.s32 v16, v10  }
0x307: {  	v10 =	vxor.u32 $0x80000000, v9  }
0x308: {  	(xrf0) =	vmax.scan.msk.u32 $0xffff, v10;
	_ =	sdelay $0x5  }
0x309: {  	v10, _, _ =	vpop (xrf0)  }
0x30a: {  	(v2sf) =	vpush v10, $0xF;
	_ =	sdelay $0xe  }
0x30b: {  	s12 =	spop (v2sf)  }
0x30c: {  	s12 =	sshrl.u32 s12, $0x7  }
0x30d: {  	s12 =	sxor.u32 $0x1000000, s12  }
0x30e: {  	p0 =	sle.s32 s12, s14  }
.Ltmp7:
0x30f: {  	_ = 	snop;
	(pc) =	sbr.rel @p0 .LBB2_15-.Ltmp7, $1  }
0x310: {  	_ =	sdelay $0x3  }
0x311: {  	s15 =	ssub.s32 s12, s14  }
0x312: {  	p0 =	sne.s32 s15, $0x1  }
.Ltmp8:
0x313: {  	_ = 	snop;
	(pc) =	sbr.rel @!p0 .LBB2_8-.Ltmp8, $4  }
0x314: {  	_ = 	snop  }
0x315: {  	s14 =	sshll.u32 s14, $0x7  }
0x316: {  	s18 =	sadd.s32 $0xFFFFFFFF, s15;
	s16 =	sand.u32 $0xF80, s14  }
0x317: {  	s19 =	sadd.s32 $0x80, s14;
	s20 =	sadd.s32 $0x6200, s16;
	s26 =	sadd.s32 $0x4200, s16  }
.LBB2_7:
0x318: {  	[tilespmem:s20], [sflag:$0x1] =	stream.indirect.gather [hbm4b:s1+s21], $0x1, s26, s21, $0xb8;
	[tilespmem:$0x1FA00] =	vst v63  }
0x319: {  	p1 =	sne.s32 s18, $0x1  }
.Ltmp9:
0x31a: {  	s18 =	sadd.s32 $0xFFFFFFFF, s18;
	(pc) =	sbr.rel @p1 .LBB2_7-.Ltmp9, $3  }
0x31b: {  	_ =	sdelay $0x1  }
0x31c: {  	s26 =	sand.u32 $0xF80, s19  }
0x31d: {  	s19 =	sadd.s32 $0x80, s19;
	s20 =	sadd.s32 $0x6200, s26;
	s26 =	sadd.s32 $0x4200, s26  }
.LBB2_8:
.Ltmp10:
0x31e: {  	(pc) =	sbr.rel @!p0 .LBB2_10-.Ltmp10, $4  }
0x31f: {  	_ = 	snop  }
0x320: {  	[tilespmem:s20], [sflag:$0x1] =	stream.indirect.gather [hbm4b:s1+s21], $0x1, s26, s21, $0xb8;
	[tilespmem:$0x1FA00] =	vst v63  }
0x321: {  	_ =	swait.ge [sflag:s22], $0x80  }
0x322: {  	s18 =	sadd.s32 $0xFFFFFFFF, s15;
	[sflag:s22] =	ssyncset.done $0x0  }
.LBB2_9:
0x323: {  	p1 =	sne.s32 s18, $0x1;
	s18 =	sadd.s32 $0xFFFFFFFF, s18;
	[sflag:s22] =	ssyncadd.s32 $0xFFFFFF80  }
.Ltmp11:
0x324: {  	(pc) =	sbr.rel @p1 .LBB2_9-.Ltmp11, $3  }
0x325: {  	_ =	sdelay $0x1  }
0x326: {  	_ =	swait.ge [sflag:s22], $0x80  }
0x327: {  	[sflag:s22] =	ssyncset.done $0x0  }
.LBB2_10:
.Ltmp12:
0x328: {  	(pc) =	sbr.rel @!p0 .LBB2_12-.Ltmp12, $3  }
0x329: {  	_ =	sdelay $0x1  }
0x32a: {  	[sflag:s22] =	ssyncadd.s32 $0xFFFFFF80;
	s18 =	sadd.s32 $0xFFFFFFFF, s15  }
0x32b: {  	s19 =	sadd.s32 $0x6200, s16;
	s16 =	sadd.s32 $0x5200, s16;
	s14 =	sadd.s32 $0x80, s14  }
.LBB2_11:
0x32c: {  	[spmem:s3] =	stream.indirect.scatter.add.f32 [tilespmem:s19], [sflag:$0x2], $0x1, s16, s21, $0xb8;
	[tilespmem:$0x1FA00] =	vst v63  }
0x32d: {  	p1 =	sne.s32 s18, $0x1  }
.Ltmp13:
0x32e: {  	s18 =	sadd.s32 $0xFFFFFFFF, s18;
	(pc) =	sbr.rel @p1 .LBB2_11-.Ltmp13, $3  }
0x32f: {  	_ =	sdelay $0x1  }
0x330: {  	s16 =	sand.u32 $0xF80, s14  }
0x331: {  	s14 =	sadd.s32 $0x80, s14;
	s19 =	sadd.s32 $0x6200, s16;
	s16 =	sadd.s32 $0x5200, s16  }
.LBB2_12:
.Ltmp14:
0x332: {  	(pc) =	sbr.rel @!p0 .LBB2_14-.Ltmp14, $4  }
0x333: {  	_ = 	snop  }
0x334: {  	[spmem:s3] =	stream.indirect.scatter.add.f32 [tilespmem:s19], [sflag:$0x2], $0x1, s16, s21, $0xb8;
	[tilespmem:$0x1FA00] =	vst v63  }
0x335: {  	_ =	swait.ge [sflag:s23], $0x80  }
0x336: {  	s14 =	sadd.s32 $0xFFFFFFFF, s15;
	[sflag:s23] =	ssyncset.done $0x0  }
.LBB2_13:
0x337: {  	p0 =	sne.s32 s14, $0x1;
	s14 =	sadd.s32 $0xFFFFFFFF, s14;
	[sflag:s23] =	ssyncadd.s32 $0xFFFFFF80  }
.Ltmp15:
0x338: {  	(pc) =	sbr.rel @p0 .LBB2_13-.Ltmp15, $3  }
0x339: {  	_ =	sdelay $0x1  }
0x33a: {  	_ =	swait.ge [sflag:s23], $0x80  }
0x33b: {  	[sflag:s23] =	ssyncset.done $0x0  }
.Ltmp16:
0x33c: {  	_ = 	snop;
	(pc) =	sbr.rel .LBB2_14-.Ltmp16, $1  }
0x33d: {  	_ =	sdelay $0x3  }
.LBB2_16:
0x33e: {  	v8 =	vadd.s32 $0x7F, v9  }
0x33f: {  	v8 =	vand.u32 $0xFFFFFF80, v8  }
0x340: {  	v10 =	vxor.u32 $0x80000000, v8  }
0x341: {  	(xrf0) =	vmax.scan.msk.u32 $0xffff, v10;
	_ =	sdelay $0x5  }
0x342: {  	v12, _, _ =	vpop (xrf0)  }
0x343: {  	(v2sf) =	vpush v12, $0xF  }
0x344: {  	v50 =	vadd.s32 v0, v9  }
0x345: {  	v11 =	vor.u32 $0x10, v0;
	vm0 =	vlt.s32 v50, v8  }
0x346: {  	v11 =	vadd.s32 v11, v9;
	v10 =	vand.u32 $0xFFF, v50  }
0x347: {  	v13 =	vor.u32 $0x20, v0;
	vm1 =	vlt.s32 v11, v8  }
0x348: {  	v51 =	vadd.s32 v13, v9;
	v11 =	vand.u32 $0xFFF, v11  }
0x349: {  	v52 =	vor.u32 $0x30, v0;
	vm2 =	vlt.s32 v51, v8  }
0x34a: {  	v13 =	vadd.s32 v52, v9;
	v12 =	vand.u32 $0xFFF, v51  }
0x34b: {  	v14 =	vor.u32 $0x40, v0;
	vm3 =	vlt.s32 v13, v8;
	[tilespmem:v10+s5+$0x0] =	vst.idx.msk vm0, v6  }
0x34c: {  	v54 =	vadd.s32 v14, v9;
	v53 =	vand.u32 $0xFFF, v13;
	[tilespmem:v10+s7+$0x0] =	vst.idx.msk vm0, v7  }
0x34d: {  	v55 =	vor.u32 $0x50, v0;
	vm12 =	vlt.s32 v54, v8;
	[tilespmem:v11+s5+$0x0] =	vst.idx.msk vm1, v6  }
0x34e: {  	v57 =	vadd.s32 v55, v9;
	v56 =	vand.u32 $0xFFF, v54;
	[tilespmem:v11+s7+$0x0] =	vst.idx.msk vm1, v7  }
0x34f: {  	v58 =	vor.u32 $0x60, v0;
	vm13 =	vlt.s32 v57, v8;
	[tilespmem:v12+s5+$0x0] =	vst.idx.msk vm2, v6  }
0x350: {  	v60 =	vadd.s32 v58, v9;
	v59 =	vand.u32 $0xFFF, v57;
	[tilespmem:v12+s7+$0x0] =	vst.idx.msk vm2, v7  }
0x351: {  	v61 =	vor.u32 $0x70, v0;
	vm14 =	vlt.s32 v60, v8;
	[tilespmem:v53+s5+$0x0] =	vst.idx.msk vm3, v6  }
0x352: {  	v62 =	vadd.s32 v61, v9;
	v63 =	vand.u32 $0xFFF, v60;
	[tilespmem:v53+s7+$0x0] =	vst.idx.msk vm3, v7;
	s13 =	spop (v2sf)  }
0x353: {  	vm15 =	vlt.s32 v62, v8;
	[tilespmem:v56+s5+$0x0] =	vst.idx.msk vm12, v6;
	s13 =	sshrl.u32 s13, $0x7  }
0x354: {  	v8 =	vand.u32 $0xFFF, v62;
	[tilespmem:v56+s7+$0x0] =	vst.idx.msk vm12, v7;
	s13 =	sxor.u32 $0x1000000, s13  }
0x355: {  	[tilespmem:v59+s5+$0x0] =	vst.idx.msk vm13, v6;
	p0 =	sle.u32 s13, s12  }
.Ltmp17:
0x356: {  	[tilespmem:v59+s7+$0x0] =	vst.idx.msk vm13, v7;
	(pc) =	sbr.rel @p0 .LBB2_26-.Ltmp17, $4  }
0x357: {  	[tilespmem:v63+s5+$0x0] =	vst.idx.msk vm14, v6  }
0x358: {  	[tilespmem:v63+s7+$0x0] =	vst.idx.msk vm14, v7  }
0x359: {  	[tilespmem:v8+s5+$0x0] =	vst.idx.msk vm15, v6  }
0x35a: {  	[tilespmem:v8+s7+$0x0] =	vst.idx.msk vm15, v7  }
0x35b: {  	s13 =	ssub.s32 s13, s12  }
0x35c: {  	p0 =	sne.s32 s13, $0x1  }
.Ltmp18:
0x35d: {  	_ = 	snop;
	(pc) =	sbr.rel @!p0 .LBB2_19-.Ltmp18, $4  }
0x35e: {  	_ = 	snop  }
0x35f: {  	s12 =	sshll.u32 s12, $0x7  }
0x360: {  	s15 =	sadd.s32 $0xFFFFFFFF, s13;
	s14 =	sand.u32 $0xF80, s12  }
0x361: {  	s16 =	sadd.s32 $0x80, s12;
	s17 =	sadd.s32 $0x6200, s14;
	s18 =	sadd.s32 $0x4200, s14  }
.LBB2_18:
0x362: {  	[tilespmem:s17], [sflag:$0x1] =	stream.indirect.gather [hbm4b:s1+s21], $0x1, s18, s21, $0xb8;
	[tilespmem:$0x1FA00] =	vst v63  }
0x363: {  	p1 =	sne.s32 s15, $0x1  }
.Ltmp19:
0x364: {  	s15 =	sadd.s32 $0xFFFFFFFF, s15;
	(pc) =	sbr.rel @p1 .LBB2_18-.Ltmp19, $3  }
0x365: {  	_ =	sdelay $0x1  }
0x366: {  	s18 =	sand.u32 $0xF80, s16  }
0x367: {  	s16 =	sadd.s32 $0x80, s16;
	s17 =	sadd.s32 $0x6200, s18;
	s18 =	sadd.s32 $0x4200, s18  }
.LBB2_19:
.Ltmp20:
0x368: {  	(pc) =	sbr.rel @!p0 .LBB2_21-.Ltmp20, $4  }
0x369: {  	_ = 	snop  }
0x36a: {  	[tilespmem:s17], [sflag:$0x1] =	stream.indirect.gather [hbm4b:s1+s21], $0x1, s18, s21, $0xb8;
	[tilespmem:$0x1FA00] =	vst v63  }
0x36b: {  	_ =	swait.ge [sflag:s22], $0x80  }
0x36c: {  	s15 =	sadd.s32 $0xFFFFFFFF, s13;
	[sflag:s22] =	ssyncset.done $0x0  }
.LBB2_20:
0x36d: {  	p1 =	sne.s32 s15, $0x1;
	s15 =	sadd.s32 $0xFFFFFFFF, s15;
	[sflag:s22] =	ssyncadd.s32 $0xFFFFFF80  }
.Ltmp21:
0x36e: {  	(pc) =	sbr.rel @p1 .LBB2_20-.Ltmp21, $3  }
0x36f: {  	_ =	sdelay $0x1  }
0x370: {  	_ =	swait.ge [sflag:s22], $0x80  }
0x371: {  	[sflag:s22] =	ssyncset.done $0x0  }
.LBB2_21:
.Ltmp22:
0x372: {  	(pc) =	sbr.rel @!p0 .LBB2_23-.Ltmp22, $3  }
0x373: {  	_ =	sdelay $0x1  }
0x374: {  	[sflag:s22] =	ssyncadd.s32 $0xFFFFFF80;
	s15 =	sadd.s32 $0xFFFFFFFF, s13  }
0x375: {  	s16 =	sadd.s32 $0x6200, s14;
	s14 =	sadd.s32 $0x5200, s14;
	s12 =	sadd.s32 $0x80, s12  }
.LBB2_22:
0x376: {  	[spmem:s3] =	stream.indirect.scatter.add.f32 [tilespmem:s16], [sflag:$0x2], $0x1, s14, s21, $0xb8;
	[tilespmem:$0x1FA00] =	vst v63  }
0x377: {  	p1 =	sne.s32 s15, $0x1  }
.Ltmp23:
0x378: {  	s15 =	sadd.s32 $0xFFFFFFFF, s15;
	(pc) =	sbr.rel @p1 .LBB2_22-.Ltmp23, $3  }
0x379: {  	_ =	sdelay $0x1  }
0x37a: {  	s14 =	sand.u32 $0xF80, s12  }
0x37b: {  	s12 =	sadd.s32 $0x80, s12;
	s16 =	sadd.s32 $0x6200, s14;
	s14 =	sadd.s32 $0x5200, s14  }
.LBB2_23:
.Ltmp24:
0x37c: {  	(pc) =	sbr.rel @!p0 .LBB2_25-.Ltmp24, $4  }
0x37d: {  	_ = 	snop  }
0x37e: {  	[spmem:s3] =	stream.indirect.scatter.add.f32 [tilespmem:s16], [sflag:$0x2], $0x1, s14, s21, $0xb8;
	[tilespmem:$0x1FA00] =	vst v63  }
0x37f: {  	_ =	swait.ge [sflag:s23], $0x80  }
0x380: {  	s12 =	sadd.s32 $0xFFFFFFFF, s13;
	[sflag:s23] =	ssyncset.done $0x0  }
.LBB2_24:
0x381: {  	p0 =	sne.s32 s12, $0x1;
	s12 =	sadd.s32 $0xFFFFFFFF, s12;
	[sflag:s23] =	ssyncadd.s32 $0xFFFFFF80  }
.Ltmp25:
0x382: {  	(pc) =	sbr.rel @p0 .LBB2_24-.Ltmp25, $3  }
0x383: {  	_ =	sdelay $0x1  }
0x384: {  	_ =	swait.ge [sflag:s23], $0x80  }
0x385: {  	[sflag:s23] =	ssyncset.done $0x0  }
.Ltmp26:
0x386: {  	_ = 	snop;
	(pc) =	sbr.rel .LBB2_25-.Ltmp26, $1  }
0x387: {  	_ =	sdelay $0x3  }
.LBB2_28:
0x388: {  	_ =	sfence.sel $0x180000  }
0x389: {  	[bflag:$0x0] =	sbarrier.arrive $0xFFFF  }
0x38a: {  	_ =	strace $0x90000047  }
0x38b: {  	[bflag:$0x2] =	sbarrier.arrive $0xFFFF  }
0x38c: {  	p0 =	sne.s32 s12, $0x0;
	s0 =	rddreg [dreg:$0x3]  }
0x38d: {  	s0 =	sadd.s32 @!p0 $0x100000, s0  }
0x38e: {  	[sflag:s0] =	ssyncadd.tile.s32 @!p0 $0x1;
	_ =	shalt  }
.Lfunc_end2:
_tile_overlayer_lowered:
.L_overlay_start_2:
0x38f: {  	(tag) =	ssettag $0x2  }
0x390: {  	s0 =	rddreg [dreg:$0x0];
	s2 =	stileid.u32  }
0x391: {  	s1 =	rddreg [dreg:$0x1];
	p0 =	sne.s32 s2, $0x0  }
0x392: {  	s3 =	rddreg [dreg:$0x2];
	[bflag:$0x3] =	sbarrier.arrive $0xFFFF;
	s2 =	simm.s32 @!p0 $0x1C04  }
0x393: {  	[timem:s3], [sflag:s2] =	dma.local @!p0 [hbm:s0], s1  }
0x394: {  	s0 =	simm.s32 @!p0 $0x4  }
0x395: {  	_ =	swait.ge @!p0 [sflag:s0], s1  }
0x396: {  	s1 =	ssub.s32 @!p0 $0x0, s1;
	[sflag:s0] =	ssyncset.done @!p0 $0x0  }
0x397: {  	[sflag:s0] =	ssyncadd.s32 @!p0 s1  }
0x398: {  	[bflag:$0x3] =	sbarrier.arrive $0xFFFF  }
0x399: {  	_ =	shalt  }

</sc_bundles>
